<compile_context>
chip_gen: v7x
topology: tpu7x:2x2x1
jax: 0.10.2.dev20260603
libtpu: 0.0.44.dev20260713+nightly
codegen_flags: <defaults>
</compile_context>

<pallas_src>
import functools

import jax
import jax.numpy as jnp
from jax import lax
from jax.experimental import pallas as pl
from jax.experimental.pallas import tpu as pltpu
from jax.experimental.pallas import tpu_sc as plsc

EPS = 1e-06
LN2 = 0.6931471805599453
NB = 32
ROW = 512 * 512 * 2
ETROW = ROW // 2
CH = 16384
NCH = ROW // CH
STEPS = CH // 32


def _fastlog(x):
    bits = plsc.bitcast(x, jnp.int32)
    ef = ((bits >> 23) - 127).astype(jnp.float32)
    m = plsc.bitcast((bits & 0x007FFFFF) | 0x3F800000, jnp.float32)
    tt = (m - 1.0) / (m + 1.0)
    t2 = tt * tt
    p = 2.0 / 5.0
    p = 2.0 / 3.0 + p * t2
    p = 2.0 + p * t2
    return ef * LN2 + tt * p


def _splat(s):
    return jnp.full((16,), s, dtype=jnp.float32)


QK1 = LN2 * 2.0 ** -23
QK2 = LN2 * 127.0
QK3 = LN2 * 0.3466
QU = 2.0 ** -23


def _qlog_terms(x):
    bits = plsc.bitcast(x, jnp.int32)
    bf = bits.astype(jnp.float32)
    u = (bits & 0x007FFFFF).astype(jnp.float32) * QU
    return bf, u * (1.0 - u)


def _sc_body(e0_hbm, et_hbm, t_hbm, tab_hbm, out_hbm, t_v, qrow,
             e0_a, et_a, out_a, e0_b, et_b, out_b,
             sin_a, sin_b, sout_a, sout_b):
    wid = lax.axis_index("s") * 2 + lax.axis_index("c")
    base = wid * ROW
    etbase = wid * ETROW
    bufs = ((e0_a, et_a, out_a, sin_a, sout_a), (e0_b, et_b, out_b, sin_b, sout_b))

    pltpu.sync_copy(t_hbm, t_v)
    tw = plsc.load_gather(t_v, [jnp.full((16,), wid, dtype=jnp.int32)])[0]

    def in_copy(ci, bi):
        e0b, etb, _, sin, _ = bufs[bi]
        off = base + ci * CH
        return (pltpu.make_async_copy(e0_hbm.at[pl.ds(off, CH)], e0b, sin),
                pltpu.make_async_copy(
                    et_hbm.at[pl.ds(etbase + ci * (CH // 2), CH // 2)], etb, sin))

    def out_copy(ci, bi):
        _, _, outb, _, sout = bufs[bi]
        return pltpu.make_async_copy(outb, out_hbm.at[pl.ds(base + ci * CH, CH)], sout)

    @pl.when(tw == 0)
    def _copy_row():
        def copy_chunk(ci, carry):
            off = base + ci * CH
            pltpu.sync_copy(e0_hbm.at[pl.ds(off, CH)], e0_a)
            pltpu.sync_copy(e0_a, out_hbm.at[pl.ds(off, CH)])
            return carry
        lax.fori_loop(0, NCH, copy_chunk, 0)

    @pl.when(tw != 0)
    def _compute_row():
        pltpu.sync_copy(tab_hbm.at[pl.ds(tw * 16, 16)], qrow)
        qv = qrow[pl.ds(0, 16)]
        a0v = _splat(qv[4] - qv[6])
        b0v = _splat(qv[6] + EPS)
        l00 = _fastlog(_splat(qv[0] + EPS)) - QK2
        l01 = _fastlog(_splat(qv[1] + EPS)) - QK2
        l10 = _fastlog(_splat(qv[2] + EPS)) - QK2
        l11 = _fastlog(_splat(qv[3] + EPS)) - QK2

        def compute_chunk(bi):
            e0b, etb, outb, _, _ = bufs[bi]

            @plsc.parallel_loop(0, STEPS // 8, step=1, unroll=2)
            def step(i):
                row = i >> 2
                jb = i & 3
                off0 = row * 1024 + jb * 256
                offe = (row >> 3) * 4096 + jb * 1024 + (row & 7) * 128
                for g in range(8):
                    x0 = e0b[pl.ds(off0 + g * 16, 16)]
                    x1 = e0b[pl.ds(off0 + g * 16 + 128, 16)]
                    etx = etb[pl.ds(offe + g * 16, 16)]
                    s0 = 1.0 / (1.0 + jnp.exp(x1 - x0))
                    f20 = s0 * a0v + b0v
                    bf0, q0 = _qlog_terms(f20)
                    bf1, q1 = _qlog_terms((1.0 + 2.0 * EPS) - f20)
                    m = etx == 0
                    outb[pl.ds(off0 + g * 16, 16)] = (
                        bf0 * QK1 + jnp.where(m, l00, l10) + q0 * QK3)
                    outb[pl.ds(off0 + g * 16 + 128, 16)] = (
                        bf1 * QK1 + jnp.where(m, l01, l11) + q1 * QK3)

        for d in in_copy(0, 0):
            d.start()
        for d in in_copy(1, 1):
            d.start()

        def pipe(outer, carry):
            for bi in range(2):
                ci = outer * 2 + bi
                for d in in_copy(ci, bi):
                    d.wait()

                @pl.when(ci >= 2)
                def _drain():
                    out_copy(ci - 2, bi).wait()

                compute_chunk(bi)
                out_copy(ci, bi).start()

                @pl.when(ci + 2 < NCH)
                def _next():
                    for d in in_copy(ci + 2, bi):
                        d.start()
            return carry

        lax.fori_loop(0, NCH // 2, pipe, 0)
        out_copy(NCH - 2, 0).wait()
        out_copy(NCH - 1, 1).wait()


@functools.partial(jax.jit, static_argnames=())
def _run(e0f, etf, tt, tab):
    mesh = plsc.VectorSubcoreMesh(core_axis_name="c", subcore_axis_name="s",
                                  num_cores=2, num_subcores=16)
    return pl.kernel(
        _sc_body,
        out_type=jax.ShapeDtypeStruct((NB * ROW,), jnp.float32),
        mesh=mesh,
        scratch_types=[
            pltpu.VMEM((NB,), jnp.int32),
            pltpu.VMEM((16,), jnp.float32),
            pltpu.VMEM((CH,), jnp.float32),
            pltpu.VMEM((CH // 2,), jnp.int32),
            pltpu.VMEM((CH,), jnp.float32),
            pltpu.VMEM((CH,), jnp.float32),
            pltpu.VMEM((CH // 2,), jnp.int32),
            pltpu.VMEM((CH,), jnp.float32),
            pltpu.SemaphoreType.DMA,
            pltpu.SemaphoreType.DMA,
            pltpu.SemaphoreType.DMA,
            pltpu.SemaphoreType.DMA,
        ],
        compiler_params=pltpu.CompilerParams(needs_layout_passes=False),
    )(e0f, etf, tt, tab)


def kernel(e_0, e_t, t, q_one_step_transposed, q_mats):
    b, n = e_0.shape[0], e_0.shape[1]
    tidx = jnp.arange(q_one_step_transposed.shape[0], dtype=jnp.int32)
    tab = jnp.concatenate(
        [q_one_step_transposed.reshape(-1, 4), q_mats[tidx - 1].reshape(-1, 4),
         jnp.zeros((q_one_step_transposed.shape[0], 8), jnp.float32)],
        axis=1,
    ).reshape(-1)
    e0f = e_0.reshape(b, n, n // 128, 128, 2).transpose(0, 1, 2, 4, 3).reshape(-1)
    etf = e_t.reshape(b, n // 8, 8, n // 128, 128).transpose(0, 1, 3, 2, 4).reshape(-1)
    out = _run(e0f, etf, t.reshape(b).astype(jnp.int32), tab)
    return (out.reshape(b, n, n // 128, 2, 128)
               .transpose(0, 1, 2, 4, 3)
               .reshape(b, n, n, 2))

# --- scband reference (transcript-rebuilt; emitter-appended) ---
"""Pipeline reference for scband-graph-diffusion-43825846288984 (READ-ONLY COPY).

The authoritative reference and input builder live on the scoring server;
editing this copy changes nothing except your own understanding.
"""

import jax, jax.numpy as jnp
import numpy as np

T = 500
EDGE_CLASSES = 2
EPS = 1e-06


def _edge_num_noise_schedule(num_timesteps):
    s = 0.008
    steps = num_timesteps + 2
    x = jnp.linspace(0.0, float(steps), steps)
    alphas_cumprod = jnp.cos(0.5 * jnp.pi * (x / steps + s) / (1 + s)) ** 2
    alphas_cumprod = alphas_cumprod / alphas_cumprod[0]
    alphas = alphas_cumprod[1:] / alphas_cumprod[:-1]
    betas = 1.0 - alphas
    alphas = 1.0 - jnp.clip(betas, 0.0, 0.9999)
    return alphas.astype(jnp.float32)


def _build_transition_mats():
    marginals = jnp.array([0.9, 0.1], dtype=jnp.float32)
    u_e = jnp.broadcast_to(marginals[None, :], (EDGE_CLASSES, EDGE_CLASSES))
    alphas = _edge_num_noise_schedule(T)
    edge_alphas_bar = jnp.exp(jnp.cumsum(jnp.log(alphas)))
    eye = jnp.eye(EDGE_CLASSES, dtype=jnp.float32)
    q_one = alphas[:, None, None] * eye[None, :, :] + (1.0 - alphas)[:, None, None] * u_e[None, :, :]
    q_one_step_transposed = jnp.transpose(q_one, (0, 2, 1)).astype(jnp.float32)
    q_mats = (edge_alphas_bar[:, None, None] * eye[None, :, :] + (1.0 - edge_alphas_bar)[:, None, None] * u_e[None, :, :]).astype(jnp.float32)
    return q_one_step_transposed, q_mats


def setup_inputs(seed: int = 0) -> dict:
    key = jax.random.key(seed)
    k1, k2, k3 = jax.random.split(key, 3)
    b, n = 32, 512
    e_0 = jax.random.normal(k1, (b, n, n, EDGE_CLASSES), dtype=jnp.float32)
    e_t = jax.random.randint(k2, (b, n, n), 0, EDGE_CLASSES, dtype=jnp.int32)
    t = jax.random.randint(k3, (b, 1), 0, T, dtype=jnp.int32)
    q_one_step_transposed, q_mats = _build_transition_mats()
    return {"e_0": e_0, "e_t": e_t, "t": t, "q_one_step_transposed": q_one_step_transposed, "q_mats": q_mats}


def reference(e_0, e_t, t, q_one_step_transposed, q_mats):
    # Faithful port of GraphDiffusion.q_posterior_logits (4-dim e_0 logits, 3-dim e_t indices)
    bs = t.shape[0]
    e_0_logits = e_0.astype(jnp.float32)
    # _at(q_one_step_transposed, t, e_t): a[t, x, :]
    t_g = t.reshape((bs, 1, 1)).astype(jnp.int32)
    fact1 = q_one_step_transposed[t_g, e_t, :]
    soft_masked = jax.nn.softmax(e_0_logits, axis=-1)
    q_mats2 = q_mats[t.astype(jnp.int32) - 1].astype(soft_masked.dtype)  # (b, 1, m, m)
    fact2 = jnp.matmul(soft_masked, q_mats2)  # (b, n, n, m)
    out = jnp.log(fact1 + EPS) + jnp.log(fact2 + EPS)
    t_broadcast = t.reshape((bs, 1, 1, 1))
    bc = jnp.where(t_broadcast == 0, e_0_logits, out)
    return bc

if __name__ == "__main__":
    import jax
    _d = setup_inputs()
    print(jax.jit(kernel)(*tuple(_d.values())))

</pallas_src>

<mosaic_0001>
#map = affine_map<(d0, d1) -> (0)>
module attributes {stable_mosaic.version = 14 : i64} {
  func.func @_sc_body(%arg0: i32, %arg1: i32, %arg2: memref<16777216xf32, #tpu.memory_space<hbm>>, %arg3: memref<8388608xi32, #tpu.memory_space<hbm>>, %arg4: memref<32xi32, #tpu.memory_space<hbm>>, %arg5: memref<8016xf32, #tpu.memory_space<hbm>>, %arg6: memref<16777216xf32, #tpu.memory_space<hbm>>, %arg7: memref<32xi32, #tpu.memory_space<vmem>>, %arg8: memref<16xf32, #tpu.memory_space<vmem>>, %arg9: memref<16384xf32, #tpu.memory_space<vmem>>, %arg10: memref<8192xi32, #tpu.memory_space<vmem>>, %arg11: memref<16384xf32, #tpu.memory_space<vmem>>, %arg12: memref<16384xf32, #tpu.memory_space<vmem>>, %arg13: memref<8192xi32, #tpu.memory_space<vmem>>, %arg14: memref<16384xf32, #tpu.memory_space<vmem>>, %arg15: memref<!tpu.dma_semaphore, #tpu.memory_space<semaphore_mem>>, %arg16: memref<!tpu.dma_semaphore, #tpu.memory_space<semaphore_mem>>, %arg17: memref<!tpu.dma_semaphore, #tpu.memory_space<semaphore_mem>>, %arg18: memref<!tpu.dma_semaphore, #tpu.memory_space<semaphore_mem>>) attributes {dimension_semantics = [#tpu.dimension_semantics<core_parallel>, #tpu.dimension_semantics<subcore_parallel>], iteration_bounds = array<i64: 2, 16>, scalar_prefetch = 0 : i64, scratch_operands = 12 : i64, tpu.core_type = #tpu.core_type<sc_vector_subcore>, window_params = [{transform_indices = #map}, {transform_indices = #map}, {transform_indices = #map}, {transform_indices = #map}, {transform_indices = #map}]} {
    %mul3A = arith.constant 2 : i32
    %mul3A_0 = arith.muli %arg1, %mul3A : i32
    %add3A = arith.addi %mul3A_0, %arg0 : i32
    %mul3A_1 = arith.constant 524288 : i32
    %mul3A_2 = arith.muli %add3A, %mul3A_1 : i32
    %mul3A_3 = arith.constant 262144 : i32
    %mul3A_4 = arith.muli %add3A, %mul3A_3 : i32
    "tpu.region"() ({
      %run_scoped3A = tpu.sem_alloc : memref<!tpu.dma_semaphore, #tpu.memory_space<semaphore_mem>>
      tpu.enqueue_dma source(%arg4 : memref<32xi32, #tpu.memory_space<hbm>>) target(%arg7 : memref<32xi32, #tpu.memory_space<vmem>>) target_semaphore(%run_scoped3A : memref<!tpu.dma_semaphore, #tpu.memory_space<semaphore_mem>>)
      tpu.wait_dma2 semaphore(%run_scoped3A : memref<!tpu.dma_semaphore, #tpu.memory_space<semaphore_mem>>) src(%arg4 : memref<32xi32, #tpu.memory_space<hbm>>) dst(%arg7 : memref<32xi32, #tpu.memory_space<vmem>>)
      tpu.yield
    }) : () -> ()
    %broadcast_in_dim3A = vector.broadcast %add3A : i32 to vector<16xi32>
    %gather3A = tpu.vector_load_idx %arg7[%broadcast_in_dim3A] : memref<32xi32, #tpu.memory_space<vmem>>[vector<16xi32>], vector<16xi32>,
    %slice3A = vector.extract_strided_slice %gather3A {offsets = [0], sizes = [1], strides = [1]} : vector<16xi32> to vector<1xi32>
    %squeeze3A = vector.extract %slice3A[0] : i32 from vector<1xi32>
    %eq3A = arith.constant 0 : i32
    %eq3A_5 = arith.cmpi eq, %squeeze3A, %eq3A : i32
    %convert_element_type3A = arith.extui %eq3A_5 : i1 to i32
    %cond3A = arith.constant 0 : i32
    %cond3A_6 = arith.cmpi ne, %convert_element_type3A, %cond3A : i32
    scf.if %cond3A_6 {
      %scan3A = arith.constant 0 : i32
      %scan3A_11 = arith.constant 0 : i32
      %scan3A_12 = arith.constant 32 : i32
      %scan3A_13 = arith.addi %scan3A_11, %scan3A_12 : i32
      %scan3A_14 = arith.constant 1 : i32
      scf.for %scan3A_16 = %scan3A_11 to %scan3A_13 step %scan3A_14  : i32 {
        %mul3A_17 = arith.constant 16384 : i32
        %mul3A_18 = arith.muli %scan3A_16, %mul3A_17 : i32
        %add3A_19 = arith.addi %mul3A_2, %mul3A_18 : i32
        "tpu.region"() ({
          %run_scoped3A = tpu.sem_alloc : memref<!tpu.dma_semaphore, #tpu.memory_space<semaphore_mem>>
          %dma_start3A = tpu.memref_slice %arg2[%add3A_19] : memref<16777216xf32, #tpu.memory_space<hbm>> -> memref<16384xf32, #tpu.memory_space<hbm>>
          %dma_start3A_20 = tpu.memref_slice %arg2[%add3A_19] : memref<16777216xf32, #tpu.memory_space<hbm>> -> memref<16384xf32, #tpu.memory_space<hbm>>
          tpu.enqueue_dma source(%dma_start3A_20 : memref<16384xf32, #tpu.memory_space<hbm>>) target(%arg9 : memref<16384xf32, #tpu.memory_space<vmem>>) target_semaphore(%run_scoped3A : memref<!tpu.dma_semaphore, #tpu.memory_space<semaphore_mem>>)
          %dma_wait3A = tpu.memref_slice %arg2[%add3A_19] : memref<16777216xf32, #tpu.memory_space<hbm>> -> memref<16384xf32, #tpu.memory_space<hbm>>
          %dma_wait3A_21 = tpu.memref_slice %arg2[%add3A_19] : memref<16777216xf32, #tpu.memory_space<hbm>> -> memref<16384xf32, #tpu.memory_space<hbm>>
          tpu.wait_dma2 semaphore(%run_scoped3A : memref<!tpu.dma_semaphore, #tpu.memory_space<semaphore_mem>>) src(%dma_wait3A_21 : memref<16384xf32, #tpu.memory_space<hbm>>) dst(%arg9 : memref<16384xf32, #tpu.memory_space<vmem>>)
          tpu.yield
        }) : () -> ()
        "tpu.region"() ({
          %run_scoped3A = tpu.sem_alloc : memref<!tpu.dma_semaphore, #tpu.memory_space<semaphore_mem>>
          %dma_start3A = tpu.memref_slice %arg6[%add3A_19] : memref<16777216xf32, #tpu.memory_space<hbm>> -> memref<16384xf32, #tpu.memory_space<hbm>>
          %dma_start3A_20 = tpu.memref_slice %arg6[%add3A_19] : memref<16777216xf32, #tpu.memory_space<hbm>> -> memref<16384xf32, #tpu.memory_space<hbm>>
          tpu.enqueue_dma source(%arg9 : memref<16384xf32, #tpu.memory_space<vmem>>) target(%dma_start3A_20 : memref<16384xf32, #tpu.memory_space<hbm>>) target_semaphore(%run_scoped3A : memref<!tpu.dma_semaphore, #tpu.memory_space<semaphore_mem>>)
          %dma_wait3A = tpu.memref_slice %arg6[%add3A_19] : memref<16777216xf32, #tpu.memory_space<hbm>> -> memref<16384xf32, #tpu.memory_space<hbm>>
          %dma_wait3A_21 = tpu.memref_slice %arg6[%add3A_19] : memref<16777216xf32, #tpu.memory_space<hbm>> -> memref<16384xf32, #tpu.memory_space<hbm>>
          tpu.wait_dma2 semaphore(%run_scoped3A : memref<!tpu.dma_semaphore, #tpu.memory_space<semaphore_mem>>) src(%arg9 : memref<16384xf32, #tpu.memory_space<vmem>>) dst(%dma_wait3A_21 : memref<16384xf32, #tpu.memory_space<hbm>>)
          tpu.yield
        }) : () -> ()
      }
      %scan3A_15 = arith.constant 32 : i32
    } else {
    }
    %ne3A = arith.constant 0 : i32
    %ne3A_7 = arith.cmpi ne, %squeeze3A, %ne3A : i32
    %convert_element_type3A_8 = arith.extui %ne3A_7 : i1 to i32
    %cond3A_9 = arith.constant 0 : i32
    %cond3A_10 = arith.cmpi ne, %convert_element_type3A_8, %cond3A_9 : i32
    scf.if %cond3A_10 {
      %mul3A_11 = arith.constant 16 : i32
      %mul3A_12 = arith.muli %squeeze3A, %mul3A_11 : i32
      "tpu.region"() ({
        %run_scoped3A = tpu.sem_alloc : memref<!tpu.dma_semaphore, #tpu.memory_space<semaphore_mem>>
        %dma_start3A_230 = tpu.memref_slice %arg5[%mul3A_12] : memref<8016xf32, #tpu.memory_space<hbm>> -> memref<16xf32, #tpu.memory_space<hbm>>
        %dma_start3A_231 = tpu.memref_slice %arg5[%mul3A_12] : memref<8016xf32, #tpu.memory_space<hbm>> -> memref<16xf32, #tpu.memory_space<hbm>>
        tpu.enqueue_dma source(%dma_start3A_231 : memref<16xf32, #tpu.memory_space<hbm>>) target(%arg8 : memref<16xf32, #tpu.memory_space<vmem>>) target_semaphore(%run_scoped3A : memref<!tpu.dma_semaphore, #tpu.memory_space<semaphore_mem>>)
        %dma_wait3A_232 = tpu.memref_slice %arg5[%mul3A_12] : memref<8016xf32, #tpu.memory_space<hbm>> -> memref<16xf32, #tpu.memory_space<hbm>>
        %dma_wait3A_233 = tpu.memref_slice %arg5[%mul3A_12] : memref<8016xf32, #tpu.memory_space<hbm>> -> memref<16xf32, #tpu.memory_space<hbm>>
        tpu.wait_dma2 semaphore(%run_scoped3A : memref<!tpu.dma_semaphore, #tpu.memory_space<semaphore_mem>>) src(%dma_wait3A_233 : memref<16xf32, #tpu.memory_space<hbm>>) dst(%arg8 : memref<16xf32, #tpu.memory_space<vmem>>)
        tpu.yield
      }) : () -> ()
      %get3A = arith.constant 0 : index
      %get3A_13 = tpu.vector_load %arg8[%get3A] {strides = array<i32>} : memref<16xf32, #tpu.memory_space<vmem>>, vector<16xf32>,
      %slice3A_14 = vector.extract_strided_slice %get3A_13 {offsets = [4], sizes = [1], strides = [1]} : vector<16xf32> to vector<1xf32>
      %squeeze3A_15 = vector.extract %slice3A_14[0] : f32 from vector<1xf32>
      %slice3A_16 = vector.extract_strided_slice %get3A_13 {offsets = [6], sizes = [1], strides = [1]} : vector<16xf32> to vector<1xf32>
      %squeeze3A_17 = vector.extract %slice3A_16[0] : f32 from vector<1xf32>
      %sub3A = arith.subf %squeeze3A_15, %squeeze3A_17 : f32
      %broadcast_in_dim3A_18 = vector.broadcast %sub3A : f32 to vector<16xf32>
      %slice3A_19 = vector.extract_strided_slice %get3A_13 {offsets = [6], sizes = [1], strides = [1]} : vector<16xf32> to vector<1xf32>
      %squeeze3A_20 = vector.extract %slice3A_19[0] : f32 from vector<1xf32>
      %add3A_21 = arith.constant 9.99999997E-7 : f32
      %add3A_22 = arith.addf %squeeze3A_20, %add3A_21 : f32
      %broadcast_in_dim3A_23 = vector.broadcast %add3A_22 : f32 to vector<16xf32>
      %slice3A_24 = vector.extract_strided_slice %get3A_13 {offsets = [0], sizes = [1], strides = [1]} : vector<16xf32> to vector<1xf32>
      %squeeze3A_25 = vector.extract %slice3A_24[0] : f32 from vector<1xf32>
      %add3A_26 = arith.constant 9.99999997E-7 : f32
      %add3A_27 = arith.addf %squeeze3A_25, %add3A_26 : f32
      %broadcast_in_dim3A_28 = vector.broadcast %add3A_27 : f32 to vector<16xf32>
      %bitcast3A = vector.bitcast %broadcast_in_dim3A_28 : vector<16xf32> to vector<16xi32>
      %shift_right_arithmetic3A = arith.constant 23 : i32
      %shift_right_arithmetic3A_29 = vector.broadcast %shift_right_arithmetic3A : i32 to vector<16xi32>
      %shift_right_arithmetic3A_30 = arith.shrsi %bitcast3A, %shift_right_arithmetic3A_29 : vector<16xi32>
      %sub3A_31 = arith.constant 127 : i32
      %sub3A_32 = vector.broadcast %sub3A_31 : i32 to vector<16xi32>
      %sub3A_33 = arith.subi %shift_right_arithmetic3A_30, %sub3A_32 : vector<16xi32>
      %convert_element_type3A_34 = arith.sitofp %sub3A_33 : vector<16xi32> to vector<16xf32>
      %and3A = arith.constant 8388607 : i32
      %and3A_35 = vector.broadcast %and3A : i32 to vector<16xi32>
      %and3A_36 = arith.andi %bitcast3A, %and3A_35 : vector<16xi32>
      %or3A = arith.constant 1065353216 : i32
      %or3A_37 = vector.broadcast %or3A : i32 to vector<16xi32>
      %or3A_38 = arith.ori %and3A_36, %or3A_37 : vector<16xi32>
      %bitcast3A_39 = vector.bitcast %or3A_38 : vector<16xi32> to vector<16xf32>
      %sub3A_40 = arith.constant 1.000000e+00 : f32
      %sub3A_41 = vector.broadcast %sub3A_40 : f32 to vector<16xf32>
      %sub3A_42 = arith.subf %bitcast3A_39, %sub3A_41 : vector<16xf32>
      %add3A_43 = arith.constant 1.000000e+00 : f32
      %add3A_44 = vector.broadcast %add3A_43 : f32 to vector<16xf32>
      %add3A_45 = arith.addf %bitcast3A_39, %add3A_44 : vector<16xf32>
      %div3A = arith.divf %sub3A_42, %add3A_45 : vector<16xf32>
      %mul3A_46 = arith.mulf %div3A, %div3A : vector<16xf32>
      %mul3A_47 = arith.constant 4.000000e-01 : f32
      %mul3A_48 = vector.broadcast %mul3A_47 : f32 to vector<16xf32>
      %mul3A_49 = arith.mulf %mul3A_48, %mul3A_46 : vector<16xf32>
      %add3A_50 = arith.constant 0.666666686 : f32
      %add3A_51 = vector.broadcast %add3A_50 : f32 to vector<16xf32>
      %add3A_52 = arith.addf %add3A_51, %mul3A_49 : vector<16xf32>
      %mul3A_53 = arith.mulf %add3A_52, %mul3A_46 : vector<16xf32>
      %add3A_54 = arith.constant 2.000000e+00 : f32
      %add3A_55 = vector.broadcast %add3A_54 : f32 to vector<16xf32>
      %add3A_56 = arith.addf %add3A_55, %mul3A_53 : vector<16xf32>
      %mul3A_57 = arith.constant 0.693147182 : f32
      %mul3A_58 = vector.broadcast %mul3A_57 : f32 to vector<16xf32>
      %mul3A_59 = arith.mulf %convert_element_type3A_34, %mul3A_58 : vector<16xf32>
      %mul3A_60 = arith.mulf %div3A, %add3A_56 : vector<16xf32>
      %add3A_61 = arith.addf %mul3A_59, %mul3A_60 : vector<16xf32>
      %sub3A_62 = arith.constant 88.0296936 : f32
      %sub3A_63 = vector.broadcast %sub3A_62 : f32 to vector<16xf32>
      %sub3A_64 = arith.subf %add3A_61, %sub3A_63 : vector<16xf32>
      %slice3A_65 = vector.extract_strided_slice %get3A_13 {offsets = [1], sizes = [1], strides = [1]} : vector<16xf32> to vector<1xf32>
      %squeeze3A_66 = vector.extract %slice3A_65[0] : f32 from vector<1xf32>
      %add3A_67 = arith.constant 9.99999997E-7 : f32
      %add3A_68 = arith.addf %squeeze3A_66, %add3A_67 : f32
      %broadcast_in_dim3A_69 = vector.broadcast %add3A_68 : f32 to vector<16xf32>
      %bitcast3A_70 = vector.bitcast %broadcast_in_dim3A_69 : vector<16xf32> to vector<16xi32>
      %shift_right_arithmetic3A_71 = arith.constant 23 : i32
      %shift_right_arithmetic3A_72 = vector.broadcast %shift_right_arithmetic3A_71 : i32 to vector<16xi32>
      %shift_right_arithmetic3A_73 = arith.shrsi %bitcast3A_70, %shift_right_arithmetic3A_72 : vector<16xi32>
      %sub3A_74 = arith.constant 127 : i32
      %sub3A_75 = vector.broadcast %sub3A_74 : i32 to vector<16xi32>
      %sub3A_76 = arith.subi %shift_right_arithmetic3A_73, %sub3A_75 : vector<16xi32>
      %convert_element_type3A_77 = arith.sitofp %sub3A_76 : vector<16xi32> to vector<16xf32>
      %and3A_78 = arith.constant 8388607 : i32
      %and3A_79 = vector.broadcast %and3A_78 : i32 to vector<16xi32>
      %and3A_80 = arith.andi %bitcast3A_70, %and3A_79 : vector<16xi32>
      %or3A_81 = arith.constant 1065353216 : i32
      %or3A_82 = vector.broadcast %or3A_81 : i32 to vector<16xi32>
      %or3A_83 = arith.ori %and3A_80, %or3A_82 : vector<16xi32>
      %bitcast3A_84 = vector.bitcast %or3A_83 : vector<16xi32> to vector<16xf32>
      %sub3A_85 = arith.constant 1.000000e+00 : f32
      %sub3A_86 = vector.broadcast %sub3A_85 : f32 to vector<16xf32>
      %sub3A_87 = arith.subf %bitcast3A_84, %sub3A_86 : vector<16xf32>
      %add3A_88 = arith.constant 1.000000e+00 : f32
      %add3A_89 = vector.broadcast %add3A_88 : f32 to vector<16xf32>
      %add3A_90 = arith.addf %bitcast3A_84, %add3A_89 : vector<16xf32>
      %div3A_91 = arith.divf %sub3A_87, %add3A_90 : vector<16xf32>
      %mul3A_92 = arith.mulf %div3A_91, %div3A_91 : vector<16xf32>
      %mul3A_93 = arith.constant 4.000000e-01 : f32
      %mul3A_94 = vector.broadcast %mul3A_93 : f32 to vector<16xf32>
      %mul3A_95 = arith.mulf %mul3A_94, %mul3A_92 : vector<16xf32>
      %add3A_96 = arith.constant 0.666666686 : f32
      %add3A_97 = vector.broadcast %add3A_96 : f32 to vector<16xf32>
      %add3A_98 = arith.addf %add3A_97, %mul3A_95 : vector<16xf32>
      %mul3A_99 = arith.mulf %add3A_98, %mul3A_92 : vector<16xf32>
      %add3A_100 = arith.constant 2.000000e+00 : f32
      %add3A_101 = vector.broadcast %add3A_100 : f32 to vector<16xf32>
      %add3A_102 = arith.addf %add3A_101, %mul3A_99 : vector<16xf32>
      %mul3A_103 = arith.constant 0.693147182 : f32
      %mul3A_104 = vector.broadcast %mul3A_103 : f32 to vector<16xf32>
      %mul3A_105 = arith.mulf %convert_element_type3A_77, %mul3A_104 : vector<16xf32>
      %mul3A_106 = arith.mulf %div3A_91, %add3A_102 : vector<16xf32>
      %add3A_107 = arith.addf %mul3A_105, %mul3A_106 : vector<16xf32>
      %sub3A_108 = arith.constant 88.0296936 : f32
      %sub3A_109 = vector.broadcast %sub3A_108 : f32 to vector<16xf32>
      %sub3A_110 = arith.subf %add3A_107, %sub3A_109 : vector<16xf32>
      %slice3A_111 = vector.extract_strided_slice %get3A_13 {offsets = [2], sizes = [1], strides = [1]} : vector<16xf32> to vector<1xf32>
      %squeeze3A_112 = vector.extract %slice3A_111[0] : f32 from vector<1xf32>
      %add3A_113 = arith.constant 9.99999997E-7 : f32
      %add3A_114 = arith.addf %squeeze3A_112, %add3A_113 : f32
      %broadcast_in_dim3A_115 = vector.broadcast %add3A_114 : f32 to vector<16xf32>
      %bitcast3A_116 = vector.bitcast %broadcast_in_dim3A_115 : vector<16xf32> to vector<16xi32>
      %shift_right_arithmetic3A_117 = arith.constant 23 : i32
      %shift_right_arithmetic3A_118 = vector.broadcast %shift_right_arithmetic3A_117 : i32 to vector<16xi32>
      %shift_right_arithmetic3A_119 = arith.shrsi %bitcast3A_116, %shift_right_arithmetic3A_118 : vector<16xi32>
      %sub3A_120 = arith.constant 127 : i32
      %sub3A_121 = vector.broadcast %sub3A_120 : i32 to vector<16xi32>
      %sub3A_122 = arith.subi %shift_right_arithmetic3A_119, %sub3A_121 : vector<16xi32>
      %convert_element_type3A_123 = arith.sitofp %sub3A_122 : vector<16xi32> to vector<16xf32>
      %and3A_124 = arith.constant 8388607 : i32
      %and3A_125 = vector.broadcast %and3A_124 : i32 to vector<16xi32>
      %and3A_126 = arith.andi %bitcast3A_116, %and3A_125 : vector<16xi32>
      %or3A_127 = arith.constant 1065353216 : i32
      %or3A_128 = vector.broadcast %or3A_127 : i32 to vector<16xi32>
      %or3A_129 = arith.ori %and3A_126, %or3A_128 : vector<16xi32>
      %bitcast3A_130 = vector.bitcast %or3A_129 : vector<16xi32> to vector<16xf32>
      %sub3A_131 = arith.constant 1.000000e+00 : f32
      %sub3A_132 = vector.broadcast %sub3A_131 : f32 to vector<16xf32>
      %sub3A_133 = arith.subf %bitcast3A_130, %sub3A_132 : vector<16xf32>
      %add3A_134 = arith.constant 1.000000e+00 : f32
      %add3A_135 = vector.broadcast %add3A_134 : f32 to vector<16xf32>
      %add3A_136 = arith.addf %bitcast3A_130, %add3A_135 : vector<16xf32>
      %div3A_137 = arith.divf %sub3A_133, %add3A_136 : vector<16xf32>
      %mul3A_138 = arith.mulf %div3A_137, %div3A_137 : vector<16xf32>
      %mul3A_139 = arith.constant 4.000000e-01 : f32
      %mul3A_140 = vector.broadcast %mul3A_139 : f32 to vector<16xf32>
      %mul3A_141 = arith.mulf %mul3A_140, %mul3A_138 : vector<16xf32>
      %add3A_142 = arith.constant 0.666666686 : f32
      %add3A_143 = vector.broadcast %add3A_142 : f32 to vector<16xf32>
      %add3A_144 = arith.addf %add3A_143, %mul3A_141 : vector<16xf32>
      %mul3A_145 = arith.mulf %add3A_144, %mul3A_138 : vector<16xf32>
      %add3A_146 = arith.constant 2.000000e+00 : f32
      %add3A_147 = vector.broadcast %add3A_146 : f32 to vector<16xf32>
      %add3A_148 = arith.addf %add3A_147, %mul3A_145 : vector<16xf32>
      %mul3A_149 = arith.constant 0.693147182 : f32
      %mul3A_150 = vector.broadcast %mul3A_149 : f32 to vector<16xf32>
      %mul3A_151 = arith.mulf %convert_element_type3A_123, %mul3A_150 : vector<16xf32>
      %mul3A_152 = arith.mulf %div3A_137, %add3A_148 : vector<16xf32>
      %add3A_153 = arith.addf %mul3A_151, %mul3A_152 : vector<16xf32>
      %sub3A_154 = arith.constant 88.0296936 : f32
      %sub3A_155 = vector.broadcast %sub3A_154 : f32 to vector<16xf32>
      %sub3A_156 = arith.subf %add3A_153, %sub3A_155 : vector<16xf32>
      %slice3A_157 = vector.extract_strided_slice %get3A_13 {offsets = [3], sizes = [1], strides = [1]} : vector<16xf32> to vector<1xf32>
      %squeeze3A_158 = vector.extract %slice3A_157[0] : f32 from vector<1xf32>
      %add3A_159 = arith.constant 9.99999997E-7 : f32
      %add3A_160 = arith.addf %squeeze3A_158, %add3A_159 : f32
      %broadcast_in_dim3A_161 = vector.broadcast %add3A_160 : f32 to vector<16xf32>
      %bitcast3A_162 = vector.bitcast %broadcast_in_dim3A_161 : vector<16xf32> to vector<16xi32>
      %shift_right_arithmetic3A_163 = arith.constant 23 : i32
      %shift_right_arithmetic3A_164 = vector.broadcast %shift_right_arithmetic3A_163 : i32 to vector<16xi32>
      %shift_right_arithmetic3A_165 = arith.shrsi %bitcast3A_162, %shift_right_arithmetic3A_164 : vector<16xi32>
      %sub3A_166 = arith.constant 127 : i32
      %sub3A_167 = vector.broadcast %sub3A_166 : i32 to vector<16xi32>
      %sub3A_168 = arith.subi %shift_right_arithmetic3A_165, %sub3A_167 : vector<16xi32>
      %convert_element_type3A_169 = arith.sitofp %sub3A_168 : vector<16xi32> to vector<16xf32>
      %and3A_170 = arith.constant 8388607 : i32
      %and3A_171 = vector.broadcast %and3A_170 : i32 to vector<16xi32>
      %and3A_172 = arith.andi %bitcast3A_162, %and3A_171 : vector<16xi32>
      %or3A_173 = arith.constant 1065353216 : i32
      %or3A_174 = vector.broadcast %or3A_173 : i32 to vector<16xi32>
      %or3A_175 = arith.ori %and3A_172, %or3A_174 : vector<16xi32>
      %bitcast3A_176 = vector.bitcast %or3A_175 : vector<16xi32> to vector<16xf32>
      %sub3A_177 = arith.constant 1.000000e+00 : f32
      %sub3A_178 = vector.broadcast %sub3A_177 : f32 to vector<16xf32>
      %sub3A_179 = arith.subf %bitcast3A_176, %sub3A_178 : vector<16xf32>
      %add3A_180 = arith.constant 1.000000e+00 : f32
      %add3A_181 = vector.broadcast %add3A_180 : f32 to vector<16xf32>
      %add3A_182 = arith.addf %bitcast3A_176, %add3A_181 : vector<16xf32>
      %div3A_183 = arith.divf %sub3A_179, %add3A_182 : vector<16xf32>
      %mul3A_184 = arith.mulf %div3A_183, %div3A_183 : vector<16xf32>
      %mul3A_185 = arith.constant 4.000000e-01 : f32
      %mul3A_186 = vector.broadcast %mul3A_185 : f32 to vector<16xf32>
      %mul3A_187 = arith.mulf %mul3A_186, %mul3A_184 : vector<16xf32>
      %add3A_188 = arith.constant 0.666666686 : f32
      %add3A_189 = vector.broadcast %add3A_188 : f32 to vector<16xf32>
      %add3A_190 = arith.addf %add3A_189, %mul3A_187 : vector<16xf32>
      %mul3A_191 = arith.mulf %add3A_190, %mul3A_184 : vector<16xf32>
      %add3A_192 = arith.constant 2.000000e+00 : f32
      %add3A_193 = vector.broadcast %add3A_192 : f32 to vector<16xf32>
      %add3A_194 = arith.addf %add3A_193, %mul3A_191 : vector<16xf32>
      %mul3A_195 = arith.constant 0.693147182 : f32
      %mul3A_196 = vector.broadcast %mul3A_195 : f32 to vector<16xf32>
      %mul3A_197 = arith.mulf %convert_element_type3A_169, %mul3A_196 : vector<16xf32>
      %mul3A_198 = arith.mulf %div3A_183, %add3A_194 : vector<16xf32>
      %add3A_199 = arith.addf %mul3A_197, %mul3A_198 : vector<16xf32>
      %sub3A_200 = arith.constant 88.0296936 : f32
      %sub3A_201 = vector.broadcast %sub3A_200 : f32 to vector<16xf32>
      %sub3A_202 = arith.subf %add3A_199, %sub3A_201 : vector<16xf32>
      %add3A_203 = arith.constant 0 : i32
      %add3A_204 = arith.addi %mul3A_2, %add3A_203 : i32
      %add3A_205 = arith.constant 0 : i32
      %add3A_206 = arith.addi %mul3A_4, %add3A_205 : i32
      %dma_start3A = tpu.memref_slice %arg2[%add3A_204] : memref<16777216xf32, #tpu.memory_space<hbm>> -> memref<16384xf32, #tpu.memory_space<hbm>>
      %dma_start3A_207 = tpu.memref_slice %arg2[%add3A_204] : memref<16777216xf32, #tpu.memory_space<hbm>> -> memref<16384xf32, #tpu.memory_space<hbm>>
      tpu.enqueue_dma source(%dma_start3A_207 : memref<16384xf32, #tpu.memory_space<hbm>>) target(%arg9 : memref<16384xf32, #tpu.memory_space<vmem>>) target_semaphore(%arg15 : memref<!tpu.dma_semaphore, #tpu.memory_space<semaphore_mem>>)
      %dma_start3A_208 = tpu.memref_slice %arg3[%add3A_206] : memref<8388608xi32, #tpu.memory_space<hbm>> -> memref<8192xi32, #tpu.memory_space<hbm>>
      %dma_start3A_209 = tpu.memref_slice %arg3[%add3A_206] : memref<8388608xi32, #tpu.memory_space<hbm>> -> memref<8192xi32, #tpu.memory_space<hbm>>
      tpu.enqueue_dma source(%dma_start3A_209 : memref<8192xi32, #tpu.memory_space<hbm>>) target(%arg10 : memref<8192xi32, #tpu.memory_space<vmem>>) target_semaphore(%arg15 : memref<!tpu.dma_semaphore, #tpu.memory_space<semaphore_mem>>)
      %add3A_210 = arith.constant 16384 : i32
      %add3A_211 = arith.addi %mul3A_2, %add3A_210 : i32
      %add3A_212 = arith.constant 8192 : i32
      %add3A_213 = arith.addi %mul3A_4, %add3A_212 : i32
      %dma_start3A_214 = tpu.memref_slice %arg2[%add3A_211] : memref<16777216xf32, #tpu.memory_space<hbm>> -> memref<16384xf32, #tpu.memory_space<hbm>>
      %dma_start3A_215 = tpu.memref_slice %arg2[%add3A_211] : memref<16777216xf32, #tpu.memory_space<hbm>> -> memref<16384xf32, #tpu.memory_space<hbm>>
      tpu.enqueue_dma source(%dma_start3A_215 : memref<16384xf32, #tpu.memory_space<hbm>>) target(%arg12 : memref<16384xf32, #tpu.memory_space<vmem>>) target_semaphore(%arg16 : memref<!tpu.dma_semaphore, #tpu.memory_space<semaphore_mem>>)
      %dma_start3A_216 = tpu.memref_slice %arg3[%add3A_213] : memref<8388608xi32, #tpu.memory_space<hbm>> -> memref<8192xi32, #tpu.memory_space<hbm>>
      %dma_start3A_217 = tpu.memref_slice %arg3[%add3A_213] : memref<8388608xi32, #tpu.memory_space<hbm>> -> memref<8192xi32, #tpu.memory_space<hbm>>
      tpu.enqueue_dma source(%dma_start3A_217 : memref<8192xi32, #tpu.memory_space<hbm>>) target(%arg13 : memref<8192xi32, #tpu.memory_space<vmem>>) target_semaphore(%arg16 : memref<!tpu.dma_semaphore, #tpu.memory_space<semaphore_mem>>)
      %scan3A = arith.constant 0 : i32
      %scan3A_218 = arith.constant 0 : i32
      %scan3A_219 = arith.constant 16 : i32
      %scan3A_220 = arith.addi %scan3A_218, %scan3A_219 : i32
      %scan3A_221 = arith.constant 1 : i32
      scf.for %scan3A_230 = %scan3A_218 to %scan3A_220 step %scan3A_221  : i32 {
        %mul3A_231 = arith.constant 2 : i32
        %mul3A_232 = arith.muli %scan3A_230, %mul3A_231 : i32
        %add3A_233 = arith.constant 0 : i32
        %add3A_234 = arith.addi %mul3A_232, %add3A_233 : i32
        %mul3A_235 = arith.constant 16384 : i32
        %mul3A_236 = arith.muli %add3A_234, %mul3A_235 : i32
        %add3A_237 = arith.addi %mul3A_2, %mul3A_236 : i32
        %mul3A_238 = arith.constant 8192 : i32
        %mul3A_239 = arith.muli %add3A_234, %mul3A_238 : i32
        %add3A_240 = arith.addi %mul3A_4, %mul3A_239 : i32
        %dma_wait3A_241 = tpu.memref_slice %arg2[%add3A_237] : memref<16777216xf32, #tpu.memory_space<hbm>> -> memref<16384xf32, #tpu.memory_space<hbm>>
        %dma_wait3A_242 = tpu.memref_slice %arg2[%add3A_237] : memref<16777216xf32, #tpu.memory_space<hbm>> -> memref<16384xf32, #tpu.memory_space<hbm>>
        tpu.wait_dma2 semaphore(%arg15 : memref<!tpu.dma_semaphore, #tpu.memory_space<semaphore_mem>>) src(%dma_wait3A_242 : memref<16384xf32, #tpu.memory_space<hbm>>) dst(%arg9 : memref<16384xf32, #tpu.memory_space<vmem>>)
        %dma_wait3A_243 = tpu.memref_slice %arg3[%add3A_240] : memref<8388608xi32, #tpu.memory_space<hbm>> -> memref<8192xi32, #tpu.memory_space<hbm>>
        %dma_wait3A_244 = tpu.memref_slice %arg3[%add3A_240] : memref<8388608xi32, #tpu.memory_space<hbm>> -> memref<8192xi32, #tpu.memory_space<hbm>>
        tpu.wait_dma2 semaphore(%arg15 : memref<!tpu.dma_semaphore, #tpu.memory_space<semaphore_mem>>) src(%dma_wait3A_244 : memref<8192xi32, #tpu.memory_space<hbm>>) dst(%arg10 : memref<8192xi32, #tpu.memory_space<vmem>>)
        %ge3A = arith.constant 2 : i32
        %ge3A_245 = arith.cmpi sge, %add3A_234, %ge3A : i32
        %convert_element_type3A_246 = arith.extui %ge3A_245 : i1 to i32
        %cond3A_247 = arith.constant 0 : i32
        %cond3A_248 = arith.cmpi ne, %convert_element_type3A_246, %cond3A_247 : i32
        scf.if %cond3A_248 {
          %sub3A_296 = arith.constant 2 : i32
          %sub3A_297 = arith.subi %add3A_234, %sub3A_296 : i32
          %mul3A_298 = arith.constant 16384 : i32
          %mul3A_299 = arith.muli %sub3A_297, %mul3A_298 : i32
          %add3A_300 = arith.addi %mul3A_2, %mul3A_299 : i32
          %dma_wait3A_301 = tpu.memref_slice %arg6[%add3A_300] : memref<16777216xf32, #tpu.memory_space<hbm>> -> memref<16384xf32, #tpu.memory_space<hbm>>
          %dma_wait3A_302 = tpu.memref_slice %arg6[%add3A_300] : memref<16777216xf32, #tpu.memory_space<hbm>> -> memref<16384xf32, #tpu.memory_space<hbm>>
          tpu.wait_dma2 semaphore(%arg17 : memref<!tpu.dma_semaphore, #tpu.memory_space<semaphore_mem>>) src(%arg11 : memref<16384xf32, #tpu.memory_space<vmem>>) dst(%dma_wait3A_302 : memref<16384xf32, #tpu.memory_space<hbm>>)
        } else {
        }
        %parallel_loop3A = arith.constant 0 : i32
        %parallel_loop3A_249 = arith.constant 64 : i32
        %parallel_loop3A_250 = arith.constant 1 : i32
        scf.for %parallel_loop3A_296 = %parallel_loop3A to %parallel_loop3A_249 step %parallel_loop3A_250  : i32 {
          %parallel_loop3A_297 = arith.constant 2 : i32
          %parallel_loop3A_298 = arith.shrsi %parallel_loop3A_296, %parallel_loop3A_297 : i32
          %parallel_loop3A_299 = arith.constant 3 : i32
          %parallel_loop3A_300 = arith.andi %parallel_loop3A_296, %parallel_loop3A_299 : i32
          %parallel_loop3A_301 = arith.constant 1024 : i32
          %parallel_loop3A_302 = arith.muli %parallel_loop3A_298, %parallel_loop3A_301 : i32
          %parallel_loop3A_303 = arith.constant 256 : i32
          %parallel_loop3A_304 = arith.muli %parallel_loop3A_300, %parallel_loop3A_303 : i32
          %parallel_loop3A_305 = arith.addi %parallel_loop3A_302, %parallel_loop3A_304 : i32
          %parallel_loop3A_306 = arith.constant 3 : i32
          %parallel_loop3A_307 = arith.shrsi %parallel_loop3A_298, %parallel_loop3A_306 : i32
          %parallel_loop3A_308 = arith.constant 4096 : i32
          %parallel_loop3A_309 = arith.muli %parallel_loop3A_307, %parallel_loop3A_308 : i32
          %parallel_loop3A_310 = arith.constant 1024 : i32
          %parallel_loop3A_311 = arith.muli %parallel_loop3A_300, %parallel_loop3A_310 : i32
          %parallel_loop3A_312 = arith.addi %parallel_loop3A_309, %parallel_loop3A_311 : i32
          %parallel_loop3A_313 = arith.constant 7 : i32
          %parallel_loop3A_314 = arith.andi %parallel_loop3A_298, %parallel_loop3A_313 : i32
          %parallel_loop3A_315 = arith.constant 128 : i32
          %parallel_loop3A_316 = arith.muli %parallel_loop3A_314, %parallel_loop3A_315 : i32
          %parallel_loop3A_317 = arith.addi %parallel_loop3A_312, %parallel_loop3A_316 : i32
          %parallel_loop3A_318 = arith.constant 0 : i32
          %parallel_loop3A_319 = arith.addi %parallel_loop3A_305, %parallel_loop3A_318 : i32
          %parallel_loop3A_320 = arith.index_cast %parallel_loop3A_319 : i32 to index
          %parallel_loop3A_321 = tpu.vector_load %arg9[%parallel_loop3A_320] {strides = array<i32>} : memref<16384xf32, #tpu.memory_space<vmem>>, vector<16xf32>,
          %parallel_loop3A_322 = arith.constant 0 : i32
          %parallel_loop3A_323 = arith.addi %parallel_loop3A_305, %parallel_loop3A_322 : i32
          %parallel_loop3A_324 = arith.constant 128 : i32
          %parallel_loop3A_325 = arith.addi %parallel_loop3A_323, %parallel_loop3A_324 : i32
          %parallel_loop3A_326 = arith.index_cast %parallel_loop3A_325 : i32 to index
          %parallel_loop3A_327 = tpu.vector_load %arg9[%parallel_loop3A_326] {strides = array<i32>} : memref<16384xf32, #tpu.memory_space<vmem>>, vector<16xf32>,
          %parallel_loop3A_328 = arith.constant 0 : i32
          %parallel_loop3A_329 = arith.addi %parallel_loop3A_317, %parallel_loop3A_328 : i32
          %parallel_loop3A_330 = arith.index_cast %parallel_loop3A_329 : i32 to index
          %parallel_loop3A_331 = tpu.vector_load %arg10[%parallel_loop3A_330] {strides = array<i32>} : memref<8192xi32, #tpu.memory_space<vmem>>, vector<16xi32>,
          %parallel_loop3A_332 = arith.subf %parallel_loop3A_327, %parallel_loop3A_321 : vector<16xf32>
          %parallel_loop3A_333 = math.exp %parallel_loop3A_332 : vector<16xf32>
          %parallel_loop3A_334 = arith.constant 1.000000e+00 : f32
          %parallel_loop3A_335 = vector.broadcast %parallel_loop3A_334 : f32 to vector<16xf32>
          %parallel_loop3A_336 = arith.addf %parallel_loop3A_335, %parallel_loop3A_333 : vector<16xf32>
          %parallel_loop3A_337 = arith.constant 1.000000e+00 : f32
          %parallel_loop3A_338 = vector.broadcast %parallel_loop3A_337 : f32 to vector<16xf32>
          %parallel_loop3A_339 = arith.divf %parallel_loop3A_338, %parallel_loop3A_336 : vector<16xf32>
          %parallel_loop3A_340 = arith.mulf %parallel_loop3A_339, %broadcast_in_dim3A_18 : vector<16xf32>
          %parallel_loop3A_341 = arith.addf %parallel_loop3A_340, %broadcast_in_dim3A_23 : vector<16xf32>
          %parallel_loop3A_342 = vector.bitcast %parallel_loop3A_341 : vector<16xf32> to vector<16xi32>
          %parallel_loop3A_343 = arith.sitofp %parallel_loop3A_342 : vector<16xi32> to vector<16xf32>
          %parallel_loop3A_344 = arith.constant 8388607 : i32
          %parallel_loop3A_345 = vector.broadcast %parallel_loop3A_344 : i32 to vector<16xi32>
          %parallel_loop3A_346 = arith.andi %parallel_loop3A_342, %parallel_loop3A_345 : vector<16xi32>
          %parallel_loop3A_347 = arith.sitofp %parallel_loop3A_346 : vector<16xi32> to vector<16xf32>
          %parallel_loop3A_348 = arith.constant 1.1920929E-7 : f32
          %parallel_loop3A_349 = vector.broadcast %parallel_loop3A_348 : f32 to vector<16xf32>
          %parallel_loop3A_350 = arith.mulf %parallel_loop3A_347, %parallel_loop3A_349 : vector<16xf32>
          %parallel_loop3A_351 = arith.constant 1.000000e+00 : f32
          %parallel_loop3A_352 = vector.broadcast %parallel_loop3A_351 : f32 to vector<16xf32>
          %parallel_loop3A_353 = arith.subf %parallel_loop3A_352, %parallel_loop3A_350 : vector<16xf32>
          %parallel_loop3A_354 = arith.mulf %parallel_loop3A_350, %parallel_loop3A_353 : vector<16xf32>
          %parallel_loop3A_355 = arith.constant 1.00000203 : f32
          %parallel_loop3A_356 = vector.broadcast %parallel_loop3A_355 : f32 to vector<16xf32>
          %parallel_loop3A_357 = arith.subf %parallel_loop3A_356, %parallel_loop3A_341 : vector<16xf32>
          %parallel_loop3A_358 = vector.bitcast %parallel_loop3A_357 : vector<16xf32> to vector<16xi32>
          %parallel_loop3A_359 = arith.sitofp %parallel_loop3A_358 : vector<16xi32> to vector<16xf32>
          %parallel_loop3A_360 = arith.constant 8388607 : i32
          %parallel_loop3A_361 = vector.broadcast %parallel_loop3A_360 : i32 to vector<16xi32>
          %parallel_loop3A_362 = arith.andi %parallel_loop3A_358, %parallel_loop3A_361 : vector<16xi32>
          %parallel_loop3A_363 = arith.sitofp %parallel_loop3A_362 : vector<16xi32> to vector<16xf32>
          %parallel_loop3A_364 = arith.constant 1.1920929E-7 : f32
          %parallel_loop3A_365 = vector.broadcast %parallel_loop3A_364 : f32 to vector<16xf32>
          %parallel_loop3A_366 = arith.mulf %parallel_loop3A_363, %parallel_loop3A_365 : vector<16xf32>
          %parallel_loop3A_367 = arith.constant 1.000000e+00 : f32
          %parallel_loop3A_368 = vector.broadcast %parallel_loop3A_367 : f32 to vector<16xf32>
          %parallel_loop3A_369 = arith.subf %parallel_loop3A_368, %parallel_loop3A_366 : vector<16xf32>
          %parallel_loop3A_370 = arith.mulf %parallel_loop3A_366, %parallel_loop3A_369 : vector<16xf32>
          %parallel_loop3A_371 = arith.constant 0 : i32
          %parallel_loop3A_372 = vector.broadcast %parallel_loop3A_371 : i32 to vector<16xi32>
          %parallel_loop3A_373 = arith.cmpi eq, %parallel_loop3A_331, %parallel_loop3A_372 : vector<16xi32>
          %parallel_loop3A_374 = arith.constant 8.26295832E-8 : f32
          %parallel_loop3A_375 = vector.broadcast %parallel_loop3A_374 : f32 to vector<16xf32>
          %parallel_loop3A_376 = arith.mulf %parallel_loop3A_343, %parallel_loop3A_375 : vector<16xf32>
          %parallel_loop3A_377 = arith.select %parallel_loop3A_373, %sub3A_64, %sub3A_156 : vector<16xi1>, vector<16xf32>
          %parallel_loop3A_378 = arith.addf %parallel_loop3A_376, %parallel_loop3A_377 : vector<16xf32>
          %parallel_loop3A_379 = arith.constant 0.240244806 : f32
          %parallel_loop3A_380 = vector.broadcast %parallel_loop3A_379 : f32 to vector<16xf32>
          %parallel_loop3A_381 = arith.mulf %parallel_loop3A_354, %parallel_loop3A_380 : vector<16xf32>
          %parallel_loop3A_382 = arith.addf %parallel_loop3A_378, %parallel_loop3A_381 : vector<16xf32>
          %parallel_loop3A_383 = arith.constant 0 : i32
          %parallel_loop3A_384 = arith.addi %parallel_loop3A_305, %parallel_loop3A_383 : i32
          %parallel_loop3A_385 = arith.index_cast %parallel_loop3A_384 : i32 to index
          %parallel_loop3A_386 = tpu.vector_load %arg11[%parallel_loop3A_385] {strides = array<i32>} : memref<16384xf32, #tpu.memory_space<vmem>>, vector<16xf32>,
          tpu.vector_store %arg11[%parallel_loop3A_385], %parallel_loop3A_382 {strides = array<i32>} : memref<16384xf32, #tpu.memory_space<vmem>>, vector<16xf32>,
          %parallel_loop3A_387 = arith.constant 8.26295832E-8 : f32
          %parallel_loop3A_388 = vector.broadcast %parallel_loop3A_387 : f32 to vector<16xf32>
          %parallel_loop3A_389 = arith.mulf %parallel_loop3A_359, %parallel_loop3A_388 : vector<16xf32>
          %parallel_loop3A_390 = arith.select %parallel_loop3A_373, %sub3A_110, %sub3A_202 : vector<16xi1>, vector<16xf32>
          %parallel_loop3A_391 = arith.addf %parallel_loop3A_389, %parallel_loop3A_390 : vector<16xf32>
          %parallel_loop3A_392 = arith.constant 0.240244806 : f32
          %parallel_loop3A_393 = vector.broadcast %parallel_loop3A_392 : f32 to vector<16xf32>
          %parallel_loop3A_394 = arith.mulf %parallel_loop3A_370, %parallel_loop3A_393 : vector<16xf32>
          %parallel_loop3A_395 = arith.addf %parallel_loop3A_391, %parallel_loop3A_394 : vector<16xf32>
          %parallel_loop3A_396 = arith.constant 0 : i32
          %parallel_loop3A_397 = arith.addi %parallel_loop3A_305, %parallel_loop3A_396 : i32
          %parallel_loop3A_398 = arith.constant 128 : i32
          %parallel_loop3A_399 = arith.addi %parallel_loop3A_397, %parallel_loop3A_398 : i32
          %parallel_loop3A_400 = arith.index_cast %parallel_loop3A_399 : i32 to index
          %parallel_loop3A_401 = tpu.vector_load %arg11[%parallel_loop3A_400] {strides = array<i32>} : memref<16384xf32, #tpu.memory_space<vmem>>, vector<16xf32>,
          tpu.vector_store %arg11[%parallel_loop3A_400], %parallel_loop3A_395 {strides = array<i32>} : memref<16384xf32, #tpu.memory_space<vmem>>, vector<16xf32>,
          %parallel_loop3A_402 = arith.constant 16 : i32
          %parallel_loop3A_403 = arith.addi %parallel_loop3A_305, %parallel_loop3A_402 : i32
          %parallel_loop3A_404 = arith.index_cast %parallel_loop3A_403 : i32 to index
          %parallel_loop3A_405 = tpu.vector_load %arg9[%parallel_loop3A_404] {strides = array<i32>} : memref<16384xf32, #tpu.memory_space<vmem>>, vector<16xf32>,
          %parallel_loop3A_406 = arith.constant 16 : i32
          %parallel_loop3A_407 = arith.addi %parallel_loop3A_305, %parallel_loop3A_406 : i32
          %parallel_loop3A_408 = arith.constant 128 : i32
          %parallel_loop3A_409 = arith.addi %parallel_loop3A_407, %parallel_loop3A_408 : i32
          %parallel_loop3A_410 = arith.index_cast %parallel_loop3A_409 : i32 to index
          %parallel_loop3A_411 = tpu.vector_load %arg9[%parallel_loop3A_410] {strides = array<i32>} : memref<16384xf32, #tpu.memory_space<vmem>>, vector<16xf32>,
          %parallel_loop3A_412 = arith.constant 16 : i32
          %parallel_loop3A_413 = arith.addi %parallel_loop3A_317, %parallel_loop3A_412 : i32
          %parallel_loop3A_414 = arith.index_cast %parallel_loop3A_413 : i32 to index
          %parallel_loop3A_415 = tpu.vector_load %arg10[%parallel_loop3A_414] {strides = array<i32>} : memref<8192xi32, #tpu.memory_space<vmem>>, vector<16xi32>,
          %parallel_loop3A_416 = arith.subf %parallel_loop3A_411, %parallel_loop3A_405 : vector<16xf32>
          %parallel_loop3A_417 = math.exp %parallel_loop3A_416 : vector<16xf32>
          %parallel_loop3A_418 = arith.constant 1.000000e+00 : f32
          %parallel_loop3A_419 = vector.broadcast %parallel_loop3A_418 : f32 to vector<16xf32>
          %parallel_loop3A_420 = arith.addf %parallel_loop3A_419, %parallel_loop3A_417 : vector<16xf32>
          %parallel_loop3A_421 = arith.constant 1.000000e+00 : f32
          %parallel_loop3A_422 = vector.broadcast %parallel_loop3A_421 : f32 to vector<16xf32>
          %parallel_loop3A_423 = arith.divf %parallel_loop3A_422, %parallel_loop3A_420 : vector<16xf32>
          %parallel_loop3A_424 = arith.mulf %parallel_loop3A_423, %broadcast_in_dim3A_18 : vector<16xf32>
          %parallel_loop3A_425 = arith.addf %parallel_loop3A_424, %broadcast_in_dim3A_23 : vector<16xf32>
          %parallel_loop3A_426 = vector.bitcast %parallel_loop3A_425 : vector<16xf32> to vector<16xi32>
          %parallel_loop3A_427 = arith.sitofp %parallel_loop3A_426 : vector<16xi32> to vector<16xf32>
          %parallel_loop3A_428 = arith.constant 8388607 : i32
          %parallel_loop3A_429 = vector.broadcast %parallel_loop3A_428 : i32 to vector<16xi32>
          %parallel_loop3A_430 = arith.andi %parallel_loop3A_426, %parallel_loop3A_429 : vector<16xi32>
          %parallel_loop3A_431 = arith.sitofp %parallel_loop3A_430 : vector<16xi32> to vector<16xf32>
          %parallel_loop3A_432 = arith.constant 1.1920929E-7 : f32
          %parallel_loop3A_433 = vector.broadcast %parallel_loop3A_432 : f32 to vector<16xf32>
          %parallel_loop3A_434 = arith.mulf %parallel_loop3A_431, %parallel_loop3A_433 : vector<16xf32>
          %parallel_loop3A_435 = arith.constant 1.000000e+00 : f32
          %parallel_loop3A_436 = vector.broadcast %parallel_loop3A_435 : f32 to vector<16xf32>
          %parallel_loop3A_437 = arith.subf %parallel_loop3A_436, %parallel_loop3A_434 : vector<16xf32>
          %parallel_loop3A_438 = arith.mulf %parallel_loop3A_434, %parallel_loop3A_437 : vector<16xf32>
          %parallel_loop3A_439 = arith.constant 1.00000203 : f32
          %parallel_loop3A_440 = vector.broadcast %parallel_loop3A_439 : f32 to vector<16xf32>
          %parallel_loop3A_441 = arith.subf %parallel_loop3A_440, %parallel_loop3A_425 : vector<16xf32>
          %parallel_loop3A_442 = vector.bitcast %parallel_loop3A_441 : vector<16xf32> to vector<16xi32>
          %parallel_loop3A_443 = arith.sitofp %parallel_loop3A_442 : vector<16xi32> to vector<16xf32>
          %parallel_loop3A_444 = arith.constant 8388607 : i32
          %parallel_loop3A_445 = vector.broadcast %parallel_loop3A_444 : i32 to vector<16xi32>
          %parallel_loop3A_446 = arith.andi %parallel_loop3A_442, %parallel_loop3A_445 : vector<16xi32>
          %parallel_loop3A_447 = arith.sitofp %parallel_loop3A_446 : vector<16xi32> to vector<16xf32>
          %parallel_loop3A_448 = arith.constant 1.1920929E-7 : f32
          %parallel_loop3A_449 = vector.broadcast %parallel_loop3A_448 : f32 to vector<16xf32>
          %parallel_loop3A_450 = arith.mulf %parallel_loop3A_447, %parallel_loop3A_449 : vector<16xf32>
          %parallel_loop3A_451 = arith.constant 1.000000e+00 : f32
          %parallel_loop3A_452 = vector.broadcast %parallel_loop3A_451 : f32 to vector<16xf32>
          %parallel_loop3A_453 = arith.subf %parallel_loop3A_452, %parallel_loop3A_450 : vector<16xf32>
          %parallel_loop3A_454 = arith.mulf %parallel_loop3A_450, %parallel_loop3A_453 : vector<16xf32>
          %parallel_loop3A_455 = arith.constant 0 : i32
          %parallel_loop3A_456 = vector.broadcast %parallel_loop3A_455 : i32 to vector<16xi32>
          %parallel_loop3A_457 = arith.cmpi eq, %parallel_loop3A_415, %parallel_loop3A_456 : vector<16xi32>
          %parallel_loop3A_458 = arith.constant 8.26295832E-8 : f32
          %parallel_loop3A_459 = vector.broadcast %parallel_loop3A_458 : f32 to vector<16xf32>
          %parallel_loop3A_460 = arith.mulf %parallel_loop3A_427, %parallel_loop3A_459 : vector<16xf32>
          %parallel_loop3A_461 = arith.select %parallel_loop3A_457, %sub3A_64, %sub3A_156 : vector<16xi1>, vector<16xf32>
          %parallel_loop3A_462 = arith.addf %parallel_loop3A_460, %parallel_loop3A_461 : vector<16xf32>
          %parallel_loop3A_463 = arith.constant 0.240244806 : f32
          %parallel_loop3A_464 = vector.broadcast %parallel_loop3A_463 : f32 to vector<16xf32>
          %parallel_loop3A_465 = arith.mulf %parallel_loop3A_438, %parallel_loop3A_464 : vector<16xf32>
          %parallel_loop3A_466 = arith.addf %parallel_loop3A_462, %parallel_loop3A_465 : vector<16xf32>
          %parallel_loop3A_467 = arith.constant 16 : i32
          %parallel_loop3A_468 = arith.addi %parallel_loop3A_305, %parallel_loop3A_467 : i32
          %parallel_loop3A_469 = arith.index_cast %parallel_loop3A_468 : i32 to index
          %parallel_loop3A_470 = tpu.vector_load %arg11[%parallel_loop3A_469] {strides = array<i32>} : memref<16384xf32, #tpu.memory_space<vmem>>, vector<16xf32>,
          tpu.vector_store %arg11[%parallel_loop3A_469], %parallel_loop3A_466 {strides = array<i32>} : memref<16384xf32, #tpu.memory_space<vmem>>, vector<16xf32>,
          %parallel_loop3A_471 = arith.constant 8.26295832E-8 : f32
          %parallel_loop3A_472 = vector.broadcast %parallel_loop3A_471 : f32 to vector<16xf32>
          %parallel_loop3A_473 = arith.mulf %parallel_loop3A_443, %parallel_loop3A_472 : vector<16xf32>
          %parallel_loop3A_474 = arith.select %parallel_loop3A_457, %sub3A_110, %sub3A_202 : vector<16xi1>, vector<16xf32>
          %parallel_loop3A_475 = arith.addf %parallel_loop3A_473, %parallel_loop3A_474 : vector<16xf32>
          %parallel_loop3A_476 = arith.constant 0.240244806 : f32
          %parallel_loop3A_477 = vector.broadcast %parallel_loop3A_476 : f32 to vector<16xf32>
          %parallel_loop3A_478 = arith.mulf %parallel_loop3A_454, %parallel_loop3A_477 : vector<16xf32>
          %parallel_loop3A_479 = arith.addf %parallel_loop3A_475, %parallel_loop3A_478 : vector<16xf32>
          %parallel_loop3A_480 = arith.constant 16 : i32
          %parallel_loop3A_481 = arith.addi %parallel_loop3A_305, %parallel_loop3A_480 : i32
          %parallel_loop3A_482 = arith.constant 128 : i32
          %parallel_loop3A_483 = arith.addi %parallel_loop3A_481, %parallel_loop3A_482 : i32
          %parallel_loop3A_484 = arith.index_cast %parallel_loop3A_483 : i32 to index
          %parallel_loop3A_485 = tpu.vector_load %arg11[%parallel_loop3A_484] {strides = array<i32>} : memref<16384xf32, #tpu.memory_space<vmem>>, vector<16xf32>,
          tpu.vector_store %arg11[%parallel_loop3A_484], %parallel_loop3A_479 {strides = array<i32>} : memref<16384xf32, #tpu.memory_space<vmem>>, vector<16xf32>,
          %parallel_loop3A_486 = arith.constant 32 : i32
          %parallel_loop3A_487 = arith.addi %parallel_loop3A_305, %parallel_loop3A_486 : i32
          %parallel_loop3A_488 = arith.index_cast %parallel_loop3A_487 : i32 to index
          %parallel_loop3A_489 = tpu.vector_load %arg9[%parallel_loop3A_488] {strides = array<i32>} : memref<16384xf32, #tpu.memory_space<vmem>>, vector<16xf32>,
          %parallel_loop3A_490 = arith.constant 32 : i32
          %parallel_loop3A_491 = arith.addi %parallel_loop3A_305, %parallel_loop3A_490 : i32
          %parallel_loop3A_492 = arith.constant 128 : i32
          %parallel_loop3A_493 = arith.addi %parallel_loop3A_491, %parallel_loop3A_492 : i32
          %parallel_loop3A_494 = arith.index_cast %parallel_loop3A_493 : i32 to index
          %parallel_loop3A_495 = tpu.vector_load %arg9[%parallel_loop3A_494] {strides = array<i32>} : memref<16384xf32, #tpu.memory_space<vmem>>, vector<16xf32>,
          %parallel_loop3A_496 = arith.constant 32 : i32
          %parallel_loop3A_497 = arith.addi %parallel_loop3A_317, %parallel_loop3A_496 : i32
          %parallel_loop3A_498 = arith.index_cast %parallel_loop3A_497 : i32 to index
          %parallel_loop3A_499 = tpu.vector_load %arg10[%parallel_loop3A_498] {strides = array<i32>} : memref<8192xi32, #tpu.memory_space<vmem>>, vector<16xi32>,
          %parallel_loop3A_500 = arith.subf %parallel_loop3A_495, %parallel_loop3A_489 : vector<16xf32>
          %parallel_loop3A_501 = math.exp %parallel_loop3A_500 : vector<16xf32>
          %parallel_loop3A_502 = arith.constant 1.000000e+00 : f32
          %parallel_loop3A_503 = vector.broadcast %parallel_loop3A_502 : f32 to vector<16xf32>
          %parallel_loop3A_504 = arith.addf %parallel_loop3A_503, %parallel_loop3A_501 : vector<16xf32>
          %parallel_loop3A_505 = arith.constant 1.000000e+00 : f32
          %parallel_loop3A_506 = vector.broadcast %parallel_loop3A_505 : f32 to vector<16xf32>
          %parallel_loop3A_507 = arith.divf %parallel_loop3A_506, %parallel_loop3A_504 : vector<16xf32>
          %parallel_loop3A_508 = arith.mulf %parallel_loop3A_507, %broadcast_in_dim3A_18 : vector<16xf32>
          %parallel_loop3A_509 = arith.addf %parallel_loop3A_508, %broadcast_in_dim3A_23 : vector<16xf32>
          %parallel_loop3A_510 = vector.bitcast %parallel_loop3A_509 : vector<16xf32> to vector<16xi32>
          %parallel_loop3A_511 = arith.sitofp %parallel_loop3A_510 : vector<16xi32> to vector<16xf32>
          %parallel_loop3A_512 = arith.constant 8388607 : i32
          %parallel_loop3A_513 = vector.broadcast %parallel_loop3A_512 : i32 to vector<16xi32>
          %parallel_loop3A_514 = arith.andi %parallel_loop3A_510, %parallel_loop3A_513 : vector<16xi32>
          %parallel_loop3A_515 = arith.sitofp %parallel_loop3A_514 : vector<16xi32> to vector<16xf32>
          %parallel_loop3A_516 = arith.constant 1.1920929E-7 : f32
          %parallel_loop3A_517 = vector.broadcast %parallel_loop3A_516 : f32 to vector<16xf32>
          %parallel_loop3A_518 = arith.mulf %parallel_loop3A_515, %parallel_loop3A_517 : vector<16xf32>
          %parallel_loop3A_519 = arith.constant 1.000000e+00 : f32
          %parallel_loop3A_520 = vector.broadcast %parallel_loop3A_519 : f32 to vector<16xf32>
          %parallel_loop3A_521 = arith.subf %parallel_loop3A_520, %parallel_loop3A_518 : vector<16xf32>
          %parallel_loop3A_522 = arith.mulf %parallel_loop3A_518, %parallel_loop3A_521 : vector<16xf32>
          %parallel_loop3A_523 = arith.constant 1.00000203 : f32
          %parallel_loop3A_524 = vector.broadcast %parallel_loop3A_523 : f32 to vector<16xf32>
          %parallel_loop3A_525 = arith.subf %parallel_loop3A_524, %parallel_loop3A_509 : vector<16xf32>
          %parallel_loop3A_526 = vector.bitcast %parallel_loop3A_525 : vector<16xf32> to vector<16xi32>
          %parallel_loop3A_527 = arith.sitofp %parallel_loop3A_526 : vector<16xi32> to vector<16xf32>
          %parallel_loop3A_528 = arith.constant 8388607 : i32
          %parallel_loop3A_529 = vector.broadcast %parallel_loop3A_528 : i32 to vector<16xi32>
          %parallel_loop3A_530 = arith.andi %parallel_loop3A_526, %parallel_loop3A_529 : vector<16xi32>
          %parallel_loop3A_531 = arith.sitofp %parallel_loop3A_530 : vector<16xi32> to vector<16xf32>
          %parallel_loop3A_532 = arith.constant 1.1920929E-7 : f32
          %parallel_loop3A_533 = vector.broadcast %parallel_loop3A_532 : f32 to vector<16xf32>
          %parallel_loop3A_534 = arith.mulf %parallel_loop3A_531, %parallel_loop3A_533 : vector<16xf32>
          %parallel_loop3A_535 = arith.constant 1.000000e+00 : f32
          %parallel_loop3A_536 = vector.broadcast %parallel_loop3A_535 : f32 to vector<16xf32>
          %parallel_loop3A_537 = arith.subf %parallel_loop3A_536, %parallel_loop3A_534 : vector<16xf32>
          %parallel_loop3A_538 = arith.mulf %parallel_loop3A_534, %parallel_loop3A_537 : vector<16xf32>
          %parallel_loop3A_539 = arith.constant 0 : i32
          %parallel_loop3A_540 = vector.broadcast %parallel_loop3A_539 : i32 to vector<16xi32>
          %parallel_loop3A_541 = arith.cmpi eq, %parallel_loop3A_499, %parallel_loop3A_540 : vector<16xi32>
          %parallel_loop3A_542 = arith.constant 8.26295832E-8 : f32
          %parallel_loop3A_543 = vector.broadcast %parallel_loop3A_542 : f32 to vector<16xf32>
          %parallel_loop3A_544 = arith.mulf %parallel_loop3A_511, %parallel_loop3A_543 : vector<16xf32>
          %parallel_loop3A_545 = arith.select %parallel_loop3A_541, %sub3A_64, %sub3A_156 : vector<16xi1>, vector<16xf32>
          %parallel_loop3A_546 = arith.addf %parallel_loop3A_544, %parallel_loop3A_545 : vector<16xf32>
          %parallel_loop3A_547 = arith.constant 0.240244806 : f32
          %parallel_loop3A_548 = vector.broadcast %parallel_loop3A_547 : f32 to vector<16xf32>
          %parallel_loop3A_549 = arith.mulf %parallel_loop3A_522, %parallel_loop3A_548 : vector<16xf32>
          %parallel_loop3A_550 = arith.addf %parallel_loop3A_546, %parallel_loop3A_549 : vector<16xf32>
          %parallel_loop3A_551 = arith.constant 32 : i32
          %parallel_loop3A_552 = arith.addi %parallel_loop3A_305, %parallel_loop3A_551 : i32
          %parallel_loop3A_553 = arith.index_cast %parallel_loop3A_552 : i32 to index
          %parallel_loop3A_554 = tpu.vector_load %arg11[%parallel_loop3A_553] {strides = array<i32>} : memref<16384xf32, #tpu.memory_space<vmem>>, vector<16xf32>,
          tpu.vector_store %arg11[%parallel_loop3A_553], %parallel_loop3A_550 {strides = array<i32>} : memref<16384xf32, #tpu.memory_space<vmem>>, vector<16xf32>,
          %parallel_loop3A_555 = arith.constant 8.26295832E-8 : f32
          %parallel_loop3A_556 = vector.broadcast %parallel_loop3A_555 : f32 to vector<16xf32>
          %parallel_loop3A_557 = arith.mulf %parallel_loop3A_527, %parallel_loop3A_556 : vector<16xf32>
          %parallel_loop3A_558 = arith.select %parallel_loop3A_541, %sub3A_110, %sub3A_202 : vector<16xi1>, vector<16xf32>
          %parallel_loop3A_559 = arith.addf %parallel_loop3A_557, %parallel_loop3A_558 : vector<16xf32>
          %parallel_loop3A_560 = arith.constant 0.240244806 : f32
          %parallel_loop3A_561 = vector.broadcast %parallel_loop3A_560 : f32 to vector<16xf32>
          %parallel_loop3A_562 = arith.mulf %parallel_loop3A_538, %parallel_loop3A_561 : vector<16xf32>
          %parallel_loop3A_563 = arith.addf %parallel_loop3A_559, %parallel_loop3A_562 : vector<16xf32>
          %parallel_loop3A_564 = arith.constant 32 : i32
          %parallel_loop3A_565 = arith.addi %parallel_loop3A_305, %parallel_loop3A_564 : i32
          %parallel_loop3A_566 = arith.constant 128 : i32
          %parallel_loop3A_567 = arith.addi %parallel_loop3A_565, %parallel_loop3A_566 : i32
          %parallel_loop3A_568 = arith.index_cast %parallel_loop3A_567 : i32 to index
          %parallel_loop3A_569 = tpu.vector_load %arg11[%parallel_loop3A_568] {strides = array<i32>} : memref<16384xf32, #tpu.memory_space<vmem>>, vector<16xf32>,
          tpu.vector_store %arg11[%parallel_loop3A_568], %parallel_loop3A_563 {strides = array<i32>} : memref<16384xf32, #tpu.memory_space<vmem>>, vector<16xf32>,
          %parallel_loop3A_570 = arith.constant 48 : i32
          %parallel_loop3A_571 = arith.addi %parallel_loop3A_305, %parallel_loop3A_570 : i32
          %parallel_loop3A_572 = arith.index_cast %parallel_loop3A_571 : i32 to index
          %parallel_loop3A_573 = tpu.vector_load %arg9[%parallel_loop3A_572] {strides = array<i32>} : memref<16384xf32, #tpu.memory_space<vmem>>, vector<16xf32>,
          %parallel_loop3A_574 = arith.constant 48 : i32
          %parallel_loop3A_575 = arith.addi %parallel_loop3A_305, %parallel_loop3A_574 : i32
          %parallel_loop3A_576 = arith.constant 128 : i32
          %parallel_loop3A_577 = arith.addi %parallel_loop3A_575, %parallel_loop3A_576 : i32
          %parallel_loop3A_578 = arith.index_cast %parallel_loop3A_577 : i32 to index
          %parallel_loop3A_579 = tpu.vector_load %arg9[%parallel_loop3A_578] {strides = array<i32>} : memref<16384xf32, #tpu.memory_space<vmem>>, vector<16xf32>,
          %parallel_loop3A_580 = arith.constant 48 : i32
          %parallel_loop3A_581 = arith.addi %parallel_loop3A_317, %parallel_loop3A_580 : i32
          %parallel_loop3A_582 = arith.index_cast %parallel_loop3A_581 : i32 to index
          %parallel_loop3A_583 = tpu.vector_load %arg10[%parallel_loop3A_582] {strides = array<i32>} : memref<8192xi32, #tpu.memory_space<vmem>>, vector<16xi32>,
          %parallel_loop3A_584 = arith.subf %parallel_loop3A_579, %parallel_loop3A_573 : vector<16xf32>
          %parallel_loop3A_585 = math.exp %parallel_loop3A_584 : vector<16xf32>
          %parallel_loop3A_586 = arith.constant 1.000000e+00 : f32
          %parallel_loop3A_587 = vector.broadcast %parallel_loop3A_586 : f32 to vector<16xf32>
          %parallel_loop3A_588 = arith.addf %parallel_loop3A_587, %parallel_loop3A_585 : vector<16xf32>
          %parallel_loop3A_589 = arith.constant 1.000000e+00 : f32
          %parallel_loop3A_590 = vector.broadcast %parallel_loop3A_589 : f32 to vector<16xf32>
          %parallel_loop3A_591 = arith.divf %parallel_loop3A_590, %parallel_loop3A_588 : vector<16xf32>
          %parallel_loop3A_592 = arith.mulf %parallel_loop3A_591, %broadcast_in_dim3A_18 : vector<16xf32>
          %parallel_loop3A_593 = arith.addf %parallel_loop3A_592, %broadcast_in_dim3A_23 : vector<16xf32>
          %parallel_loop3A_594 = vector.bitcast %parallel_loop3A_593 : vector<16xf32> to vector<16xi32>
          %parallel_loop3A_595 = arith.sitofp %parallel_loop3A_594 : vector<16xi32> to vector<16xf32>
          %parallel_loop3A_596 = arith.constant 8388607 : i32
          %parallel_loop3A_597 = vector.broadcast %parallel_loop3A_596 : i32 to vector<16xi32>
          %parallel_loop3A_598 = arith.andi %parallel_loop3A_594, %parallel_loop3A_597 : vector<16xi32>
          %parallel_loop3A_599 = arith.sitofp %parallel_loop3A_598 : vector<16xi32> to vector<16xf32>
          %parallel_loop3A_600 = arith.constant 1.1920929E-7 : f32
          %parallel_loop3A_601 = vector.broadcast %parallel_loop3A_600 : f32 to vector<16xf32>
          %parallel_loop3A_602 = arith.mulf %parallel_loop3A_599, %parallel_loop3A_601 : vector<16xf32>
          %parallel_loop3A_603 = arith.constant 1.000000e+00 : f32
          %parallel_loop3A_604 = vector.broadcast %parallel_loop3A_603 : f32 to vector<16xf32>
          %parallel_loop3A_605 = arith.subf %parallel_loop3A_604, %parallel_loop3A_602 : vector<16xf32>
          %parallel_loop3A_606 = arith.mulf %parallel_loop3A_602, %parallel_loop3A_605 : vector<16xf32>
          %parallel_loop3A_607 = arith.constant 1.00000203 : f32
          %parallel_loop3A_608 = vector.broadcast %parallel_loop3A_607 : f32 to vector<16xf32>
          %parallel_loop3A_609 = arith.subf %parallel_loop3A_608, %parallel_loop3A_593 : vector<16xf32>
          %parallel_loop3A_610 = vector.bitcast %parallel_loop3A_609 : vector<16xf32> to vector<16xi32>
          %parallel_loop3A_611 = arith.sitofp %parallel_loop3A_610 : vector<16xi32> to vector<16xf32>
          %parallel_loop3A_612 = arith.constant 8388607 : i32
          %parallel_loop3A_613 = vector.broadcast %parallel_loop3A_612 : i32 to vector<16xi32>
          %parallel_loop3A_614 = arith.andi %parallel_loop3A_610, %parallel_loop3A_613 : vector<16xi32>
          %parallel_loop3A_615 = arith.sitofp %parallel_loop3A_614 : vector<16xi32> to vector<16xf32>
          %parallel_loop3A_616 = arith.constant 1.1920929E-7 : f32
          %parallel_loop3A_617 = vector.broadcast %parallel_loop3A_616 : f32 to vector<16xf32>
          %parallel_loop3A_618 = arith.mulf %parallel_loop3A_615, %parallel_loop3A_617 : vector<16xf32>
          %parallel_loop3A_619 = arith.constant 1.000000e+00 : f32
          %parallel_loop3A_620 = vector.broadcast %parallel_loop3A_619 : f32 to vector<16xf32>
          %parallel_loop3A_621 = arith.subf %parallel_loop3A_620, %parallel_loop3A_618 : vector<16xf32>
          %parallel_loop3A_622 = arith.mulf %parallel_loop3A_618, %parallel_loop3A_621 : vector<16xf32>
          %parallel_loop3A_623 = arith.constant 0 : i32
          %parallel_loop3A_624 = vector.broadcast %parallel_loop3A_623 : i32 to vector<16xi32>
          %parallel_loop3A_625 = arith.cmpi eq, %parallel_loop3A_583, %parallel_loop3A_624 : vector<16xi32>
          %parallel_loop3A_626 = arith.constant 8.26295832E-8 : f32
          %parallel_loop3A_627 = vector.broadcast %parallel_loop3A_626 : f32 to vector<16xf32>
          %parallel_loop3A_628 = arith.mulf %parallel_loop3A_595, %parallel_loop3A_627 : vector<16xf32>
          %parallel_loop3A_629 = arith.select %parallel_loop3A_625, %sub3A_64, %sub3A_156 : vector<16xi1>, vector<16xf32>
          %parallel_loop3A_630 = arith.addf %parallel_loop3A_628, %parallel_loop3A_629 : vector<16xf32>
          %parallel_loop3A_631 = arith.constant 0.240244806 : f32
          %parallel_loop3A_632 = vector.broadcast %parallel_loop3A_631 : f32 to vector<16xf32>
          %parallel_loop3A_633 = arith.mulf %parallel_loop3A_606, %parallel_loop3A_632 : vector<16xf32>
          %parallel_loop3A_634 = arith.addf %parallel_loop3A_630, %parallel_loop3A_633 : vector<16xf32>
          %parallel_loop3A_635 = arith.constant 48 : i32
          %parallel_loop3A_636 = arith.addi %parallel_loop3A_305, %parallel_loop3A_635 : i32
          %parallel_loop3A_637 = arith.index_cast %parallel_loop3A_636 : i32 to index
          %parallel_loop3A_638 = tpu.vector_load %arg11[%parallel_loop3A_637] {strides = array<i32>} : memref<16384xf32, #tpu.memory_space<vmem>>, vector<16xf32>,
          tpu.vector_store %arg11[%parallel_loop3A_637], %parallel_loop3A_634 {strides = array<i32>} : memref<16384xf32, #tpu.memory_space<vmem>>, vector<16xf32>,
          %parallel_loop3A_639 = arith.constant 8.26295832E-8 : f32
          %parallel_loop3A_640 = vector.broadcast %parallel_loop3A_639 : f32 to vector<16xf32>
          %parallel_loop3A_641 = arith.mulf %parallel_loop3A_611, %parallel_loop3A_640 : vector<16xf32>
          %parallel_loop3A_642 = arith.select %parallel_loop3A_625, %sub3A_110, %sub3A_202 : vector<16xi1>, vector<16xf32>
          %parallel_loop3A_643 = arith.addf %parallel_loop3A_641, %parallel_loop3A_642 : vector<16xf32>
          %parallel_loop3A_644 = arith.constant 0.240244806 : f32
          %parallel_loop3A_645 = vector.broadcast %parallel_loop3A_644 : f32 to vector<16xf32>
          %parallel_loop3A_646 = arith.mulf %parallel_loop3A_622, %parallel_loop3A_645 : vector<16xf32>
          %parallel_loop3A_647 = arith.addf %parallel_loop3A_643, %parallel_loop3A_646 : vector<16xf32>
          %parallel_loop3A_648 = arith.constant 48 : i32
          %parallel_loop3A_649 = arith.addi %parallel_loop3A_305, %parallel_loop3A_648 : i32
          %parallel_loop3A_650 = arith.constant 128 : i32
          %parallel_loop3A_651 = arith.addi %parallel_loop3A_649, %parallel_loop3A_650 : i32
          %parallel_loop3A_652 = arith.index_cast %parallel_loop3A_651 : i32 to index
          %parallel_loop3A_653 = tpu.vector_load %arg11[%parallel_loop3A_652] {strides = array<i32>} : memref<16384xf32, #tpu.memory_space<vmem>>, vector<16xf32>,
          tpu.vector_store %arg11[%parallel_loop3A_652], %parallel_loop3A_647 {strides = array<i32>} : memref<16384xf32, #tpu.memory_space<vmem>>, vector<16xf32>,
          %parallel_loop3A_654 = arith.constant 64 : i32
          %parallel_loop3A_655 = arith.addi %parallel_loop3A_305, %parallel_loop3A_654 : i32
          %parallel_loop3A_656 = arith.index_cast %parallel_loop3A_655 : i32 to index
          %parallel_loop3A_657 = tpu.vector_load %arg9[%parallel_loop3A_656] {strides = array<i32>} : memref<16384xf32, #tpu.memory_space<vmem>>, vector<16xf32>,
          %parallel_loop3A_658 = arith.constant 64 : i32
          %parallel_loop3A_659 = arith.addi %parallel_loop3A_305, %parallel_loop3A_658 : i32
          %parallel_loop3A_660 = arith.constant 128 : i32
          %parallel_loop3A_661 = arith.addi %parallel_loop3A_659, %parallel_loop3A_660 : i32
          %parallel_loop3A_662 = arith.index_cast %parallel_loop3A_661 : i32 to index
          %parallel_loop3A_663 = tpu.vector_load %arg9[%parallel_loop3A_662] {strides = array<i32>} : memref<16384xf32, #tpu.memory_space<vmem>>, vector<16xf32>,
          %parallel_loop3A_664 = arith.constant 64 : i32
          %parallel_loop3A_665 = arith.addi %parallel_loop3A_317, %parallel_loop3A_664 : i32
          %parallel_loop3A_666 = arith.index_cast %parallel_loop3A_665 : i32 to index
          %parallel_loop3A_667 = tpu.vector_load %arg10[%parallel_loop3A_666] {strides = array<i32>} : memref<8192xi32, #tpu.memory_space<vmem>>, vector<16xi32>,
          %parallel_loop3A_668 = arith.subf %parallel_loop3A_663, %parallel_loop3A_657 : vector<16xf32>
          %parallel_loop3A_669 = math.exp %parallel_loop3A_668 : vector<16xf32>
          %parallel_loop3A_670 = arith.constant 1.000000e+00 : f32
          %parallel_loop3A_671 = vector.broadcast %parallel_loop3A_670 : f32 to vector<16xf32>
          %parallel_loop3A_672 = arith.addf %parallel_loop3A_671, %parallel_loop3A_669 : vector<16xf32>
          %parallel_loop3A_673 = arith.constant 1.000000e+00 : f32
          %parallel_loop3A_674 = vector.broadcast %parallel_loop3A_673 : f32 to vector<16xf32>
          %parallel_loop3A_675 = arith.divf %parallel_loop3A_674, %parallel_loop3A_672 : vector<16xf32>
          %parallel_loop3A_676 = arith.mulf %parallel_loop3A_675, %broadcast_in_dim3A_18 : vector<16xf32>
          %parallel_loop3A_677 = arith.addf %parallel_loop3A_676, %broadcast_in_dim3A_23 : vector<16xf32>
          %parallel_loop3A_678 = vector.bitcast %parallel_loop3A_677 : vector<16xf32> to vector<16xi32>
          %parallel_loop3A_679 = arith.sitofp %parallel_loop3A_678 : vector<16xi32> to vector<16xf32>
          %parallel_loop3A_680 = arith.constant 8388607 : i32
          %parallel_loop3A_681 = vector.broadcast %parallel_loop3A_680 : i32 to vector<16xi32>
          %parallel_loop3A_682 = arith.andi %parallel_loop3A_678, %parallel_loop3A_681 : vector<16xi32>
          %parallel_loop3A_683 = arith.sitofp %parallel_loop3A_682 : vector<16xi32> to vector<16xf32>
          %parallel_loop3A_684 = arith.constant 1.1920929E-7 : f32
          %parallel_loop3A_685 = vector.broadcast %parallel_loop3A_684 : f32 to vector<16xf32>
          %parallel_loop3A_686 = arith.mulf %parallel_loop3A_683, %parallel_loop3A_685 : vector<16xf32>
          %parallel_loop3A_687 = arith.constant 1.000000e+00 : f32
          %parallel_loop3A_688 = vector.broadcast %parallel_loop3A_687 : f32 to vector<16xf32>
          %parallel_loop3A_689 = arith.subf %parallel_loop3A_688, %parallel_loop3A_686 : vector<16xf32>
          %parallel_loop3A_690 = arith.mulf %parallel_loop3A_686, %parallel_loop3A_689 : vector<16xf32>
          %parallel_loop3A_691 = arith.constant 1.00000203 : f32
          %parallel_loop3A_692 = vector.broadcast %parallel_loop3A_691 : f32 to vector<16xf32>
          %parallel_loop3A_693 = arith.subf %parallel_loop3A_692, %parallel_loop3A_677 : vector<16xf32>
          %parallel_loop3A_694 = vector.bitcast %parallel_loop3A_693 : vector<16xf32> to vector<16xi32>
          %parallel_loop3A_695 = arith.sitofp %parallel_loop3A_694 : vector<16xi32> to vector<16xf32>
          %parallel_loop3A_696 = arith.constant 8388607 : i32
          %parallel_loop3A_697 = vector.broadcast %parallel_loop3A_696 : i32 to vector<16xi32>
          %parallel_loop3A_698 = arith.andi %parallel_loop3A_694, %parallel_loop3A_697 : vector<16xi32>
          %parallel_loop3A_699 = arith.sitofp %parallel_loop3A_698 : vector<16xi32> to vector<16xf32>
          %parallel_loop3A_700 = arith.constant 1.1920929E-7 : f32
          %parallel_loop3A_701 = vector.broadcast %parallel_loop3A_700 : f32 to vector<16xf32>
          %parallel_loop3A_702 = arith.mulf %parallel_loop3A_699, %parallel_loop3A_701 : vector<16xf32>
          %parallel_loop3A_703 = arith.constant 1.000000e+00 : f32
          %parallel_loop3A_704 = vector.broadcast %parallel_loop3A_703 : f32 to vector<16xf32>
          %parallel_loop3A_705 = arith.subf %parallel_loop3A_704, %parallel_loop3A_702 : vector<16xf32>
          %parallel_loop3A_706 = arith.mulf %parallel_loop3A_702, %parallel_loop3A_705 : vector<16xf32>
          %parallel_loop3A_707 = arith.constant 0 : i32
          %parallel_loop3A_708 = vector.broadcast %parallel_loop3A_707 : i32 to vector<16xi32>
          %parallel_loop3A_709 = arith.cmpi eq, %parallel_loop3A_667, %parallel_loop3A_708 : vector<16xi32>
          %parallel_loop3A_710 = arith.constant 8.26295832E-8 : f32
          %parallel_loop3A_711 = vector.broadcast %parallel_loop3A_710 : f32 to vector<16xf32>
          %parallel_loop3A_712 = arith.mulf %parallel_loop3A_679, %parallel_loop3A_711 : vector<16xf32>
          %parallel_loop3A_713 = arith.select %parallel_loop3A_709, %sub3A_64, %sub3A_156 : vector<16xi1>, vector<16xf32>
          %parallel_loop3A_714 = arith.addf %parallel_loop3A_712, %parallel_loop3A_713 : vector<16xf32>
          %parallel_loop3A_715 = arith.constant 0.240244806 : f32
          %parallel_loop3A_716 = vector.broadcast %parallel_loop3A_715 : f32 to vector<16xf32>
          %parallel_loop3A_717 = arith.mulf %parallel_loop3A_690, %parallel_loop3A_716 : vector<16xf32>
          %parallel_loop3A_718 = arith.addf %parallel_loop3A_714, %parallel_loop3A_717 : vector<16xf32>
          %parallel_loop3A_719 = arith.constant 64 : i32
          %parallel_loop3A_720 = arith.addi %parallel_loop3A_305, %parallel_loop3A_719 : i32
          %parallel_loop3A_721 = arith.index_cast %parallel_loop3A_720 : i32 to index
          %parallel_loop3A_722 = tpu.vector_load %arg11[%parallel_loop3A_721] {strides = array<i32>} : memref<16384xf32, #tpu.memory_space<vmem>>, vector<16xf32>,
          tpu.vector_store %arg11[%parallel_loop3A_721], %parallel_loop3A_718 {strides = array<i32>} : memref<16384xf32, #tpu.memory_space<vmem>>, vector<16xf32>,
          %parallel_loop3A_723 = arith.constant 8.26295832E-8 : f32
          %parallel_loop3A_724 = vector.broadcast %parallel_loop3A_723 : f32 to vector<16xf32>
          %parallel_loop3A_725 = arith.mulf %parallel_loop3A_695, %parallel_loop3A_724 : vector<16xf32>
          %parallel_loop3A_726 = arith.select %parallel_loop3A_709, %sub3A_110, %sub3A_202 : vector<16xi1>, vector<16xf32>
          %parallel_loop3A_727 = arith.addf %parallel_loop3A_725, %parallel_loop3A_726 : vector<16xf32>
          %parallel_loop3A_728 = arith.constant 0.240244806 : f32
          %parallel_loop3A_729 = vector.broadcast %parallel_loop3A_728 : f32 to vector<16xf32>
          %parallel_loop3A_730 = arith.mulf %parallel_loop3A_706, %parallel_loop3A_729 : vector<16xf32>
          %parallel_loop3A_731 = arith.addf %parallel_loop3A_727, %parallel_loop3A_730 : vector<16xf32>
          %parallel_loop3A_732 = arith.constant 64 : i32
          %parallel_loop3A_733 = arith.addi %parallel_loop3A_305, %parallel_loop3A_732 : i32
          %parallel_loop3A_734 = arith.constant 128 : i32
          %parallel_loop3A_735 = arith.addi %parallel_loop3A_733, %parallel_loop3A_734 : i32
          %parallel_loop3A_736 = arith.index_cast %parallel_loop3A_735 : i32 to index
          %parallel_loop3A_737 = tpu.vector_load %arg11[%parallel_loop3A_736] {strides = array<i32>} : memref<16384xf32, #tpu.memory_space<vmem>>, vector<16xf32>,
          tpu.vector_store %arg11[%parallel_loop3A_736], %parallel_loop3A_731 {strides = array<i32>} : memref<16384xf32, #tpu.memory_space<vmem>>, vector<16xf32>,
          %parallel_loop3A_738 = arith.constant 80 : i32
          %parallel_loop3A_739 = arith.addi %parallel_loop3A_305, %parallel_loop3A_738 : i32
          %parallel_loop3A_740 = arith.index_cast %parallel_loop3A_739 : i32 to index
          %parallel_loop3A_741 = tpu.vector_load %arg9[%parallel_loop3A_740] {strides = array<i32>} : memref<16384xf32, #tpu.memory_space<vmem>>, vector<16xf32>,
          %parallel_loop3A_742 = arith.constant 80 : i32
          %parallel_loop3A_743 = arith.addi %parallel_loop3A_305, %parallel_loop3A_742 : i32
          %parallel_loop3A_744 = arith.constant 128 : i32
          %parallel_loop3A_745 = arith.addi %parallel_loop3A_743, %parallel_loop3A_744 : i32
          %parallel_loop3A_746 = arith.index_cast %parallel_loop3A_745 : i32 to index
          %parallel_loop3A_747 = tpu.vector_load %arg9[%parallel_loop3A_746] {strides = array<i32>} : memref<16384xf32, #tpu.memory_space<vmem>>, vector<16xf32>,
          %parallel_loop3A_748 = arith.constant 80 : i32
          %parallel_loop3A_749 = arith.addi %parallel_loop3A_317, %parallel_loop3A_748 : i32
          %parallel_loop3A_750 = arith.index_cast %parallel_loop3A_749 : i32 to index
          %parallel_loop3A_751 = tpu.vector_load %arg10[%parallel_loop3A_750] {strides = array<i32>} : memref<8192xi32, #tpu.memory_space<vmem>>, vector<16xi32>,
          %parallel_loop3A_752 = arith.subf %parallel_loop3A_747, %parallel_loop3A_741 : vector<16xf32>
          %parallel_loop3A_753 = math.exp %parallel_loop3A_752 : vector<16xf32>
          %parallel_loop3A_754 = arith.constant 1.000000e+00 : f32
          %parallel_loop3A_755 = vector.broadcast %parallel_loop3A_754 : f32 to vector<16xf32>
          %parallel_loop3A_756 = arith.addf %parallel_loop3A_755, %parallel_loop3A_753 : vector<16xf32>
          %parallel_loop3A_757 = arith.constant 1.000000e+00 : f32
          %parallel_loop3A_758 = vector.broadcast %parallel_loop3A_757 : f32 to vector<16xf32>
          %parallel_loop3A_759 = arith.divf %parallel_loop3A_758, %parallel_loop3A_756 : vector<16xf32>
          %parallel_loop3A_760 = arith.mulf %parallel_loop3A_759, %broadcast_in_dim3A_18 : vector<16xf32>
          %parallel_loop3A_761 = arith.addf %parallel_loop3A_760, %broadcast_in_dim3A_23 : vector<16xf32>
          %parallel_loop3A_762 = vector.bitcast %parallel_loop3A_761 : vector<16xf32> to vector<16xi32>
          %parallel_loop3A_763 = arith.sitofp %parallel_loop3A_762 : vector<16xi32> to vector<16xf32>
          %parallel_loop3A_764 = arith.constant 8388607 : i32
          %parallel_loop3A_765 = vector.broadcast %parallel_loop3A_764 : i32 to vector<16xi32>
          %parallel_loop3A_766 = arith.andi %parallel_loop3A_762, %parallel_loop3A_765 : vector<16xi32>
          %parallel_loop3A_767 = arith.sitofp %parallel_loop3A_766 : vector<16xi32> to vector<16xf32>
          %parallel_loop3A_768 = arith.constant 1.1920929E-7 : f32
          %parallel_loop3A_769 = vector.broadcast %parallel_loop3A_768 : f32 to vector<16xf32>
          %parallel_loop3A_770 = arith.mulf %parallel_loop3A_767, %parallel_loop3A_769 : vector<16xf32>
          %parallel_loop3A_771 = arith.constant 1.000000e+00 : f32
          %parallel_loop3A_772 = vector.broadcast %parallel_loop3A_771 : f32 to vector<16xf32>
          %parallel_loop3A_773 = arith.subf %parallel_loop3A_772, %parallel_loop3A_770 : vector<16xf32>
          %parallel_loop3A_774 = arith.mulf %parallel_loop3A_770, %parallel_loop3A_773 : vector<16xf32>
          %parallel_loop3A_775 = arith.constant 1.00000203 : f32
          %parallel_loop3A_776 = vector.broadcast %parallel_loop3A_775 : f32 to vector<16xf32>
          %parallel_loop3A_777 = arith.subf %parallel_loop3A_776, %parallel_loop3A_761 : vector<16xf32>
          %parallel_loop3A_778 = vector.bitcast %parallel_loop3A_777 : vector<16xf32> to vector<16xi32>
          %parallel_loop3A_779 = arith.sitofp %parallel_loop3A_778 : vector<16xi32> to vector<16xf32>
          %parallel_loop3A_780 = arith.constant 8388607 : i32
          %parallel_loop3A_781 = vector.broadcast %parallel_loop3A_780 : i32 to vector<16xi32>
          %parallel_loop3A_782 = arith.andi %parallel_loop3A_778, %parallel_loop3A_781 : vector<16xi32>
          %parallel_loop3A_783 = arith.sitofp %parallel_loop3A_782 : vector<16xi32> to vector<16xf32>
          %parallel_loop3A_784 = arith.constant 1.1920929E-7 : f32
          %parallel_loop3A_785 = vector.broadcast %parallel_loop3A_784 : f32 to vector<16xf32>
          %parallel_loop3A_786 = arith.mulf %parallel_loop3A_783, %parallel_loop3A_785 : vector<16xf32>
          %parallel_loop3A_787 = arith.constant 1.000000e+00 : f32
          %parallel_loop3A_788 = vector.broadcast %parallel_loop3A_787 : f32 to vector<16xf32>
          %parallel_loop3A_789 = arith.subf %parallel_loop3A_788, %parallel_loop3A_786 : vector<16xf32>
          %parallel_loop3A_790 = arith.mulf %parallel_loop3A_786, %parallel_loop3A_789 : vector<16xf32>
          %parallel_loop3A_791 = arith.constant 0 : i32
          %parallel_loop3A_792 = vector.broadcast %parallel_loop3A_791 : i32 to vector<16xi32>
          %parallel_loop3A_793 = arith.cmpi eq, %parallel_loop3A_751, %parallel_loop3A_792 : vector<16xi32>
          %parallel_loop3A_794 = arith.constant 8.26295832E-8 : f32
          %parallel_loop3A_795 = vector.broadcast %parallel_loop3A_794 : f32 to vector<16xf32>
          %parallel_loop3A_796 = arith.mulf %parallel_loop3A_763, %parallel_loop3A_795 : vector<16xf32>
          %parallel_loop3A_797 = arith.select %parallel_loop3A_793, %sub3A_64, %sub3A_156 : vector<16xi1>, vector<16xf32>
          %parallel_loop3A_798 = arith.addf %parallel_loop3A_796, %parallel_loop3A_797 : vector<16xf32>
          %parallel_loop3A_799 = arith.constant 0.240244806 : f32
          %parallel_loop3A_800 = vector.broadcast %parallel_loop3A_799 : f32 to vector<16xf32>
          %parallel_loop3A_801 = arith.mulf %parallel_loop3A_774, %parallel_loop3A_800 : vector<16xf32>
          %parallel_loop3A_802 = arith.addf %parallel_loop3A_798, %parallel_loop3A_801 : vector<16xf32>
          %parallel_loop3A_803 = arith.constant 80 : i32
          %parallel_loop3A_804 = arith.addi %parallel_loop3A_305, %parallel_loop3A_803 : i32
          %parallel_loop3A_805 = arith.index_cast %parallel_loop3A_804 : i32 to index
          %parallel_loop3A_806 = tpu.vector_load %arg11[%parallel_loop3A_805] {strides = array<i32>} : memref<16384xf32, #tpu.memory_space<vmem>>, vector<16xf32>,
          tpu.vector_store %arg11[%parallel_loop3A_805], %parallel_loop3A_802 {strides = array<i32>} : memref<16384xf32, #tpu.memory_space<vmem>>, vector<16xf32>,
          %parallel_loop3A_807 = arith.constant 8.26295832E-8 : f32
          %parallel_loop3A_808 = vector.broadcast %parallel_loop3A_807 : f32 to vector<16xf32>
          %parallel_loop3A_809 = arith.mulf %parallel_loop3A_779, %parallel_loop3A_808 : vector<16xf32>
          %parallel_loop3A_810 = arith.select %parallel_loop3A_793, %sub3A_110, %sub3A_202 : vector<16xi1>, vector<16xf32>
          %parallel_loop3A_811 = arith.addf %parallel_loop3A_809, %parallel_loop3A_810 : vector<16xf32>
          %parallel_loop3A_812 = arith.constant 0.240244806 : f32
          %parallel_loop3A_813 = vector.broadcast %parallel_loop3A_812 : f32 to vector<16xf32>
          %parallel_loop3A_814 = arith.mulf %parallel_loop3A_790, %parallel_loop3A_813 : vector<16xf32>
          %parallel_loop3A_815 = arith.addf %parallel_loop3A_811, %parallel_loop3A_814 : vector<16xf32>
          %parallel_loop3A_816 = arith.constant 80 : i32
          %parallel_loop3A_817 = arith.addi %parallel_loop3A_305, %parallel_loop3A_816 : i32
          %parallel_loop3A_818 = arith.constant 128 : i32
          %parallel_loop3A_819 = arith.addi %parallel_loop3A_817, %parallel_loop3A_818 : i32
          %parallel_loop3A_820 = arith.index_cast %parallel_loop3A_819 : i32 to index
          %parallel_loop3A_821 = tpu.vector_load %arg11[%parallel_loop3A_820] {strides = array<i32>} : memref<16384xf32, #tpu.memory_space<vmem>>, vector<16xf32>,
          tpu.vector_store %arg11[%parallel_loop3A_820], %parallel_loop3A_815 {strides = array<i32>} : memref<16384xf32, #tpu.memory_space<vmem>>, vector<16xf32>,
          %parallel_loop3A_822 = arith.constant 96 : i32
          %parallel_loop3A_823 = arith.addi %parallel_loop3A_305, %parallel_loop3A_822 : i32
          %parallel_loop3A_824 = arith.index_cast %parallel_loop3A_823 : i32 to index
          %parallel_loop3A_825 = tpu.vector_load %arg9[%parallel_loop3A_824] {strides = array<i32>} : memref<16384xf32, #tpu.memory_space<vmem>>, vector<16xf32>,
          %parallel_loop3A_826 = arith.constant 96 : i32
          %parallel_loop3A_827 = arith.addi %parallel_loop3A_305, %parallel_loop3A_826 : i32
          %parallel_loop3A_828 = arith.constant 128 : i32
          %parallel_loop3A_829 = arith.addi %parallel_loop3A_827, %parallel_loop3A_828 : i32
          %parallel_loop3A_830 = arith.index_cast %parallel_loop3A_829 : i32 to index
          %parallel_loop3A_831 = tpu.vector_load %arg9[%parallel_loop3A_830] {strides = array<i32>} : memref<16384xf32, #tpu.memory_space<vmem>>, vector<16xf32>,
          %parallel_loop3A_832 = arith.constant 96 : i32
          %parallel_loop3A_833 = arith.addi %parallel_loop3A_317, %parallel_loop3A_832 : i32
          %parallel_loop3A_834 = arith.index_cast %parallel_loop3A_833 : i32 to index
          %parallel_loop3A_835 = tpu.vector_load %arg10[%parallel_loop3A_834] {strides = array<i32>} : memref<8192xi32, #tpu.memory_space<vmem>>, vector<16xi32>,
          %parallel_loop3A_836 = arith.subf %parallel_loop3A_831, %parallel_loop3A_825 : vector<16xf32>
          %parallel_loop3A_837 = math.exp %parallel_loop3A_836 : vector<16xf32>
          %parallel_loop3A_838 = arith.constant 1.000000e+00 : f32
          %parallel_loop3A_839 = vector.broadcast %parallel_loop3A_838 : f32 to vector<16xf32>
          %parallel_loop3A_840 = arith.addf %parallel_loop3A_839, %parallel_loop3A_837 : vector<16xf32>
          %parallel_loop3A_841 = arith.constant 1.000000e+00 : f32
          %parallel_loop3A_842 = vector.broadcast %parallel_loop3A_841 : f32 to vector<16xf32>
          %parallel_loop3A_843 = arith.divf %parallel_loop3A_842, %parallel_loop3A_840 : vector<16xf32>
          %parallel_loop3A_844 = arith.mulf %parallel_loop3A_843, %broadcast_in_dim3A_18 : vector<16xf32>
          %parallel_loop3A_845 = arith.addf %parallel_loop3A_844, %broadcast_in_dim3A_23 : vector<16xf32>
          %parallel_loop3A_846 = vector.bitcast %parallel_loop3A_845 : vector<16xf32> to vector<16xi32>
          %parallel_loop3A_847 = arith.sitofp %parallel_loop3A_846 : vector<16xi32> to vector<16xf32>
          %parallel_loop3A_848 = arith.constant 8388607 : i32
          %parallel_loop3A_849 = vector.broadcast %parallel_loop3A_848 : i32 to vector<16xi32>
          %parallel_loop3A_850 = arith.andi %parallel_loop3A_846, %parallel_loop3A_849 : vector<16xi32>
          %parallel_loop3A_851 = arith.sitofp %parallel_loop3A_850 : vector<16xi32> to vector<16xf32>
          %parallel_loop3A_852 = arith.constant 1.1920929E-7 : f32
          %parallel_loop3A_853 = vector.broadcast %parallel_loop3A_852 : f32 to vector<16xf32>
          %parallel_loop3A_854 = arith.mulf %parallel_loop3A_851, %parallel_loop3A_853 : vector<16xf32>
          %parallel_loop3A_855 = arith.constant 1.000000e+00 : f32
          %parallel_loop3A_856 = vector.broadcast %parallel_loop3A_855 : f32 to vector<16xf32>
          %parallel_loop3A_857 = arith.subf %parallel_loop3A_856, %parallel_loop3A_854 : vector<16xf32>
          %parallel_loop3A_858 = arith.mulf %parallel_loop3A_854, %parallel_loop3A_857 : vector<16xf32>
          %parallel_loop3A_859 = arith.constant 1.00000203 : f32
          %parallel_loop3A_860 = vector.broadcast %parallel_loop3A_859 : f32 to vector<16xf32>
          %parallel_loop3A_861 = arith.subf %parallel_loop3A_860, %parallel_loop3A_845 : vector<16xf32>
          %parallel_loop3A_862 = vector.bitcast %parallel_loop3A_861 : vector<16xf32> to vector<16xi32>
          %parallel_loop3A_863 = arith.sitofp %parallel_loop3A_862 : vector<16xi32> to vector<16xf32>
          %parallel_loop3A_864 = arith.constant 8388607 : i32
          %parallel_loop3A_865 = vector.broadcast %parallel_loop3A_864 : i32 to vector<16xi32>
          %parallel_loop3A_866 = arith.andi %parallel_loop3A_862, %parallel_loop3A_865 : vector<16xi32>
          %parallel_loop3A_867 = arith.sitofp %parallel_loop3A_866 : vector<16xi32> to vector<16xf32>
          %parallel_loop3A_868 = arith.constant 1.1920929E-7 : f32
          %parallel_loop3A_869 = vector.broadcast %parallel_loop3A_868 : f32 to vector<16xf32>
          %parallel_loop3A_870 = arith.mulf %parallel_loop3A_867, %parallel_loop3A_869 : vector<16xf32>
          %parallel_loop3A_871 = arith.constant 1.000000e+00 : f32
          %parallel_loop3A_872 = vector.broadcast %parallel_loop3A_871 : f32 to vector<16xf32>
          %parallel_loop3A_873 = arith.subf %parallel_loop3A_872, %parallel_loop3A_870 : vector<16xf32>
          %parallel_loop3A_874 = arith.mulf %parallel_loop3A_870, %parallel_loop3A_873 : vector<16xf32>
          %parallel_loop3A_875 = arith.constant 0 : i32
          %parallel_loop3A_876 = vector.broadcast %parallel_loop3A_875 : i32 to vector<16xi32>
          %parallel_loop3A_877 = arith.cmpi eq, %parallel_loop3A_835, %parallel_loop3A_876 : vector<16xi32>
          %parallel_loop3A_878 = arith.constant 8.26295832E-8 : f32
          %parallel_loop3A_879 = vector.broadcast %parallel_loop3A_878 : f32 to vector<16xf32>
          %parallel_loop3A_880 = arith.mulf %parallel_loop3A_847, %parallel_loop3A_879 : vector<16xf32>
          %parallel_loop3A_881 = arith.select %parallel_loop3A_877, %sub3A_64, %sub3A_156 : vector<16xi1>, vector<16xf32>
          %parallel_loop3A_882 = arith.addf %parallel_loop3A_880, %parallel_loop3A_881 : vector<16xf32>
          %parallel_loop3A_883 = arith.constant 0.240244806 : f32
          %parallel_loop3A_884 = vector.broadcast %parallel_loop3A_883 : f32 to vector<16xf32>
          %parallel_loop3A_885 = arith.mulf %parallel_loop3A_858, %parallel_loop3A_884 : vector<16xf32>
          %parallel_loop3A_886 = arith.addf %parallel_loop3A_882, %parallel_loop3A_885 : vector<16xf32>
          %parallel_loop3A_887 = arith.constant 96 : i32
          %parallel_loop3A_888 = arith.addi %parallel_loop3A_305, %parallel_loop3A_887 : i32
          %parallel_loop3A_889 = arith.index_cast %parallel_loop3A_888 : i32 to index
          %parallel_loop3A_890 = tpu.vector_load %arg11[%parallel_loop3A_889] {strides = array<i32>} : memref<16384xf32, #tpu.memory_space<vmem>>, vector<16xf32>,
          tpu.vector_store %arg11[%parallel_loop3A_889], %parallel_loop3A_886 {strides = array<i32>} : memref<16384xf32, #tpu.memory_space<vmem>>, vector<16xf32>,
          %parallel_loop3A_891 = arith.constant 8.26295832E-8 : f32
          %parallel_loop3A_892 = vector.broadcast %parallel_loop3A_891 : f32 to vector<16xf32>
          %parallel_loop3A_893 = arith.mulf %parallel_loop3A_863, %parallel_loop3A_892 : vector<16xf32>
          %parallel_loop3A_894 = arith.select %parallel_loop3A_877, %sub3A_110, %sub3A_202 : vector<16xi1>, vector<16xf32>
          %parallel_loop3A_895 = arith.addf %parallel_loop3A_893, %parallel_loop3A_894 : vector<16xf32>
          %parallel_loop3A_896 = arith.constant 0.240244806 : f32
          %parallel_loop3A_897 = vector.broadcast %parallel_loop3A_896 : f32 to vector<16xf32>
          %parallel_loop3A_898 = arith.mulf %parallel_loop3A_874, %parallel_loop3A_897 : vector<16xf32>
          %parallel_loop3A_899 = arith.addf %parallel_loop3A_895, %parallel_loop3A_898 : vector<16xf32>
          %parallel_loop3A_900 = arith.constant 96 : i32
          %parallel_loop3A_901 = arith.addi %parallel_loop3A_305, %parallel_loop3A_900 : i32
          %parallel_loop3A_902 = arith.constant 128 : i32
          %parallel_loop3A_903 = arith.addi %parallel_loop3A_901, %parallel_loop3A_902 : i32
          %parallel_loop3A_904 = arith.index_cast %parallel_loop3A_903 : i32 to index
          %parallel_loop3A_905 = tpu.vector_load %arg11[%parallel_loop3A_904] {strides = array<i32>} : memref<16384xf32, #tpu.memory_space<vmem>>, vector<16xf32>,
          tpu.vector_store %arg11[%parallel_loop3A_904], %parallel_loop3A_899 {strides = array<i32>} : memref<16384xf32, #tpu.memory_space<vmem>>, vector<16xf32>,
          %parallel_loop3A_906 = arith.constant 112 : i32
          %parallel_loop3A_907 = arith.addi %parallel_loop3A_305, %parallel_loop3A_906 : i32
          %parallel_loop3A_908 = arith.index_cast %parallel_loop3A_907 : i32 to index
          %parallel_loop3A_909 = tpu.vector_load %arg9[%parallel_loop3A_908] {strides = array<i32>} : memref<16384xf32, #tpu.memory_space<vmem>>, vector<16xf32>,
          %parallel_loop3A_910 = arith.constant 112 : i32
          %parallel_loop3A_911 = arith.addi %parallel_loop3A_305, %parallel_loop3A_910 : i32
          %parallel_loop3A_912 = arith.constant 128 : i32
          %parallel_loop3A_913 = arith.addi %parallel_loop3A_911, %parallel_loop3A_912 : i32
          %parallel_loop3A_914 = arith.index_cast %parallel_loop3A_913 : i32 to index
          %parallel_loop3A_915 = tpu.vector_load %arg9[%parallel_loop3A_914] {strides = array<i32>} : memref<16384xf32, #tpu.memory_space<vmem>>, vector<16xf32>,
          %parallel_loop3A_916 = arith.constant 112 : i32
          %parallel_loop3A_917 = arith.addi %parallel_loop3A_317, %parallel_loop3A_916 : i32
          %parallel_loop3A_918 = arith.index_cast %parallel_loop3A_917 : i32 to index
          %parallel_loop3A_919 = tpu.vector_load %arg10[%parallel_loop3A_918] {strides = array<i32>} : memref<8192xi32, #tpu.memory_space<vmem>>, vector<16xi32>,
          %parallel_loop3A_920 = arith.subf %parallel_loop3A_915, %parallel_loop3A_909 : vector<16xf32>
          %parallel_loop3A_921 = math.exp %parallel_loop3A_920 : vector<16xf32>
          %parallel_loop3A_922 = arith.constant 1.000000e+00 : f32
          %parallel_loop3A_923 = vector.broadcast %parallel_loop3A_922 : f32 to vector<16xf32>
          %parallel_loop3A_924 = arith.addf %parallel_loop3A_923, %parallel_loop3A_921 : vector<16xf32>
          %parallel_loop3A_925 = arith.constant 1.000000e+00 : f32
          %parallel_loop3A_926 = vector.broadcast %parallel_loop3A_925 : f32 to vector<16xf32>
          %parallel_loop3A_927 = arith.divf %parallel_loop3A_926, %parallel_loop3A_924 : vector<16xf32>
          %parallel_loop3A_928 = arith.mulf %parallel_loop3A_927, %broadcast_in_dim3A_18 : vector<16xf32>
          %parallel_loop3A_929 = arith.addf %parallel_loop3A_928, %broadcast_in_dim3A_23 : vector<16xf32>
          %parallel_loop3A_930 = vector.bitcast %parallel_loop3A_929 : vector<16xf32> to vector<16xi32>
          %parallel_loop3A_931 = arith.sitofp %parallel_loop3A_930 : vector<16xi32> to vector<16xf32>
          %parallel_loop3A_932 = arith.constant 8388607 : i32
          %parallel_loop3A_933 = vector.broadcast %parallel_loop3A_932 : i32 to vector<16xi32>
          %parallel_loop3A_934 = arith.andi %parallel_loop3A_930, %parallel_loop3A_933 : vector<16xi32>
          %parallel_loop3A_935 = arith.sitofp %parallel_loop3A_934 : vector<16xi32> to vector<16xf32>
          %parallel_loop3A_936 = arith.constant 1.1920929E-7 : f32
          %parallel_loop3A_937 = vector.broadcast %parallel_loop3A_936 : f32 to vector<16xf32>
          %parallel_loop3A_938 = arith.mulf %parallel_loop3A_935, %parallel_loop3A_937 : vector<16xf32>
          %parallel_loop3A_939 = arith.constant 1.000000e+00 : f32
          %parallel_loop3A_940 = vector.broadcast %parallel_loop3A_939 : f32 to vector<16xf32>
          %parallel_loop3A_941 = arith.subf %parallel_loop3A_940, %parallel_loop3A_938 : vector<16xf32>
          %parallel_loop3A_942 = arith.mulf %parallel_loop3A_938, %parallel_loop3A_941 : vector<16xf32>
          %parallel_loop3A_943 = arith.constant 1.00000203 : f32
          %parallel_loop3A_944 = vector.broadcast %parallel_loop3A_943 : f32 to vector<16xf32>
          %parallel_loop3A_945 = arith.subf %parallel_loop3A_944, %parallel_loop3A_929 : vector<16xf32>
          %parallel_loop3A_946 = vector.bitcast %parallel_loop3A_945 : vector<16xf32> to vector<16xi32>
          %parallel_loop3A_947 = arith.sitofp %parallel_loop3A_946 : vector<16xi32> to vector<16xf32>
          %parallel_loop3A_948 = arith.constant 8388607 : i32
          %parallel_loop3A_949 = vector.broadcast %parallel_loop3A_948 : i32 to vector<16xi32>
          %parallel_loop3A_950 = arith.andi %parallel_loop3A_946, %parallel_loop3A_949 : vector<16xi32>
          %parallel_loop3A_951 = arith.sitofp %parallel_loop3A_950 : vector<16xi32> to vector<16xf32>
          %parallel_loop3A_952 = arith.constant 1.1920929E-7 : f32
          %parallel_loop3A_953 = vector.broadcast %parallel_loop3A_952 : f32 to vector<16xf32>
          %parallel_loop3A_954 = arith.mulf %parallel_loop3A_951, %parallel_loop3A_953 : vector<16xf32>
          %parallel_loop3A_955 = arith.constant 1.000000e+00 : f32
          %parallel_loop3A_956 = vector.broadcast %parallel_loop3A_955 : f32 to vector<16xf32>
          %parallel_loop3A_957 = arith.subf %parallel_loop3A_956, %parallel_loop3A_954 : vector<16xf32>
          %parallel_loop3A_958 = arith.mulf %parallel_loop3A_954, %parallel_loop3A_957 : vector<16xf32>
          %parallel_loop3A_959 = arith.constant 0 : i32
          %parallel_loop3A_960 = vector.broadcast %parallel_loop3A_959 : i32 to vector<16xi32>
          %parallel_loop3A_961 = arith.cmpi eq, %parallel_loop3A_919, %parallel_loop3A_960 : vector<16xi32>
          %parallel_loop3A_962 = arith.constant 8.26295832E-8 : f32
          %parallel_loop3A_963 = vector.broadcast %parallel_loop3A_962 : f32 to vector<16xf32>
          %parallel_loop3A_964 = arith.mulf %parallel_loop3A_931, %parallel_loop3A_963 : vector<16xf32>
          %parallel_loop3A_965 = arith.select %parallel_loop3A_961, %sub3A_64, %sub3A_156 : vector<16xi1>, vector<16xf32>
          %parallel_loop3A_966 = arith.addf %parallel_loop3A_964, %parallel_loop3A_965 : vector<16xf32>
          %parallel_loop3A_967 = arith.constant 0.240244806 : f32
          %parallel_loop3A_968 = vector.broadcast %parallel_loop3A_967 : f32 to vector<16xf32>
          %parallel_loop3A_969 = arith.mulf %parallel_loop3A_942, %parallel_loop3A_968 : vector<16xf32>
          %parallel_loop3A_970 = arith.addf %parallel_loop3A_966, %parallel_loop3A_969 : vector<16xf32>
          %parallel_loop3A_971 = arith.constant 112 : i32
          %parallel_loop3A_972 = arith.addi %parallel_loop3A_305, %parallel_loop3A_971 : i32
          %parallel_loop3A_973 = arith.index_cast %parallel_loop3A_972 : i32 to index
          %parallel_loop3A_974 = tpu.vector_load %arg11[%parallel_loop3A_973] {strides = array<i32>} : memref<16384xf32, #tpu.memory_space<vmem>>, vector<16xf32>,
          tpu.vector_store %arg11[%parallel_loop3A_973], %parallel_loop3A_970 {strides = array<i32>} : memref<16384xf32, #tpu.memory_space<vmem>>, vector<16xf32>,
          %parallel_loop3A_975 = arith.constant 8.26295832E-8 : f32
          %parallel_loop3A_976 = vector.broadcast %parallel_loop3A_975 : f32 to vector<16xf32>
          %parallel_loop3A_977 = arith.mulf %parallel_loop3A_947, %parallel_loop3A_976 : vector<16xf32>
          %parallel_loop3A_978 = arith.select %parallel_loop3A_961, %sub3A_110, %sub3A_202 : vector<16xi1>, vector<16xf32>
          %parallel_loop3A_979 = arith.addf %parallel_loop3A_977, %parallel_loop3A_978 : vector<16xf32>
          %parallel_loop3A_980 = arith.constant 0.240244806 : f32
          %parallel_loop3A_981 = vector.broadcast %parallel_loop3A_980 : f32 to vector<16xf32>
          %parallel_loop3A_982 = arith.mulf %parallel_loop3A_958, %parallel_loop3A_981 : vector<16xf32>
          %parallel_loop3A_983 = arith.addf %parallel_loop3A_979, %parallel_loop3A_982 : vector<16xf32>
          %parallel_loop3A_984 = arith.constant 112 : i32
          %parallel_loop3A_985 = arith.addi %parallel_loop3A_305, %parallel_loop3A_984 : i32
          %parallel_loop3A_986 = arith.constant 128 : i32
          %parallel_loop3A_987 = arith.addi %parallel_loop3A_985, %parallel_loop3A_986 : i32
          %parallel_loop3A_988 = arith.index_cast %parallel_loop3A_987 : i32 to index
          %parallel_loop3A_989 = tpu.vector_load %arg11[%parallel_loop3A_988] {strides = array<i32>} : memref<16384xf32, #tpu.memory_space<vmem>>, vector<16xf32>,
          tpu.vector_store %arg11[%parallel_loop3A_988], %parallel_loop3A_983 {strides = array<i32>} : memref<16384xf32, #tpu.memory_space<vmem>>, vector<16xf32>,
        } {sc.loop_unroll_factor = 2 : i64, sc.parallel_access}
        %mul3A_251 = arith.constant 16384 : i32
        %mul3A_252 = arith.muli %add3A_234, %mul3A_251 : i32
        %add3A_253 = arith.addi %mul3A_2, %mul3A_252 : i32
        %dma_start3A_254 = tpu.memref_slice %arg6[%add3A_253] : memref<16777216xf32, #tpu.memory_space<hbm>> -> memref<16384xf32, #tpu.memory_space<hbm>>
        %dma_start3A_255 = tpu.memref_slice %arg6[%add3A_253] : memref<16777216xf32, #tpu.memory_space<hbm>> -> memref<16384xf32, #tpu.memory_space<hbm>>
        tpu.enqueue_dma source(%arg11 : memref<16384xf32, #tpu.memory_space<vmem>>) target(%dma_start3A_255 : memref<16384xf32, #tpu.memory_space<hbm>>) target_semaphore(%arg17 : memref<!tpu.dma_semaphore, #tpu.memory_space<semaphore_mem>>)
        %add3A_256 = arith.constant 2 : i32
        %add3A_257 = arith.addi %add3A_234, %add3A_256 : i32
        %lt3A = arith.constant 32 : i32
        %lt3A_258 = arith.cmpi slt, %add3A_257, %lt3A : i32
        %convert_element_type3A_259 = arith.extui %lt3A_258 : i1 to i32
        %cond3A_260 = arith.constant 0 : i32
        %cond3A_261 = arith.cmpi ne, %convert_element_type3A_259, %cond3A_260 : i32
        scf.if %cond3A_261 {
          %add3A_296 = arith.constant 2 : i32
          %add3A_297 = arith.addi %add3A_234, %add3A_296 : i32
          %mul3A_298 = arith.constant 16384 : i32
          %mul3A_299 = arith.muli %add3A_297, %mul3A_298 : i32
          %add3A_300 = arith.addi %mul3A_2, %mul3A_299 : i32
          %mul3A_301 = arith.constant 8192 : i32
          %mul3A_302 = arith.muli %add3A_297, %mul3A_301 : i32
          %add3A_303 = arith.addi %mul3A_4, %mul3A_302 : i32
          %dma_start3A_304 = tpu.memref_slice %arg2[%add3A_300] : memref<16777216xf32, #tpu.memory_space<hbm>> -> memref<16384xf32, #tpu.memory_space<hbm>>
          %dma_start3A_305 = tpu.memref_slice %arg2[%add3A_300] : memref<16777216xf32, #tpu.memory_space<hbm>> -> memref<16384xf32, #tpu.memory_space<hbm>>
          tpu.enqueue_dma source(%dma_start3A_305 : memref<16384xf32, #tpu.memory_space<hbm>>) target(%arg9 : memref<16384xf32, #tpu.memory_space<vmem>>) target_semaphore(%arg15 : memref<!tpu.dma_semaphore, #tpu.memory_space<semaphore_mem>>)
          %dma_start3A_306 = tpu.memref_slice %arg3[%add3A_303] : memref<8388608xi32, #tpu.memory_space<hbm>> -> memref<8192xi32, #tpu.memory_space<hbm>>
          %dma_start3A_307 = tpu.memref_slice %arg3[%add3A_303] : memref<8388608xi32, #tpu.memory_space<hbm>> -> memref<8192xi32, #tpu.memory_space<hbm>>
          tpu.enqueue_dma source(%dma_start3A_307 : memref<8192xi32, #tpu.memory_space<hbm>>) target(%arg10 : memref<8192xi32, #tpu.memory_space<vmem>>) target_semaphore(%arg15 : memref<!tpu.dma_semaphore, #tpu.memory_space<semaphore_mem>>)
        } else {
        }
        %mul3A_262 = arith.constant 2 : i32
        %mul3A_263 = arith.muli %scan3A_230, %mul3A_262 : i32
        %add3A_264 = arith.constant 1 : i32
        %add3A_265 = arith.addi %mul3A_263, %add3A_264 : i32
        %mul3A_266 = arith.constant 16384 : i32
        %mul3A_267 = arith.muli %add3A_265, %mul3A_266 : i32
        %add3A_268 = arith.addi %mul3A_2, %mul3A_267 : i32
        %mul3A_269 = arith.constant 8192 : i32
        %mul3A_270 = arith.muli %add3A_265, %mul3A_269 : i32
        %add3A_271 = arith.addi %mul3A_4, %mul3A_270 : i32
        %dma_wait3A_272 = tpu.memref_slice %arg2[%add3A_268] : memref<16777216xf32, #tpu.memory_space<hbm>> -> memref<16384xf32, #tpu.memory_space<hbm>>
        %dma_wait3A_273 = tpu.memref_slice %arg2[%add3A_268] : memref<16777216xf32, #tpu.memory_space<hbm>> -> memref<16384xf32, #tpu.memory_space<hbm>>
        tpu.wait_dma2 semaphore(%arg16 : memref<!tpu.dma_semaphore, #tpu.memory_space<semaphore_mem>>) src(%dma_wait3A_273 : memref<16384xf32, #tpu.memory_space<hbm>>) dst(%arg12 : memref<16384xf32, #tpu.memory_space<vmem>>)
        %dma_wait3A_274 = tpu.memref_slice %arg3[%add3A_271] : memref<8388608xi32, #tpu.memory_space<hbm>> -> memref<8192xi32, #tpu.memory_space<hbm>>
        %dma_wait3A_275 = tpu.memref_slice %arg3[%add3A_271] : memref<8388608xi32, #tpu.memory_space<hbm>> -> memref<8192xi32, #tpu.memory_space<hbm>>
        tpu.wait_dma2 semaphore(%arg16 : memref<!tpu.dma_semaphore, #tpu.memory_space<semaphore_mem>>) src(%dma_wait3A_275 : memref<8192xi32, #tpu.memory_space<hbm>>) dst(%arg13 : memref<8192xi32, #tpu.memory_space<vmem>>)
        %ge3A_276 = arith.constant 2 : i32
        %ge3A_277 = arith.cmpi sge, %add3A_265, %ge3A_276 : i32
        %convert_element_type3A_278 = arith.extui %ge3A_277 : i1 to i32
        %cond3A_279 = arith.constant 0 : i32
        %cond3A_280 = arith.cmpi ne, %convert_element_type3A_278, %cond3A_279 : i32
        scf.if %cond3A_280 {
          %sub3A_296 = arith.constant 2 : i32
          %sub3A_297 = arith.subi %add3A_265, %sub3A_296 : i32
          %mul3A_298 = arith.constant 16384 : i32
          %mul3A_299 = arith.muli %sub3A_297, %mul3A_298 : i32
          %add3A_300 = arith.addi %mul3A_2, %mul3A_299 : i32
          %dma_wait3A_301 = tpu.memref_slice %arg6[%add3A_300] : memref<16777216xf32, #tpu.memory_space<hbm>> -> memref<16384xf32, #tpu.memory_space<hbm>>
          %dma_wait3A_302 = tpu.memref_slice %arg6[%add3A_300] : memref<16777216xf32, #tpu.memory_space<hbm>> -> memref<16384xf32, #tpu.memory_space<hbm>>
          tpu.wait_dma2 semaphore(%arg18 : memref<!tpu.dma_semaphore, #tpu.memory_space<semaphore_mem>>) src(%arg14 : memref<16384xf32, #tpu.memory_space<vmem>>) dst(%dma_wait3A_302 : memref<16384xf32, #tpu.memory_space<hbm>>)
        } else {
        }
        %parallel_loop3A_281 = arith.constant 0 : i32
        %parallel_loop3A_282 = arith.constant 64 : i32
        %parallel_loop3A_283 = arith.constant 1 : i32
        scf.for %parallel_loop3A_296 = %parallel_loop3A_281 to %parallel_loop3A_282 step %parallel_loop3A_283  : i32 {
          %parallel_loop3A_297 = arith.constant 2 : i32
          %parallel_loop3A_298 = arith.shrsi %parallel_loop3A_296, %parallel_loop3A_297 : i32
          %parallel_loop3A_299 = arith.constant 3 : i32
          %parallel_loop3A_300 = arith.andi %parallel_loop3A_296, %parallel_loop3A_299 : i32
          %parallel_loop3A_301 = arith.constant 1024 : i32
          %parallel_loop3A_302 = arith.muli %parallel_loop3A_298, %parallel_loop3A_301 : i32
          %parallel_loop3A_303 = arith.constant 256 : i32
          %parallel_loop3A_304 = arith.muli %parallel_loop3A_300, %parallel_loop3A_303 : i32
          %parallel_loop3A_305 = arith.addi %parallel_loop3A_302, %parallel_loop3A_304 : i32
          %parallel_loop3A_306 = arith.constant 3 : i32
          %parallel_loop3A_307 = arith.shrsi %parallel_loop3A_298, %parallel_loop3A_306 : i32
          %parallel_loop3A_308 = arith.constant 4096 : i32
          %parallel_loop3A_309 = arith.muli %parallel_loop3A_307, %parallel_loop3A_308 : i32
          %parallel_loop3A_310 = arith.constant 1024 : i32
          %parallel_loop3A_311 = arith.muli %parallel_loop3A_300, %parallel_loop3A_310 : i32
          %parallel_loop3A_312 = arith.addi %parallel_loop3A_309, %parallel_loop3A_311 : i32
          %parallel_loop3A_313 = arith.constant 7 : i32
          %parallel_loop3A_314 = arith.andi %parallel_loop3A_298, %parallel_loop3A_313 : i32
          %parallel_loop3A_315 = arith.constant 128 : i32
          %parallel_loop3A_316 = arith.muli %parallel_loop3A_314, %parallel_loop3A_315 : i32
          %parallel_loop3A_317 = arith.addi %parallel_loop3A_312, %parallel_loop3A_316 : i32
          %parallel_loop3A_318 = arith.constant 0 : i32
          %parallel_loop3A_319 = arith.addi %parallel_loop3A_305, %parallel_loop3A_318 : i32
          %parallel_loop3A_320 = arith.index_cast %parallel_loop3A_319 : i32 to index
          %parallel_loop3A_321 = tpu.vector_load %arg12[%parallel_loop3A_320] {strides = array<i32>} : memref<16384xf32, #tpu.memory_space<vmem>>, vector<16xf32>,
          %parallel_loop3A_322 = arith.constant 0 : i32
          %parallel_loop3A_323 = arith.addi %parallel_loop3A_305, %parallel_loop3A_322 : i32
          %parallel_loop3A_324 = arith.constant 128 : i32
          %parallel_loop3A_325 = arith.addi %parallel_loop3A_323, %parallel_loop3A_324 : i32
          %parallel_loop3A_326 = arith.index_cast %parallel_loop3A_325 : i32 to index
          %parallel_loop3A_327 = tpu.vector_load %arg12[%parallel_loop3A_326] {strides = array<i32>} : memref<16384xf32, #tpu.memory_space<vmem>>, vector<16xf32>,
          %parallel_loop3A_328 = arith.constant 0 : i32
          %parallel_loop3A_329 = arith.addi %parallel_loop3A_317, %parallel_loop3A_328 : i32
          %parallel_loop3A_330 = arith.index_cast %parallel_loop3A_329 : i32 to index
          %parallel_loop3A_331 = tpu.vector_load %arg13[%parallel_loop3A_330] {strides = array<i32>} : memref<8192xi32, #tpu.memory_space<vmem>>, vector<16xi32>,
          %parallel_loop3A_332 = arith.subf %parallel_loop3A_327, %parallel_loop3A_321 : vector<16xf32>
          %parallel_loop3A_333 = math.exp %parallel_loop3A_332 : vector<16xf32>
          %parallel_loop3A_334 = arith.constant 1.000000e+00 : f32
          %parallel_loop3A_335 = vector.broadcast %parallel_loop3A_334 : f32 to vector<16xf32>
          %parallel_loop3A_336 = arith.addf %parallel_loop3A_335, %parallel_loop3A_333 : vector<16xf32>
          %parallel_loop3A_337 = arith.constant 1.000000e+00 : f32
          %parallel_loop3A_338 = vector.broadcast %parallel_loop3A_337 : f32 to vector<16xf32>
          %parallel_loop3A_339 = arith.divf %parallel_loop3A_338, %parallel_loop3A_336 : vector<16xf32>
          %parallel_loop3A_340 = arith.mulf %parallel_loop3A_339, %broadcast_in_dim3A_18 : vector<16xf32>
          %parallel_loop3A_341 = arith.addf %parallel_loop3A_340, %broadcast_in_dim3A_23 : vector<16xf32>
          %parallel_loop3A_342 = vector.bitcast %parallel_loop3A_341 : vector<16xf32> to vector<16xi32>
          %parallel_loop3A_343 = arith.sitofp %parallel_loop3A_342 : vector<16xi32> to vector<16xf32>
          %parallel_loop3A_344 = arith.constant 8388607 : i32
          %parallel_loop3A_345 = vector.broadcast %parallel_loop3A_344 : i32 to vector<16xi32>
          %parallel_loop3A_346 = arith.andi %parallel_loop3A_342, %parallel_loop3A_345 : vector<16xi32>
          %parallel_loop3A_347 = arith.sitofp %parallel_loop3A_346 : vector<16xi32> to vector<16xf32>
          %parallel_loop3A_348 = arith.constant 1.1920929E-7 : f32
          %parallel_loop3A_349 = vector.broadcast %parallel_loop3A_348 : f32 to vector<16xf32>
          %parallel_loop3A_350 = arith.mulf %parallel_loop3A_347, %parallel_loop3A_349 : vector<16xf32>
          %parallel_loop3A_351 = arith.constant 1.000000e+00 : f32
          %parallel_loop3A_352 = vector.broadcast %parallel_loop3A_351 : f32 to vector<16xf32>
          %parallel_loop3A_353 = arith.subf %parallel_loop3A_352, %parallel_loop3A_350 : vector<16xf32>
          %parallel_loop3A_354 = arith.mulf %parallel_loop3A_350, %parallel_loop3A_353 : vector<16xf32>
          %parallel_loop3A_355 = arith.constant 1.00000203 : f32
          %parallel_loop3A_356 = vector.broadcast %parallel_loop3A_355 : f32 to vector<16xf32>
          %parallel_loop3A_357 = arith.subf %parallel_loop3A_356, %parallel_loop3A_341 : vector<16xf32>
          %parallel_loop3A_358 = vector.bitcast %parallel_loop3A_357 : vector<16xf32> to vector<16xi32>
          %parallel_loop3A_359 = arith.sitofp %parallel_loop3A_358 : vector<16xi32> to vector<16xf32>
          %parallel_loop3A_360 = arith.constant 8388607 : i32
          %parallel_loop3A_361 = vector.broadcast %parallel_loop3A_360 : i32 to vector<16xi32>
          %parallel_loop3A_362 = arith.andi %parallel_loop3A_358, %parallel_loop3A_361 : vector<16xi32>
          %parallel_loop3A_363 = arith.sitofp %parallel_loop3A_362 : vector<16xi32> to vector<16xf32>
          %parallel_loop3A_364 = arith.constant 1.1920929E-7 : f32
          %parallel_loop3A_365 = vector.broadcast %parallel_loop3A_364 : f32 to vector<16xf32>
          %parallel_loop3A_366 = arith.mulf %parallel_loop3A_363, %parallel_loop3A_365 : vector<16xf32>
          %parallel_loop3A_367 = arith.constant 1.000000e+00 : f32
          %parallel_loop3A_368 = vector.broadcast %parallel_loop3A_367 : f32 to vector<16xf32>
          %parallel_loop3A_369 = arith.subf %parallel_loop3A_368, %parallel_loop3A_366 : vector<16xf32>
          %parallel_loop3A_370 = arith.mulf %parallel_loop3A_366, %parallel_loop3A_369 : vector<16xf32>
          %parallel_loop3A_371 = arith.constant 0 : i32
          %parallel_loop3A_372 = vector.broadcast %parallel_loop3A_371 : i32 to vector<16xi32>
          %parallel_loop3A_373 = arith.cmpi eq, %parallel_loop3A_331, %parallel_loop3A_372 : vector<16xi32>
          %parallel_loop3A_374 = arith.constant 8.26295832E-8 : f32
          %parallel_loop3A_375 = vector.broadcast %parallel_loop3A_374 : f32 to vector<16xf32>
          %parallel_loop3A_376 = arith.mulf %parallel_loop3A_343, %parallel_loop3A_375 : vector<16xf32>
          %parallel_loop3A_377 = arith.select %parallel_loop3A_373, %sub3A_64, %sub3A_156 : vector<16xi1>, vector<16xf32>
          %parallel_loop3A_378 = arith.addf %parallel_loop3A_376, %parallel_loop3A_377 : vector<16xf32>
          %parallel_loop3A_379 = arith.constant 0.240244806 : f32
          %parallel_loop3A_380 = vector.broadcast %parallel_loop3A_379 : f32 to vector<16xf32>
          %parallel_loop3A_381 = arith.mulf %parallel_loop3A_354, %parallel_loop3A_380 : vector<16xf32>
          %parallel_loop3A_382 = arith.addf %parallel_loop3A_378, %parallel_loop3A_381 : vector<16xf32>
          %parallel_loop3A_383 = arith.constant 0 : i32
          %parallel_loop3A_384 = arith.addi %parallel_loop3A_305, %parallel_loop3A_383 : i32
          %parallel_loop3A_385 = arith.index_cast %parallel_loop3A_384 : i32 to index
          %parallel_loop3A_386 = tpu.vector_load %arg14[%parallel_loop3A_385] {strides = array<i32>} : memref<16384xf32, #tpu.memory_space<vmem>>, vector<16xf32>,
          tpu.vector_store %arg14[%parallel_loop3A_385], %parallel_loop3A_382 {strides = array<i32>} : memref<16384xf32, #tpu.memory_space<vmem>>, vector<16xf32>,
          %parallel_loop3A_387 = arith.constant 8.26295832E-8 : f32
          %parallel_loop3A_388 = vector.broadcast %parallel_loop3A_387 : f32 to vector<16xf32>
          %parallel_loop3A_389 = arith.mulf %parallel_loop3A_359, %parallel_loop3A_388 : vector<16xf32>
          %parallel_loop3A_390 = arith.select %parallel_loop3A_373, %sub3A_110, %sub3A_202 : vector<16xi1>, vector<16xf32>
          %parallel_loop3A_391 = arith.addf %parallel_loop3A_389, %parallel_loop3A_390 : vector<16xf32>
          %parallel_loop3A_392 = arith.constant 0.240244806 : f32
          %parallel_loop3A_393 = vector.broadcast %parallel_loop3A_392 : f32 to vector<16xf32>
          %parallel_loop3A_394 = arith.mulf %parallel_loop3A_370, %parallel_loop3A_393 : vector<16xf32>
          %parallel_loop3A_395 = arith.addf %parallel_loop3A_391, %parallel_loop3A_394 : vector<16xf32>
          %parallel_loop3A_396 = arith.constant 0 : i32
          %parallel_loop3A_397 = arith.addi %parallel_loop3A_305, %parallel_loop3A_396 : i32
          %parallel_loop3A_398 = arith.constant 128 : i32
          %parallel_loop3A_399 = arith.addi %parallel_loop3A_397, %parallel_loop3A_398 : i32
          %parallel_loop3A_400 = arith.index_cast %parallel_loop3A_399 : i32 to index
          %parallel_loop3A_401 = tpu.vector_load %arg14[%parallel_loop3A_400] {strides = array<i32>} : memref<16384xf32, #tpu.memory_space<vmem>>, vector<16xf32>,
          tpu.vector_store %arg14[%parallel_loop3A_400], %parallel_loop3A_395 {strides = array<i32>} : memref<16384xf32, #tpu.memory_space<vmem>>, vector<16xf32>,
          %parallel_loop3A_402 = arith.constant 16 : i32
          %parallel_loop3A_403 = arith.addi %parallel_loop3A_305, %parallel_loop3A_402 : i32
          %parallel_loop3A_404 = arith.index_cast %parallel_loop3A_403 : i32 to index
          %parallel_loop3A_405 = tpu.vector_load %arg12[%parallel_loop3A_404] {strides = array<i32>} : memref<16384xf32, #tpu.memory_space<vmem>>, vector<16xf32>,
          %parallel_loop3A_406 = arith.constant 16 : i32
          %parallel_loop3A_407 = arith.addi %parallel_loop3A_305, %parallel_loop3A_406 : i32
          %parallel_loop3A_408 = arith.constant 128 : i32
          %parallel_loop3A_409 = arith.addi %parallel_loop3A_407, %parallel_loop3A_408 : i32
          %parallel_loop3A_410 = arith.index_cast %parallel_loop3A_409 : i32 to index
          %parallel_loop3A_411 = tpu.vector_load %arg12[%parallel_loop3A_410] {strides = array<i32>} : memref<16384xf32, #tpu.memory_space<vmem>>, vector<16xf32>,
          %parallel_loop3A_412 = arith.constant 16 : i32
          %parallel_loop3A_413 = arith.addi %parallel_loop3A_317, %parallel_loop3A_412 : i32
          %parallel_loop3A_414 = arith.index_cast %parallel_loop3A_413 : i32 to index
          %parallel_loop3A_415 = tpu.vector_load %arg13[%parallel_loop3A_414] {strides = array<i32>} : memref<8192xi32, #tpu.memory_space<vmem>>, vector<16xi32>,
          %parallel_loop3A_416 = arith.subf %parallel_loop3A_411, %parallel_loop3A_405 : vector<16xf32>
          %parallel_loop3A_417 = math.exp %parallel_loop3A_416 : vector<16xf32>
          %parallel_loop3A_418 = arith.constant 1.000000e+00 : f32
          %parallel_loop3A_419 = vector.broadcast %parallel_loop3A_418 : f32 to vector<16xf32>
          %parallel_loop3A_420 = arith.addf %parallel_loop3A_419, %parallel_loop3A_417 : vector<16xf32>
          %parallel_loop3A_421 = arith.constant 1.000000e+00 : f32
          %parallel_loop3A_422 = vector.broadcast %parallel_loop3A_421 : f32 to vector<16xf32>
          %parallel_loop3A_423 = arith.divf %parallel_loop3A_422, %parallel_loop3A_420 : vector<16xf32>
          %parallel_loop3A_424 = arith.mulf %parallel_loop3A_423, %broadcast_in_dim3A_18 : vector<16xf32>
          %parallel_loop3A_425 = arith.addf %parallel_loop3A_424, %broadcast_in_dim3A_23 : vector<16xf32>
          %parallel_loop3A_426 = vector.bitcast %parallel_loop3A_425 : vector<16xf32> to vector<16xi32>
          %parallel_loop3A_427 = arith.sitofp %parallel_loop3A_426 : vector<16xi32> to vector<16xf32>
          %parallel_loop3A_428 = arith.constant 8388607 : i32
          %parallel_loop3A_429 = vector.broadcast %parallel_loop3A_428 : i32 to vector<16xi32>
          %parallel_loop3A_430 = arith.andi %parallel_loop3A_426, %parallel_loop3A_429 : vector<16xi32>
          %parallel_loop3A_431 = arith.sitofp %parallel_loop3A_430 : vector<16xi32> to vector<16xf32>
          %parallel_loop3A_432 = arith.constant 1.1920929E-7 : f32
          %parallel_loop3A_433 = vector.broadcast %parallel_loop3A_432 : f32 to vector<16xf32>
          %parallel_loop3A_434 = arith.mulf %parallel_loop3A_431, %parallel_loop3A_433 : vector<16xf32>
          %parallel_loop3A_435 = arith.constant 1.000000e+00 : f32
          %parallel_loop3A_436 = vector.broadcast %parallel_loop3A_435 : f32 to vector<16xf32>
          %parallel_loop3A_437 = arith.subf %parallel_loop3A_436, %parallel_loop3A_434 : vector<16xf32>
          %parallel_loop3A_438 = arith.mulf %parallel_loop3A_434, %parallel_loop3A_437 : vector<16xf32>
          %parallel_loop3A_439 = arith.constant 1.00000203 : f32
          %parallel_loop3A_440 = vector.broadcast %parallel_loop3A_439 : f32 to vector<16xf32>
          %parallel_loop3A_441 = arith.subf %parallel_loop3A_440, %parallel_loop3A_425 : vector<16xf32>
          %parallel_loop3A_442 = vector.bitcast %parallel_loop3A_441 : vector<16xf32> to vector<16xi32>
          %parallel_loop3A_443 = arith.sitofp %parallel_loop3A_442 : vector<16xi32> to vector<16xf32>
          %parallel_loop3A_444 = arith.constant 8388607 : i32
          %parallel_loop3A_445 = vector.broadcast %parallel_loop3A_444 : i32 to vector<16xi32>
          %parallel_loop3A_446 = arith.andi %parallel_loop3A_442, %parallel_loop3A_445 : vector<16xi32>
          %parallel_loop3A_447 = arith.sitofp %parallel_loop3A_446 : vector<16xi32> to vector<16xf32>
          %parallel_loop3A_448 = arith.constant 1.1920929E-7 : f32
          %parallel_loop3A_449 = vector.broadcast %parallel_loop3A_448 : f32 to vector<16xf32>
          %parallel_loop3A_450 = arith.mulf %parallel_loop3A_447, %parallel_loop3A_449 : vector<16xf32>
          %parallel_loop3A_451 = arith.constant 1.000000e+00 : f32
          %parallel_loop3A_452 = vector.broadcast %parallel_loop3A_451 : f32 to vector<16xf32>
          %parallel_loop3A_453 = arith.subf %parallel_loop3A_452, %parallel_loop3A_450 : vector<16xf32>
          %parallel_loop3A_454 = arith.mulf %parallel_loop3A_450, %parallel_loop3A_453 : vector<16xf32>
          %parallel_loop3A_455 = arith.constant 0 : i32
          %parallel_loop3A_456 = vector.broadcast %parallel_loop3A_455 : i32 to vector<16xi32>
          %parallel_loop3A_457 = arith.cmpi eq, %parallel_loop3A_415, %parallel_loop3A_456 : vector<16xi32>
          %parallel_loop3A_458 = arith.constant 8.26295832E-8 : f32
          %parallel_loop3A_459 = vector.broadcast %parallel_loop3A_458 : f32 to vector<16xf32>
          %parallel_loop3A_460 = arith.mulf %parallel_loop3A_427, %parallel_loop3A_459 : vector<16xf32>
          %parallel_loop3A_461 = arith.select %parallel_loop3A_457, %sub3A_64, %sub3A_156 : vector<16xi1>, vector<16xf32>
          %parallel_loop3A_462 = arith.addf %parallel_loop3A_460, %parallel_loop3A_461 : vector<16xf32>
          %parallel_loop3A_463 = arith.constant 0.240244806 : f32
          %parallel_loop3A_464 = vector.broadcast %parallel_loop3A_463 : f32 to vector<16xf32>
          %parallel_loop3A_465 = arith.mulf %parallel_loop3A_438, %parallel_loop3A_464 : vector<16xf32>
          %parallel_loop3A_466 = arith.addf %parallel_loop3A_462, %parallel_loop3A_465 : vector<16xf32>
          %parallel_loop3A_467 = arith.constant 16 : i32
          %parallel_loop3A_468 = arith.addi %parallel_loop3A_305, %parallel_loop3A_467 : i32
          %parallel_loop3A_469 = arith.index_cast %parallel_loop3A_468 : i32 to index
          %parallel_loop3A_470 = tpu.vector_load %arg14[%parallel_loop3A_469] {strides = array<i32>} : memref<16384xf32, #tpu.memory_space<vmem>>, vector<16xf32>,
          tpu.vector_store %arg14[%parallel_loop3A_469], %parallel_loop3A_466 {strides = array<i32>} : memref<16384xf32, #tpu.memory_space<vmem>>, vector<16xf32>,
          %parallel_loop3A_471 = arith.constant 8.26295832E-8 : f32
          %parallel_loop3A_472 = vector.broadcast %parallel_loop3A_471 : f32 to vector<16xf32>
          %parallel_loop3A_473 = arith.mulf %parallel_loop3A_443, %parallel_loop3A_472 : vector<16xf32>
          %parallel_loop3A_474 = arith.select %parallel_loop3A_457, %sub3A_110, %sub3A_202 : vector<16xi1>, vector<16xf32>
          %parallel_loop3A_475 = arith.addf %parallel_loop3A_473, %parallel_loop3A_474 : vector<16xf32>
          %parallel_loop3A_476 = arith.constant 0.240244806 : f32
          %parallel_loop3A_477 = vector.broadcast %parallel_loop3A_476 : f32 to vector<16xf32>
          %parallel_loop3A_478 = arith.mulf %parallel_loop3A_454, %parallel_loop3A_477 : vector<16xf32>
          %parallel_loop3A_479 = arith.addf %parallel_loop3A_475, %parallel_loop3A_478 : vector<16xf32>
          %parallel_loop3A_480 = arith.constant 16 : i32
          %parallel_loop3A_481 = arith.addi %parallel_loop3A_305, %parallel_loop3A_480 : i32
          %parallel_loop3A_482 = arith.constant 128 : i32
          %parallel_loop3A_483 = arith.addi %parallel_loop3A_481, %parallel_loop3A_482 : i32
          %parallel_loop3A_484 = arith.index_cast %parallel_loop3A_483 : i32 to index
          %parallel_loop3A_485 = tpu.vector_load %arg14[%parallel_loop3A_484] {strides = array<i32>} : memref<16384xf32, #tpu.memory_space<vmem>>, vector<16xf32>,
          tpu.vector_store %arg14[%parallel_loop3A_484], %parallel_loop3A_479 {strides = array<i32>} : memref<16384xf32, #tpu.memory_space<vmem>>, vector<16xf32>,
          %parallel_loop3A_486 = arith.constant 32 : i32
          %parallel_loop3A_487 = arith.addi %parallel_loop3A_305, %parallel_loop3A_486 : i32
          %parallel_loop3A_488 = arith.index_cast %parallel_loop3A_487 : i32 to index
          %parallel_loop3A_489 = tpu.vector_load %arg12[%parallel_loop3A_488] {strides = array<i32>} : memref<16384xf32, #tpu.memory_space<vmem>>, vector<16xf32>,
          %parallel_loop3A_490 = arith.constant 32 : i32
          %parallel_loop3A_491 = arith.addi %parallel_loop3A_305, %parallel_loop3A_490 : i32
          %parallel_loop3A_492 = arith.constant 128 : i32
          %parallel_loop3A_493 = arith.addi %parallel_loop3A_491, %parallel_loop3A_492 : i32
          %parallel_loop3A_494 = arith.index_cast %parallel_loop3A_493 : i32 to index
          %parallel_loop3A_495 = tpu.vector_load %arg12[%parallel_loop3A_494] {strides = array<i32>} : memref<16384xf32, #tpu.memory_space<vmem>>, vector<16xf32>,
          %parallel_loop3A_496 = arith.constant 32 : i32
          %parallel_loop3A_497 = arith.addi %parallel_loop3A_317, %parallel_loop3A_496 : i32
          %parallel_loop3A_498 = arith.index_cast %parallel_loop3A_497 : i32 to index
          %parallel_loop3A_499 = tpu.vector_load %arg13[%parallel_loop3A_498] {strides = array<i32>} : memref<8192xi32, #tpu.memory_space<vmem>>, vector<16xi32>,
          %parallel_loop3A_500 = arith.subf %parallel_loop3A_495, %parallel_loop3A_489 : vector<16xf32>
          %parallel_loop3A_501 = math.exp %parallel_loop3A_500 : vector<16xf32>
          %parallel_loop3A_502 = arith.constant 1.000000e+00 : f32
          %parallel_loop3A_503 = vector.broadcast %parallel_loop3A_502 : f32 to vector<16xf32>
          %parallel_loop3A_504 = arith.addf %parallel_loop3A_503, %parallel_loop3A_501 : vector<16xf32>
          %parallel_loop3A_505 = arith.constant 1.000000e+00 : f32
          %parallel_loop3A_506 = vector.broadcast %parallel_loop3A_505 : f32 to vector<16xf32>
          %parallel_loop3A_507 = arith.divf %parallel_loop3A_506, %parallel_loop3A_504 : vector<16xf32>
          %parallel_loop3A_508 = arith.mulf %parallel_loop3A_507, %broadcast_in_dim3A_18 : vector<16xf32>
          %parallel_loop3A_509 = arith.addf %parallel_loop3A_508, %broadcast_in_dim3A_23 : vector<16xf32>
          %parallel_loop3A_510 = vector.bitcast %parallel_loop3A_509 : vector<16xf32> to vector<16xi32>
          %parallel_loop3A_511 = arith.sitofp %parallel_loop3A_510 : vector<16xi32> to vector<16xf32>
          %parallel_loop3A_512 = arith.constant 8388607 : i32
          %parallel_loop3A_513 = vector.broadcast %parallel_loop3A_512 : i32 to vector<16xi32>
          %parallel_loop3A_514 = arith.andi %parallel_loop3A_510, %parallel_loop3A_513 : vector<16xi32>
          %parallel_loop3A_515 = arith.sitofp %parallel_loop3A_514 : vector<16xi32> to vector<16xf32>
          %parallel_loop3A_516 = arith.constant 1.1920929E-7 : f32
          %parallel_loop3A_517 = vector.broadcast %parallel_loop3A_516 : f32 to vector<16xf32>
          %parallel_loop3A_518 = arith.mulf %parallel_loop3A_515, %parallel_loop3A_517 : vector<16xf32>
          %parallel_loop3A_519 = arith.constant 1.000000e+00 : f32
          %parallel_loop3A_520 = vector.broadcast %parallel_loop3A_519 : f32 to vector<16xf32>
          %parallel_loop3A_521 = arith.subf %parallel_loop3A_520, %parallel_loop3A_518 : vector<16xf32>
          %parallel_loop3A_522 = arith.mulf %parallel_loop3A_518, %parallel_loop3A_521 : vector<16xf32>
          %parallel_loop3A_523 = arith.constant 1.00000203 : f32
          %parallel_loop3A_524 = vector.broadcast %parallel_loop3A_523 : f32 to vector<16xf32>
          %parallel_loop3A_525 = arith.subf %parallel_loop3A_524, %parallel_loop3A_509 : vector<16xf32>
          %parallel_loop3A_526 = vector.bitcast %parallel_loop3A_525 : vector<16xf32> to vector<16xi32>
          %parallel_loop3A_527 = arith.sitofp %parallel_loop3A_526 : vector<16xi32> to vector<16xf32>
          %parallel_loop3A_528 = arith.constant 8388607 : i32
          %parallel_loop3A_529 = vector.broadcast %parallel_loop3A_528 : i32 to vector<16xi32>
          %parallel_loop3A_530 = arith.andi %parallel_loop3A_526, %parallel_loop3A_529 : vector<16xi32>
          %parallel_loop3A_531 = arith.sitofp %parallel_loop3A_530 : vector<16xi32> to vector<16xf32>
          %parallel_loop3A_532 = arith.constant 1.1920929E-7 : f32
          %parallel_loop3A_533 = vector.broadcast %parallel_loop3A_532 : f32 to vector<16xf32>
          %parallel_loop3A_534 = arith.mulf %parallel_loop3A_531, %parallel_loop3A_533 : vector<16xf32>
          %parallel_loop3A_535 = arith.constant 1.000000e+00 : f32
          %parallel_loop3A_536 = vector.broadcast %parallel_loop3A_535 : f32 to vector<16xf32>
          %parallel_loop3A_537 = arith.subf %parallel_loop3A_536, %parallel_loop3A_534 : vector<16xf32>
          %parallel_loop3A_538 = arith.mulf %parallel_loop3A_534, %parallel_loop3A_537 : vector<16xf32>
          %parallel_loop3A_539 = arith.constant 0 : i32
          %parallel_loop3A_540 = vector.broadcast %parallel_loop3A_539 : i32 to vector<16xi32>
          %parallel_loop3A_541 = arith.cmpi eq, %parallel_loop3A_499, %parallel_loop3A_540 : vector<16xi32>
          %parallel_loop3A_542 = arith.constant 8.26295832E-8 : f32
          %parallel_loop3A_543 = vector.broadcast %parallel_loop3A_542 : f32 to vector<16xf32>
          %parallel_loop3A_544 = arith.mulf %parallel_loop3A_511, %parallel_loop3A_543 : vector<16xf32>
          %parallel_loop3A_545 = arith.select %parallel_loop3A_541, %sub3A_64, %sub3A_156 : vector<16xi1>, vector<16xf32>
          %parallel_loop3A_546 = arith.addf %parallel_loop3A_544, %parallel_loop3A_545 : vector<16xf32>
          %parallel_loop3A_547 = arith.constant 0.240244806 : f32
          %parallel_loop3A_548 = vector.broadcast %parallel_loop3A_547 : f32 to vector<16xf32>
          %parallel_loop3A_549 = arith.mulf %parallel_loop3A_522, %parallel_loop3A_548 : vector<16xf32>
          %parallel_loop3A_550 = arith.addf %parallel_loop3A_546, %parallel_loop3A_549 : vector<16xf32>
          %parallel_loop3A_551 = arith.constant 32 : i32
          %parallel_loop3A_552 = arith.addi %parallel_loop3A_305, %parallel_loop3A_551 : i32
          %parallel_loop3A_553 = arith.index_cast %parallel_loop3A_552 : i32 to index
          %parallel_loop3A_554 = tpu.vector_load %arg14[%parallel_loop3A_553] {strides = array<i32>} : memref<16384xf32, #tpu.memory_space<vmem>>, vector<16xf32>,
          tpu.vector_store %arg14[%parallel_loop3A_553], %parallel_loop3A_550 {strides = array<i32>} : memref<16384xf32, #tpu.memory_space<vmem>>, vector<16xf32>,
          %parallel_loop3A_555 = arith.constant 8.26295832E-8 : f32
          %parallel_loop3A_556 = vector.broadcast %parallel_loop3A_555 : f32 to vector<16xf32>
          %parallel_loop3A_557 = arith.mulf %parallel_loop3A_527, %parallel_loop3A_556 : vector<16xf32>
          %parallel_loop3A_558 = arith.select %parallel_loop3A_541, %sub3A_110, %sub3A_202 : vector<16xi1>, vector<16xf32>
          %parallel_loop3A_559 = arith.addf %parallel_loop3A_557, %parallel_loop3A_558 : vector<16xf32>
          %parallel_loop3A_560 = arith.constant 0.240244806 : f32
          %parallel_loop3A_561 = vector.broadcast %parallel_loop3A_560 : f32 to vector<16xf32>
          %parallel_loop3A_562 = arith.mulf %parallel_loop3A_538, %parallel_loop3A_561 : vector<16xf32>
          %parallel_loop3A_563 = arith.addf %parallel_loop3A_559, %parallel_loop3A_562 : vector<16xf32>
          %parallel_loop3A_564 = arith.constant 32 : i32
          %parallel_loop3A_565 = arith.addi %parallel_loop3A_305, %parallel_loop3A_564 : i32
          %parallel_loop3A_566 = arith.constant 128 : i32
          %parallel_loop3A_567 = arith.addi %parallel_loop3A_565, %parallel_loop3A_566 : i32
          %parallel_loop3A_568 = arith.index_cast %parallel_loop3A_567 : i32 to index
          %parallel_loop3A_569 = tpu.vector_load %arg14[%parallel_loop3A_568] {strides = array<i32>} : memref<16384xf32, #tpu.memory_space<vmem>>, vector<16xf32>,
          tpu.vector_store %arg14[%parallel_loop3A_568], %parallel_loop3A_563 {strides = array<i32>} : memref<16384xf32, #tpu.memory_space<vmem>>, vector<16xf32>,
          %parallel_loop3A_570 = arith.constant 48 : i32
          %parallel_loop3A_571 = arith.addi %parallel_loop3A_305, %parallel_loop3A_570 : i32
          %parallel_loop3A_572 = arith.index_cast %parallel_loop3A_571 : i32 to index
          %parallel_loop3A_573 = tpu.vector_load %arg12[%parallel_loop3A_572] {strides = array<i32>} : memref<16384xf32, #tpu.memory_space<vmem>>, vector<16xf32>,
          %parallel_loop3A_574 = arith.constant 48 : i32
          %parallel_loop3A_575 = arith.addi %parallel_loop3A_305, %parallel_loop3A_574 : i32
          %parallel_loop3A_576 = arith.constant 128 : i32
          %parallel_loop3A_577 = arith.addi %parallel_loop3A_575, %parallel_loop3A_576 : i32
          %parallel_loop3A_578 = arith.index_cast %parallel_loop3A_577 : i32 to index
          %parallel_loop3A_579 = tpu.vector_load %arg12[%parallel_loop3A_578] {strides = array<i32>} : memref<16384xf32, #tpu.memory_space<vmem>>, vector<16xf32>,
          %parallel_loop3A_580 = arith.constant 48 : i32
          %parallel_loop3A_581 = arith.addi %parallel_loop3A_317, %parallel_loop3A_580 : i32
          %parallel_loop3A_582 = arith.index_cast %parallel_loop3A_581 : i32 to index
          %parallel_loop3A_583 = tpu.vector_load %arg13[%parallel_loop3A_582] {strides = array<i32>} : memref<8192xi32, #tpu.memory_space<vmem>>, vector<16xi32>,
          %parallel_loop3A_584 = arith.subf %parallel_loop3A_579, %parallel_loop3A_573 : vector<16xf32>
          %parallel_loop3A_585 = math.exp %parallel_loop3A_584 : vector<16xf32>
          %parallel_loop3A_586 = arith.constant 1.000000e+00 : f32
          %parallel_loop3A_587 = vector.broadcast %parallel_loop3A_586 : f32 to vector<16xf32>
          %parallel_loop3A_588 = arith.addf %parallel_loop3A_587, %parallel_loop3A_585 : vector<16xf32>
          %parallel_loop3A_589 = arith.constant 1.000000e+00 : f32
          %parallel_loop3A_590 = vector.broadcast %parallel_loop3A_589 : f32 to vector<16xf32>
          %parallel_loop3A_591 = arith.divf %parallel_loop3A_590, %parallel_loop3A_588 : vector<16xf32>
          %parallel_loop3A_592 = arith.mulf %parallel_loop3A_591, %broadcast_in_dim3A_18 : vector<16xf32>
          %parallel_loop3A_593 = arith.addf %parallel_loop3A_592, %broadcast_in_dim3A_23 : vector<16xf32>
          %parallel_loop3A_594 = vector.bitcast %parallel_loop3A_593 : vector<16xf32> to vector<16xi32>
          %parallel_loop3A_595 = arith.sitofp %parallel_loop3A_594 : vector<16xi32> to vector<16xf32>
          %parallel_loop3A_596 = arith.constant 8388607 : i32
          %parallel_loop3A_597 = vector.broadcast %parallel_loop3A_596 : i32 to vector<16xi32>
          %parallel_loop3A_598 = arith.andi %parallel_loop3A_594, %parallel_loop3A_597 : vector<16xi32>
          %parallel_loop3A_599 = arith.sitofp %parallel_loop3A_598 : vector<16xi32> to vector<16xf32>
          %parallel_loop3A_600 = arith.constant 1.1920929E-7 : f32
          %parallel_loop3A_601 = vector.broadcast %parallel_loop3A_600 : f32 to vector<16xf32>
          %parallel_loop3A_602 = arith.mulf %parallel_loop3A_599, %parallel_loop3A_601 : vector<16xf32>
          %parallel_loop3A_603 = arith.constant 1.000000e+00 : f32
          %parallel_loop3A_604 = vector.broadcast %parallel_loop3A_603 : f32 to vector<16xf32>
          %parallel_loop3A_605 = arith.subf %parallel_loop3A_604, %parallel_loop3A_602 : vector<16xf32>
          %parallel_loop3A_606 = arith.mulf %parallel_loop3A_602, %parallel_loop3A_605 : vector<16xf32>
          %parallel_loop3A_607 = arith.constant 1.00000203 : f32
          %parallel_loop3A_608 = vector.broadcast %parallel_loop3A_607 : f32 to vector<16xf32>
          %parallel_loop3A_609 = arith.subf %parallel_loop3A_608, %parallel_loop3A_593 : vector<16xf32>
          %parallel_loop3A_610 = vector.bitcast %parallel_loop3A_609 : vector<16xf32> to vector<16xi32>
          %parallel_loop3A_611 = arith.sitofp %parallel_loop3A_610 : vector<16xi32> to vector<16xf32>
          %parallel_loop3A_612 = arith.constant 8388607 : i32
          %parallel_loop3A_613 = vector.broadcast %parallel_loop3A_612 : i32 to vector<16xi32>
          %parallel_loop3A_614 = arith.andi %parallel_loop3A_610, %parallel_loop3A_613 : vector<16xi32>
          %parallel_loop3A_615 = arith.sitofp %parallel_loop3A_614 : vector<16xi32> to vector<16xf32>
          %parallel_loop3A_616 = arith.constant 1.1920929E-7 : f32
          %parallel_loop3A_617 = vector.broadcast %parallel_loop3A_616 : f32 to vector<16xf32>
          %parallel_loop3A_618 = arith.mulf %parallel_loop3A_615, %parallel_loop3A_617 : vector<16xf32>
          %parallel_loop3A_619 = arith.constant 1.000000e+00 : f32
          %parallel_loop3A_620 = vector.broadcast %parallel_loop3A_619 : f32 to vector<16xf32>
          %parallel_loop3A_621 = arith.subf %parallel_loop3A_620, %parallel_loop3A_618 : vector<16xf32>
          %parallel_loop3A_622 = arith.mulf %parallel_loop3A_618, %parallel_loop3A_621 : vector<16xf32>
          %parallel_loop3A_623 = arith.constant 0 : i32
          %parallel_loop3A_624 = vector.broadcast %parallel_loop3A_623 : i32 to vector<16xi32>
          %parallel_loop3A_625 = arith.cmpi eq, %parallel_loop3A_583, %parallel_loop3A_624 : vector<16xi32>
          %parallel_loop3A_626 = arith.constant 8.26295832E-8 : f32
          %parallel_loop3A_627 = vector.broadcast %parallel_loop3A_626 : f32 to vector<16xf32>
          %parallel_loop3A_628 = arith.mulf %parallel_loop3A_595, %parallel_loop3A_627 : vector<16xf32>
          %parallel_loop3A_629 = arith.select %parallel_loop3A_625, %sub3A_64, %sub3A_156 : vector<16xi1>, vector<16xf32>
          %parallel_loop3A_630 = arith.addf %parallel_loop3A_628, %parallel_loop3A_629 : vector<16xf32>
          %parallel_loop3A_631 = arith.constant 0.240244806 : f32
          %parallel_loop3A_632 = vector.broadcast %parallel_loop3A_631 : f32 to vector<16xf32>
          %parallel_loop3A_633 = arith.mulf %parallel_loop3A_606, %parallel_loop3A_632 : vector<16xf32>
          %parallel_loop3A_634 = arith.addf %parallel_loop3A_630, %parallel_loop3A_633 : vector<16xf32>
          %parallel_loop3A_635 = arith.constant 48 : i32
          %parallel_loop3A_636 = arith.addi %parallel_loop3A_305, %parallel_loop3A_635 : i32
          %parallel_loop3A_637 = arith.index_cast %parallel_loop3A_636 : i32 to index
          %parallel_loop3A_638 = tpu.vector_load %arg14[%parallel_loop3A_637] {strides = array<i32>} : memref<16384xf32, #tpu.memory_space<vmem>>, vector<16xf32>,
          tpu.vector_store %arg14[%parallel_loop3A_637], %parallel_loop3A_634 {strides = array<i32>} : memref<16384xf32, #tpu.memory_space<vmem>>, vector<16xf32>,
          %parallel_loop3A_639 = arith.constant 8.26295832E-8 : f32
          %parallel_loop3A_640 = vector.broadcast %parallel_loop3A_639 : f32 to vector<16xf32>
          %parallel_loop3A_641 = arith.mulf %parallel_loop3A_611, %parallel_loop3A_640 : vector<16xf32>
          %parallel_loop3A_642 = arith.select %parallel_loop3A_625, %sub3A_110, %sub3A_202 : vector<16xi1>, vector<16xf32>
          %parallel_loop3A_643 = arith.addf %parallel_loop3A_641, %parallel_loop3A_642 : vector<16xf32>
          %parallel_loop3A_644 = arith.constant 0.240244806 : f32
          %parallel_loop3A_645 = vector.broadcast %parallel_loop3A_644 : f32 to vector<16xf32>
          %parallel_loop3A_646 = arith.mulf %parallel_loop3A_622, %parallel_loop3A_645 : vector<16xf32>
          %parallel_loop3A_647 = arith.addf %parallel_loop3A_643, %parallel_loop3A_646 : vector<16xf32>
          %parallel_loop3A_648 = arith.constant 48 : i32
          %parallel_loop3A_649 = arith.addi %parallel_loop3A_305, %parallel_loop3A_648 : i32
          %parallel_loop3A_650 = arith.constant 128 : i32
          %parallel_loop3A_651 = arith.addi %parallel_loop3A_649, %parallel_loop3A_650 : i32
          %parallel_loop3A_652 = arith.index_cast %parallel_loop3A_651 : i32 to index
          %parallel_loop3A_653 = tpu.vector_load %arg14[%parallel_loop3A_652] {strides = array<i32>} : memref<16384xf32, #tpu.memory_space<vmem>>, vector<16xf32>,
          tpu.vector_store %arg14[%parallel_loop3A_652], %parallel_loop3A_647 {strides = array<i32>} : memref<16384xf32, #tpu.memory_space<vmem>>, vector<16xf32>,
          %parallel_loop3A_654 = arith.constant 64 : i32
          %parallel_loop3A_655 = arith.addi %parallel_loop3A_305, %parallel_loop3A_654 : i32
          %parallel_loop3A_656 = arith.index_cast %parallel_loop3A_655 : i32 to index
          %parallel_loop3A_657 = tpu.vector_load %arg12[%parallel_loop3A_656] {strides = array<i32>} : memref<16384xf32, #tpu.memory_space<vmem>>, vector<16xf32>,
          %parallel_loop3A_658 = arith.constant 64 : i32
          %parallel_loop3A_659 = arith.addi %parallel_loop3A_305, %parallel_loop3A_658 : i32
          %parallel_loop3A_660 = arith.constant 128 : i32
          %parallel_loop3A_661 = arith.addi %parallel_loop3A_659, %parallel_loop3A_660 : i32
          %parallel_loop3A_662 = arith.index_cast %parallel_loop3A_661 : i32 to index
          %parallel_loop3A_663 = tpu.vector_load %arg12[%parallel_loop3A_662] {strides = array<i32>} : memref<16384xf32, #tpu.memory_space<vmem>>, vector<16xf32>,
          %parallel_loop3A_664 = arith.constant 64 : i32
          %parallel_loop3A_665 = arith.addi %parallel_loop3A_317, %parallel_loop3A_664 : i32
          %parallel_loop3A_666 = arith.index_cast %parallel_loop3A_665 : i32 to index
          %parallel_loop3A_667 = tpu.vector_load %arg13[%parallel_loop3A_666] {strides = array<i32>} : memref<8192xi32, #tpu.memory_space<vmem>>, vector<16xi32>,
          %parallel_loop3A_668 = arith.subf %parallel_loop3A_663, %parallel_loop3A_657 : vector<16xf32>
          %parallel_loop3A_669 = math.exp %parallel_loop3A_668 : vector<16xf32>
          %parallel_loop3A_670 = arith.constant 1.000000e+00 : f32
          %parallel_loop3A_671 = vector.broadcast %parallel_loop3A_670 : f32 to vector<16xf32>
          %parallel_loop3A_672 = arith.addf %parallel_loop3A_671, %parallel_loop3A_669 : vector<16xf32>
          %parallel_loop3A_673 = arith.constant 1.000000e+00 : f32
          %parallel_loop3A_674 = vector.broadcast %parallel_loop3A_673 : f32 to vector<16xf32>
          %parallel_loop3A_675 = arith.divf %parallel_loop3A_674, %parallel_loop3A_672 : vector<16xf32>
          %parallel_loop3A_676 = arith.mulf %parallel_loop3A_675, %broadcast_in_dim3A_18 : vector<16xf32>
          %parallel_loop3A_677 = arith.addf %parallel_loop3A_676, %broadcast_in_dim3A_23 : vector<16xf32>
          %parallel_loop3A_678 = vector.bitcast %parallel_loop3A_677 : vector<16xf32> to vector<16xi32>
          %parallel_loop3A_679 = arith.sitofp %parallel_loop3A_678 : vector<16xi32> to vector<16xf32>
          %parallel_loop3A_680 = arith.constant 8388607 : i32
          %parallel_loop3A_681 = vector.broadcast %parallel_loop3A_680 : i32 to vector<16xi32>
          %parallel_loop3A_682 = arith.andi %parallel_loop3A_678, %parallel_loop3A_681 : vector<16xi32>
          %parallel_loop3A_683 = arith.sitofp %parallel_loop3A_682 : vector<16xi32> to vector<16xf32>
          %parallel_loop3A_684 = arith.constant 1.1920929E-7 : f32
          %parallel_loop3A_685 = vector.broadcast %parallel_loop3A_684 : f32 to vector<16xf32>
          %parallel_loop3A_686 = arith.mulf %parallel_loop3A_683, %parallel_loop3A_685 : vector<16xf32>
          %parallel_loop3A_687 = arith.constant 1.000000e+00 : f32
          %parallel_loop3A_688 = vector.broadcast %parallel_loop3A_687 : f32 to vector<16xf32>
          %parallel_loop3A_689 = arith.subf %parallel_loop3A_688, %parallel_loop3A_686 : vector<16xf32>
          %parallel_loop3A_690 = arith.mulf %parallel_loop3A_686, %parallel_loop3A_689 : vector<16xf32>
          %parallel_loop3A_691 = arith.constant 1.00000203 : f32
          %parallel_loop3A_692 = vector.broadcast %parallel_loop3A_691 : f32 to vector<16xf32>
          %parallel_loop3A_693 = arith.subf %parallel_loop3A_692, %parallel_loop3A_677 : vector<16xf32>
          %parallel_loop3A_694 = vector.bitcast %parallel_loop3A_693 : vector<16xf32> to vector<16xi32>
          %parallel_loop3A_695 = arith.sitofp %parallel_loop3A_694 : vector<16xi32> to vector<16xf32>
          %parallel_loop3A_696 = arith.constant 8388607 : i32
          %parallel_loop3A_697 = vector.broadcast %parallel_loop3A_696 : i32 to vector<16xi32>
          %parallel_loop3A_698 = arith.andi %parallel_loop3A_694, %parallel_loop3A_697 : vector<16xi32>
          %parallel_loop3A_699 = arith.sitofp %parallel_loop3A_698 : vector<16xi32> to vector<16xf32>
          %parallel_loop3A_700 = arith.constant 1.1920929E-7 : f32
          %parallel_loop3A_701 = vector.broadcast %parallel_loop3A_700 : f32 to vector<16xf32>
          %parallel_loop3A_702 = arith.mulf %parallel_loop3A_699, %parallel_loop3A_701 : vector<16xf32>
          %parallel_loop3A_703 = arith.constant 1.000000e+00 : f32
          %parallel_loop3A_704 = vector.broadcast %parallel_loop3A_703 : f32 to vector<16xf32>
          %parallel_loop3A_705 = arith.subf %parallel_loop3A_704, %parallel_loop3A_702 : vector<16xf32>
          %parallel_loop3A_706 = arith.mulf %parallel_loop3A_702, %parallel_loop3A_705 : vector<16xf32>
          %parallel_loop3A_707 = arith.constant 0 : i32
          %parallel_loop3A_708 = vector.broadcast %parallel_loop3A_707 : i32 to vector<16xi32>
          %parallel_loop3A_709 = arith.cmpi eq, %parallel_loop3A_667, %parallel_loop3A_708 : vector<16xi32>
          %parallel_loop3A_710 = arith.constant 8.26295832E-8 : f32
          %parallel_loop3A_711 = vector.broadcast %parallel_loop3A_710 : f32 to vector<16xf32>
          %parallel_loop3A_712 = arith.mulf %parallel_loop3A_679, %parallel_loop3A_711 : vector<16xf32>
          %parallel_loop3A_713 = arith.select %parallel_loop3A_709, %sub3A_64, %sub3A_156 : vector<16xi1>, vector<16xf32>
          %parallel_loop3A_714 = arith.addf %parallel_loop3A_712, %parallel_loop3A_713 : vector<16xf32>
          %parallel_loop3A_715 = arith.constant 0.240244806 : f32
          %parallel_loop3A_716 = vector.broadcast %parallel_loop3A_715 : f32 to vector<16xf32>
          %parallel_loop3A_717 = arith.mulf %parallel_loop3A_690, %parallel_loop3A_716 : vector<16xf32>
          %parallel_loop3A_718 = arith.addf %parallel_loop3A_714, %parallel_loop3A_717 : vector<16xf32>
          %parallel_loop3A_719 = arith.constant 64 : i32
          %parallel_loop3A_720 = arith.addi %parallel_loop3A_305, %parallel_loop3A_719 : i32
          %parallel_loop3A_721 = arith.index_cast %parallel_loop3A_720 : i32 to index
          %parallel_loop3A_722 = tpu.vector_load %arg14[%parallel_loop3A_721] {strides = array<i32>} : memref<16384xf32, #tpu.memory_space<vmem>>, vector<16xf32>,
          tpu.vector_store %arg14[%parallel_loop3A_721], %parallel_loop3A_718 {strides = array<i32>} : memref<16384xf32, #tpu.memory_space<vmem>>, vector<16xf32>,
          %parallel_loop3A_723 = arith.constant 8.26295832E-8 : f32
          %parallel_loop3A_724 = vector.broadcast %parallel_loop3A_723 : f32 to vector<16xf32>
          %parallel_loop3A_725 = arith.mulf %parallel_loop3A_695, %parallel_loop3A_724 : vector<16xf32>
          %parallel_loop3A_726 = arith.select %parallel_loop3A_709, %sub3A_110, %sub3A_202 : vector<16xi1>, vector<16xf32>
          %parallel_loop3A_727 = arith.addf %parallel_loop3A_725, %parallel_loop3A_726 : vector<16xf32>
          %parallel_loop3A_728 = arith.constant 0.240244806 : f32
          %parallel_loop3A_729 = vector.broadcast %parallel_loop3A_728 : f32 to vector<16xf32>
          %parallel_loop3A_730 = arith.mulf %parallel_loop3A_706, %parallel_loop3A_729 : vector<16xf32>
          %parallel_loop3A_731 = arith.addf %parallel_loop3A_727, %parallel_loop3A_730 : vector<16xf32>
          %parallel_loop3A_732 = arith.constant 64 : i32
          %parallel_loop3A_733 = arith.addi %parallel_loop3A_305, %parallel_loop3A_732 : i32
          %parallel_loop3A_734 = arith.constant 128 : i32
          %parallel_loop3A_735 = arith.addi %parallel_loop3A_733, %parallel_loop3A_734 : i32
          %parallel_loop3A_736 = arith.index_cast %parallel_loop3A_735 : i32 to index
          %parallel_loop3A_737 = tpu.vector_load %arg14[%parallel_loop3A_736] {strides = array<i32>} : memref<16384xf32, #tpu.memory_space<vmem>>, vector<16xf32>,
          tpu.vector_store %arg14[%parallel_loop3A_736], %parallel_loop3A_731 {strides = array<i32>} : memref<16384xf32, #tpu.memory_space<vmem>>, vector<16xf32>,
          %parallel_loop3A_738 = arith.constant 80 : i32
          %parallel_loop3A_739 = arith.addi %parallel_loop3A_305, %parallel_loop3A_738 : i32
          %parallel_loop3A_740 = arith.index_cast %parallel_loop3A_739 : i32 to index
          %parallel_loop3A_741 = tpu.vector_load %arg12[%parallel_loop3A_740] {strides = array<i32>} : memref<16384xf32, #tpu.memory_space<vmem>>, vector<16xf32>,
          %parallel_loop3A_742 = arith.constant 80 : i32
          %parallel_loop3A_743 = arith.addi %parallel_loop3A_305, %parallel_loop3A_742 : i32
          %parallel_loop3A_744 = arith.constant 128 : i32
          %parallel_loop3A_745 = arith.addi %parallel_loop3A_743, %parallel_loop3A_744 : i32
          %parallel_loop3A_746 = arith.index_cast %parallel_loop3A_745 : i32 to index
          %parallel_loop3A_747 = tpu.vector_load %arg12[%parallel_loop3A_746] {strides = array<i32>} : memref<16384xf32, #tpu.memory_space<vmem>>, vector<16xf32>,
          %parallel_loop3A_748 = arith.constant 80 : i32
          %parallel_loop3A_749 = arith.addi %parallel_loop3A_317, %parallel_loop3A_748 : i32
          %parallel_loop3A_750 = arith.index_cast %parallel_loop3A_749 : i32 to index
          %parallel_loop3A_751 = tpu.vector_load %arg13[%parallel_loop3A_750] {strides = array<i32>} : memref<8192xi32, #tpu.memory_space<vmem>>, vector<16xi32>,
          %parallel_loop3A_752 = arith.subf %parallel_loop3A_747, %parallel_loop3A_741 : vector<16xf32>
          %parallel_loop3A_753 = math.exp %parallel_loop3A_752 : vector<16xf32>
          %parallel_loop3A_754 = arith.constant 1.000000e+00 : f32
          %parallel_loop3A_755 = vector.broadcast %parallel_loop3A_754 : f32 to vector<16xf32>
          %parallel_loop3A_756 = arith.addf %parallel_loop3A_755, %parallel_loop3A_753 : vector<16xf32>
          %parallel_loop3A_757 = arith.constant 1.000000e+00 : f32
          %parallel_loop3A_758 = vector.broadcast %parallel_loop3A_757 : f32 to vector<16xf32>
          %parallel_loop3A_759 = arith.divf %parallel_loop3A_758, %parallel_loop3A_756 : vector<16xf32>
          %parallel_loop3A_760 = arith.mulf %parallel_loop3A_759, %broadcast_in_dim3A_18 : vector<16xf32>
          %parallel_loop3A_761 = arith.addf %parallel_loop3A_760, %broadcast_in_dim3A_23 : vector<16xf32>
          %parallel_loop3A_762 = vector.bitcast %parallel_loop3A_761 : vector<16xf32> to vector<16xi32>
          %parallel_loop3A_763 = arith.sitofp %parallel_loop3A_762 : vector<16xi32> to vector<16xf32>
          %parallel_loop3A_764 = arith.constant 8388607 : i32
          %parallel_loop3A_765 = vector.broadcast %parallel_loop3A_764 : i32 to vector<16xi32>
          %parallel_loop3A_766 = arith.andi %parallel_loop3A_762, %parallel_loop3A_765 : vector<16xi32>
          %parallel_loop3A_767 = arith.sitofp %parallel_loop3A_766 : vector<16xi32> to vector<16xf32>
          %parallel_loop3A_768 = arith.constant 1.1920929E-7 : f32
          %parallel_loop3A_769 = vector.broadcast %parallel_loop3A_768 : f32 to vector<16xf32>
          %parallel_loop3A_770 = arith.mulf %parallel_loop3A_767, %parallel_loop3A_769 : vector<16xf32>
          %parallel_loop3A_771 = arith.constant 1.000000e+00 : f32
          %parallel_loop3A_772 = vector.broadcast %parallel_loop3A_771 : f32 to vector<16xf32>
          %parallel_loop3A_773 = arith.subf %parallel_loop3A_772, %parallel_loop3A_770 : vector<16xf32>
          %parallel_loop3A_774 = arith.mulf %parallel_loop3A_770, %parallel_loop3A_773 : vector<16xf32>
          %parallel_loop3A_775 = arith.constant 1.00000203 : f32
          %parallel_loop3A_776 = vector.broadcast %parallel_loop3A_775 : f32 to vector<16xf32>
          %parallel_loop3A_777 = arith.subf %parallel_loop3A_776, %parallel_loop3A_761 : vector<16xf32>
          %parallel_loop3A_778 = vector.bitcast %parallel_loop3A_777 : vector<16xf32> to vector<16xi32>
          %parallel_loop3A_779 = arith.sitofp %parallel_loop3A_778 : vector<16xi32> to vector<16xf32>
          %parallel_loop3A_780 = arith.constant 8388607 : i32
          %parallel_loop3A_781 = vector.broadcast %parallel_loop3A_780 : i32 to vector<16xi32>
          %parallel_loop3A_782 = arith.andi %parallel_loop3A_778, %parallel_loop3A_781 : vector<16xi32>
          %parallel_loop3A_783 = arith.sitofp %parallel_loop3A_782 : vector<16xi32> to vector<16xf32>
          %parallel_loop3A_784 = arith.constant 1.1920929E-7 : f32
          %parallel_loop3A_785 = vector.broadcast %parallel_loop3A_784 : f32 to vector<16xf32>
          %parallel_loop3A_786 = arith.mulf %parallel_loop3A_783, %parallel_loop3A_785 : vector<16xf32>
          %parallel_loop3A_787 = arith.constant 1.000000e+00 : f32
          %parallel_loop3A_788 = vector.broadcast %parallel_loop3A_787 : f32 to vector<16xf32>
          %parallel_loop3A_789 = arith.subf %parallel_loop3A_788, %parallel_loop3A_786 : vector<16xf32>
          %parallel_loop3A_790 = arith.mulf %parallel_loop3A_786, %parallel_loop3A_789 : vector<16xf32>
          %parallel_loop3A_791 = arith.constant 0 : i32
          %parallel_loop3A_792 = vector.broadcast %parallel_loop3A_791 : i32 to vector<16xi32>
          %parallel_loop3A_793 = arith.cmpi eq, %parallel_loop3A_751, %parallel_loop3A_792 : vector<16xi32>
          %parallel_loop3A_794 = arith.constant 8.26295832E-8 : f32
          %parallel_loop3A_795 = vector.broadcast %parallel_loop3A_794 : f32 to vector<16xf32>
          %parallel_loop3A_796 = arith.mulf %parallel_loop3A_763, %parallel_loop3A_795 : vector<16xf32>
          %parallel_loop3A_797 = arith.select %parallel_loop3A_793, %sub3A_64, %sub3A_156 : vector<16xi1>, vector<16xf32>
          %parallel_loop3A_798 = arith.addf %parallel_loop3A_796, %parallel_loop3A_797 : vector<16xf32>
          %parallel_loop3A_799 = arith.constant 0.240244806 : f32
          %parallel_loop3A_800 = vector.broadcast %parallel_loop3A_799 : f32 to vector<16xf32>
          %parallel_loop3A_801 = arith.mulf %parallel_loop3A_774, %parallel_loop3A_800 : vector<16xf32>
          %parallel_loop3A_802 = arith.addf %parallel_loop3A_798, %parallel_loop3A_801 : vector<16xf32>
          %parallel_loop3A_803 = arith.constant 80 : i32
          %parallel_loop3A_804 = arith.addi %parallel_loop3A_305, %parallel_loop3A_803 : i32
          %parallel_loop3A_805 = arith.index_cast %parallel_loop3A_804 : i32 to index
          %parallel_loop3A_806 = tpu.vector_load %arg14[%parallel_loop3A_805] {strides = array<i32>} : memref<16384xf32, #tpu.memory_space<vmem>>, vector<16xf32>,
          tpu.vector_store %arg14[%parallel_loop3A_805], %parallel_loop3A_802 {strides = array<i32>} : memref<16384xf32, #tpu.memory_space<vmem>>, vector<16xf32>,
          %parallel_loop3A_807 = arith.constant 8.26295832E-8 : f32
          %parallel_loop3A_808 = vector.broadcast %parallel_loop3A_807 : f32 to vector<16xf32>
          %parallel_loop3A_809 = arith.mulf %parallel_loop3A_779, %parallel_loop3A_808 : vector<16xf32>
          %parallel_loop3A_810 = arith.select %parallel_loop3A_793, %sub3A_110, %sub3A_202 : vector<16xi1>, vector<16xf32>
          %parallel_loop3A_811 = arith.addf %parallel_loop3A_809, %parallel_loop3A_810 : vector<16xf32>
          %parallel_loop3A_812 = arith.constant 0.240244806 : f32
          %parallel_loop3A_813 = vector.broadcast %parallel_loop3A_812 : f32 to vector<16xf32>
          %parallel_loop3A_814 = arith.mulf %parallel_loop3A_790, %parallel_loop3A_813 : vector<16xf32>
          %parallel_loop3A_815 = arith.addf %parallel_loop3A_811, %parallel_loop3A_814 : vector<16xf32>
          %parallel_loop3A_816 = arith.constant 80 : i32
          %parallel_loop3A_817 = arith.addi %parallel_loop3A_305, %parallel_loop3A_816 : i32
          %parallel_loop3A_818 = arith.constant 128 : i32
          %parallel_loop3A_819 = arith.addi %parallel_loop3A_817, %parallel_loop3A_818 : i32
          %parallel_loop3A_820 = arith.index_cast %parallel_loop3A_819 : i32 to index
          %parallel_loop3A_821 = tpu.vector_load %arg14[%parallel_loop3A_820] {strides = array<i32>} : memref<16384xf32, #tpu.memory_space<vmem>>, vector<16xf32>,
          tpu.vector_store %arg14[%parallel_loop3A_820], %parallel_loop3A_815 {strides = array<i32>} : memref<16384xf32, #tpu.memory_space<vmem>>, vector<16xf32>,
          %parallel_loop3A_822 = arith.constant 96 : i32
          %parallel_loop3A_823 = arith.addi %parallel_loop3A_305, %parallel_loop3A_822 : i32
          %parallel_loop3A_824 = arith.index_cast %parallel_loop3A_823 : i32 to index
          %parallel_loop3A_825 = tpu.vector_load %arg12[%parallel_loop3A_824] {strides = array<i32>} : memref<16384xf32, #tpu.memory_space<vmem>>, vector<16xf32>,
          %parallel_loop3A_826 = arith.constant 96 : i32
          %parallel_loop3A_827 = arith.addi %parallel_loop3A_305, %parallel_loop3A_826 : i32
          %parallel_loop3A_828 = arith.constant 128 : i32
          %parallel_loop3A_829 = arith.addi %parallel_loop3A_827, %parallel_loop3A_828 : i32
          %parallel_loop3A_830 = arith.index_cast %parallel_loop3A_829 : i32 to index
          %parallel_loop3A_831 = tpu.vector_load %arg12[%parallel_loop3A_830] {strides = array<i32>} : memref<16384xf32, #tpu.memory_space<vmem>>, vector<16xf32>,
          %parallel_loop3A_832 = arith.constant 96 : i32
          %parallel_loop3A_833 = arith.addi %parallel_loop3A_317, %parallel_loop3A_832 : i32
          %parallel_loop3A_834 = arith.index_cast %parallel_loop3A_833 : i32 to index
          %parallel_loop3A_835 = tpu.vector_load %arg13[%parallel_loop3A_834] {strides = array<i32>} : memref<8192xi32, #tpu.memory_space<vmem>>, vector<16xi32>,
          %parallel_loop3A_836 = arith.subf %parallel_loop3A_831, %parallel_loop3A_825 : vector<16xf32>
          %parallel_loop3A_837 = math.exp %parallel_loop3A_836 : vector<16xf32>
          %parallel_loop3A_838 = arith.constant 1.000000e+00 : f32
          %parallel_loop3A_839 = vector.broadcast %parallel_loop3A_838 : f32 to vector<16xf32>
          %parallel_loop3A_840 = arith.addf %parallel_loop3A_839, %parallel_loop3A_837 : vector<16xf32>
          %parallel_loop3A_841 = arith.constant 1.000000e+00 : f32
          %parallel_loop3A_842 = vector.broadcast %parallel_loop3A_841 : f32 to vector<16xf32>
          %parallel_loop3A_843 = arith.divf %parallel_loop3A_842, %parallel_loop3A_840 : vector<16xf32>
          %parallel_loop3A_844 = arith.mulf %parallel_loop3A_843, %broadcast_in_dim3A_18 : vector<16xf32>
          %parallel_loop3A_845 = arith.addf %parallel_loop3A_844, %broadcast_in_dim3A_23 : vector<16xf32>
          %parallel_loop3A_846 = vector.bitcast %parallel_loop3A_845 : vector<16xf32> to vector<16xi32>
          %parallel_loop3A_847 = arith.sitofp %parallel_loop3A_846 : vector<16xi32> to vector<16xf32>
          %parallel_loop3A_848 = arith.constant 8388607 : i32
          %parallel_loop3A_849 = vector.broadcast %parallel_loop3A_848 : i32 to vector<16xi32>
          %parallel_loop3A_850 = arith.andi %parallel_loop3A_846, %parallel_loop3A_849 : vector<16xi32>
          %parallel_loop3A_851 = arith.sitofp %parallel_loop3A_850 : vector<16xi32> to vector<16xf32>
          %parallel_loop3A_852 = arith.constant 1.1920929E-7 : f32
          %parallel_loop3A_853 = vector.broadcast %parallel_loop3A_852 : f32 to vector<16xf32>
          %parallel_loop3A_854 = arith.mulf %parallel_loop3A_851, %parallel_loop3A_853 : vector<16xf32>
          %parallel_loop3A_855 = arith.constant 1.000000e+00 : f32
          %parallel_loop3A_856 = vector.broadcast %parallel_loop3A_855 : f32 to vector<16xf32>
          %parallel_loop3A_857 = arith.subf %parallel_loop3A_856, %parallel_loop3A_854 : vector<16xf32>
          %parallel_loop3A_858 = arith.mulf %parallel_loop3A_854, %parallel_loop3A_857 : vector<16xf32>
          %parallel_loop3A_859 = arith.constant 1.00000203 : f32
          %parallel_loop3A_860 = vector.broadcast %parallel_loop3A_859 : f32 to vector<16xf32>
          %parallel_loop3A_861 = arith.subf %parallel_loop3A_860, %parallel_loop3A_845 : vector<16xf32>
          %parallel_loop3A_862 = vector.bitcast %parallel_loop3A_861 : vector<16xf32> to vector<16xi32>
          %parallel_loop3A_863 = arith.sitofp %parallel_loop3A_862 : vector<16xi32> to vector<16xf32>
          %parallel_loop3A_864 = arith.constant 8388607 : i32
          %parallel_loop3A_865 = vector.broadcast %parallel_loop3A_864 : i32 to vector<16xi32>
          %parallel_loop3A_866 = arith.andi %parallel_loop3A_862, %parallel_loop3A_865 : vector<16xi32>
          %parallel_loop3A_867 = arith.sitofp %parallel_loop3A_866 : vector<16xi32> to vector<16xf32>
          %parallel_loop3A_868 = arith.constant 1.1920929E-7 : f32
          %parallel_loop3A_869 = vector.broadcast %parallel_loop3A_868 : f32 to vector<16xf32>
          %parallel_loop3A_870 = arith.mulf %parallel_loop3A_867, %parallel_loop3A_869 : vector<16xf32>
          %parallel_loop3A_871 = arith.constant 1.000000e+00 : f32
          %parallel_loop3A_872 = vector.broadcast %parallel_loop3A_871 : f32 to vector<16xf32>
          %parallel_loop3A_873 = arith.subf %parallel_loop3A_872, %parallel_loop3A_870 : vector<16xf32>
          %parallel_loop3A_874 = arith.mulf %parallel_loop3A_870, %parallel_loop3A_873 : vector<16xf32>
          %parallel_loop3A_875 = arith.constant 0 : i32
          %parallel_loop3A_876 = vector.broadcast %parallel_loop3A_875 : i32 to vector<16xi32>
          %parallel_loop3A_877 = arith.cmpi eq, %parallel_loop3A_835, %parallel_loop3A_876 : vector<16xi32>
          %parallel_loop3A_878 = arith.constant 8.26295832E-8 : f32
          %parallel_loop3A_879 = vector.broadcast %parallel_loop3A_878 : f32 to vector<16xf32>
          %parallel_loop3A_880 = arith.mulf %parallel_loop3A_847, %parallel_loop3A_879 : vector<16xf32>
          %parallel_loop3A_881 = arith.select %parallel_loop3A_877, %sub3A_64, %sub3A_156 : vector<16xi1>, vector<16xf32>
          %parallel_loop3A_882 = arith.addf %parallel_loop3A_880, %parallel_loop3A_881 : vector<16xf32>
          %parallel_loop3A_883 = arith.constant 0.240244806 : f32
          %parallel_loop3A_884 = vector.broadcast %parallel_loop3A_883 : f32 to vector<16xf32>
          %parallel_loop3A_885 = arith.mulf %parallel_loop3A_858, %parallel_loop3A_884 : vector<16xf32>
          %parallel_loop3A_886 = arith.addf %parallel_loop3A_882, %parallel_loop3A_885 : vector<16xf32>
          %parallel_loop3A_887 = arith.constant 96 : i32
          %parallel_loop3A_888 = arith.addi %parallel_loop3A_305, %parallel_loop3A_887 : i32
          %parallel_loop3A_889 = arith.index_cast %parallel_loop3A_888 : i32 to index
          %parallel_loop3A_890 = tpu.vector_load %arg14[%parallel_loop3A_889] {strides = array<i32>} : memref<16384xf32, #tpu.memory_space<vmem>>, vector<16xf32>,
          tpu.vector_store %arg14[%parallel_loop3A_889], %parallel_loop3A_886 {strides = array<i32>} : memref<16384xf32, #tpu.memory_space<vmem>>, vector<16xf32>,
          %parallel_loop3A_891 = arith.constant 8.26295832E-8 : f32
          %parallel_loop3A_892 = vector.broadcast %parallel_loop3A_891 : f32 to vector<16xf32>
          %parallel_loop3A_893 = arith.mulf %parallel_loop3A_863, %parallel_loop3A_892 : vector<16xf32>
          %parallel_loop3A_894 = arith.select %parallel_loop3A_877, %sub3A_110, %sub3A_202 : vector<16xi1>, vector<16xf32>
          %parallel_loop3A_895 = arith.addf %parallel_loop3A_893, %parallel_loop3A_894 : vector<16xf32>
          %parallel_loop3A_896 = arith.constant 0.240244806 : f32
          %parallel_loop3A_897 = vector.broadcast %parallel_loop3A_896 : f32 to vector<16xf32>
          %parallel_loop3A_898 = arith.mulf %parallel_loop3A_874, %parallel_loop3A_897 : vector<16xf32>
          %parallel_loop3A_899 = arith.addf %parallel_loop3A_895, %parallel_loop3A_898 : vector<16xf32>
          %parallel_loop3A_900 = arith.constant 96 : i32
          %parallel_loop3A_901 = arith.addi %parallel_loop3A_305, %parallel_loop3A_900 : i32
          %parallel_loop3A_902 = arith.constant 128 : i32
          %parallel_loop3A_903 = arith.addi %parallel_loop3A_901, %parallel_loop3A_902 : i32
          %parallel_loop3A_904 = arith.index_cast %parallel_loop3A_903 : i32 to index
          %parallel_loop3A_905 = tpu.vector_load %arg14[%parallel_loop3A_904] {strides = array<i32>} : memref<16384xf32, #tpu.memory_space<vmem>>, vector<16xf32>,
          tpu.vector_store %arg14[%parallel_loop3A_904], %parallel_loop3A_899 {strides = array<i32>} : memref<16384xf32, #tpu.memory_space<vmem>>, vector<16xf32>,
          %parallel_loop3A_906 = arith.constant 112 : i32
          %parallel_loop3A_907 = arith.addi %parallel_loop3A_305, %parallel_loop3A_906 : i32
          %parallel_loop3A_908 = arith.index_cast %parallel_loop3A_907 : i32 to index
          %parallel_loop3A_909 = tpu.vector_load %arg12[%parallel_loop3A_908] {strides = array<i32>} : memref<16384xf32, #tpu.memory_space<vmem>>, vector<16xf32>,
          %parallel_loop3A_910 = arith.constant 112 : i32
          %parallel_loop3A_911 = arith.addi %parallel_loop3A_305, %parallel_loop3A_910 : i32
          %parallel_loop3A_912 = arith.constant 128 : i32
          %parallel_loop3A_913 = arith.addi %parallel_loop3A_911, %parallel_loop3A_912 : i32
          %parallel_loop3A_914 = arith.index_cast %parallel_loop3A_913 : i32 to index
          %parallel_loop3A_915 = tpu.vector_load %arg12[%parallel_loop3A_914] {strides = array<i32>} : memref<16384xf32, #tpu.memory_space<vmem>>, vector<16xf32>,
          %parallel_loop3A_916 = arith.constant 112 : i32
          %parallel_loop3A_917 = arith.addi %parallel_loop3A_317, %parallel_loop3A_916 : i32
          %parallel_loop3A_918 = arith.index_cast %parallel_loop3A_917 : i32 to index
          %parallel_loop3A_919 = tpu.vector_load %arg13[%parallel_loop3A_918] {strides = array<i32>} : memref<8192xi32, #tpu.memory_space<vmem>>, vector<16xi32>,
          %parallel_loop3A_920 = arith.subf %parallel_loop3A_915, %parallel_loop3A_909 : vector<16xf32>
          %parallel_loop3A_921 = math.exp %parallel_loop3A_920 : vector<16xf32>
          %parallel_loop3A_922 = arith.constant 1.000000e+00 : f32
          %parallel_loop3A_923 = vector.broadcast %parallel_loop3A_922 : f32 to vector<16xf32>
          %parallel_loop3A_924 = arith.addf %parallel_loop3A_923, %parallel_loop3A_921 : vector<16xf32>
          %parallel_loop3A_925 = arith.constant 1.000000e+00 : f32
          %parallel_loop3A_926 = vector.broadcast %parallel_loop3A_925 : f32 to vector<16xf32>
          %parallel_loop3A_927 = arith.divf %parallel_loop3A_926, %parallel_loop3A_924 : vector<16xf32>
          %parallel_loop3A_928 = arith.mulf %parallel_loop3A_927, %broadcast_in_dim3A_18 : vector<16xf32>
          %parallel_loop3A_929 = arith.addf %parallel_loop3A_928, %broadcast_in_dim3A_23 : vector<16xf32>
          %parallel_loop3A_930 = vector.bitcast %parallel_loop3A_929 : vector<16xf32> to vector<16xi32>
          %parallel_loop3A_931 = arith.sitofp %parallel_loop3A_930 : vector<16xi32> to vector<16xf32>
          %parallel_loop3A_932 = arith.constant 8388607 : i32
          %parallel_loop3A_933 = vector.broadcast %parallel_loop3A_932 : i32 to vector<16xi32>
          %parallel_loop3A_934 = arith.andi %parallel_loop3A_930, %parallel_loop3A_933 : vector<16xi32>
          %parallel_loop3A_935 = arith.sitofp %parallel_loop3A_934 : vector<16xi32> to vector<16xf32>
          %parallel_loop3A_936 = arith.constant 1.1920929E-7 : f32
          %parallel_loop3A_937 = vector.broadcast %parallel_loop3A_936 : f32 to vector<16xf32>
          %parallel_loop3A_938 = arith.mulf %parallel_loop3A_935, %parallel_loop3A_937 : vector<16xf32>
          %parallel_loop3A_939 = arith.constant 1.000000e+00 : f32
          %parallel_loop3A_940 = vector.broadcast %parallel_loop3A_939 : f32 to vector<16xf32>
          %parallel_loop3A_941 = arith.subf %parallel_loop3A_940, %parallel_loop3A_938 : vector<16xf32>
          %parallel_loop3A_942 = arith.mulf %parallel_loop3A_938, %parallel_loop3A_941 : vector<16xf32>
          %parallel_loop3A_943 = arith.constant 1.00000203 : f32
          %parallel_loop3A_944 = vector.broadcast %parallel_loop3A_943 : f32 to vector<16xf32>
          %parallel_loop3A_945 = arith.subf %parallel_loop3A_944, %parallel_loop3A_929 : vector<16xf32>
          %parallel_loop3A_946 = vector.bitcast %parallel_loop3A_945 : vector<16xf32> to vector<16xi32>
          %parallel_loop3A_947 = arith.sitofp %parallel_loop3A_946 : vector<16xi32> to vector<16xf32>
          %parallel_loop3A_948 = arith.constant 8388607 : i32
          %parallel_loop3A_949 = vector.broadcast %parallel_loop3A_948 : i32 to vector<16xi32>
          %parallel_loop3A_950 = arith.andi %parallel_loop3A_946, %parallel_loop3A_949 : vector<16xi32>
          %parallel_loop3A_951 = arith.sitofp %parallel_loop3A_950 : vector<16xi32> to vector<16xf32>
          %parallel_loop3A_952 = arith.constant 1.1920929E-7 : f32
          %parallel_loop3A_953 = vector.broadcast %parallel_loop3A_952 : f32 to vector<16xf32>
          %parallel_loop3A_954 = arith.mulf %parallel_loop3A_951, %parallel_loop3A_953 : vector<16xf32>
          %parallel_loop3A_955 = arith.constant 1.000000e+00 : f32
          %parallel_loop3A_956 = vector.broadcast %parallel_loop3A_955 : f32 to vector<16xf32>
          %parallel_loop3A_957 = arith.subf %parallel_loop3A_956, %parallel_loop3A_954 : vector<16xf32>
          %parallel_loop3A_958 = arith.mulf %parallel_loop3A_954, %parallel_loop3A_957 : vector<16xf32>
          %parallel_loop3A_959 = arith.constant 0 : i32
          %parallel_loop3A_960 = vector.broadcast %parallel_loop3A_959 : i32 to vector<16xi32>
          %parallel_loop3A_961 = arith.cmpi eq, %parallel_loop3A_919, %parallel_loop3A_960 : vector<16xi32>
          %parallel_loop3A_962 = arith.constant 8.26295832E-8 : f32
          %parallel_loop3A_963 = vector.broadcast %parallel_loop3A_962 : f32 to vector<16xf32>
          %parallel_loop3A_964 = arith.mulf %parallel_loop3A_931, %parallel_loop3A_963 : vector<16xf32>
          %parallel_loop3A_965 = arith.select %parallel_loop3A_961, %sub3A_64, %sub3A_156 : vector<16xi1>, vector<16xf32>
          %parallel_loop3A_966 = arith.addf %parallel_loop3A_964, %parallel_loop3A_965 : vector<16xf32>
          %parallel_loop3A_967 = arith.constant 0.240244806 : f32
          %parallel_loop3A_968 = vector.broadcast %parallel_loop3A_967 : f32 to vector<16xf32>
          %parallel_loop3A_969 = arith.mulf %parallel_loop3A_942, %parallel_loop3A_968 : vector<16xf32>
          %parallel_loop3A_970 = arith.addf %parallel_loop3A_966, %parallel_loop3A_969 : vector<16xf32>
          %parallel_loop3A_971 = arith.constant 112 : i32
          %parallel_loop3A_972 = arith.addi %parallel_loop3A_305, %parallel_loop3A_971 : i32
          %parallel_loop3A_973 = arith.index_cast %parallel_loop3A_972 : i32 to index
          %parallel_loop3A_974 = tpu.vector_load %arg14[%parallel_loop3A_973] {strides = array<i32>} : memref<16384xf32, #tpu.memory_space<vmem>>, vector<16xf32>,
          tpu.vector_store %arg14[%parallel_loop3A_973], %parallel_loop3A_970 {strides = array<i32>} : memref<16384xf32, #tpu.memory_space<vmem>>, vector<16xf32>,
          %parallel_loop3A_975 = arith.constant 8.26295832E-8 : f32
          %parallel_loop3A_976 = vector.broadcast %parallel_loop3A_975 : f32 to vector<16xf32>
          %parallel_loop3A_977 = arith.mulf %parallel_loop3A_947, %parallel_loop3A_976 : vector<16xf32>
          %parallel_loop3A_978 = arith.select %parallel_loop3A_961, %sub3A_110, %sub3A_202 : vector<16xi1>, vector<16xf32>
          %parallel_loop3A_979 = arith.addf %parallel_loop3A_977, %parallel_loop3A_978 : vector<16xf32>
          %parallel_loop3A_980 = arith.constant 0.240244806 : f32
          %parallel_loop3A_981 = vector.broadcast %parallel_loop3A_980 : f32 to vector<16xf32>
          %parallel_loop3A_982 = arith.mulf %parallel_loop3A_958, %parallel_loop3A_981 : vector<16xf32>
          %parallel_loop3A_983 = arith.addf %parallel_loop3A_979, %parallel_loop3A_982 : vector<16xf32>
          %parallel_loop3A_984 = arith.constant 112 : i32
          %parallel_loop3A_985 = arith.addi %parallel_loop3A_305, %parallel_loop3A_984 : i32
          %parallel_loop3A_986 = arith.constant 128 : i32
          %parallel_loop3A_987 = arith.addi %parallel_loop3A_985, %parallel_loop3A_986 : i32
          %parallel_loop3A_988 = arith.index_cast %parallel_loop3A_987 : i32 to index
          %parallel_loop3A_989 = tpu.vector_load %arg14[%parallel_loop3A_988] {strides = array<i32>} : memref<16384xf32, #tpu.memory_space<vmem>>, vector<16xf32>,
          tpu.vector_store %arg14[%parallel_loop3A_988], %parallel_loop3A_983 {strides = array<i32>} : memref<16384xf32, #tpu.memory_space<vmem>>, vector<16xf32>,
        } {sc.loop_unroll_factor = 2 : i64, sc.parallel_access}
        %mul3A_284 = arith.constant 16384 : i32
        %mul3A_285 = arith.muli %add3A_265, %mul3A_284 : i32
        %add3A_286 = arith.addi %mul3A_2, %mul3A_285 : i32
        %dma_start3A_287 = tpu.memref_slice %arg6[%add3A_286] : memref<16777216xf32, #tpu.memory_space<hbm>> -> memref<16384xf32, #tpu.memory_space<hbm>>
        %dma_start3A_288 = tpu.memref_slice %arg6[%add3A_286] : memref<16777216xf32, #tpu.memory_space<hbm>> -> memref<16384xf32, #tpu.memory_space<hbm>>
        tpu.enqueue_dma source(%arg14 : memref<16384xf32, #tpu.memory_space<vmem>>) target(%dma_start3A_288 : memref<16384xf32, #tpu.memory_space<hbm>>) target_semaphore(%arg18 : memref<!tpu.dma_semaphore, #tpu.memory_space<semaphore_mem>>)
        %add3A_289 = arith.constant 2 : i32
        %add3A_290 = arith.addi %add3A_265, %add3A_289 : i32
        %lt3A_291 = arith.constant 32 : i32
        %lt3A_292 = arith.cmpi slt, %add3A_290, %lt3A_291 : i32
        %convert_element_type3A_293 = arith.extui %lt3A_292 : i1 to i32
        %cond3A_294 = arith.constant 0 : i32
        %cond3A_295 = arith.cmpi ne, %convert_element_type3A_293, %cond3A_294 : i32
        scf.if %cond3A_295 {
          %add3A_296 = arith.constant 2 : i32
          %add3A_297 = arith.addi %add3A_265, %add3A_296 : i32
          %mul3A_298 = arith.constant 16384 : i32
          %mul3A_299 = arith.muli %add3A_297, %mul3A_298 : i32
          %add3A_300 = arith.addi %mul3A_2, %mul3A_299 : i32
          %mul3A_301 = arith.constant 8192 : i32
          %mul3A_302 = arith.muli %add3A_297, %mul3A_301 : i32
          %add3A_303 = arith.addi %mul3A_4, %mul3A_302 : i32
          %dma_start3A_304 = tpu.memref_slice %arg2[%add3A_300] : memref<16777216xf32, #tpu.memory_space<hbm>> -> memref<16384xf32, #tpu.memory_space<hbm>>
          %dma_start3A_305 = tpu.memref_slice %arg2[%add3A_300] : memref<16777216xf32, #tpu.memory_space<hbm>> -> memref<16384xf32, #tpu.memory_space<hbm>>
          tpu.enqueue_dma source(%dma_start3A_305 : memref<16384xf32, #tpu.memory_space<hbm>>) target(%arg12 : memref<16384xf32, #tpu.memory_space<vmem>>) target_semaphore(%arg16 : memref<!tpu.dma_semaphore, #tpu.memory_space<semaphore_mem>>)
          %dma_start3A_306 = tpu.memref_slice %arg3[%add3A_303] : memref<8388608xi32, #tpu.memory_space<hbm>> -> memref<8192xi32, #tpu.memory_space<hbm>>
          %dma_start3A_307 = tpu.memref_slice %arg3[%add3A_303] : memref<8388608xi32, #tpu.memory_space<hbm>> -> memref<8192xi32, #tpu.memory_space<hbm>>
          tpu.enqueue_dma source(%dma_start3A_307 : memref<8192xi32, #tpu.memory_space<hbm>>) target(%arg13 : memref<8192xi32, #tpu.memory_space<vmem>>) target_semaphore(%arg16 : memref<!tpu.dma_semaphore, #tpu.memory_space<semaphore_mem>>)
        } else {
        }
      }
      %scan3A_222 = arith.constant 16 : i32
      %add3A_223 = arith.constant 491520 : i32
      %add3A_224 = arith.addi %mul3A_2, %add3A_223 : i32
      %dma_wait3A = tpu.memref_slice %arg6[%add3A_224] : memref<16777216xf32, #tpu.memory_space<hbm>> -> memref<16384xf32, #tpu.memory_space<hbm>>
      %dma_wait3A_225 = tpu.memref_slice %arg6[%add3A_224] : memref<16777216xf32, #tpu.memory_space<hbm>> -> memref<16384xf32, #tpu.memory_space<hbm>>
      tpu.wait_dma2 semaphore(%arg17 : memref<!tpu.dma_semaphore, #tpu.memory_space<semaphore_mem>>) src(%arg11 : memref<16384xf32, #tpu.memory_space<vmem>>) dst(%dma_wait3A_225 : memref<16384xf32, #tpu.memory_space<hbm>>)
      %add3A_226 = arith.constant 507904 : i32
      %add3A_227 = arith.addi %mul3A_2, %add3A_226 : i32
      %dma_wait3A_228 = tpu.memref_slice %arg6[%add3A_227] : memref<16777216xf32, #tpu.memory_space<hbm>> -> memref<16384xf32, #tpu.memory_space<hbm>>
      %dma_wait3A_229 = tpu.memref_slice %arg6[%add3A_227] : memref<16777216xf32, #tpu.memory_space<hbm>> -> memref<16384xf32, #tpu.memory_space<hbm>>
      tpu.wait_dma2 semaphore(%arg18 : memref<!tpu.dma_semaphore, #tpu.memory_space<semaphore_mem>>) src(%arg14 : memref<16384xf32, #tpu.memory_space<vmem>>) dst(%dma_wait3A_229 : memref<16384xf32, #tpu.memory_space<hbm>>)
    } else {
    }
    return
  }
}

</mosaic_0001>

<sc_bundles>
// kernel: _run.3.cloned.1.call-start
scs
__scs_entry_jumppad:
0x0: {  	(pc) =	sbr.rel $0x88, $3  }
0x1: {  	(tag) =	ssettag $0x0;
	lr =	simm.s32 $0x1  }
0x2: {  	[smem:$0x3F9D] =	sst lr;
	_ =	strace $0xD0000000  }
0x3: {  	_ = 	snop  }
0x4: {  	_ = 	snop  }
0x5: {  	_ = 	snop  }
0x6: {  	_ = 	snop  }
0x7: {  	_ = 	snop  }
__scs_overlays_trampoline_lowered:
0x8: {  	[smem:$0x3FAC] =	sst s0  }
0x9: {  	[smem:$0x3FAD] =	sst s1  }
0xa: {  	[smem:$0x3FAE] =	sst s2  }
0xb: {  	[smem:$0x3FAF] =	sst s3  }
0xc: {  	[smem:$0x3FB0] =	sst s4  }
0xd: {  	[smem:$0x3FB1] =	sst s5  }
0xe: {  	[smem:$0x3FB2] =	sst s6  }
0xf: {  	[smem:$0x3FB3] =	sst s7  }
0x10: {  	[smem:$0x3FB4] =	sst s8  }
0x11: {  	[smem:$0x3FB5] =	sst s9;
	s0 =	simm.s32 @!p0 $0x0  }
0x12: {  	s1 =	sld [smem:$0x3F9B];
	s0 =	simm.s32 @p0 $0x1  }
0x13: {  	[smem:$0x3FB6] =	sst s0;
	s0 =	simm.s32 @!p1 $0x0  }
0x14: {  	s2 =	sld [smem:$0x3F9A];
	s0 =	simm.s32 @p1 $0x1  }
0x15: {  	[smem:$0x3FB7] =	sst s0;
	s0 =	simm.s32 @!p2 $0x0  }
0x16: {  	s3 =	sld [smem:$0x3FDB];
	s0 =	simm.s32 @p2 $0x1  }
0x17: {  	s4 =	simm.s32 $0x1BF5;
	[smem:$0x3FB9] =	sst s0  }
0x18: {  	s0 =	sld [smem:$0x3F9C];
	_ =	swait.ge [sflag:s4], $0x0  }
0x19: {  	s7 =	sld [smem:$0x3F9D]  }
0x1a: {  	s8 =	sadd.s32 $0xFFFFE003, lr  }
0x1b: {  	s9 =	sadd.s32 $0xFFFFFEF7, lr;
	s5 =	simm.s32 $0xFFFFFFFF;
	p2 =	slt.u32 s8, $0xFFFFF086  }
0x1c: {  	p1 =	slt.u32 s9, $0xF7A;
	s5 =	simm.s32 @!p2 $0x0  }
0x1d: {  	s5 =	simm.s32 @p1 $0x1;
	p0 =	seq.s32 s7, s2  }
0x1e: {  	s7 =	smul.u32 @!p0 $0xF7A, s2;
	p2 =	seq.s32 @!p0 s5, $0x0  }
0x1f: {  	s9 =	smul.u32 $0xF7A, s1;
	s8 =	simm.s32 @!p0 $0x1BF5;
	p2 =	por !p2, p0  }
0x20: {  	[sflag:s8] =	ssyncset.s32 @!p0 $0xFFFFF086;
	s6 =	sadd.s32 @!p0 s3, s7;
	s7 =	simm.s32 @!p0 $0x108  }
0x21: {  	s3 =	sadd.s32 s3, s9;
	s6 =	sadd.s32 @!p0 $0x88, s6;
	s7 =	simm.s32 @p2 $0x1082  }
0x22: {  	[simem:s7], [sflag:s8] =	dma.local @!p0 [hbm:s6], $0xF7A  }
0x23: {  	s9 =	sor.u32 $0xD0000000, s2;
	s6 =	simm.s32 $0x108;
	_ =	swait.ge @!p0 [sflag:s8], $0x0  }
0x24: {  	s3 =	sadd.s32 $0x88, s3;
	s6 =	simm.s32 @!p1 $0x1082;
	[sflag:s4] =	ssyncset.s32 $0xFFFFF086  }
0x25: {  	[simem:s6], [sflag:s4] =	dma.local [hbm:s3], $0xF7A  }
0x26: {  	[smem:$0x3F9D] =	sst s1;
	(tag) =	ssettag s2;
	_ =	strace s9  }
0x27: {  	s1 =	sld [smem:$0x3FAD]  }
0x28: {  	s2 =	sld [smem:$0x3FAE]  }
0x29: {  	s4 =	sld [smem:$0x3FB0]  }
0x2a: {  	p0 =	seq.s32 s5, $0x0;
	s5 =	sld [smem:$0x3FB1]  }
0x2b: {  	s6 =	sld [smem:$0x3FB2]  }
0x2c: {  	s7 =	sld [smem:$0x3FB3]  }
0x2d: {  	s3 =	simm.s32 $0x108;
	s8 =	sld [smem:$0x3FB4]  }
0x2e: {  	s3 =	simm.s32 @!p0 $0x1082;
	s9 =	sld [smem:$0x3FB5]  }
0x2f: {  	lr =	sadd.s32 s0, s3;
	s0 =	sld [smem:$0x3FAC]  }
0x30: {  	s3 =	sld [smem:$0x3FAF]  }
0x31: {  	[smem:$0x3FB8] =	sst s10  }
0x32: {  	s10 =	sld [smem:$0x3FB6];
	_ =	sdelay $0x3  }
0x33: {  	p0 =	seq.s32 s10, $0x1;
	s10 =	sld [smem:$0x3FB8];
	_ =	sdelay $0x3  }
0x34: {  	[smem:$0x3FB8] =	sst s10  }
0x35: {  	s10 =	sld [smem:$0x3FB7];
	_ =	sdelay $0x3  }
0x36: {  	p1 =	seq.s32 s10, $0x1;
	s10 =	sld [smem:$0x3FB8];
	_ =	sdelay $0x3  }
0x37: {  	[smem:$0x3FB8] =	sst s10  }
0x38: {  	s10 =	sld [smem:$0x3FB9]  }
0x39: {  	_ = 	snop;
	(pc) =	sbr.ind lr, $3  }
0x3a: {  	_ = 	snop  }
0x3b: {  	_ = 	snop  }
0x3c: {  	p2 =	seq.s32 s10, $0x1;
	s10 =	sld [smem:$0x3FB8]  }
0x3d: {  	_ =	shalt  }
0x3e: {  	_ =	shalt  }
0x3f: {  	_ =	shalt  }
0x40: {  	_ =	shalt  }
0x41: {  	_ =	shalt  }
0x42: {  	_ =	shalt  }
0x43: {  	_ =	shalt  }
0x44: {  	_ =	shalt  }
0x45: {  	_ =	shalt  }
0x46: {  	_ =	shalt  }
0x47: {  	_ =	shalt  }
0x48: {  	_ =	shalt  }
0x49: {  	_ =	shalt  }
0x4a: {  	_ =	shalt  }
0x4b: {  	_ =	shalt  }
0x4c: {  	_ =	shalt  }
0x4d: {  	_ =	shalt  }
0x4e: {  	_ =	shalt  }
0x4f: {  	_ =	shalt  }
0x50: {  	_ =	shalt  }
0x51: {  	_ =	shalt  }
0x52: {  	_ =	shalt  }
0x53: {  	_ =	shalt  }
0x54: {  	_ =	shalt  }
0x55: {  	_ =	shalt  }
0x56: {  	_ =	shalt  }
0x57: {  	_ =	shalt  }
0x58: {  	_ =	shalt  }
0x59: {  	_ =	shalt  }
0x5a: {  	_ =	shalt  }
0x5b: {  	_ =	shalt  }
0x5c: {  	_ =	shalt  }
0x5d: {  	_ =	shalt  }
0x5e: {  	_ =	shalt  }
0x5f: {  	_ =	shalt  }
0x60: {  	_ =	shalt  }
0x61: {  	_ =	shalt  }
0x62: {  	_ =	shalt  }
0x63: {  	_ =	shalt  }
0x64: {  	_ =	shalt  }
0x65: {  	_ =	shalt  }
0x66: {  	_ =	shalt  }
0x67: {  	_ =	shalt  }
0x68: {  	_ =	shalt  }
0x69: {  	_ =	shalt  }
0x6a: {  	_ =	shalt  }
0x6b: {  	_ =	shalt  }
0x6c: {  	_ =	shalt  }
0x6d: {  	_ =	shalt  }
0x6e: {  	_ =	shalt  }
0x6f: {  	_ =	shalt  }
0x70: {  	_ =	shalt  }
0x71: {  	_ =	shalt  }
0x72: {  	_ =	shalt  }
0x73: {  	_ =	shalt  }
0x74: {  	_ =	shalt  }
0x75: {  	_ =	shalt  }
0x76: {  	_ =	shalt  }
0x77: {  	_ =	shalt  }
0x78: {  	_ =	shalt  }
0x79: {  	_ =	shalt  }
0x7a: {  	_ =	shalt  }
0x7b: {  	_ =	shalt  }
0x7c: {  	_ =	shalt  }
0x7d: {  	_ =	shalt  }
0x7e: {  	_ =	shalt  }
0x7f: {  	_ =	shalt  }
0x80: {  	_ =	shalt  }
0x81: {  	_ =	shalt  }
0x82: {  	_ =	shalt  }
0x83: {  	_ =	shalt  }
0x84: {  	_ =	shalt  }
0x85: {  	_ =	shalt  }
0x86: {  	_ =	shalt  }
0x87: {  	_ =	shalt  }
.Lfunc_end0:
.L_simem_size_0:
called_computation_lowered:
.L_overlay_start_0:
0x88: {  	s2 =	sld [smem:$0x3FD9]  }
0x89: {  	s3 =	sld [smem:$0x3FFE];
	_ =	sdelay $0x1  }
0x8a: {  	s1 =	srdreg.scid  }
0x8b: {  	s0 =	sand.u32 $0x1, s1  }
0x8c: {  	s18 =	sshll.u32 s0, $0xA;
	s2 =	sadd.s32 s3, s2  }
0x8d: {  	s2 =	sadd.s32 s2, s18  }
0x8e: {  	[smem:$0x3FC4] =	sst s2  }
0x8f: {  	_ = 	snop  }
0x90: {  	s2 =	sld [smem:$0x3FC9]  }
0x91: {  	s19 =	sld [smem:$0x3FC8]  }
0x92: {  	s4 =	sld [smem:$0x3FC7]  }
0x93: {  	s5 =	sld [smem:$0x3FC6]  }
0x94: {  	s6 =	sld [smem:$0x3FD0];
	(tm) =	ssettm $0x1  }
0x95: {  	s7 =	sld [smem:$0x3FFB];
	_ =	sdelay $0x3  }
0x96: {  	_ =	strace s7  }
0x97: {  	s7 =	sld [smem:$0x3FFC];
	_ =	sdelay $0x3  }
0x98: {  	_ =	strace s7  }
0x99: {  	s7 =	sld [smem:$0x3FFD];
	_ =	sdelay $0x3  }
0x9a: {  	_ =	strace s7  }
0x9b: {  	_ =	strace $0x8FFFFFFF  }
0x9c: {  	s20 =	sld [smem:$0x3FDB];
	_ =	sdelay $0x1  }
0x9d: {  	s8 =	simm.s32 $_scs_section_size  }
0x9e: {  	s9 =	simm.s32 $_size__tile_overlayer_lowered;
	s10 =	simm.s32 $_tile_overlayer_lowered  }
0x9f: {  	s23 =	simm.s32 $0x1BFF;
	s22 =	sshll.u32 s10, $0x1;
	s7 =	sadd.s32 s8, s20  }
0xa0: {  	s11 =	simm.s32 $0x0;
	s21 =	sshll.u32 s9, $0x1;
	s9 =	sadd.s32 s22, s7  }
0xa1: {  	[timem:s11], [sflag:s23] =	dma.local [hbm:s9], s21  }
0xa2: {  	_ =	swait.ge [sflag:s23], s21  }
0xa3: {  	s8 =	ssub.s32 $0x0, s21;
	[sflag:s23] =	ssyncset.done $0x0  }
0xa4: {  	[sflag:s23] =	ssyncadd.s32 s8;
	_ =	sdelay $0x1  }
0xa5: {  	s24 =	simm.s32 $0x1B8B  }
0xa6: {  	_ =	swait.ge [sflag:s24], $0x1  }
0xa7: {  	[sflag:s24] =	ssyncset.done $0x0  }
0xa8: {  	s25 =	simm.s32 $0x1B8E;
	[sflag:s24] =	ssyncadd.s32 $0xFFFFFFFF  }
0xa9: {  	s26 =	simm.s32 $execute0_lowered;
	[smem:$0x3FD2] =	sst s25  }
0xaa: {  	s8 =	sshll.u32 s26, $0x1;
	_ =	strace $0x80000046;
	[dreg:$0x1] =	wrdreg $0xFFFFFFFF  }
0xab: {  	s28 =	simm.s32 $_size_execute0_lowered;
	s7 =	sadd.s32 s7, s8;
	[dreg:$0x0] =	wrdreg $0x0  }
0xac: {  	s8 =	sshll.u32 s28, $0x1;
	[dreg:$0x2] =	wrdreg s7  }
0xad: {  	[dreg:$0x3] =	wrdreg s8  }
0xae: {  	[dreg:$0x4] =	wrdreg $0xC0  }
0xaf: {  	_ =	task [dreg:s11], $0x5FFFF  }
0xb0: {  	[dreg:$0x1] =	wrdreg $0xFFFFFFFF  }
0xb1: {  	[dreg:$0x0] =	wrdreg $0x60  }
0xb2: {  	[dreg:$0x2] =	wrdreg s2  }
0xb3: {  	[dreg:$0x3] =	wrdreg s19  }
0xb4: {  	[dreg:$0x4] =	wrdreg s4  }
0xb5: {  	[dreg:$0x5] =	wrdreg s5  }
0xb6: {  	[dreg:$0x6] =	wrdreg s6  }
0xb7: {  	[dreg:$0x7] =	wrdreg $0x9  }
0xb8: {  	_ =	task.clear_ibuf [dreg:s11], $0x8FFFF;
	_ =	strace $0x90000046  }
0xb9: {  	s29 =	simm.s32 $0x9;
	_ =	strace $0x80000048  }
0xba: {  	_ =	swait.ge [sflag:s29], $0x1  }
0xbb: {  	[sflag:s29] =	ssyncadd.s32 $0xFFFFFFFF  }
0xbc: {  	_ =	strace $0x90000048  }
0xbd: {  	_ =	sfence  }
0xbe: {  	s30 =	sld [smem:$0x0];
	_ =	sdelay $0x2  }
0xbf: {  	s31 =	sshll.u32 s1, $0xD;
	s1 =	sshrl.u32 s1, $0x2  }
0xc0: {  	s3 =	sand.u32 $0x4000, s31;
	s1 =	sadd.s32 s1, s30  }
0xc1: {  	s0 =	sor.u32 s3, s0;
	s1 =	sshll.u32 s1, $0x11  }
0xc2: {  	s0 =	sor.u32 s1, s0  }
0xc3: {  	s0 =	sadd.s32 $0x8F2B, s0  }
0xc4: {  	[sflag:s0] =	ssyncadd.remote.s32 $0x1  }
0xc5: {  	_ =	sfence.sel $0xFFFF  }
0xc6: {  	[dreg:$0x0] =	wrdreg $0xFFFFFFFF;
	(pc) =	sbr.abs _section_cstart, $3  }
0xc7: {  	[dreg:$0x1] =	wrdreg $0xFFFFFFFF  }
0xc8: {  	_ =	task.clear_ibuf [dreg:s11], $0x2FFFF;
	_ =	strace $0x9FFFFFFF  }
0xc9: {  	(tm) =	ssettm $0x7FFFFFFF  }
tec
execute0_lowered:
.L_overlay_start_1:
0x0: {  	(tag) =	ssettag $0x1  }
0x1: {  	s1 =	rddreg [dreg:$0x0]  }
0x2: {  	s2 =	rddreg [dreg:$0x1]  }
0x3: {  	s6 =	rddreg [dreg:$0x4]  }
0x4: {  	s0 =	srdreg.scid;
	s10 =	stileid.u32  }
0x5: {  	s7 =	simm.s32 $0x0;
	s17 =	simm.s32 $0x5;
	s18 =	simm.s32 $0x100  }
0x6: {  	s22 =	simm.s32 $0xE100;
	s23 =	simm.s32 $0x1;
	s24 =	simm.s32 $0x6100  }
0x7: {  	s25 =	simm.s32 $0x2;
	s26 =	simm.s32 $0x10100;
	s31 =	simm.s32 $0x0  }
0x8: {  	s0 =	sand.u32 $0x1, s0;
	s4 =	sshll.u32 s10, $0x1;
	[smem:$0x7FF] =	sst s7  }
0x9: {  	s10 =	sshll.u32 s10, $0x14;
	s3 =	ssub.s32 $0x2, s0;
	s4 =	sor.u32 s0, s4  }
0xa: {  	_ =	strace $0x80000047;
	s0 =	sshll.u32 s0, $0x13;
	s5 =	sshrl.u32 s3, $0x1  }
0xb: {  	s29 =	sshll.u32 s4, $0x10;
	s8 =	sshll.u32 s4, $0x13;
	s9 =	sshll.u32 s4, $0x12  }
0xc: {  	s30 =	sshll.u32 s4, $0xF;
	s3 =	ssub.s32 s3, s5;
	s11 =	sadd.s32 s1, s29  }
.Ltmp0:
0xd: {  	s5 =	sadd.s32 s2, s30;
	[dreg:$0x6] =	wrdreg s11;
	(pc) =	sbr.rel .LBB2_1-.Ltmp0, $4  }
0xe: {  	s0 =	sor.u32 s0, s10;
	s11 =	sadd.s32 $0x800, s11;
	[dreg:$0x7] =	wrdreg s5  }
0xf: {  	s0 =	sshrl.u32 s0, $0x3;
	s5 =	sadd.s32 $0x400, s5;
	[dreg:$0x8] =	wrdreg s11  }
0x10: {  	s3 =	smax.u32 s3, $0x1;
	s15 =	sadd.s32 s0, s6;
	[dreg:$0x9] =	wrdreg s5  }
0x11: {  	v0 =	vmov s4;
	s16 =	sadd.s32 s0, s1;
	[dreg:$0xa] =	wrdreg s3;
	s11 =	simm.s32 $0x0  }
.LBB2_12:
0x12: {  	s0 =	simm.s32 $0x3  }
0x13: {  	_ =	swait.ge [sflag:s0], $0x4000  }
0x14: {  	[sflag:s0] =	ssyncset.done $0x0  }
0x15: {  	s30 =	simm.s32 $0x4;
	[sflag:s0] =	ssyncadd.s32 $0xFFFFC000  }
0x16: {  	_ =	swait.ge [sflag:s30], $0x4000  }
0x17: {  	[sflag:s30] =	ssyncset.done $0x0  }
0x18: {  	s11 =	rddreg [dreg:$0xb];
	[sflag:s30] =	ssyncadd.s32 $0xFFFFC000  }
.LBB2_13:
0x19: {  	s11 =	sadd.s32 $0x1, s11;
	s0 =	rddreg [dreg:$0xa]  }
0x1a: {  	p0 =	sne.s32 s11, s0  }
.Ltmp1:
0x1b: {  	_ = 	snop;
	(pc) =	sbr.rel @!p0 .LBB2_14-.Ltmp1, $1  }
0x1c: {  	_ =	sdelay $0x3  }
.LBB2_1:
0x1d: {  	s0 =	rddreg [dreg:$0x2]  }
0x1e: {  	[tilespmem:s7], [sflag:$0x5] =	stream.linear.gather [hbm4b:s0+s7], $0x80, $0x38;
	[tilespmem:$0x14100] =	vst v63  }
0x1f: {  	_ =	swait.ge [sflag:s17], $0x80  }
0x20: {  	[sflag:s17] =	ssyncset.done $0x0  }
0x21: {  	[sflag:s17] =	ssyncadd.s32 $0xFFFFFF80  }
0x22: {  	v1 =	vld.idx.msk [tilespmem:v0+s7+$0x0], $0xffff;
	_ =	sdelay $0x4  }
0x23: {  	(v2sf) =	vpush v1, $0x0;
	_ =	sdelay $0xe  }
0x24: {  	s0 =	spop (v2sf)  }
0x25: {  	p0 =	sne.s32 s0, $0x0  }
.Ltmp2:
0x26: {  	_ = 	snop;
	(pc) =	sbr.rel @!p0 .LBB2_2-.Ltmp2, $1  }
0x27: {  	_ =	sdelay $0x3  }
0x28: {  	s0 =	sshll.u32 s0, $0x1  }
0x29: {  	s3 =	rddreg [dreg:$0x3];
	s0 =	sand.u32 $0x1FFFFFFE, s0  }
0x2a: {  	[dreg:$0xb] =	wrdreg s11;
	s10 =	simm.s32 $0x80;
	s0 =	sadd.s32 s3, s0  }
0x2b: {  	[tilespmem:s10], [sflag:$0x5] =	stream.linear.gather [hbm4b:s0+s31], $0x10, $0x38;
	[tilespmem:$0x14100] =	vst v63  }
0x2c: {  	_ =	swait.ge [sflag:s17], $0x10  }
0x2d: {  	[sflag:s17] =	ssyncset.done $0x0  }
0x2e: {  	[sflag:s17] =	ssyncadd.s32 $0xFFFFFFF0  }
0x2f: {  	v1 =	vld [tilespmem:$0x80];
	_ =	sdelay $0x4  }
0x30: {  	(v2sf) =	vpush v1, $0x4  }
0x31: {  	(v2sf) =	vpush v1, $0x6  }
0x32: {  	(v2sf) =	vpush v1, $0x0  }
0x33: {  	(v2sf) =	vpush v1, $0x1  }
0x34: {  	(v2sf) =	vpush v1, $0x2;
	_ =	sdelay $0x3  }
0x35: {  	(v2sf) =	vpush v1, $0x3;
	_ =	sdelay $0x6  }
0x36: {  	s11 =	spop (v2sf)  }
0x37: {  	s12 =	spop (v2sf)  }
0x38: {  	s4 =	spop (v2sf)  }
0x39: {  	s5 =	spop (v2sf);
	s4 =	sadd.f32 $9.999999970e-07, s4  }
0x3a: {  	s10 =	spop (v2sf);
	s5 =	sadd.f32 $9.999999970e-07, s5  }
0x3b: {  	v1 =	vmov s4;
	s13 =	sadd.f32 $9.999999970e-07, s10  }
0x3c: {  	v2 =	vmov s5;
	v1 =	vbroadcast v1, $0x0  }
0x3d: {  	v2 =	vbroadcast v2, $0x0;
	v3 =	vmov s13  }
0x3e: {  	s14 =	spop (v2sf);
	v4 =	vand.u32 $0x7FFFFF, v1;
	v3 =	vbroadcast v3, $0x0  }
0x3f: {  	s4 =	sadd.f32 $9.999999970e-07, s14;
	v4 =	vor.u32 $0x3F800000, v4;
	v5 =	vand.u32 $0x7FFFFF, v2  }
0x40: {  	v6 =	vadd.f32 $1.000000000e+00, v4;
	v5 =	vor.u32 $0x3F800000, v5;
	v7 =	vand.u32 $0x7FFFFF, v3  }
0x41: {  	v8 =	vmov s4;
	v9 =	vadd.f32 $1.000000000e+00, v5;
	v7 =	vor.u32 $0x3F800000, v7  }
0x42: {  	v8 =	vbroadcast v8, $0x0;
	(erf) = vrcp.f32 v6;
	v6 =	vadd.f32 $1.000000000e+00, v7  }
0x43: {  	(erf) = vrcp.f32 v9  }
0x44: {  	(erf) = vrcp.f32 v6;
	v6 =	vand.u32 $0x7FFFFF, v8  }
0x45: {  	v6 =	vor.u32 $0x3F800000, v6  }
0x46: {  	v58 =	vadd.f32 $1.000000000e+00, v6;
	_ =	sdelay $0x1  }
0x47: {  	(erf) = vrcp.f32 v58;
	_ =	sdelay $0x3  }
0x48: {  	v1 =	vshra.s32 v1, $0x17  }
0x49: {  	v1 =	vadd.s32 $0xFFFFFF81, v1  }
0x4a: {  	v2 =	vshra.s32 v2, $0x17;
	v4 =	vadd.f32 $-1.000000000e+00, v4;
	v1 =	vcvt.s32.f32 v1;
	v59 =	vpop (erf)  }
0x4b: {  	v2 =	vadd.s32 $0xFFFFFF81, v2;
	v5 =	vadd.f32 $-1.000000000e+00, v5;
	v7 =	vadd.f32 $-1.000000000e+00, v7;
	v10 =	vpop (erf)  }
0x4c: {  	v2 =	vcvt.s32.f32 v2;
	v6 =	vadd.f32 $-1.000000000e+00, v6;
	v4 =	vmul.f32 v59, v4;
	v11 =	vpop (erf)  }
0x4d: {  	v5 =	vmul.f32 v10, v5;
	v7 =	vmul.f32 v11, v7;
	v14 =	vpop (erf)  }
0x4e: {  	v9 =	vmul.f32 v4, v4;
	v6 =	vmul.f32 v14, v6  }
0x4f: {  	v3 =	vshra.s32 v3, $0x17;
	v10 =	vmul.f32 v5, v5;
	v11 =	vmul.f32 v7, v7  }
0x50: {  	v3 =	vadd.s32 $0xFFFFFF81, v3;
	v12 =	vmul.f32 $4.000000060e-01, v9;
	v61 =	vmul.f32 v6, v6  }
0x51: {  	v3 =	vcvt.s32.f32 v3;
	v13 =	vmul.f32 $4.000000060e-01, v10  }
0x52: {  	v15 =	vmul.f32 $4.000000060e-01, v11;
	v12 =	vadd.f32 $6.666666860e-01, v12;
	v62 =	vmul.f32 $4.000000060e-01, v61  }
0x53: {  	v1 =	vmul.f32 $6.931471820e-01, v1;
	v8 =	vshra.s32 v8, $0x17;
	v13 =	vadd.f32 $6.666666860e-01, v13  }
0x54: {  	s19 =	rddreg [dreg:$0x6];
	v60 =	vadd.f32 $6.666666860e-01, v15;
	v9 =	vmul.f32 v12, v9;
	v12 =	vadd.f32 $6.666666860e-01, v62  }
0x55: {  	s20 =	rddreg [dreg:$0x7];
	v2 =	vmul.f32 $6.931471820e-01, v2;
	v8 =	vadd.s32 $0xFFFFFF81, v8;
	v10 =	vmul.f32 v13, v10  }
0x56: {  	[tilespmem:s18], [sflag:$0x1] =	stream.linear.gather [hbm4b:s19+s31], $0x4000, $0x38;
	v11 =	vmul.f32 v60, v11;
	v9 =	vadd.f32 $2.000000000e+00, v9;
	v63 =	vmul.f32 v12, v61;
	[tilespmem:$0x14100] =	vst v63  }
0x57: {  	s21 =	simm.s32 $0x4100;
	s28 =	rddreg [dreg:$0x8];
	v3 =	vmul.f32 $6.931471820e-01, v3;
	v8 =	vcvt.s32.f32 v8;
	v10 =	vadd.f32 $2.000000000e+00, v10  }
0x58: {  	[tilespmem:s21], [sflag:$0x1] =	stream.linear.gather [hbm4b:s20+s31], $0x2000, $0x38;
	v11 =	vadd.f32 $2.000000000e+00, v11;
	v4 =	vmul.f32 v9, v4;
	v9 =	vadd.f32 $2.000000000e+00, v63;
	[tilespmem:$0x14100] =	vst v63  }
0x59: {  	s29 =	simm.s32 $0xA100;
	s30 =	rddreg [dreg:$0x9];
	v8 =	vmul.f32 $6.931471820e-01, v8;
	v5 =	vmul.f32 v10, v5  }
0x5a: {  	[tilespmem:s29], [sflag:$0x2] =	stream.linear.gather [hbm4b:s28+s31], $0x4000, $0x38;
	v7 =	vmul.f32 v11, v7;
	v6 =	vmul.f32 v9, v6;
	[tilespmem:$0x14100] =	vst v63  }
0x5b: {  	s3 =	ssub.f32 s11, s12;
	v4 =	vadd.f32 v4, v1;
	v5 =	vadd.f32 v5, v2  }
0x5c: {  	s0 =	sadd.f32 $9.999999970e-07, s12;
	v7 =	vadd.f32 v7, v3;
	v6 =	vadd.f32 v6, v8  }
0x5d: {  	[tilespmem:s22], [sflag:$0x2] =	stream.linear.gather [hbm4b:s30+s31], $0x2000, $0x38;
	v1 =	vmov s3;
	v2 =	vadd.f32 $-8.802969360e+01, v4;
	v3 =	vadd.f32 $-8.802969360e+01, v5;
	[tilespmem:$0x14100] =	vst v63  }
0x5e: {  	v4 =	vmov s0;
	s0 =	simm.s32 $0x0;
	v5 =	vadd.f32 $-8.802969360e+01, v7;
	v6 =	vadd.f32 $-8.802969360e+01, v6  }
.LBB2_6:
0x5f: {  	_ =	swait.ge [sflag:s23], $0x4000  }
0x60: {  	[sflag:s23] =	ssyncset.done $0x0  }
0x61: {  	[sflag:s23] =	ssyncadd.s32 $0xFFFFC000  }
0x62: {  	_ =	swait.ge [sflag:s23], $0x2000  }
0x63: {  	p0 =	seq.s32 s0, $0x0;
	s3 =	simm.s32 $0x0;
	[sflag:s23] =	ssyncset.done $0x0  }
0x64: {  	s4 =	simm.s32 @!p0 $0x3;
	s10 =	sand.u32 $0x2, s3;
	[sflag:s23] =	ssyncadd.s32 $0xFFFFE000  }
0x65: {  	s5 =	simm.s32 $0x0;
	s3 =	sor.u32 $0x1, s10;
	_ =	swait.ge @!p0 [sflag:s4], $0x4000  }
0x66: {  	s5 =	sand.u32 $0xFFFFFC00, s5;
	s11 =	sshll.u32 s3, $0x8;
	[sflag:s4] =	ssyncset.done @!p0 $0x0  }
0x67: {  	s30 =	sor.u32 s5, s11;
	[sflag:s4] =	ssyncadd.s32 @!p0 $0xFFFFC000  }
0x68: {  	s14 =	sshll.u32 s10, $0x8;
	v7 =	vld [tilespmem:s30+$0x100]  }
0x69: {  	s5 =	sor.u32 s14, s5;
	v8 =	vld [tilespmem:s30+$0x180]  }
0x6a: {  	v9 =	vld [tilespmem:s5+$0x100]  }
0x6b: {  	v10 =	vld [tilespmem:s5+$0x180]  }
0x6c: {  	v11 =	vld [tilespmem:s5+$0x110]  }
0x6d: {  	v12 =	vld [tilespmem:s5+$0x190]  }
0x6e: {  	v13 =	vld [tilespmem:s5+$0x1A0]  }
0x6f: {  	v14 =	vld [tilespmem:s5+$0x1B0];
	v7 =	vsub.f32 v8, v7  }
0x70: {  	v8 =	vld [tilespmem:s5+$0x120]  }
0x71: {  	v9 =	vsub.f32 v10, v9;
	v10 =	vld [tilespmem:s5+$0x130];
	v7 =	vmul.f32 $1.442695020e+00, v7;
	_ =	sdelay $0x1  }
0x72: {  	v15 =	vld [tilespmem:s5+$0x1F0];
	(erf) = vpow2.f32 v7;
	v7 =	vmul.f32 $1.442695020e+00, v9;
	v9 =	vsub.f32 v12, v11  }
0x73: {  	v11 =	vld [tilespmem:s30+$0x110]  }
0x74: {  	v12 =	vld [tilespmem:s30+$0x190];
	v8 =	vsub.f32 v13, v8;
	v9 =	vmul.f32 $1.442695020e+00, v9;
	(erf) = vpow2.f32 v7  }
0x75: {  	v13 =	vld [tilespmem:s5+$0x1C0];
	v10 =	vsub.f32 v14, v10  }
0x76: {  	v7 =	vld [tilespmem:s5+$0x140];
	v8 =	vmul.f32 $1.442695020e+00, v8;
	(erf) = vpow2.f32 v9  }
0x77: {  	v14 =	vld [tilespmem:s5+$0x1D0];
	v10 =	vmul.f32 $1.442695020e+00, v10  }
0x78: {  	v9 =	vld [tilespmem:s5+$0x150];
	(erf) = vpow2.f32 v8  }
0x79: {  	v8 =	vsub.f32 v12, v11;
	v11 =	vld [tilespmem:s5+$0x160]  }
0x7a: {  	v12 =	vld [tilespmem:s5+$0x1E0]  }
0x7b: {  	(erf) = vpow2.f32 v10;
	v8 =	vmul.f32 $1.442695020e+00, v8;
	v7 =	vsub.f32 v13, v7;
	v13 =	vld [tilespmem:s5+$0x170];
	v10 =	vpop (erf)  }
0x7c: {  	v10 =	vadd.f32 $1.000000000e+00, v10  }
0x7d: {  	(erf) = vpow2.f32 v8;
	v7 =	vmul.f32 $1.442695020e+00, v7;
	v8 =	vsub.f32 v14, v9;
	v9 =	vpop (erf)  }
0x7e: {  	(erf) = vrcp.f32 v10;
	v9 =	vadd.f32 $1.000000000e+00, v9  }
0x7f: {  	v8 =	vmul.f32 $1.442695020e+00, v8;
	v10 =	vsub.f32 v12, v11;
	v11 =	vpop (erf);
	(erf) = vpow2.f32 v7  }
0x80: {  	v12 =	vsub.f32 v15, v13;
	v7 =	vld [tilespmem:s30+$0x120];
	(erf) = vrcp.f32 v9  }
0x81: {  	s19 =	sand.u32 $0x1000, s31;
	v11 =	vadd.f32 $1.000000000e+00, v11;
	v9 =	vld [tilespmem:s30+$0x1A0];
	v13 =	vpop (erf);
	(erf) = vpow2.f32 v8  }
0x82: {  	s12 =	simm.s32 $0x0;
	s3 =	sshll.u32 s3, $0xA;
	s11 =	sor.u32 $0x4100, s19;
	v10 =	vmul.f32 $1.442695020e+00, v10;
	v8 =	vadd.f32 $1.000000000e+00, v13  }
0x83: {  	s12 =	sand.u32 $0x380, s12;
	s3 =	sor.u32 s3, s11;
	(erf) = vrcp.f32 v11  }
0x84: {  	s3 =	sadd.s32 s12, s3;
	v11 =	vmul.f32 $1.442695020e+00, v12;
	v12 =	vpop (erf);
	(erf) = vpow2.f32 v10  }
0x85: {  	v13 =	vld [tilespmem:s3+$0x0];
	v10 =	vadd.f32 $1.000000000e+00, v12;
	(erf) = vrcp.f32 v8  }
0x86: {  	v12 =	vld [tilespmem:s30+$0x1B0];
	(erf) = vpow2.f32 v11;
	v7 =	vsub.f32 v9, v7;
	v8 =	vpop (erf)  }
0x87: {  	(erf) = vrcp.f32 v10;
	v8 =	vadd.f32 $1.000000000e+00, v8;
	v10 =	vld [tilespmem:s30+$0x130];
	v9 =	vpop (erf)  }
0x88: {  	v7 =	vmul.f32 $1.442695020e+00, v7;
	v9 =	vmul.f32 v9, v1;
	v11 =	vpop (erf)  }
0x89: {  	(erf) = vrcp.f32 v8;
	v8 =	vadd.f32 $1.000000000e+00, v11;
	v11 =	vpop (erf)  }
0x8a: {  	(erf) = vpow2.f32 v7;
	v9 =	vadd.f32 v9, v4;
	v7 =	vmul.f32 v11, v1;
	v11 =	vpop (erf)  }
0x8b: {  	vm0 =	veq.s32 v13, $0x0;
	v11 =	vadd.f32 $1.000000000e+00, v11  }
0x8c: {  	v14 =	vpop (erf);
	(erf) = vrcp.f32 v8;
	v10 =	vsub.f32 v12, v10;
	v15 =	vsub.f32 $1.000002030e+00, v9  }
0x8d: {  	v16 =	vadd.f32 v7, v4;
	v14 =	vmul.f32 v14, v1;
	v8 =	vand.u32 $0x7FFFFF, v9  }
0x8e: {  	v9 =	vcvt.s32.f32 v9;
	v17 =	vcvt.s32.f32 v8;
	v8 =	vand.u32 $0x7FFFFF, v15  }
0x8f: {  	v20 =	vsel vm0, v2, v5;
	(erf) = vrcp.f32 v11;
	v19 =	vcvt.s32.f32 v8  }
0x90: {  	v10 =	vmul.f32 $1.442695020e+00, v10;
	v7 =	vpop (erf);
	v18 =	vand.u32 $0x7FFFFF, v16;
	v17 =	vmul.f32 $1.192092900e-07, v17  }
0x91: {  	v13 =	vsub.f32 $1.000002030e+00, v16;
	v9 =	vmul.f32 $8.262958320e-08, v9;
	v12 =	vpop (erf);
	v19 =	vmul.f32 $1.192092900e-07, v19  }
0x92: {  	(erf) = vpow2.f32 v10;
	v10 =	vcvt.s32.f32 v15;
	v8 =	vpop (erf);
	v21 =	vsub.f32 $1.000000000e+00, v17  }
0x93: {  	v16 =	vcvt.s32.f32 v16;
	v18 =	vcvt.s32.f32 v18;
	v11 =	vpop (erf);
	v15 =	vsub.f32 $1.000000000e+00, v19  }
0x94: {  	v9 =	vadd.f32 v9, v20;
	v10 =	vmul.f32 $8.262958320e-08, v10;
	v22 =	vpop (erf);
	v17 =	vmul.f32 v21, v17  }
0x95: {  	v24 =	vld [tilespmem:s30+$0x1C0];
	v20 =	vand.u32 $0x7FFFFF, v13;
	v22 =	vmul.f32 v22, v1;
	v23 =	vpop (erf);
	v15 =	vmul.f32 v15, v19  }
0x96: {  	v21 =	vadd.f32 $1.000000000e+00, v23;
	v23 =	vld [tilespmem:s30+$0x140];
	v19 =	vsel vm0, v3, v6;
	v17 =	vmul.f32 $2.402448060e-01, v17  }
0x97: {  	v10 =	vadd.f32 v10, v19;
	v19 =	vadd.f32 v22, v4;
	v15 =	vmul.f32 $2.402448060e-01, v15  }
0x98: {  	v13 =	vcvt.s32.f32 v13;
	(erf) = vrcp.f32 v21;
	v9 =	vadd.f32 v17, v9  }
0x99: {  	v17 =	vcvt.s32.f32 v20;
	v20 =	vsub.f32 $1.000002030e+00, v19;
	v15 =	vadd.f32 v15, v10  }
0x9a: {  	v16 =	vmul.f32 $8.262958320e-08, v16;
	v12 =	vmul.f32 v12, v1;
	v21 =	vand.u32 $0x7FFFFF, v19;
	[tilespmem:s30+$0x6100] =	vst v9  }
0x9b: {  	v10 =	vpop (erf);
	v22 =	vsub.f32 v24, v23;
	[tilespmem:s30+$0x6180] =	vst v15;
	v15 =	vcvt.s32.f32 v21;
	v21 =	vand.u32 $0x7FFFFF, v20  }
0x9c: {  	v18 =	vmul.f32 $1.192092900e-07, v18;
	v9 =	vpop (erf);
	v24 =	vld [tilespmem:s3+$0x10];
	v21 =	vcvt.s32.f32 v21  }
0x9d: {  	v14 =	vadd.f32 v14, v4;
	v23 =	vpop (erf);
	v22 =	vmul.f32 $1.442695020e+00, v22;
	v15 =	vmul.f32 $1.192092900e-07, v15  }
0x9e: {  	v19 =	vcvt.s32.f32 v19;
	v23 =	vadd.f32 $1.000000000e+00, v23;
	v21 =	vmul.f32 $1.192092900e-07, v21  }
0x9f: {  	v20 =	vcvt.s32.f32 v20;
	(erf) = vpow2.f32 v22;
	v22 =	vsub.f32 $1.000000000e+00, v15  }
0xa0: {  	v19 =	vmul.f32 $8.262958320e-08, v19;
	(erf) = vrcp.f32 v23;
	v23 =	vsub.f32 $1.000000000e+00, v21  }
0xa1: {  	v20 =	vmul.f32 $8.262958320e-08, v20;
	v26 =	vpop (erf);
	v15 =	vmul.f32 v22, v15;
	vm0 =	veq.s32 v24, $0x0  }
0xa2: {  	v26 =	vmul.f32 v26, v1;
	v22 =	vld [tilespmem:s30+$0x150];
	v21 =	vmul.f32 v23, v21;
	v23 =	vsel vm0, v2, v5  }
0xa3: {  	v24 =	vld [tilespmem:s30+$0x1D0];
	v19 =	vadd.f32 v19, v23;
	v15 =	vmul.f32 $2.402448060e-01, v15;
	v23 =	vsel vm0, v3, v6  }
0xa4: {  	v20 =	vadd.f32 v20, v23;
	v21 =	vmul.f32 $2.402448060e-01, v21;
	v23 =	vadd.f32 v26, v4  }
0xa5: {  	v13 =	vmul.f32 $8.262958320e-08, v13;
	v17 =	vmul.f32 $1.192092900e-07, v17;
	v15 =	vadd.f32 v15, v19  }
0xa6: {  	v11 =	vmul.f32 v11, v1;
	v19 =	vadd.f32 v21, v20;
	v20 =	vsub.f32 $1.000002030e+00, v23  }
0xa7: {  	v25 =	vsub.f32 $1.000000000e+00, v17;
	v10 =	vmul.f32 v10, v1;
	[tilespmem:s30+$0x6110] =	vst v15;
	v15 =	vand.u32 $0x7FFFFF, v23  }
0xa8: {  	v21 =	vsub.f32 v24, v22;
	[tilespmem:s30+$0x6190] =	vst v19;
	v15 =	vcvt.s32.f32 v15;
	v19 =	vand.u32 $0x7FFFFF, v20  }
0xa9: {  	v7 =	vadd.f32 $1.000000000e+00, v7;
	v17 =	vmul.f32 v25, v17;
	v24 =	vld [tilespmem:s3+$0x20];
	v19 =	vcvt.s32.f32 v19  }
0xaa: {  	v8 =	vadd.f32 $1.000000000e+00, v8;
	v22 =	vpop (erf);
	v21 =	vmul.f32 $1.442695020e+00, v21;
	v15 =	vmul.f32 $1.192092900e-07, v15  }
0xab: {  	s10 =	sshll.u32 s10, $0xA;
	v23 =	vcvt.s32.f32 v23;
	v22 =	vadd.f32 $1.000000000e+00, v22;
	v19 =	vmul.f32 $1.192092900e-07, v19  }
0xac: {  	s10 =	sor.u32 s10, s11;
	v20 =	vcvt.s32.f32 v20;
	(erf) = vpow2.f32 v21;
	v25 =	vsub.f32 $1.000000000e+00, v15  }
0xad: {  	s10 =	sadd.s32 s12, s10;
	v23 =	vmul.f32 $8.262958320e-08, v23;
	(erf) = vrcp.f32 v22;
	v22 =	vsub.f32 $1.000000000e+00, v19  }
0xae: {  	v27 =	vld [tilespmem:s10+$0x0];
	v20 =	vmul.f32 $8.262958320e-08, v20;
	v21 =	vpop (erf);
	v15 =	vmul.f32 v25, v15;
	vm1 =	veq.s32 v24, $0x0  }
0xaf: {  	v21 =	vmul.f32 v21, v1;
	v24 =	vld [tilespmem:s30+$0x160];
	v19 =	vmul.f32 v22, v19;
	v22 =	vsel vm1, v2, v5  }
0xb0: {  	v25 =	vld [tilespmem:s30+$0x1E0];
	v22 =	vadd.f32 v23, v22;
	v15 =	vmul.f32 $2.402448060e-01, v15;
	v23 =	vsel vm1, v3, v6  }
0xb1: {  	v21 =	vadd.f32 v21, v4;
	v20 =	vadd.f32 v20, v23;
	v19 =	vmul.f32 $2.402448060e-01, v19  }
0xb2: {  	v17 =	vmul.f32 $2.402448060e-01, v17;
	v26 =	vsub.f32 $1.000000000e+00, v18;
	v15 =	vadd.f32 v15, v22  }
0xb3: {  	vm0 =	veq.s32 v27, $0x0;
	v19 =	vadd.f32 v19, v20;
	v20 =	vsub.f32 $1.000002030e+00, v21  }
0xb4: {  	v18 =	vmul.f32 v26, v18;
	v26 =	vsel vm0, v3, v6;
	[tilespmem:s30+$0x6120] =	vst v15;
	v15 =	vand.u32 $0x7FFFFF, v21  }
0xb5: {  	v22 =	vsub.f32 v25, v24;
	[tilespmem:s30+$0x61A0] =	vst v19;
	v15 =	vcvt.s32.f32 v15;
	v19 =	vand.u32 $0x7FFFFF, v20  }
0xb6: {  	v13 =	vadd.f32 v13, v26;
	v23 =	vsel vm0, v2, v5;
	v26 =	vld [tilespmem:s3+$0x30];
	v19 =	vcvt.s32.f32 v19  }
0xb7: {  	v16 =	vadd.f32 v16, v23;
	v25 =	vpop (erf);
	v22 =	vmul.f32 $1.442695020e+00, v22;
	v15 =	vmul.f32 $1.192092900e-07, v15  }
0xb8: {  	v23 =	vadd.f32 $1.000000000e+00, v25;
	v21 =	vcvt.s32.f32 v21;
	v19 =	vmul.f32 $1.192092900e-07, v19  }
0xb9: {  	v20 =	vcvt.s32.f32 v20;
	(erf) = vpow2.f32 v22;
	v27 =	vsub.f32 $1.000000000e+00, v15  }
0xba: {  	v21 =	vmul.f32 $8.262958320e-08, v21;
	(erf) = vrcp.f32 v23;
	v23 =	vsub.f32 $1.000000000e+00, v19  }
0xbb: {  	v20 =	vmul.f32 $8.262958320e-08, v20;
	v22 =	vpop (erf);
	v15 =	vmul.f32 v27, v15;
	vm0 =	veq.s32 v26, $0x0;
	v26 =	vld [tilespmem:s30+$0x170]  }
0xbc: {  	v22 =	vmul.f32 v22, v1;
	v27 =	vld [tilespmem:s30+$0x1F0];
	v19 =	vmul.f32 v23, v19;
	v23 =	vsel vm0, v2, v5  }
0xbd: {  	v21 =	vadd.f32 v21, v23;
	v15 =	vmul.f32 $2.402448060e-01, v15;
	v23 =	vsel vm0, v3, v6  }
0xbe: {  	v22 =	vadd.f32 v22, v4;
	v20 =	vadd.f32 v20, v23;
	v19 =	vmul.f32 $2.402448060e-01, v19  }
0xbf: {  	v18 =	vmul.f32 $2.402448060e-01, v18;
	v13 =	vadd.f32 v17, v13;
	v15 =	vadd.f32 v15, v21  }
0xc0: {  	v24 =	vand.u32 $0x7FFFFF, v14;
	v19 =	vadd.f32 v19, v20;
	v20 =	vsub.f32 $1.000002030e+00, v22  }
0xc1: {  	v25 =	vsub.f32 $1.000002030e+00, v14;
	v23 =	vsub.f32 v27, v26;
	[tilespmem:s30+$0x6130] =	vst v15;
	v15 =	vand.u32 $0x7FFFFF, v22  }
0xc2: {  	v17 =	vcvt.s32.f32 v24;
	[tilespmem:s30+$0x61B0] =	vst v19;
	v15 =	vcvt.s32.f32 v15;
	v19 =	vand.u32 $0x7FFFFF, v20  }
0xc3: {  	v16 =	vadd.f32 v18, v16;
	v23 =	vmul.f32 $1.442695020e+00, v23;
	v24 =	vld [tilespmem:s3+$0x40];
	v19 =	vcvt.s32.f32 v19  }
0xc4: {  	v21 =	vand.u32 $0x7FFFFF, v25;
	v18 =	vpop (erf);
	v22 =	vcvt.s32.f32 v22;
	v15 =	vmul.f32 $1.192092900e-07, v15  }
0xc5: {  	v21 =	vcvt.s32.f32 v21;
	v18 =	vadd.f32 $1.000000000e+00, v18;
	v19 =	vmul.f32 $1.192092900e-07, v19  }
0xc6: {  	v22 =	vmul.f32 $8.262958320e-08, v22;
	(erf) = vpow2.f32 v23;
	v27 =	vsub.f32 $1.000000000e+00, v15  }
0xc7: {  	(erf) = vrcp.f32 v18;
	v18 =	vcvt.s32.f32 v20;
	v23 =	vpop (erf);
	v20 =	vsub.f32 $1.000000000e+00, v19  }
0xc8: {  	v23 =	vmul.f32 v23, v1;
	v15 =	vmul.f32 v27, v15;
	vm0 =	veq.s32 v24, $0x0  }
0xc9: {  	[tilespmem:s5+$0x6180] =	vst v13;
	v18 =	vmul.f32 $8.262958320e-08, v18;
	v13 =	vmul.f32 v20, v19;
	v19 =	vsel vm0, v2, v5  }
0xca: {  	[tilespmem:s5+$0x6100] =	vst v16;
	v16 =	vadd.f32 v22, v19;
	v15 =	vmul.f32 $2.402448060e-01, v15;
	v19 =	vsel vm0, v3, v6  }
0xcb: {  	v20 =	vld [tilespmem:s10+$0x10];
	v18 =	vadd.f32 v18, v19;
	v13 =	vmul.f32 $2.402448060e-01, v13;
	v19 =	vadd.f32 v23, v4  }
0xcc: {  	v9 =	vmul.f32 v9, v1;
	v14 =	vcvt.s32.f32 v14;
	v15 =	vadd.f32 v15, v16  }
0xcd: {  	v21 =	vmul.f32 $1.192092900e-07, v21;
	v13 =	vadd.f32 v13, v18;
	v16 =	vsub.f32 $1.000002030e+00, v19  }
0xce: {  	v17 =	vmul.f32 $1.192092900e-07, v17;
	v14 =	vmul.f32 $8.262958320e-08, v14;
	[tilespmem:s30+$0x6140] =	vst v15;
	v15 =	vand.u32 $0x7FFFFF, v19  }
0xcf: {  	v22 =	vsub.f32 $1.000000000e+00, v21;
	[tilespmem:s30+$0x61C0] =	vst v13;
	v13 =	vcvt.s32.f32 v15;
	v15 =	vand.u32 $0x7FFFFF, v16  }
0xd0: {  	v26 =	vsub.f32 $1.000000000e+00, v17;
	vm0 =	veq.s32 v20, $0x0;
	v23 =	vld [tilespmem:s3+$0x50];
	v15 =	vcvt.s32.f32 v15  }
0xd1: {  	v21 =	vmul.f32 v22, v21;
	v18 =	vcvt.s32.f32 v25;
	v20 =	vpop (erf);
	v24 =	vsel vm0, v2, v5  }
0xd2: {  	v20 =	vadd.f32 $1.000000000e+00, v20;
	v13 =	vmul.f32 $1.192092900e-07, v13;
	v15 =	vmul.f32 $1.192092900e-07, v15  }
0xd3: {  	v19 =	vcvt.s32.f32 v19;
	v16 =	vcvt.s32.f32 v16;
	v14 =	vadd.f32 v14, v24  }
0xd4: {  	(erf) = vrcp.f32 v20;
	v24 =	vsub.f32 $1.000000000e+00, v13;
	v20 =	vsub.f32 $1.000000000e+00, v15  }
0xd5: {  	v19 =	vmul.f32 $8.262958320e-08, v19;
	v16 =	vmul.f32 $8.262958320e-08, v16;
	vm1 =	veq.s32 v23, $0x0  }
0xd6: {  	v22 =	vpop (erf);
	v13 =	vmul.f32 v24, v13;
	v15 =	vmul.f32 v20, v15;
	v20 =	vsel vm1, v2, v5  }
0xd7: {  	v22 =	vmul.f32 v22, v1;
	v19 =	vadd.f32 v19, v20;
	v20 =	vsel vm1, v3, v6  }
0xd8: {  	v13 =	vmul.f32 $2.402448060e-01, v13;
	v16 =	vadd.f32 v16, v20;
	v15 =	vmul.f32 $2.402448060e-01, v15  }
0xd9: {  	v17 =	vmul.f32 v26, v17;
	v20 =	vadd.f32 v22, v4;
	v22 =	vadd.f32 v12, v4  }
0xda: {  	v18 =	vmul.f32 $8.262958320e-08, v18;
	v12 =	vadd.f32 v13, v19;
	v15 =	vadd.f32 v15, v16  }
0xdb: {  	v13 =	vsel vm0, v3, v6;
	v16 =	vsub.f32 $1.000002030e+00, v20;
	v19 =	vsub.f32 $1.000002030e+00, v22  }
0xdc: {  	v13 =	vadd.f32 v18, v13;
	[tilespmem:s30+$0x6150] =	vst v12;
	v12 =	vmul.f32 $2.402448060e-01, v17;
	v17 =	vand.u32 $0x7FFFFF, v20  }
0xdd: {  	v18 =	vmul.f32 $2.402448060e-01, v21;
	[tilespmem:s30+$0x61D0] =	vst v15;
	v15 =	vand.u32 $0x7FFFFF, v16;
	v17 =	vcvt.s32.f32 v17  }
0xde: {  	v20 =	vcvt.s32.f32 v20;
	v21 =	vand.u32 $0x7FFFFF, v19;
	v23 =	vld [tilespmem:s3+$0x60];
	v15 =	vcvt.s32.f32 v15  }
0xdf: {  	v13 =	vadd.f32 v18, v13;
	v16 =	vcvt.s32.f32 v16;
	v17 =	vmul.f32 $1.192092900e-07, v17  }
0xe0: {  	v18 =	vcvt.s32.f32 v21;
	v14 =	vadd.f32 v12, v14;
	v12 =	vpop (erf);
	v15 =	vmul.f32 $1.192092900e-07, v15  }
0xe1: {  	v21 =	vand.u32 $0x7FFFFF, v22;
	v12 =	vmul.f32 v12, v1;
	v24 =	vsub.f32 $1.000000000e+00, v17  }
0xe2: {  	v20 =	vmul.f32 $8.262958320e-08, v20;
	v21 =	vcvt.s32.f32 v21;
	v25 =	vsub.f32 $1.000000000e+00, v15  }
0xe3: {  	[tilespmem:s5+$0x6190] =	vst v13;
	vm0 =	veq.s32 v23, $0x0;
	v12 =	vadd.f32 v12, v4;
	v13 =	vmul.f32 v24, v17  }
0xe4: {  	[tilespmem:s5+$0x6110] =	vst v14;
	v17 =	vsel vm0, v2, v5;
	v14 =	vmul.f32 v25, v15;
	v15 =	vmul.f32 $8.262958320e-08, v16  }
0xe5: {  	v16 =	vadd.f32 v20, v17;
	v13 =	vmul.f32 $2.402448060e-01, v13;
	v20 =	vsel vm0, v3, v6  }
0xe6: {  	v18 =	vmul.f32 $1.192092900e-07, v18;
	v17 =	vld [tilespmem:s10+$0x20];
	v15 =	vadd.f32 v15, v20;
	v20 =	vmul.f32 $1.192092900e-07, v21  }
0xe7: {  	v21 =	vsub.f32 $1.000002030e+00, v12;
	v14 =	vmul.f32 $2.402448060e-01, v14;
	v13 =	vadd.f32 v13, v16  }
0xe8: {  	v16 =	vcvt.s32.f32 v19;
	v19 =	vsub.f32 $1.000000000e+00, v18;
	v23 =	vsub.f32 $1.000000000e+00, v20  }
0xe9: {  	v24 =	vand.u32 $0x7FFFFF, v21;
	v14 =	vadd.f32 v14, v15;
	v15 =	vcvt.s32.f32 v22  }
0xea: {  	v11 =	vadd.f32 v11, v4;
	v22 =	vcvt.s32.f32 v24;
	v18 =	vmul.f32 v19, v18  }
0xeb: {  	vm0 =	veq.s32 v17, $0x0;
	v17 =	vmul.f32 v23, v20;
	v15 =	vmul.f32 $8.262958320e-08, v15  }
0xec: {  	v16 =	vmul.f32 $8.262958320e-08, v16;
	v19 =	vsel vm0, v2, v5;
	v20 =	vmul.f32 $1.192092900e-07, v22  }
0xed: {  	v22 =	vsel vm0, v3, v6;
	v15 =	vadd.f32 v15, v19;
	v17 =	vmul.f32 $2.402448060e-01, v17  }
0xee: {  	[tilespmem:s30+$0x61E0] =	vst v14;
	v18 =	vmul.f32 $2.402448060e-01, v18;
	v14 =	vadd.f32 v16, v22;
	v16 =	vsub.f32 $1.000002030e+00, v11  }
0xef: {  	(erf) = vrcp.f32 v7;
	[tilespmem:s30+$0x6160] =	vst v13;
	v13 =	vcvt.s32.f32 v21;
	v15 =	vadd.f32 v17, v15  }
0xf0: {  	v23 =	vsub.f32 $1.000000000e+00, v20;
	v14 =	vadd.f32 v18, v14;
	v17 =	vand.u32 $0x7FFFFF, v16  }
0xf1: {  	(erf) = vrcp.f32 v8;
	v17 =	vcvt.s32.f32 v17;
	[tilespmem:s5+$0x6120] =	vst v15  }
0xf2: {  	v13 =	vmul.f32 $8.262958320e-08, v13;
	v19 =	vmul.f32 v23, v20;
	v20 =	vld [tilespmem:s3+$0x70];
	v15 =	vand.u32 $0x7FFFFF, v11;
	[tilespmem:s5+$0x61A0] =	vst v14  }
0xf3: {  	v14 =	vcvt.s32.f32 v15;
	v15 =	vld [tilespmem:s10+$0x30];
	v17 =	vmul.f32 $1.192092900e-07, v17  }
0xf4: {  	v10 =	vadd.f32 v10, v4;
	v16 =	vcvt.s32.f32 v16;
	v11 =	vcvt.s32.f32 v11  }
0xf5: {  	v18 =	vmul.f32 $2.402448060e-01, v19;
	v14 =	vmul.f32 $1.192092900e-07, v14;
	v19 =	vsub.f32 $1.000000000e+00, v17  }
0xf6: {  	v9 =	vadd.f32 v9, v4;
	v16 =	vmul.f32 $8.262958320e-08, v16;
	v11 =	vmul.f32 $8.262958320e-08, v11  }
0xf7: {  	vm0 =	veq.s32 v20, $0x0;
	v20 =	vsub.f32 $1.000000000e+00, v14;
	v7 =	vmul.f32 v19, v17  }
0xf8: {  	v17 =	vand.u32 $0x7FFFFF, v10;
	v19 =	vsub.f32 $1.000002030e+00, v10;
	vm1 =	veq.s32 v15, $0x0  }
0xf9: {  	v15 =	vcvt.s32.f32 v17;
	v14 =	vmul.f32 v20, v14;
	v20 =	vsel vm1, v3, v6  }
0xfa: {  	v17 =	vsel vm1, v2, v5;
	v7 =	vmul.f32 $2.402448060e-01, v7;
	v16 =	vadd.f32 v16, v20  }
0xfb: {  	v11 =	vadd.f32 v11, v17;
	v15 =	vmul.f32 $1.192092900e-07, v15;
	v14 =	vmul.f32 $2.402448060e-01, v14  }
0xfc: {  	v17 =	vcvt.s32.f32 v19;
	v19 =	vand.u32 $0x7FFFFF, v19;
	v7 =	vadd.f32 v7, v16  }
0xfd: {  	v10 =	vcvt.s32.f32 v10;
	v11 =	vadd.f32 v14, v11;
	v14 =	vcvt.s32.f32 v19  }
0xfe: {  	v22 =	vcvt.s32.f32 v12;
	v8 =	vsel vm0, v3, v6;
	v16 =	vsub.f32 $1.000000000e+00, v15;
	[tilespmem:s5+$0x61B0] =	vst v7  }
0xff: {  	s20 =	simm.s32 $0x200;
	s3 =	simm.s32 $0x2;
	v8 =	vadd.f32 v13, v8;
	v10 =	vmul.f32 $8.262958320e-08, v10;
	[tilespmem:s5+$0x6130] =	vst v11;
	v11 =	vmul.f32 $1.192092900e-07, v14  }
0x100: {  	s13 =	sand.u32 $0x2, s3;
	v19 =	vsub.f32 $1.000002030e+00, v9;
	v7 =	vmul.f32 v16, v15;
	v16 =	vand.u32 $0x7FFFFF, v9;
	v14 =	vld [tilespmem:s10+$0x40]  }
0x101: {  	s12 =	sand.u32 $0xFFFFFC00, s20;
	s28 =	sshll.u32 s13, $0x8;
	v17 =	vmul.f32 $8.262958320e-08, v17;
	v13 =	vcvt.s32.f32 v16;
	v15 =	vsub.f32 $1.000000000e+00, v11  }
0x102: {  	s20 =	sor.u32 s28, s12;
	v9 =	vcvt.s32.f32 v9;
	v16 =	vcvt.s32.f32 v19  }
0x103: {  	v24 =	vld [tilespmem:s20+$0x100];
	v13 =	vmul.f32 $1.192092900e-07, v13;
	v15 =	vmul.f32 v15, v11;
	v11 =	vand.u32 $0x7FFFFF, v19  }
0x104: {  	v26 =	vld [tilespmem:s20+$0x180];
	v7 =	vmul.f32 $2.402448060e-01, v7;
	v19 =	vcvt.s32.f32 v11;
	v11 =	vadd.f32 v18, v8  }
0x105: {  	v8 =	vmul.f32 $2.402448060e-01, v15;
	vm1 =	veq.s32 v14, $0x0;
	v14 =	vsub.f32 $1.000000000e+00, v13  }
0x106: {  	v18 =	vmul.f32 $1.192092900e-07, v19;
	v19 =	vsel vm1, v2, v5;
	v20 =	vsel vm1, v3, v6  }
0x107: {  	s21 =	sor.u32 $0x1, s13;
	v19 =	vadd.f32 v10, v19;
	v13 =	vmul.f32 v14, v13;
	v20 =	vadd.f32 v17, v20  }
0x108: {  	s14 =	sshll.u32 s21, $0x8;
	v15 =	vpop (erf);
	v17 =	vmul.f32 $8.262958320e-08, v9;
	v10 =	vmul.f32 $8.262958320e-08, v16;
	v14 =	vsub.f32 $1.000000000e+00, v18  }
0x109: {  	s19 =	sor.u32 s12, s14;
	v24 =	vsub.f32 v26, v24;
	v15 =	vmul.f32 v15, v1;
	v21 =	vpop (erf);
	v16 =	vmul.f32 $2.402448060e-01, v13  }
0x10a: {  	v12 =	vand.u32 $0x7FFFFF, v12;
	v9 =	vld [tilespmem:s19+$0x100];
	v21 =	vmul.f32 v21, v1;
	v13 =	vmul.f32 v14, v18  }
0x10b: {  	v25 =	vcvt.s32.f32 v12;
	v24 =	vmul.f32 $1.442695020e+00, v24;
	v14 =	vadd.f32 v15, v4;
	v15 =	vld [tilespmem:s19+$0x180]  }
0x10c: {  	v19 =	vadd.f32 v7, v19;
	v21 =	vadd.f32 v21, v4;
	v18 =	vmul.f32 $2.402448060e-01, v13  }
0x10d: {  	v27 =	vld [tilespmem:s20+$0x110];
	v13 =	vcvt.s32.f32 v14;
	v23 =	vsub.f32 $1.000002030e+00, v14;
	v14 =	vand.u32 $0x7FFFFF, v14  }
0x10e: {  	v28 =	vld [tilespmem:s20+$0x190];
	[tilespmem:s5+$0x6140] =	vst v19;
	v19 =	vmul.f32 $8.262958320e-08, v22;
	v12 =	vcvt.s32.f32 v14;
	v29 =	vsub.f32 $1.000002030e+00, v21  }
0x10f: {  	v31 =	vld [tilespmem:s20+$0x1A0];
	v30 =	vand.u32 $0x7FFFFF, v21;
	v14 =	vcvt.s32.f32 v23;
	v23 =	vand.u32 $0x7FFFFF, v23  }
0x110: {  	v34 =	vld [tilespmem:s20+$0x1B0];
	v21 =	vcvt.s32.f32 v21;
	v23 =	vcvt.s32.f32 v23;
	v9 =	vsub.f32 v15, v9  }
0x111: {  	v15 =	vmul.f32 $1.192092900e-07, v12;
	v12 =	vmul.f32 $8.262958320e-08, v14;
	v14 =	vld [tilespmem:s20+$0x120]  }
0x112: {  	v26 =	vld [tilespmem:s20+$0x130];
	v13 =	vmul.f32 $8.262958320e-08, v13;
	v9 =	vmul.f32 $1.442695020e+00, v9  }
0x113: {  	v46 =	vld [tilespmem:s19+$0x190];
	v30 =	vcvt.s32.f32 v30;
	v32 =	vand.u32 $0x7FFFFF, v29;
	v23 =	vmul.f32 $1.192092900e-07, v23  }
0x114: {  	(erf) = vpow2.f32 v9;
	v9 =	vmul.f32 $1.192092900e-07, v25;
	v25 =	vsub.f32 v28, v27;
	v27 =	vld [tilespmem:s19+$0x110]  }
0x115: {  	v29 =	vcvt.s32.f32 v29;
	v32 =	vcvt.s32.f32 v32  }
0x116: {  	v47 =	vld [tilespmem:s20+$0x1C0];
	v45 =	vsub.f32 $1.000000000e+00, v23;
	(erf) = vpow2.f32 v24;
	v14 =	vsub.f32 v31, v14  }
0x117: {  	v48 =	vld [tilespmem:s20+$0x160];
	v26 =	vsub.f32 v34, v26;
	v7 =	vmul.f32 $1.192092900e-07, v32;
	v25 =	vmul.f32 $1.442695020e+00, v25  }
0x118: {  	v8 =	vadd.f32 v8, v20;
	v24 =	vld [tilespmem:s20+$0x140];
	v23 =	vmul.f32 v45, v23;
	v31 =	vmul.f32 $1.442695020e+00, v14  }
0x119: {  	v20 =	vld [tilespmem:s20+$0x150];
	(erf) = vpow2.f32 v25;
	v25 =	vmul.f32 $1.442695020e+00, v26;
	v26 =	vsub.f32 v46, v27  }
0x11a: {  	v30 =	vmul.f32 $1.192092900e-07, v30;
	v33 =	vsub.f32 $1.000000000e+00, v15;
	v14 =	vmul.f32 $2.402448060e-01, v23;
	v23 =	vld [tilespmem:s20+$0x1D0]  }
0x11b: {  	v50 =	vld [tilespmem:s20+$0x1E0];
	[tilespmem:s5+$0x61C0] =	vst v8;
	v8 =	vmul.f32 $8.262958320e-08, v21;
	v27 =	vsub.f32 $1.000000000e+00, v7;
	(erf) = vpow2.f32 v31  }
0x11c: {  	v52 =	vld [tilespmem:s20+$0x1F0];
	v49 =	vsub.f32 $1.000000000e+00, v30;
	v15 =	vmul.f32 v33, v15;
	(erf) = vpow2.f32 v25  }
0x11d: {  	v25 =	vmul.f32 $1.442695020e+00, v26;
	v27 =	vmul.f32 v27, v7;
	v7 =	vsub.f32 v47, v24;
	v24 =	vld [tilespmem:s20+$0x170];
	v26 =	vpop (erf)  }
0x11e: {  	v30 =	vmul.f32 v49, v30;
	v51 =	vsub.f32 $1.000000000e+00, v9;
	v26 =	vadd.f32 $1.000000000e+00, v26  }
0x11f: {  	(erf) = vpow2.f32 v25;
	v25 =	vmul.f32 $1.442695020e+00, v7;
	v20 =	vsub.f32 v23, v20;
	v23 =	vpop (erf)  }
0x120: {  	(erf) = vrcp.f32 v26;
	v26 =	vmul.f32 v51, v9;
	v9 =	vadd.f32 $1.000000000e+00, v23  }
0x121: {  	s12 =	simm.s32 $0x100;
	v15 =	vmul.f32 $2.402448060e-01, v15;
	v23 =	vsub.f32 v50, v48;
	(erf) = vpow2.f32 v25  }
0x122: {  	s11 =	sshll.u32 s21, $0xA;
	v54 =	vld [tilespmem:s19+$0x120];
	s29 =	sand.u32 $0x1000, s12;
	v20 =	vmul.f32 $1.442695020e+00, v20;
	v53 =	vpop (erf);
	(erf) = vrcp.f32 v9;
	v9 =	vsub.f32 v52, v24  }
0x123: {  	s28 =	simm.s32 $0x40;
	v55 =	vld [tilespmem:s19+$0x1A0];
	s14 =	sor.u32 $0x4100, s29;
	v7 =	vmul.f32 $8.262958320e-08, v29;
	v22 =	vadd.f32 $1.000000000e+00, v53;
	v23 =	vmul.f32 $1.442695020e+00, v23  }
0x124: {  	s28 =	sand.u32 $0x380, s28;
	s11 =	sor.u32 s11, s14;
	v26 =	vmul.f32 $2.402448060e-01, v26;
	v24 =	vpop (erf);
	(erf) = vpow2.f32 v20;
	v20 =	vld [tilespmem:s10+$0x50]  }
0x125: {  	s11 =	sadd.s32 s28, s11;
	v21 =	vadd.f32 $1.000000000e+00, v24;
	(erf) = vrcp.f32 v22;
	v22 =	vsel vm0, v2, v5  }
0x126: {  	v57 =	vld [tilespmem:s11+$0x0];
	v24 =	vmul.f32 $1.442695020e+00, v9;
	(erf) = vpow2.f32 v23;
	v9 =	vpop (erf)  }
0x127: {  	v25 =	vadd.f32 v19, v22;
	v23 =	vld [tilespmem:s19+$0x130];
	(erf) = vrcp.f32 v21;
	v19 =	vadd.f32 $1.000000000e+00, v9  }
0x128: {  	v21 =	vsub.f32 v55, v54;
	v9 =	vmul.f32 $2.402448060e-01, v27;
	(erf) = vpow2.f32 v24;
	v22 =	vpop (erf);
	v27 =	vld [tilespmem:s19+$0x1B0]  }
0x129: {  	vm0 =	veq.s32 v20, $0x0;
	(erf) = vrcp.f32 v19;
	v19 =	vadd.f32 $1.000000000e+00, v22;
	v22 =	vpop (erf)  }
0x12a: {  	v21 =	vmul.f32 $1.442695020e+00, v21;
	v24 =	vsel vm0, v3, v6;
	v20 =	vmul.f32 v22, v1  }
0x12b: {  	v22 =	vsel vm0, v2, v5;
	v24 =	vadd.f32 v10, v24;
	v10 =	vmul.f32 $2.402448060e-01, v30  }
0x12c: {  	vm0 =	veq.s32 v57, $0x0;
	(erf) = vrcp.f32 v19;
	v17 =	vadd.f32 v17, v22  }
0x12d: {  	v62 =	vsel vm0, v2, v5;
	v43 =	vsel vm0, v3, v6;
	v27 =	vsub.f32 v27, v23  }
0x12e: {  	v56 =	vadd.f32 v20, v4;
	v24 =	vadd.f32 v18, v24;
	v19 =	vpop (erf);
	(erf) = vpow2.f32 v21  }
0x12f: {  	v21 =	vadd.f32 v16, v17;
	v19 =	vadd.f32 $1.000000000e+00, v19;
	v20 =	vpop (erf);
	v27 =	vmul.f32 $1.442695020e+00, v27  }
0x130: {  	v58 =	vsub.f32 $1.000002030e+00, v56;
	v28 =	vcvt.s32.f32 v56;
	v16 =	vmul.f32 v20, v1;
	v17 =	vpop (erf)  }
0x131: {  	v17 =	vadd.f32 $1.000000000e+00, v17;
	(erf) = vrcp.f32 v19;
	v19 =	vand.u32 $0x7FFFFF, v56  }
0x132: {  	v59 =	vpop (erf);
	v28 =	vmul.f32 $8.262958320e-08, v28;
	v20 =	vcvt.s32.f32 v19;
	v19 =	vand.u32 $0x7FFFFF, v58  }
0x133: {  	v22 =	vpop (erf);
	v60 =	vadd.f32 v16, v4;
	v31 =	vmul.f32 v59, v1;
	(erf) = vrcp.f32 v17  }
0x134: {  	v16 =	vcvt.s32.f32 v19;
	v28 =	vadd.f32 v28, v62;
	v22 =	vadd.f32 $1.000000000e+00, v22  }
0x135: {  	v23 =	vpop (erf);
	v17 =	vmul.f32 $1.192092900e-07, v20;
	v61 =	vsub.f32 $1.000002030e+00, v60;
	v45 =	vand.u32 $0x7FFFFF, v60  }
0x136: {  	v32 =	vcvt.s32.f32 v60;
	v31 =	vadd.f32 v31, v4;
	v19 =	vpop (erf);
	v16 =	vmul.f32 $1.192092900e-07, v16  }
0x137: {  	v23 =	vmul.f32 v23, v1;
	v33 =	vcvt.s32.f32 v45;
	v20 =	vpop (erf);
	v63 =	vsub.f32 $1.000000000e+00, v17  }
0x138: {  	v35 =	vpop (erf);
	(erf) = vpow2.f32 v27;
	v27 =	vcvt.s32.f32 v58;
	v40 =	vsub.f32 $1.000000000e+00, v16  }
0x139: {  	v42 =	vld [tilespmem:s19+$0x140];
	v46 =	vand.u32 $0x7FFFFF, v61;
	v35 =	vmul.f32 v35, v1;
	v36 =	vpop (erf);
	v17 =	vmul.f32 v63, v17  }
0x13a: {  	v37 =	vld [tilespmem:s19+$0x1C0];
	v41 =	vadd.f32 $1.000000000e+00, v36;
	v16 =	vmul.f32 v40, v16;
	v27 =	vmul.f32 $8.262958320e-08, v27  }
0x13b: {  	v29 =	vcvt.s32.f32 v61;
	v17 =	vmul.f32 $2.402448060e-01, v17;
	v44 =	vadd.f32 v35, v4  }
0x13c: {  	(erf) = vrcp.f32 v41;
	v27 =	vadd.f32 v27, v43;
	v16 =	vmul.f32 $2.402448060e-01, v16  }
0x13d: {  	v23 =	vadd.f32 v23, v4;
	v34 =	vcvt.s32.f32 v46;
	v28 =	vadd.f32 v17, v28  }
0x13e: {  	v33 =	vmul.f32 $1.192092900e-07, v33;
	v35 =	vsub.f32 $1.000002030e+00, v44;
	v27 =	vadd.f32 v16, v27  }
0x13f: {  	v20 =	vmul.f32 v20, v1;
	v36 =	vsub.f32 v37, v42;
	v47 =	vand.u32 $0x7FFFFF, v44;
	[tilespmem:s19+$0x6100] =	vst v28  }
0x140: {  	v34 =	vmul.f32 $1.192092900e-07, v34;
	v17 =	vpop (erf);
	v48 =	vand.u32 $0x7FFFFF, v35;
	[tilespmem:s19+$0x6180] =	vst v27;
	v27 =	vcvt.s32.f32 v47  }
0x141: {  	v57 =	vsub.f32 $1.000000000e+00, v33;
	v36 =	vmul.f32 $1.442695020e+00, v36;
	v16 =	vpop (erf);
	v28 =	vcvt.s32.f32 v48;
	v49 =	vld [tilespmem:s11+$0x10]  }
0x142: {  	v20 =	vadd.f32 v20, v4;
	v30 =	vcvt.s32.f32 v44;
	v18 =	vpop (erf);
	v27 =	vmul.f32 $1.192092900e-07, v27  }
0x143: {  	v38 =	vsub.f32 $1.000000000e+00, v34;
	v18 =	vadd.f32 $1.000000000e+00, v18;
	v28 =	vmul.f32 $1.192092900e-07, v28  }
0x144: {  	v52 =	vld [tilespmem:s19+$0x150];
	(erf) = vpow2.f32 v36;
	v30 =	vmul.f32 $8.262958320e-08, v30;
	v50 =	vsub.f32 $1.000000000e+00, v27  }
0x145: {  	v54 =	vld [tilespmem:s19+$0x1D0];
	v51 =	vsub.f32 $1.000000000e+00, v28;
	v39 =	vpop (erf);
	(erf) = vrcp.f32 v18;
	v18 =	vcvt.s32.f32 v35  }
0x146: {  	v39 =	vmul.f32 v39, v1;
	v27 =	vmul.f32 v50, v27;
	vm0 =	veq.s32 v49, $0x0  }
0x147: {  	v28 =	vmul.f32 v51, v28;
	v53 =	vsel vm0, v2, v5;
	v18 =	vmul.f32 $8.262958320e-08, v18  }
0x148: {  	v37 =	vsel vm0, v3, v6;
	v30 =	vadd.f32 v30, v53;
	v27 =	vmul.f32 $2.402448060e-01, v27  }
0x149: {  	v28 =	vmul.f32 $2.402448060e-01, v28;
	v55 =	vadd.f32 v39, v4;
	v18 =	vadd.f32 v18, v37  }
0x14a: {  	v42 =	vld [tilespmem:s19+$0x160];
	v34 =	vmul.f32 v38, v34;
	v35 =	vsub.f32 v54, v52;
	v27 =	vadd.f32 v27, v30  }
0x14b: {  	v29 =	vmul.f32 $8.262958320e-08, v29;
	v44 =	vld [tilespmem:s19+$0x1E0];
	v58 =	vsub.f32 $1.000002030e+00, v55;
	v18 =	vadd.f32 v28, v18  }
0x14c: {  	v48 =	vmul.f32 $2.402448060e-01, v34;
	v17 =	vmul.f32 v17, v1;
	[tilespmem:s19+$0x6110] =	vst v27;
	v27 =	vand.u32 $0x7FFFFF, v55  }
0x14d: {  	v35 =	vmul.f32 $1.442695020e+00, v35;
	v59 =	vand.u32 $0x7FFFFF, v58;
	[tilespmem:s19+$0x6190] =	vst v18;
	v27 =	vcvt.s32.f32 v27  }
0x14e: {  	s13 =	sshll.u32 s13, $0xA;
	v63 =	vcvt.s32.f32 v55;
	v18 =	vadd.f32 v26, v25;
	v60 =	vcvt.s32.f32 v59;
	v26 =	vld [tilespmem:s11+$0x20]  }
0x14f: {  	s13 =	sor.u32 s13, s14;
	v17 =	vadd.f32 v17, v4;
	v28 =	vcvt.s32.f32 v58;
	v27 =	vmul.f32 $1.192092900e-07, v27  }
0x150: {  	s13 =	sadd.s32 s28, s13;
	v49 =	vsub.f32 v44, v42;
	v61 =	vpop (erf);
	v25 =	vmul.f32 v57, v33;
	v30 =	vmul.f32 $1.192092900e-07, v60  }
0x151: {  	v56 =	vld [tilespmem:s13+$0x0];
	v33 =	vadd.f32 $1.000000000e+00, v61;
	v62 =	vpop (erf);
	(erf) = vpow2.f32 v35;
	v40 =	vsub.f32 $1.000000000e+00, v27  }
0x152: {  	v28 =	vmul.f32 $8.262958320e-08, v28;
	v36 =	vmul.f32 v62, v1;
	v41 =	vsub.f32 $1.000000000e+00, v30  }
0x153: {  	v27 =	vmul.f32 v40, v27;
	vm1 =	veq.s32 v26, $0x0;
	v26 =	vmul.f32 $8.262958320e-08, v63  }
0x154: {  	v36 =	vadd.f32 v36, v4;
	v30 =	vmul.f32 v41, v30;
	v43 =	vsel vm1, v2, v5  }
0x155: {  	v45 =	vsel vm1, v3, v6;
	v26 =	vadd.f32 v26, v43;
	v27 =	vmul.f32 $2.402448060e-01, v27  }
0x156: {  	vm0 =	veq.s32 v56, $0x0;
	v28 =	vadd.f32 v28, v45;
	v30 =	vmul.f32 $2.402448060e-01, v30  }
0x157: {  	(erf) = vrcp.f32 v33;
	v46 =	vsub.f32 $1.000002030e+00, v36;
	v26 =	vadd.f32 v27, v26  }
0x158: {  	v34 =	vmul.f32 $1.442695020e+00, v49;
	v25 =	vmul.f32 $2.402448060e-01, v25;
	v28 =	vadd.f32 v30, v28  }
0x159: {  	v53 =	vand.u32 $0x7FFFFF, v31;
	v62 =	vsub.f32 $1.000002030e+00, v31;
	v50 =	vand.u32 $0x7FFFFF, v46;
	[tilespmem:s19+$0x6120] =	vst v26  }
0x15a: {  	v31 =	vcvt.s32.f32 v31;
	v26 =	vand.u32 $0x7FFFFF, v36;
	[tilespmem:s19+$0x61A0] =	vst v28;
	v28 =	vcvt.s32.f32 v50  }
0x15b: {  	v47 =	vsel vm0, v2, v5;
	v55 =	vcvt.s32.f32 v36;
	v26 =	vcvt.s32.f32 v26;
	v52 =	vld [tilespmem:s11+$0x30]  }
0x15c: {  	v51 =	vsel vm0, v3, v6;
	v27 =	vmul.f32 $8.262958320e-08, v32;
	v28 =	vmul.f32 $1.192092900e-07, v28  }
0x15d: {  	v29 =	vadd.f32 v29, v51;
	v54 =	vpop (erf);
	v30 =	vcvt.s32.f32 v46;
	v26 =	vmul.f32 $1.192092900e-07, v26  }
0x15e: {  	(erf) = vpow2.f32 v34;
	v35 =	vadd.f32 $1.000000000e+00, v54;
	v58 =	vsub.f32 $1.000000000e+00, v28  }
0x15f: {  	v32 =	vmul.f32 $8.262958320e-08, v55;
	v30 =	vmul.f32 $8.262958320e-08, v30;
	v56 =	vsub.f32 $1.000000000e+00, v26  }
0x160: {  	v57 =	vpop (erf);
	(erf) = vrcp.f32 v35;
	vm0 =	veq.s32 v52, $0x0;
	v28 =	vmul.f32 v58, v28  }
0x161: {  	v59 =	vld [tilespmem:s19+$0x170];
	v35 =	vmul.f32 v57, v1;
	v26 =	vmul.f32 v56, v26;
	v61 =	vsel vm0, v3, v6  }
0x162: {  	v60 =	vld [tilespmem:s19+$0x1F0];
	v37 =	vsel vm0, v2, v5;
	v30 =	vadd.f32 v30, v61;
	v28 =	vmul.f32 $2.402448060e-01, v28  }
0x163: {  	v35 =	vadd.f32 v35, v4;
	v32 =	vadd.f32 v32, v37;
	v26 =	vmul.f32 $2.402448060e-01, v26  }
0x164: {  	v63 =	vcvt.s32.f32 v53;
	v27 =	vadd.f32 v27, v47;
	v28 =	vadd.f32 v28, v30  }
0x165: {  	v41 =	vand.u32 $0x7FFFFF, v62;
	v40 =	vsub.f32 $1.000002030e+00, v35;
	v26 =	vadd.f32 v26, v32  }
0x166: {  	v44 =	vcvt.s32.f32 v41;
	v47 =	vmul.f32 $1.192092900e-07, v63;
	v42 =	vand.u32 $0x7FFFFF, v35;
	[tilespmem:s19+$0x61B0] =	vst v28  }
0x167: {  	v43 =	vand.u32 $0x7FFFFF, v40;
	v30 =	vcvt.s32.f32 v42;
	[tilespmem:s19+$0x6130] =	vst v26;
	v26 =	vsub.f32 v60, v59  }
0x168: {  	v29 =	vadd.f32 v48, v29;
	v35 =	vcvt.s32.f32 v35;
	v45 =	vcvt.s32.f32 v43;
	v46 =	vld [tilespmem:s11+$0x40]  }
0x169: {  	v25 =	vadd.f32 v25, v27;
	v27 =	vpop (erf);
	v30 =	vmul.f32 $1.192092900e-07, v30;
	v26 =	vmul.f32 $1.442695020e+00, v26  }
0x16a: {  	v50 =	vmul.f32 $8.262958320e-08, v35;
	v27 =	vadd.f32 $1.000000000e+00, v27;
	v28 =	vmul.f32 $1.192092900e-07, v45  }
0x16b: {  	v37 =	vsub.f32 $1.000000000e+00, v47;
	(erf) = vpow2.f32 v26;
	v26 =	vsub.f32 $1.000000000e+00, v30  }
0x16c: {  	v51 =	vpop (erf);
	v48 =	vsub.f32 $1.000000000e+00, v28;
	(erf) = vrcp.f32 v27;
	v27 =	vcvt.s32.f32 v40  }
0x16d: {  	v53 =	vmul.f32 v51, v1;
	v26 =	vmul.f32 v26, v30;
	vm0 =	veq.s32 v46, $0x0  }
0x16e: {  	v28 =	vmul.f32 v48, v28;
	v52 =	vsel vm0, v2, v5;
	v27 =	vmul.f32 $8.262958320e-08, v27  }
0x16f: {  	[tilespmem:s20+$0x6100] =	vst v25;
	v54 =	vsel vm0, v3, v6;
	v32 =	vadd.f32 v50, v52;
	v25 =	vmul.f32 $2.402448060e-01, v26  }
0x170: {  	[tilespmem:s20+$0x6180] =	vst v29;
	v29 =	vadd.f32 v53, v4;
	v26 =	vadd.f32 v27, v54;
	v27 =	vmul.f32 $2.402448060e-01, v28  }
0x171: {  	v31 =	vmul.f32 $8.262958320e-08, v31;
	v33 =	vmul.f32 $1.192092900e-07, v44;
	v55 =	vld [tilespmem:s13+$0x10];
	v25 =	vadd.f32 v25, v32  }
0x172: {  	v57 =	vmul.f32 v37, v47;
	v26 =	vadd.f32 v27, v26;
	v27 =	vsub.f32 $1.000002030e+00, v29  }
0x173: {  	v49 =	vsub.f32 $1.000000000e+00, v33;
	v56 =	vcvt.s32.f32 v62;
	v58 =	vand.u32 $0x7FFFFF, v29;
	[tilespmem:s19+$0x6140] =	vst v25  }
0x174: {  	v44 =	vmul.f32 $2.402448060e-01, v57;
	v25 =	vcvt.s32.f32 v58;
	[tilespmem:s19+$0x61C0] =	vst v26;
	v26 =	vand.u32 $0x7FFFFF, v27  }
0x175: {  	v45 =	vsub.f32 $1.000002030e+00, v23;
	v59 =	vmul.f32 $8.262958320e-08, v56;
	v61 =	vld [tilespmem:s11+$0x50];
	v26 =	vcvt.s32.f32 v26  }
0x176: {  	vm0 =	veq.s32 v55, $0x0;
	v29 =	vcvt.s32.f32 v29;
	v25 =	vmul.f32 $1.192092900e-07, v25  }
0x177: {  	v62 =	vsel vm0, v2, v5;
	v60 =	vpop (erf);
	v27 =	vcvt.s32.f32 v27;
	v26 =	vmul.f32 $1.192092900e-07, v26  }
0x178: {  	v63 =	vsel vm0, v3, v6;
	v28 =	vadd.f32 $1.000000000e+00, v60;
	v38 =	vsub.f32 $1.000000000e+00, v25  }
0x179: {  	v29 =	vmul.f32 $8.262958320e-08, v29;
	v27 =	vmul.f32 $8.262958320e-08, v27;
	v40 =	vsub.f32 $1.000000000e+00, v26  }
0x17a: {  	v39 =	vpop (erf);
	(erf) = vrcp.f32 v28;
	v25 =	vmul.f32 v38, v25;
	vm0 =	veq.s32 v61, $0x0  }
0x17b: {  	v28 =	vmul.f32 v39, v1;
	v26 =	vmul.f32 v40, v26;
	v34 =	vsel vm0, v2, v5  }
0x17c: {  	v25 =	vmul.f32 $2.402448060e-01, v25;
	v41 =	vsel vm0, v3, v6;
	v29 =	vadd.f32 v29, v34  }
0x17d: {  	[tilespmem:s5+$0x6150] =	vst v21;
	v21 =	vadd.f32 v27, v41;
	v27 =	vadd.f32 v28, v4;
	v26 =	vmul.f32 $2.402448060e-01, v26  }
0x17e: {  	v47 =	vand.u32 $0x7FFFFF, v45;
	v30 =	vmul.f32 v49, v33;
	v25 =	vadd.f32 v25, v29  }
0x17f: {  	v46 =	vand.u32 $0x7FFFFF, v23;
	v21 =	vadd.f32 v26, v21;
	v26 =	vsub.f32 $1.000002030e+00, v27  }
0x180: {  	v23 =	vcvt.s32.f32 v23;
	v51 =	vcvt.s32.f32 v46;
	[tilespmem:s19+$0x6150] =	vst v25;
	v25 =	vand.u32 $0x7FFFFF, v27  }
0x181: {  	v42 =	vmul.f32 $2.402448060e-01, v30;
	[tilespmem:s19+$0x61D0] =	vst v21;
	v21 =	vcvt.s32.f32 v25;
	v25 =	vand.u32 $0x7FFFFF, v26  }
0x182: {  	[tilespmem:s5+$0x61D0] =	vst v24;
	v50 =	vadd.f32 $1.000000000e+00, v19;
	v24 =	vadd.f32 v59, v63;
	v48 =	vld [tilespmem:s11+$0x60];
	v25 =	vcvt.s32.f32 v25  }
0x183: {  	v31 =	vadd.f32 v31, v62;
	v32 =	vcvt.s32.f32 v47;
	v21 =	vmul.f32 $1.192092900e-07, v21  }
0x184: {  	v24 =	vadd.f32 v42, v24;
	v49 =	vpop (erf);
	v27 =	vcvt.s32.f32 v27;
	v25 =	vmul.f32 $1.192092900e-07, v25  }
0x185: {  	v30 =	vadd.f32 v44, v31;
	v19 =	vmul.f32 v49, v1;
	v52 =	vsub.f32 $1.000000000e+00, v21  }
0x186: {  	[tilespmem:s20+$0x6190] =	vst v24;
	v26 =	vcvt.s32.f32 v26;
	v24 =	vmul.f32 $8.262958320e-08, v27;
	v53 =	vsub.f32 $1.000000000e+00, v25  }
0x187: {  	[tilespmem:s20+$0x6110] =	vst v30;
	v19 =	vadd.f32 v19, v4;
	v21 =	vmul.f32 v52, v21;
	vm0 =	veq.s32 v48, $0x0  }
0x188: {  	v30 =	vld [tilespmem:s13+$0x20];
	v26 =	vmul.f32 $8.262958320e-08, v26;
	v25 =	vmul.f32 v53, v25;
	v27 =	vsel vm0, v2, v5  }
0x189: {  	v24 =	vadd.f32 v24, v27;
	v21 =	vmul.f32 $2.402448060e-01, v21;
	v27 =	vsel vm0, v3, v6  }
0x18a: {  	v28 =	vcvt.s32.f32 v45;
	v26 =	vadd.f32 v26, v27;
	v25 =	vmul.f32 $2.402448060e-01, v25  }
0x18b: {  	v27 =	vmul.f32 $1.192092900e-07, v51;
	v21 =	vadd.f32 v21, v24;
	v24 =	vsub.f32 $1.000002030e+00, v19  }
0x18c: {  	v54 =	vmul.f32 $1.192092900e-07, v32;
	v28 =	vmul.f32 $8.262958320e-08, v28;
	v25 =	vadd.f32 v25, v26  }
0x18d: {  	vm0 =	veq.s32 v30, $0x0;
	v26 =	vsub.f32 $1.000000000e+00, v27;
	[tilespmem:s19+$0x6160] =	vst v21;
	v21 =	vand.u32 $0x7FFFFF, v24  }
0x18e: {  	v23 =	vmul.f32 $8.262958320e-08, v23;
	v30 =	vsel vm0, v3, v6;
	[tilespmem:s19+$0x61E0] =	vst v25;
	v21 =	vcvt.s32.f32 v21  }
0x18f: {  	v55 =	vsub.f32 $1.000000000e+00, v54;
	v28 =	vadd.f32 v28, v30;
	v25 =	vmul.f32 v26, v27;
	v56 =	vld [tilespmem:s11+$0x70]  }
0x190: {  	v24 =	vcvt.s32.f32 v24;
	v27 =	vsel vm0, v2, v5;
	v21 =	vmul.f32 $1.192092900e-07, v21  }
0x191: {  	v26 =	vmul.f32 v55, v54;
	v23 =	vadd.f32 v23, v27;
	v25 =	vmul.f32 $2.402448060e-01, v25  }
0x192: {  	v16 =	vmul.f32 v16, v1;
	v43 =	vld [tilespmem:s10+$0x60];
	v27 =	vsub.f32 $1.000002030e+00, v20;
	v57 =	vsub.f32 $1.000000000e+00, v21  }
0x193: {  	v24 =	vmul.f32 $8.262958320e-08, v24;
	v26 =	vmul.f32 $2.402448060e-01, v26;
	v23 =	vadd.f32 v25, v23  }
0x194: {  	v58 =	vand.u32 $0x7FFFFF, v27;
	v21 =	vmul.f32 v57, v21;
	vm0 =	veq.s32 v56, $0x0  }
0x195: {  	v25 =	vadd.f32 v26, v28;
	[tilespmem:s20+$0x6120] =	vst v23;
	v23 =	vand.u32 $0x7FFFFF, v20;
	v26 =	vsel vm0, v3, v6  }
0x196: {  	v23 =	vcvt.s32.f32 v23;
	v24 =	vadd.f32 v24, v26;
	v21 =	vmul.f32 $2.402448060e-01, v21  }
0x197: {  	vm1 =	veq.s32 v43, $0x0;
	[tilespmem:s20+$0x61A0] =	vst v25;
	v26 =	vcvt.s32.f32 v27;
	v27 =	vcvt.s32.f32 v58  }
0x198: {  	v62 =	vsub.f32 $1.000002030e+00, v17;
	v23 =	vmul.f32 $1.192092900e-07, v23;
	v21 =	vadd.f32 v21, v24;
	v24 =	vld [tilespmem:s13+$0x30]  }
0x199: {  	v16 =	vadd.f32 v16, v4;
	v59 =	vsel vm1, v3, v6;
	v25 =	vmul.f32 $1.192092900e-07, v27  }
0x19a: {  	v29 =	vand.u32 $0x7FFFFF, v62;
	v20 =	vcvt.s32.f32 v20;
	v61 =	vsub.f32 $1.000000000e+00, v23  }
0x19b: {  	(erf) = vrcp.f32 v22;
	v28 =	vadd.f32 v12, v59;
	v60 =	vsub.f32 $1.000000000e+00, v25  }
0x19c: {  	v20 =	vmul.f32 $8.262958320e-08, v20;
	v27 =	vsel vm1, v2, v5;
	v23 =	vmul.f32 v61, v23  }
0x19d: {  	v22 =	vmul.f32 v60, v25;
	v25 =	vand.u32 $0x7FFFFF, v17;
	vm1 =	veq.s32 v24, $0x0  }
0x19e: {  	v26 =	vmul.f32 $8.262958320e-08, v26;
	v24 =	vcvt.s32.f32 v25;
	v25 =	vsel vm1, v2, v5  }
0x19f: {  	v23 =	vmul.f32 $2.402448060e-01, v23;
	v63 =	vsel vm1, v3, v6;
	v20 =	vadd.f32 v20, v25  }
0x1a0: {  	v22 =	vmul.f32 $2.402448060e-01, v22;
	v25 =	vadd.f32 v26, v63;
	v24 =	vmul.f32 $1.192092900e-07, v24  }
0x1a1: {  	v13 =	vadd.f32 v13, v27;
	v20 =	vadd.f32 v23, v20;
	v23 =	vcvt.s32.f32 v29  }
0x1a2: {  	(erf) = vrcp.f32 v50;
	v22 =	vadd.f32 v22, v25;
	v25 =	vsub.f32 $1.000000000e+00, v24  }
0x1a3: {  	v27 =	vsub.f32 $1.000002030e+00, v16;
	v17 =	vcvt.s32.f32 v17;
	[tilespmem:s20+$0x6130] =	vst v20;
	v23 =	vmul.f32 $1.192092900e-07, v23  }
0x1a4: {  	v26 =	vcvt.s32.f32 v62;
	[tilespmem:s20+$0x61B0] =	vst v22;
	v20 =	vmul.f32 v25, v24;
	v25 =	vand.u32 $0x7FFFFF, v16  }
0x1a5: {  	v12 =	vcvt.s32.f32 v27;
	v22 =	vld [tilespmem:s13+$0x40];
	v25 =	vcvt.s32.f32 v25;
	v24 =	vsub.f32 $1.000000000e+00, v23  }
0x1a6: {  	v17 =	vmul.f32 $8.262958320e-08, v17;
	v26 =	vmul.f32 $8.262958320e-08, v26  }
0x1a7: {  	v25 =	vmul.f32 $1.192092900e-07, v25;
	v23 =	vmul.f32 v24, v23;
	v24 =	vand.u32 $0x7FFFFF, v27  }
0x1a8: {  	[tilespmem:s30+$0x61F0] =	vst v11;
	v20 =	vmul.f32 $2.402448060e-01, v20;
	v11 =	vcvt.s32.f32 v24;
	v24 =	vadd.f32 v15, v13  }
0x1a9: {  	[tilespmem:s30+$0x6170] =	vst v18;
	v15 =	vcvt.s32.f32 v16;
	v16 =	vadd.f32 v14, v28;
	v14 =	vpop (erf);
	v18 =	vsub.f32 $1.000000000e+00, v25  }
0x1aa: {  	v13 =	vmul.f32 $2.402448060e-01, v23;
	vm1 =	veq.s32 v22, $0x0;
	v14 =	vmul.f32 v14, v1;
	[tilespmem:s5+$0x6160] =	vst v24  }
0x1ab: {  	s30 =	sshll.u32 s0, $0xF;
	v11 =	vmul.f32 $1.192092900e-07, v11;
	v22 =	vsel vm1, v2, v5;
	v24 =	vsel vm1, v3, v6;
	[tilespmem:s5+$0x61E0] =	vst v16  }
0x1ac: {  	s4 =	sshll.u32 s0, $0x1;
	s11 =	sor.u32 s8, s30;
	[tilespmem:s19+$0x61F0] =	vst v21;
	v21 =	vpop (erf);
	v23 =	vadd.f32 v17, v22;
	v24 =	vadd.f32 v26, v24;
	v22 =	vmul.f32 v18, v25;
	v18 =	vld [tilespmem:s10+$0x70]  }
.LBB2_7:
0x1ad: {  	s3 =	sadd.s32 $0x2, s3;
	v25 =	vsub.f32 $1.000000000e+00, v11;
	v17 =	vmul.f32 $8.262958320e-08, v15;
	v16 =	vmul.f32 $8.262958320e-08, v12  }
0x1ae: {  	s10 =	sand.u32 $0x2, s3;
	p1 =	slt.u32 s3, $0x3E;
	v12 =	vadd.f32 v20, v23;
	v13 =	vadd.f32 v13, v24;
	v15 =	vmul.f32 $2.402448060e-01, v22  }
0x1af: {  	v14 =	vadd.f32 v14, v4;
	s14 =	sshll.u32 s3, $0x8;
	v20 =	vmul.f32 v21, v1;
	s29 =	sshll.u32 s10, $0x8;
	s28 =	sor.u32 $0x1, s10;
	v11 =	vmul.f32 v25, v11  }
0x1b0: {  	v21 =	vcvt.s32.f32 v19;
	v22 =	vsel vm0, v2, v5;
	s14 =	sand.u32 $0xFFFFFC00, s14;
	s10 =	sshll.u32 s10, $0xA;
	s30 =	sshll.u32 s28, $0x8;
	[tilespmem:s20+$0x6140] =	vst v12;
	v12 =	vand.u32 $0x7FFFFF, v19  }
0x1b1: {  	s29 =	sor.u32 s29, s14;
	s14 =	sor.u32 s14, s30;
	[tilespmem:s20+$0x61C0] =	vst v13;
	v19 =	vmul.f32 $2.402448060e-01, v11;
	v11 =	vcvt.s32.f32 v14;
	v13 =	vsub.f32 $1.000002030e+00, v14  }
0x1b2: {  	v20 =	vadd.f32 v20, v4;
	v14 =	vand.u32 $0x7FFFFF, v14;
	v24 =	vcvt.s32.f32 v12;
	v23 =	vld [tilespmem:s14+$0x100]  }
0x1b3: {  	v14 =	vcvt.s32.f32 v14;
	v25 =	vld [tilespmem:s14+$0x180];
	v26 =	vcvt.s32.f32 v13;
	v12 =	vand.u32 $0x7FFFFF, v13  }
0x1b4: {  	v28 =	vsub.f32 $1.000002030e+00, v20;
	v13 =	vld [tilespmem:s29+$0x100];
	v27 =	vcvt.s32.f32 v12;
	v12 =	vmul.f32 $8.262958320e-08, v11  }
0x1b5: {  	v14 =	vmul.f32 $1.192092900e-07, v14;
	v29 =	vld [tilespmem:s29+$0x180];
	v11 =	vmul.f32 $8.262958320e-08, v26;
	v26 =	vand.u32 $0x7FFFFF, v20  }
0x1b6: {  	v31 =	vand.u32 $0x7FFFFF, v28;
	v30 =	vld [tilespmem:s29+$0x110];
	v27 =	vmul.f32 $1.192092900e-07, v27;
	v26 =	vcvt.s32.f32 v26  }
0x1b7: {  	v24 =	vmul.f32 $1.192092900e-07, v24;
	v31 =	vcvt.s32.f32 v31;
	v33 =	vsub.f32 $1.000000000e+00, v14;
	v32 =	vld [tilespmem:s29+$0x190]  }
0x1b8: {  	v34 =	vld [tilespmem:s29+$0x120];
	v23 =	vsub.f32 v25, v23;
	v25 =	vsub.f32 $1.000000000e+00, v27;
	v26 =	vmul.f32 $1.192092900e-07, v26  }
0x1b9: {  	v31 =	vmul.f32 $1.192092900e-07, v31;
	v14 =	vmul.f32 v33, v14;
	v33 =	vsub.f32 $1.000000000e+00, v24;
	v35 =	vld [tilespmem:s29+$0x1A0]  }
0x1ba: {  	v29 =	vsub.f32 v29, v13;
	v36 =	vld [tilespmem:s29+$0x130];
	v23 =	vmul.f32 $1.442695020e+00, v23;
	v25 =	vmul.f32 v25, v27  }
0x1bb: {  	v38 =	vsub.f32 $1.000000000e+00, v31;
	v13 =	vmul.f32 $2.402448060e-01, v14;
	v37 =	vsub.f32 $1.000000000e+00, v26;
	v27 =	vld [tilespmem:s29+$0x1B0]  }
0x1bc: {  	v29 =	vmul.f32 $1.442695020e+00, v29;
	v30 =	vsub.f32 v32, v30;
	v32 =	vld [tilespmem:s29+$0x140];
	(erf) = vpow2.f32 v23  }
0x1bd: {  	vm0 =	veq.s32 v18, $0x0;
	v14 =	vmul.f32 $2.402448060e-01, v25;
	v25 =	vcvt.s32.f32 v28;
	v23 =	vld [tilespmem:s14+$0x110]  }
0x1be: {  	v18 =	vmul.f32 $1.442695020e+00, v30;
	v28 =	vsub.f32 v35, v34;
	v30 =	vld [tilespmem:s14+$0x190];
	(erf) = vpow2.f32 v29  }
0x1bf: {  	v20 =	vcvt.s32.f32 v20;
	v31 =	vmul.f32 v38, v31;
	v34 =	vsel vm0, v2, v5;
	v29 =	vld [tilespmem:s29+$0x1C0]  }
0x1c0: {  	v28 =	vmul.f32 $1.442695020e+00, v28;
	v27 =	vsub.f32 v27, v36;
	v35 =	vld [tilespmem:s29+$0x150];
	(erf) = vpow2.f32 v18  }
0x1c1: {  	v24 =	vmul.f32 v33, v24;
	v33 =	vsel vm0, v3, v6;
	v26 =	vmul.f32 v37, v26;
	v18 =	vld [tilespmem:s29+$0x1D0]  }
0x1c2: {  	v37 =	vmul.f32 $1.442695020e+00, v27;
	v36 =	vld [tilespmem:s29+$0x160];
	(erf) = vpow2.f32 v28;
	v28 =	vadd.f32 v8, v34  }
0x1c3: {  	v21 =	vmul.f32 $8.262958320e-08, v21;
	v25 =	vmul.f32 $8.262958320e-08, v25;
	v34 =	vld [tilespmem:s29+$0x1E0];
	v23 =	vsub.f32 v30, v23  }
0x1c4: {  	v8 =	vmul.f32 $8.262958320e-08, v20;
	v29 =	vsub.f32 v29, v32;
	v30 =	vld [tilespmem:s29+$0x170];
	(erf) = vpow2.f32 v37  }
0x1c5: {  	v21 =	vadd.f32 v21, v22;
	v22 =	vadd.f32 v7, v33;
	v20 =	vld [tilespmem:s29+$0x1F0];
	v23 =	vmul.f32 $1.442695020e+00, v23;
	v27 =	vpop (erf)  }
0x1c6: {  	v7 =	vmovc v25;
	v29 =	vmul.f32 $1.442695020e+00, v29;
	v18 =	vsub.f32 v18, v35;
	v27 =	vadd.f32 $1.000000000e+00, v27;
	v32 =	vld [tilespmem:s13+$0x50]  }
0x1c7: {  	v10 =	vadd.f32 v10, v28;
	v25 =	vpop (erf);
	(erf) = vpow2.f32 v23;
	v23 =	vmul.f32 $2.402448060e-01, v31  }
0x1c8: {  	v25 =	vadd.f32 $1.000000000e+00, v25;
	v18 =	vmul.f32 $1.442695020e+00, v18;
	(erf) = vrcp.f32 v27  }
0x1c9: {  	v24 =	vmul.f32 $2.402448060e-01, v24;
	v27 =	vsub.f32 v34, v36;
	v28 =	vpop (erf);
	(erf) = vpow2.f32 v29;
	[tilespmem:s5+$0x6170] =	vst v10  }
0x1ca: {  	v31 =	vadd.f32 $1.000000000e+00, v28;
	v20 =	vsub.f32 v20, v30;
	v28 =	vld [tilespmem:s14+$0x120];
	(erf) = vrcp.f32 v25  }
0x1cb: {  	v25 =	vmul.f32 $1.442695020e+00, v27;
	v27 =	vld [tilespmem:s14+$0x1A0];
	v29 =	vpop (erf);
	(erf) = vpow2.f32 v18;
	vm0 =	veq.s32 v32, $0x0  }
0x1cc: {  	v18 =	vadd.f32 $1.000000000e+00, v29;
	v20 =	vmul.f32 $1.442695020e+00, v20;
	(erf) = vrcp.f32 v31  }
0x1cd: {  	v29 =	vsel vm0, v3, v6;
	v10 =	vpop (erf);
	(erf) = vpow2.f32 v25;
	v25 =	vsel vm0, v2, v5  }
0x1ce: {  	v30 =	vadd.f32 $1.000000000e+00, v10;
	(erf) = vrcp.f32 v18;
	v17 =	vadd.f32 v17, v25  }
0x1cf: {  	v16 =	vadd.f32 v16, v29;
	v10 =	vmul.f32 $2.402448060e-01, v26;
	(erf) = vpow2.f32 v20  }
0x1d0: {  	s12 =	sadd.s32 $0x100, s12;
	v18 =	vsub.f32 v27, v28;
	(erf) = vrcp.f32 v30;
	v20 =	vpop (erf);
	v15 =	vadd.f32 v15, v17  }
0x1d1: {  	s30 =	sand.u32 $0x1000, s12;
	v16 =	vadd.f32 v19, v16;
	v17 =	vadd.f32 $1.000000000e+00, v20;
	v20 =	vpop (erf)  }
0x1d2: {  	s21 =	sshll.u32 s3, $0x5;
	s28 =	sshll.u32 s28, $0xA;
	s30 =	sor.u32 $0x4100, s30;
	v26 =	vadd.f32 v24, v21;
	v19 =	vmul.f32 v20, v1;
	v18 =	vmul.f32 $1.442695020e+00, v18;
	v20 =	vld [tilespmem:s14+$0x130];
	v25 =	vpop (erf);
	[tilespmem:s20+$0x6150] =	vst v15  }
0x1d3: {  	s21 =	sand.u32 $0x380, s21;
	s10 =	sor.u32 s10, s30;
	s28 =	sor.u32 s28, s30;
	v27 =	vadd.f32 v9, v22;
	v21 =	vadd.f32 $1.000000000e+00, v25;
	v24 =	vld [tilespmem:s14+$0x1B0];
	v25 =	vpop (erf);
	(erf) = vrcp.f32 v17;
	[tilespmem:s20+$0x61D0] =	vst v16  }
0x1d4: {  	s10 =	sadd.s32 s21, s10;
	s28 =	sadd.s32 s21, s28;
	v16 =	vmul.f32 v25, v1;
	v17 =	vadd.f32 v19, v4;
	v22 =	vpop (erf);
	(erf) = vpow2.f32 v18;
	v19 =	vld [tilespmem:s13+$0x60];
	[tilespmem:s19+$0x6170] =	vst v26;
	s19 =	smov.u32 s14  }
0x1d5: {  	v9 =	vmov v23;
	v18 =	vadd.f32 $1.000000000e+00, v22;
	v25 =	vld [tilespmem:s28+$0x0];
	v15 =	vpop (erf);
	(erf) = vrcp.f32 v21;
	[tilespmem:s5+$0x61F0] =	vst v27;
	s5 =	smov.u32 s20;
	s20 =	smov.u32 s29  }
0x1d6: {  	v23 =	vld [tilespmem:s10+$0x0];
	v26 =	vadd.f32 v16, v4;
	v22 =	vmul.f32 v15, v1;
	v16 =	vsub.f32 $1.000002030e+00, v17;
	v15 =	vpop (erf)  }
0x1d7: {  	v27 =	vand.u32 $0x7FFFFF, v17;
	v15 =	vadd.f32 $1.000000000e+00, v15;
	v21 =	vpop (erf);
	(erf) = vrcp.f32 v18  }
0x1d8: {  	v27 =	vcvt.s32.f32 v27;
	v31 =	vand.u32 $0x7FFFFF, v16;
	v24 =	vsub.f32 v24, v20;
	v20 =	vpop (erf)  }
0x1d9: {  	v28 =	vand.u32 $0x7FFFFF, v26;
	v29 =	vsub.f32 $1.000002030e+00, v26;
	v30 =	vcvt.s32.f32 v31;
	v18 =	vpop (erf)  }
0x1da: {  	v27 =	vmul.f32 $1.192092900e-07, v27;
	vm0 =	veq.s32 v25, $0x0;
	v24 =	vmul.f32 $1.442695020e+00, v24  }
0x1db: {  	v25 =	vand.u32 $0x7FFFFF, v29;
	v30 =	vmul.f32 $1.192092900e-07, v30;
	v31 =	vsel vm0, v2, v5  }
0x1dc: {  	v36 =	vcvt.s32.f32 v17;
	v32 =	vsub.f32 $1.000000000e+00, v27;
	v33 =	vpop (erf);
	(erf) = vpow2.f32 v24  }
0x1dd: {  	v38 =	vcvt.s32.f32 v16;
	v24 =	vsub.f32 $1.000000000e+00, v30;
	v33 =	vmul.f32 v33, v1;
	v34 =	vpop (erf)  }
0x1de: {  	v27 =	vmul.f32 v32, v27;
	v32 =	vmul.f32 $8.262958320e-08, v36;
	v34 =	vadd.f32 $1.000000000e+00, v34;
	v35 =	vld [tilespmem:s19+$0x140];
	v17 =	vpop (erf)  }
0x1df: {  	v36 =	vsel vm0, v3, v6;
	v24 =	vmul.f32 v24, v30;
	v30 =	vmul.f32 $8.262958320e-08, v38;
	v37 =	vld [tilespmem:s19+$0x1C0]  }
0x1e0: {  	v31 =	vadd.f32 v32, v31;
	v27 =	vmul.f32 $2.402448060e-01, v27;
	v16 =	vpop (erf);
	(erf) = vrcp.f32 v34  }
0x1e1: {  	v32 =	vadd.f32 v33, v4;
	v30 =	vadd.f32 v30, v36;
	v24 =	vmul.f32 $2.402448060e-01, v24  }
0x1e2: {  	v28 =	vcvt.s32.f32 v28;
	v25 =	vcvt.s32.f32 v25;
	v27 =	vadd.f32 v27, v31  }
0x1e3: {  	v29 =	vcvt.s32.f32 v29;
	v24 =	vadd.f32 v24, v30;
	v30 =	vsub.f32 $1.000002030e+00, v32  }
0x1e4: {  	v25 =	vmul.f32 $1.192092900e-07, v25;
	[tilespmem:s19+$0x6100] =	vst v27;
	v27 =	vand.u32 $0x7FFFFF, v32;
	v31 =	vsub.f32 v37, v35  }
0x1e5: {  	v28 =	vmul.f32 $1.192092900e-07, v28;
	[tilespmem:s19+$0x6180] =	vst v24;
	v24 =	vcvt.s32.f32 v27;
	v27 =	vand.u32 $0x7FFFFF, v30;
	v33 =	vpop (erf)  }
0x1e6: {  	v34 =	vsub.f32 $1.000000000e+00, v25;
	v35 =	vld [tilespmem:s28+$0x10];
	v27 =	vcvt.s32.f32 v27;
	v31 =	vmul.f32 $1.442695020e+00, v31  }
0x1e7: {  	v36 =	vsub.f32 $1.000000000e+00, v28;
	v33 =	vadd.f32 $1.000000000e+00, v33;
	v24 =	vmul.f32 $1.192092900e-07, v24  }
0x1e8: {  	vm0 =	veq.s32 v23, $0x0;
	v23 =	vmul.f32 $1.192092900e-07, v27;
	(erf) = vpow2.f32 v31  }
0x1e9: {  	v27 =	vcvt.s32.f32 v32;
	v31 =	vsub.f32 $1.000000000e+00, v24;
	v32 =	vpop (erf);
	(erf) = vrcp.f32 v33  }
0x1ea: {  	v30 =	vcvt.s32.f32 v30;
	v33 =	vsub.f32 $1.000000000e+00, v23;
	v32 =	vmul.f32 v32, v1  }
0x1eb: {  	v27 =	vmul.f32 $8.262958320e-08, v27;
	v24 =	vmul.f32 v31, v24;
	vm1 =	veq.s32 v35, $0x0;
	v31 =	vld [tilespmem:s19+$0x150]  }
0x1ec: {  	v30 =	vmul.f32 $8.262958320e-08, v30;
	v23 =	vmul.f32 v33, v23;
	v33 =	vsel vm1, v2, v5;
	v35 =	vld [tilespmem:s19+$0x1D0]  }
0x1ed: {  	v27 =	vadd.f32 v27, v33;
	v24 =	vmul.f32 $2.402448060e-01, v24;
	v33 =	vsel vm1, v3, v6  }
0x1ee: {  	v32 =	vadd.f32 v32, v4;
	v30 =	vadd.f32 v30, v33;
	v23 =	vmul.f32 $2.402448060e-01, v23  }
0x1ef: {  	v26 =	vcvt.s32.f32 v26;
	v25 =	vmul.f32 v34, v25;
	v24 =	vadd.f32 v24, v27  }
0x1f0: {  	v27 =	vmul.f32 v36, v28;
	v28 =	vsub.f32 $1.000002030e+00, v32;
	v23 =	vadd.f32 v23, v30  }
0x1f1: {  	v29 =	vmul.f32 $8.262958320e-08, v29;
	[tilespmem:s19+$0x6110] =	vst v24;
	v24 =	vand.u32 $0x7FFFFF, v32;
	v30 =	vsub.f32 v35, v31;
	v31 =	vpop (erf)  }
0x1f2: {  	v26 =	vmul.f32 $8.262958320e-08, v26;
	[tilespmem:s19+$0x6190] =	vst v23;
	v23 =	vcvt.s32.f32 v24;
	v24 =	vand.u32 $0x7FFFFF, v28;
	v33 =	vpop (erf)  }
0x1f3: {  	v22 =	vadd.f32 v22, v4;
	v34 =	vld [tilespmem:s28+$0x20];
	v24 =	vcvt.s32.f32 v24;
	v30 =	vmul.f32 $1.442695020e+00, v30  }
0x1f4: {  	v35 =	vsel vm0, v2, v5;
	v31 =	vadd.f32 $1.000000000e+00, v31;
	v23 =	vmul.f32 $1.192092900e-07, v23  }
0x1f5: {  	v36 =	vsel vm0, v3, v6;
	v24 =	vmul.f32 $1.192092900e-07, v24;
	(erf) = vpow2.f32 v30  }
0x1f6: {  	v30 =	vcvt.s32.f32 v32;
	v32 =	vsub.f32 $1.000000000e+00, v23;
	(erf) = vrcp.f32 v31  }
0x1f7: {  	v28 =	vcvt.s32.f32 v28;
	v33 =	vmul.f32 v33, v1;
	v31 =	vsub.f32 $1.000000000e+00, v24  }
0x1f8: {  	v30 =	vmul.f32 $8.262958320e-08, v30;
	v23 =	vmul.f32 v32, v23;
	vm0 =	veq.s32 v34, $0x0;
	v32 =	vld [tilespmem:s19+$0x160]  }
0x1f9: {  	v28 =	vmul.f32 $8.262958320e-08, v28;
	v24 =	vmul.f32 v31, v24;
	v31 =	vsel vm0, v2, v5;
	v34 =	vld [tilespmem:s19+$0x1E0]  }
0x1fa: {  	v30 =	vadd.f32 v30, v31;
	v23 =	vmul.f32 $2.402448060e-01, v23;
	v31 =	vsel vm0, v3, v6  }
0x1fb: {  	v28 =	vadd.f32 v28, v31;
	v24 =	vmul.f32 $2.402448060e-01, v24;
	v31 =	vadd.f32 v33, v4  }
0x1fc: {  	v25 =	vmul.f32 $2.402448060e-01, v25;
	v27 =	vmul.f32 $2.402448060e-01, v27;
	v23 =	vadd.f32 v23, v30  }
0x1fd: {  	v30 =	vand.u32 $0x7FFFFF, v22;
	v24 =	vadd.f32 v24, v28;
	v28 =	vsub.f32 $1.000002030e+00, v31  }
0x1fe: {  	v29 =	vadd.f32 v29, v36;
	[tilespmem:s19+$0x6120] =	vst v23;
	v23 =	vand.u32 $0x7FFFFF, v31;
	v32 =	vsub.f32 v34, v32;
	v33 =	vpop (erf)  }
0x1ff: {  	v26 =	vadd.f32 v26, v35;
	[tilespmem:s19+$0x61A0] =	vst v24;
	v23 =	vcvt.s32.f32 v23;
	v24 =	vand.u32 $0x7FFFFF, v28;
	v34 =	vpop (erf)  }
0x200: {  	v35 =	vsub.f32 $1.000002030e+00, v22;
	v36 =	vld [tilespmem:s28+$0x30];
	v24 =	vcvt.s32.f32 v24;
	v32 =	vmul.f32 $1.442695020e+00, v32  }
0x201: {  	v25 =	vadd.f32 v25, v29;
	v29 =	vadd.f32 $1.000000000e+00, v33;
	v23 =	vmul.f32 $1.192092900e-07, v23  }
0x202: {  	v26 =	vadd.f32 v27, v26;
	v24 =	vmul.f32 $1.192092900e-07, v24;
	(erf) = vpow2.f32 v32  }
0x203: {  	[tilespmem:s20+$0x6180] =	vst v25;
	v25 =	vcvt.s32.f32 v31;
	v27 =	vsub.f32 $1.000000000e+00, v23;
	(erf) = vrcp.f32 v29  }
0x204: {  	v29 =	vmul.f32 v34, v1;
	[tilespmem:s20+$0x6100] =	vst v26;
	v26 =	vcvt.s32.f32 v28;
	v28 =	vsub.f32 $1.000000000e+00, v24  }
0x205: {  	v23 =	vmul.f32 v27, v23;
	vm0 =	veq.s32 v36, $0x0;
	v25 =	vmul.f32 $8.262958320e-08, v25;
	v27 =	vld [tilespmem:s19+$0x170]  }
0x206: {  	v24 =	vmul.f32 v28, v24;
	v28 =	vsel vm0, v2, v5;
	v26 =	vmul.f32 $8.262958320e-08, v26;
	v31 =	vld [tilespmem:s19+$0x1F0]  }
0x207: {  	v32 =	vld [tilespmem:s10+$0x10];
	v25 =	vadd.f32 v25, v28;
	v23 =	vmul.f32 $2.402448060e-01, v23;
	v28 =	vsel vm0, v3, v6  }
0x208: {  	v26 =	vadd.f32 v26, v28;
	v24 =	vmul.f32 $2.402448060e-01, v24;
	v28 =	vadd.f32 v29, v4  }
0x209: {  	v33 =	vand.u32 $0x7FFFFF, v35;
	v29 =	vcvt.s32.f32 v30;
	v23 =	vadd.f32 v23, v25  }
0x20a: {  	v25 =	vcvt.s32.f32 v33;
	v24 =	vadd.f32 v24, v26;
	v26 =	vsub.f32 $1.000002030e+00, v28  }
0x20b: {  	v29 =	vmul.f32 $1.192092900e-07, v29;
	[tilespmem:s19+$0x6130] =	vst v23;
	v23 =	vand.u32 $0x7FFFFF, v28;
	v27 =	vsub.f32 v31, v27;
	v30 =	vpop (erf)  }
0x20c: {  	v25 =	vmul.f32 $1.192092900e-07, v25;
	[tilespmem:s19+$0x61B0] =	vst v24;
	v23 =	vcvt.s32.f32 v23;
	v24 =	vand.u32 $0x7FFFFF, v26;
	v31 =	vpop (erf)  }
0x20d: {  	v33 =	vsub.f32 $1.000000000e+00, v29;
	v34 =	vld [tilespmem:s28+$0x40];
	v24 =	vcvt.s32.f32 v24;
	v27 =	vmul.f32 $1.442695020e+00, v27  }
0x20e: {  	v30 =	vadd.f32 $1.000000000e+00, v30;
	v36 =	vsub.f32 $1.000000000e+00, v25;
	v23 =	vmul.f32 $1.192092900e-07, v23  }
0x20f: {  	vm0 =	veq.s32 v32, $0x0;
	v24 =	vmul.f32 $1.192092900e-07, v24;
	(erf) = vpow2.f32 v27  }
0x210: {  	v27 =	vcvt.s32.f32 v28;
	v28 =	vsub.f32 $1.000000000e+00, v23;
	(erf) = vrcp.f32 v30  }
0x211: {  	v26 =	vcvt.s32.f32 v26;
	v31 =	vmul.f32 v31, v1;
	v30 =	vsub.f32 $1.000000000e+00, v24  }
0x212: {  	v27 =	vmul.f32 $8.262958320e-08, v27;
	v23 =	vmul.f32 v28, v23;
	vm1 =	veq.s32 v34, $0x0  }
0x213: {  	v26 =	vmul.f32 $8.262958320e-08, v26;
	v24 =	vmul.f32 v30, v24;
	v28 =	vsel vm1, v2, v5  }
0x214: {  	v27 =	vadd.f32 v27, v28;
	v23 =	vmul.f32 $2.402448060e-01, v23;
	v28 =	vsel vm1, v3, v6  }
0x215: {  	v26 =	vadd.f32 v26, v28;
	v24 =	vmul.f32 $2.402448060e-01, v24;
	v28 =	vadd.f32 v31, v4  }
0x216: {  	v22 =	vcvt.s32.f32 v22;
	v30 =	vcvt.s32.f32 v35;
	v23 =	vadd.f32 v23, v27  }
0x217: {  	v21 =	vmul.f32 v21, v1;
	v24 =	vadd.f32 v24, v26;
	v26 =	vsub.f32 $1.000002030e+00, v28  }
0x218: {  	v25 =	vmul.f32 v36, v25;
	v27 =	vmul.f32 v33, v29;
	[tilespmem:s19+$0x6140] =	vst v23;
	v23 =	vand.u32 $0x7FFFFF, v28;
	v29 =	vpop (erf)  }
0x219: {  	v30 =	vmul.f32 $8.262958320e-08, v30;
	[tilespmem:s19+$0x61C0] =	vst v24;
	v23 =	vcvt.s32.f32 v23;
	v24 =	vand.u32 $0x7FFFFF, v26;
	v31 =	vpop (erf)  }
0x21a: {  	v22 =	vmul.f32 $8.262958320e-08, v22;
	v32 =	vsel vm0, v2, v5;
	v33 =	vld [tilespmem:s28+$0x50];
	v24 =	vcvt.s32.f32 v24  }
0x21b: {  	v34 =	vsel vm0, v3, v6;
	v29 =	vadd.f32 $1.000000000e+00, v29;
	v23 =	vmul.f32 $1.192092900e-07, v23  }
0x21c: {  	v21 =	vadd.f32 v21, v4;
	v22 =	vadd.f32 v22, v32;
	v24 =	vmul.f32 $1.192092900e-07, v24  }
0x21d: {  	v28 =	vcvt.s32.f32 v28;
	v32 =	vsub.f32 $1.000000000e+00, v23;
	(erf) = vrcp.f32 v29  }
0x21e: {  	v26 =	vcvt.s32.f32 v26;
	v31 =	vmul.f32 v31, v1;
	v29 =	vsub.f32 $1.000000000e+00, v24  }
0x21f: {  	v28 =	vmul.f32 $8.262958320e-08, v28;
	v23 =	vmul.f32 v32, v23;
	vm0 =	veq.s32 v33, $0x0  }
0x220: {  	v26 =	vmul.f32 $8.262958320e-08, v26;
	v24 =	vmul.f32 v29, v24;
	v29 =	vsel vm0, v2, v5  }
0x221: {  	v28 =	vadd.f32 v28, v29;
	v23 =	vmul.f32 $2.402448060e-01, v23;
	v29 =	vsel vm0, v3, v6  }
0x222: {  	v26 =	vadd.f32 v26, v29;
	v24 =	vmul.f32 $2.402448060e-01, v24;
	v29 =	vadd.f32 v31, v4  }
0x223: {  	v25 =	vmul.f32 $2.402448060e-01, v25;
	v30 =	vadd.f32 v30, v34;
	v23 =	vadd.f32 v23, v28  }
0x224: {  	v31 =	vmul.f32 $2.402448060e-01, v27;
	v24 =	vadd.f32 v24, v26;
	v26 =	vsub.f32 $1.000002030e+00, v29  }
0x225: {  	v25 =	vadd.f32 v25, v30;
	v28 =	vsub.f32 $1.000002030e+00, v21;
	[tilespmem:s19+$0x6150] =	vst v23;
	v23 =	vand.u32 $0x7FFFFF, v29  }
0x226: {  	v22 =	vadd.f32 v31, v22;
	[tilespmem:s19+$0x61D0] =	vst v24;
	v23 =	vcvt.s32.f32 v23;
	v24 =	vand.u32 $0x7FFFFF, v26;
	v27 =	vpop (erf)  }
0x227: {  	v30 =	vand.u32 $0x7FFFFF, v28;
	[tilespmem:s20+$0x6190] =	vst v25;
	v25 =	vand.u32 $0x7FFFFF, v21;
	v31 =	vld [tilespmem:s28+$0x60];
	v24 =	vcvt.s32.f32 v24  }
0x228: {  	v20 =	vadd.f32 $1.000000000e+00, v20;
	[tilespmem:s20+$0x6110] =	vst v22;
	v22 =	vcvt.s32.f32 v30;
	v23 =	vmul.f32 $1.192092900e-07, v23  }
0x229: {  	vm1 =	veq.s32 v19, $0x0;
	v27 =	vmul.f32 v27, v1;
	v30 =	vld [tilespmem:s10+$0x20];
	v24 =	vmul.f32 $1.192092900e-07, v24  }
0x22a: {  	v29 =	vcvt.s32.f32 v29;
	v25 =	vcvt.s32.f32 v25;
	v32 =	vsub.f32 $1.000000000e+00, v23  }
0x22b: {  	v26 =	vcvt.s32.f32 v26;
	v19 =	vadd.f32 v27, v4;
	v33 =	vsub.f32 $1.000000000e+00, v24  }
0x22c: {  	v27 =	vmul.f32 $8.262958320e-08, v29;
	v23 =	vmul.f32 v32, v23;
	vm0 =	veq.s32 v31, $0x0  }
0x22d: {  	v26 =	vmul.f32 $8.262958320e-08, v26;
	v24 =	vmul.f32 v33, v24;
	v29 =	vsel vm0, v2, v5  }
0x22e: {  	v27 =	vadd.f32 v27, v29;
	v23 =	vmul.f32 $2.402448060e-01, v23;
	v29 =	vsel vm0, v3, v6  }
0x22f: {  	v22 =	vmul.f32 $1.192092900e-07, v22;
	v26 =	vadd.f32 v26, v29;
	v24 =	vmul.f32 $2.402448060e-01, v24  }
0x230: {  	v25 =	vmul.f32 $1.192092900e-07, v25;
	v23 =	vadd.f32 v23, v27;
	v27 =	vsub.f32 $1.000002030e+00, v19  }
0x231: {  	v28 =	vcvt.s32.f32 v28;
	v29 =	vsub.f32 $1.000000000e+00, v22;
	v24 =	vadd.f32 v24, v26  }
0x232: {  	v21 =	vcvt.s32.f32 v21;
	v26 =	vsub.f32 $1.000000000e+00, v25;
	[tilespmem:s19+$0x6160] =	vst v23;
	v23 =	vand.u32 $0x7FFFFF, v27  }
0x233: {  	v18 =	vmul.f32 v18, v1;
	vm0 =	veq.s32 v30, $0x0;
	[tilespmem:s19+$0x61E0] =	vst v24;
	v23 =	vcvt.s32.f32 v23  }
0x234: {  	v22 =	vmul.f32 v29, v22;
	v24 =	vmul.f32 v26, v25;
	v25 =	vsel vm0, v2, v5;
	v26 =	vld [tilespmem:s28+$0x70]  }
0x235: {  	v28 =	vmul.f32 $8.262958320e-08, v28;
	v29 =	vsel vm0, v3, v6;
	v23 =	vmul.f32 $1.192092900e-07, v23  }
0x236: {  	v18 =	vadd.f32 v18, v4;
	v21 =	vmul.f32 $8.262958320e-08, v21;
	v22 =	vmul.f32 $2.402448060e-01, v22  }
0x237: {  	v28 =	vadd.f32 v28, v29;
	v27 =	vcvt.s32.f32 v27;
	v29 =	vsub.f32 $1.000000000e+00, v23  }
0x238: {  	v21 =	vadd.f32 v21, v25;
	v25 =	vsub.f32 $1.000002030e+00, v18;
	v24 =	vmul.f32 $2.402448060e-01, v24  }
0x239: {  	v23 =	vmul.f32 v29, v23;
	vm0 =	veq.s32 v26, $0x0;
	v26 =	vmul.f32 $8.262958320e-08, v27  }
0x23a: {  	v22 =	vadd.f32 v22, v28;
	v21 =	vadd.f32 v24, v21;
	v24 =	vsel vm0, v3, v6  }
0x23b: {  	v27 =	vand.u32 $0x7FFFFF, v25;
	v24 =	vadd.f32 v26, v24;
	v23 =	vmul.f32 $2.402448060e-01, v23  }
0x23c: {  	v25 =	vcvt.s32.f32 v25;
	v26 =	vcvt.s32.f32 v27;
	[tilespmem:s20+$0x6120] =	vst v21;
	v21 =	vand.u32 $0x7FFFFF, v18  }
0x23d: {  	v18 =	vcvt.s32.f32 v18;
	[tilespmem:s20+$0x61A0] =	vst v22;
	v21 =	vcvt.s32.f32 v21;
	v22 =	vadd.f32 v23, v24  }
0x23e: {  	v17 =	vmul.f32 v17, v1;
	v24 =	vmul.f32 $1.192092900e-07, v26;
	v26 =	vsel vm1, v2, v5;
	v23 =	vld [tilespmem:s10+$0x30]  }
0x23f: {  	v25 =	vmul.f32 $8.262958320e-08, v25;
	v21 =	vmul.f32 $1.192092900e-07, v21;
	[tilespmem:s19+$0x61F0] =	vst v22;
	v22 =	vsel vm1, v3, v6  }
0x240: {  	v17 =	vadd.f32 v17, v4;
	v18 =	vmul.f32 $8.262958320e-08, v18;
	v27 =	vsub.f32 $1.000000000e+00, v24  }
0x241: {  	v16 =	vmul.f32 v16, v1;
	v28 =	vsub.f32 $1.000000000e+00, v21;
	(erf) = vrcp.f32 v15  }
0x242: {  	v15 =	vmul.f32 v27, v24;
	v24 =	vand.u32 $0x7FFFFF, v17;
	v27 =	vsub.f32 $1.000002030e+00, v17  }
0x243: {  	v21 =	vmul.f32 v28, v21;
	vm1 =	veq.s32 v23, $0x0;
	v23 =	vcvt.s32.f32 v24  }
0x244: {  	v15 =	vmul.f32 $2.402448060e-01, v15;
	v24 =	vsel vm1, v2, v5;
	v28 =	vsel vm1, v3, v6  }
0x245: {  	v18 =	vadd.f32 v18, v24;
	v21 =	vmul.f32 $2.402448060e-01, v21;
	v24 =	vadd.f32 v25, v28  }
0x246: {  	v23 =	vmul.f32 $1.192092900e-07, v23;
	v25 =	vcvt.s32.f32 v27;
	v27 =	vand.u32 $0x7FFFFF, v27  }
0x247: {  	v27 =	vcvt.s32.f32 v27;
	v18 =	vadd.f32 v21, v18;
	v15 =	vadd.f32 v15, v24  }
0x248: {  	v17 =	vcvt.s32.f32 v17;
	v24 =	vsub.f32 $1.000000000e+00, v23;
	v25 =	vmul.f32 $8.262958320e-08, v25  }
0x249: {  	v16 =	vadd.f32 v16, v4;
	[tilespmem:s20+$0x6130] =	vst v18;
	v18 =	vmul.f32 $1.192092900e-07, v27;
	(erf) = vrcp.f32 v20  }
0x24a: {  	v17 =	vmul.f32 $8.262958320e-08, v17;
	[tilespmem:s20+$0x61B0] =	vst v15;
	v15 =	vmul.f32 v24, v23;
	v21 =	vpop (erf);
	v23 =	vadd.f32 v12, v26  }
0x24b: {  	v27 =	vsub.f32 $1.000002030e+00, v16;
	v26 =	vand.u32 $0x7FFFFF, v16;
	v24 =	vld [tilespmem:s10+$0x40];
	v12 =	vsub.f32 $1.000000000e+00, v18  }
0x24c: {  	v11 =	vadd.f32 v11, v22;
	v20 =	vmul.f32 $2.402448060e-01, v15;
	v15 =	vcvt.s32.f32 v26  }
0x24d: {  	v22 =	vand.u32 $0x7FFFFF, v27;
	v18 =	vmul.f32 v12, v18;
	v12 =	vcvt.s32.f32 v27  }
.Ltmp3:
0x24e: {  	v22 =	vcvt.s32.f32 v22;
	v23 =	vadd.f32 v13, v23;
	v26 =	vmul.f32 $1.192092900e-07, v15;
	(pc) =	sbr.rel @p1 .LBB2_7-.Ltmp3, $4  }
0x24f: {  	v15 =	vcvt.s32.f32 v16;
	v16 =	vadd.f32 v14, v11;
	v13 =	vmul.f32 $2.402448060e-01, v18  }
0x250: {  	v11 =	vmul.f32 $1.192092900e-07, v22;
	vm1 =	veq.s32 v24, $0x0;
	v18 =	vsub.f32 $1.000000000e+00, v26;
	[tilespmem:s5+$0x6160] =	vst v23  }
0x251: {  	v14 =	vmul.f32 v21, v1;
	v22 =	vsel vm1, v2, v5;
	v24 =	vsel vm1, v3, v6;
	[tilespmem:s5+$0x61E0] =	vst v16  }
0x252: {  	v23 =	vadd.f32 v17, v22;
	v24 =	vadd.f32 v25, v24;
	v22 =	vmul.f32 v18, v26;
	v21 =	vpop (erf);
	v18 =	vld [tilespmem:s13+$0x70];
	s13 =	smov.u32 s10  }
0x253: {  	_ = 	snop  }
0x254: {  	v16 =	vadd.f32 v20, v23  }
0x255: {  	v13 =	vadd.f32 v13, v24  }
0x256: {  	[tilespmem:s20+$0x6140] =	vst v16  }
0x257: {  	[tilespmem:s20+$0x61C0] =	vst v13  }
0x258: {  	v13 =	vld [tilespmem:s13+$0x50];
	_ =	sdelay $0x3  }
0x259: {  	v16 =	vsub.f32 $1.000000000e+00, v11  }
0x25a: {  	v15 =	vmul.f32 $8.262958320e-08, v15;
	vm1 =	veq.s32 v13, $0x0  }
0x25b: {  	v12 =	vmul.f32 $8.262958320e-08, v12;
	v11 =	vmul.f32 v16, v11;
	v13 =	vsel vm1, v2, v5  }
0x25c: {  	v16 =	vmul.f32 $2.402448060e-01, v22;
	v17 =	vsel vm1, v3, v6;
	v13 =	vadd.f32 v15, v13  }
0x25d: {  	v14 =	vadd.f32 v14, v4;
	v11 =	vmul.f32 $2.402448060e-01, v11;
	v12 =	vadd.f32 v12, v17  }
0x25e: {  	v13 =	vadd.f32 v16, v13  }
0x25f: {  	v15 =	vsub.f32 $1.000002030e+00, v14;
	v11 =	vadd.f32 v11, v12  }
0x260: {  	v12 =	vand.u32 $0x7FFFFF, v14;
	[tilespmem:s20+$0x6150] =	vst v13  }
0x261: {  	v12 =	vcvt.s32.f32 v12;
	v13 =	vand.u32 $0x7FFFFF, v15;
	[tilespmem:s20+$0x61D0] =	vst v11  }
0x262: {  	v14 =	vcvt.s32.f32 v14;
	v13 =	vcvt.s32.f32 v13;
	v16 =	vld [tilespmem:s13+$0x60]  }
0x263: {  	v11 =	vmul.f32 v21, v1;
	v12 =	vmul.f32 $1.192092900e-07, v12  }
0x264: {  	v17 =	vand.u32 $0x7FFFFF, v19;
	v15 =	vcvt.s32.f32 v15;
	v13 =	vmul.f32 $1.192092900e-07, v13  }
0x265: {  	v17 =	vcvt.s32.f32 v17;
	v11 =	vadd.f32 v11, v4;
	v20 =	vsub.f32 $1.000000000e+00, v12  }
0x266: {  	v14 =	vmul.f32 $8.262958320e-08, v14;
	v15 =	vmul.f32 $8.262958320e-08, v15;
	v22 =	vsub.f32 $1.000000000e+00, v13  }
0x267: {  	v21 =	vsub.f32 $1.000002030e+00, v11;
	v12 =	vmul.f32 v20, v12;
	vm1 =	veq.s32 v16, $0x0  }
0x268: {  	v23 =	vand.u32 $0x7FFFFF, v11;
	v13 =	vmul.f32 v22, v13;
	v20 =	vsel vm1, v2, v5  }
0x269: {  	v12 =	vmul.f32 $2.402448060e-01, v12;
	v22 =	vsel vm1, v3, v6;
	v14 =	vadd.f32 v14, v20  }
0x26a: {  	v16 =	vand.u32 $0x7FFFFF, v21;
	v15 =	vadd.f32 v15, v22;
	v13 =	vmul.f32 $2.402448060e-01, v13  }
0x26b: {  	v11 =	vcvt.s32.f32 v11;
	v16 =	vcvt.s32.f32 v16;
	v12 =	vadd.f32 v12, v14  }
0x26c: {  	v21 =	vcvt.s32.f32 v21;
	v20 =	vcvt.s32.f32 v23;
	v13 =	vadd.f32 v13, v15  }
0x26d: {  	v11 =	vmul.f32 $8.262958320e-08, v11;
	v14 =	vmul.f32 $1.192092900e-07, v16;
	[tilespmem:s20+$0x6160] =	vst v12  }
0x26e: {  	v16 =	vmul.f32 $1.192092900e-07, v20;
	v15 =	vmul.f32 $1.192092900e-07, v17;
	v17 =	vsel vm0, v2, v5;
	[tilespmem:s20+$0x61E0] =	vst v13  }
0x26f: {  	vm0 =	veq.s32 v18, $0x0;
	v12 =	vcvt.s32.f32 v19;
	v19 =	vsub.f32 $1.000000000e+00, v14;
	v22 =	vld [tilespmem:s13+$0x70]  }
0x270: {  	v20 =	vsub.f32 $1.000000000e+00, v16;
	v18 =	vsel vm0, v2, v5;
	v13 =	vsub.f32 $1.000000000e+00, v15  }
0x271: {  	v8 =	vadd.f32 v8, v18;
	v18 =	vmul.f32 $8.262958320e-08, v21;
	v14 =	vmul.f32 v19, v14  }
0x272: {  	v12 =	vmul.f32 $8.262958320e-08, v12;
	v13 =	vmul.f32 v13, v15;
	v15 =	vsel vm0, v3, v6  }
0x273: {  	v16 =	vmul.f32 v20, v16;
	v8 =	vadd.f32 v10, v8;
	v7 =	vadd.f32 v7, v15  }
0x274: {  	v12 =	vadd.f32 v12, v17;
	v13 =	vmul.f32 $2.402448060e-01, v13;
	vm0 =	veq.s32 v22, $0x0  }
0x275: {  	v10 =	vmul.f32 $2.402448060e-01, v16;
	v7 =	vadd.f32 v9, v7;
	v15 =	vsel vm0, v2, v5  }
0x276: {  	v12 =	vadd.f32 v13, v12;
	v13 =	vsel vm0, v3, v6;
	v11 =	vadd.f32 v11, v15  }
0x277: {  	v14 =	vmul.f32 $2.402448060e-01, v14;
	[tilespmem:s5+$0x6170] =	vst v8;
	v8 =	vadd.f32 v18, v13  }
0x278: {  	[tilespmem:s5+$0x61F0] =	vst v7;
	v9 =	vadd.f32 v10, v11  }
0x279: {  	[tilespmem:s19+$0x6170] =	vst v12;
	v7 =	vadd.f32 v14, v8  }
0x27a: {  	s5 =	sshrl.u32 s11, $0x3;
	[tilespmem:s20+$0x6170] =	vst v9  }
0x27b: {  	p1 =	seq.s32 s0, $0xF;
	s3 =	sadd.s32 s6, s5;
	[tilespmem:s20+$0x61F0] =	vst v7  }
0x27c: {  	[hbm4b:s3+s7] =	stream.linear.scatter [tilespmem:s24], [sflag:$0x3], $0x4000, $0x38;
	[tilespmem:$0x14100] =	vst v63  }
0x27d: {  	s3 =	sadd.s32 @!p1 $0x2, s4  }
0x27e: {  	s10 =	sshll.u32 @!p1 s3, $0xE  }
0x27f: {  	s3 =	sshll.u32 @!p1 s3, $0xD;
	s10 =	sadd.s32 @!p1 s8, s10  }
0x280: {  	s12 =	simm.s32 @!p1 $0x100;
	s3 =	sadd.s32 @!p1 s9, s3;
	s10 =	sshrl.u32 @!p1 s10, $0x3  }
0x281: {  	s11 =	simm.s32 @!p1 $0x0;
	s3 =	sshrl.u32 @!p1 s3, $0x3;
	s10 =	sadd.s32 @!p1 s1, s10  }
0x282: {  	[tilespmem:s12], [sflag:$0x1] =	stream.linear.gather @!p1 [hbm4b:s10+s11], $0x4000, $0x38;
	[tilespmem:$0x14100] =	vst v63  }
0x283: {  	s3 =	sadd.s32 @!p1 s2, s3;
	s10 =	simm.s32 @!p1 $0x4100  }
0x284: {  	[tilespmem:s10], [sflag:$0x1] =	stream.linear.gather @!p1 [hbm4b:s3+s11], $0x2000, $0x38;
	[tilespmem:$0x14100] =	vst v63  }
0x285: {  	_ =	swait.ge [sflag:s25], $0x4000  }
0x286: {  	[sflag:s25] =	ssyncset.done $0x0  }
0x287: {  	[sflag:s25] =	ssyncadd.s32 $0xFFFFC000  }
0x288: {  	_ =	swait.ge [sflag:s25], $0x2000  }
0x289: {  	s20 =	simm.s32 $0x0;
	[sflag:s25] =	ssyncset.done $0x0  }
0x28a: {  	s21 =	sand.u32 $0x2, s20;
	s11 =	simm.s32 @!p0 $0x4;
	[sflag:s25] =	ssyncadd.s32 $0xFFFFE000  }
0x28b: {  	s28 =	simm.s32 $0x0;
	s3 =	sor.u32 $0x1, s21;
	_ =	swait.ge @!p0 [sflag:s11], $0x4000  }
0x28c: {  	s12 =	sand.u32 $0xFFFFFC00, s28;
	s29 =	sshll.u32 s3, $0x8;
	[sflag:s11] =	ssyncset.done @!p0 $0x0  }
0x28d: {  	[sflag:s11] =	ssyncadd.s32 @!p0 $0xFFFFC000;
	s11 =	sor.u32 s12, s29  }
0x28e: {  	s30 =	sshll.u32 s21, $0x8;
	v7 =	vld [tilespmem:s11+$0xA100]  }
0x28f: {  	s19 =	sor.u32 s30, s12;
	v8 =	vld [tilespmem:s11+$0xA180]  }
0x290: {  	v9 =	vld [tilespmem:s19+$0xA100]  }
0x291: {  	v10 =	vld [tilespmem:s19+$0xA180]  }
0x292: {  	v11 =	vld [tilespmem:s19+$0xA110]  }
0x293: {  	v12 =	vld [tilespmem:s19+$0xA190]  }
0x294: {  	v13 =	vld [tilespmem:s19+$0xA1A0]  }
0x295: {  	v14 =	vld [tilespmem:s19+$0xA1B0];
	v7 =	vsub.f32 v8, v7  }
0x296: {  	v8 =	vld [tilespmem:s19+$0xA120]  }
0x297: {  	v9 =	vsub.f32 v10, v9;
	v10 =	vld [tilespmem:s19+$0xA130];
	v7 =	vmul.f32 $1.442695020e+00, v7;
	_ =	sdelay $0x1  }
0x298: {  	v15 =	vld [tilespmem:s19+$0xA1F0];
	(erf) = vpow2.f32 v7;
	v7 =	vmul.f32 $1.442695020e+00, v9;
	v9 =	vsub.f32 v12, v11  }
0x299: {  	v11 =	vld [tilespmem:s11+$0xA110]  }
0x29a: {  	v12 =	vld [tilespmem:s11+$0xA190];
	v8 =	vsub.f32 v13, v8;
	v9 =	vmul.f32 $1.442695020e+00, v9;
	(erf) = vpow2.f32 v7  }
0x29b: {  	v13 =	vld [tilespmem:s19+$0xA1C0];
	v10 =	vsub.f32 v14, v10  }
0x29c: {  	v7 =	vld [tilespmem:s19+$0xA140];
	v8 =	vmul.f32 $1.442695020e+00, v8;
	(erf) = vpow2.f32 v9  }
0x29d: {  	v14 =	vld [tilespmem:s19+$0xA1D0];
	v10 =	vmul.f32 $1.442695020e+00, v10  }
0x29e: {  	v9 =	vld [tilespmem:s19+$0xA150];
	(erf) = vpow2.f32 v8  }
0x29f: {  	v8 =	vsub.f32 v12, v11;
	v11 =	vld [tilespmem:s19+$0xA160]  }
0x2a0: {  	v12 =	vld [tilespmem:s19+$0xA1E0]  }
0x2a1: {  	(erf) = vpow2.f32 v10;
	v8 =	vmul.f32 $1.442695020e+00, v8;
	v7 =	vsub.f32 v13, v7;
	v13 =	vld [tilespmem:s19+$0xA170];
	v10 =	vpop (erf)  }
0x2a2: {  	v10 =	vadd.f32 $1.000000000e+00, v10  }
0x2a3: {  	(erf) = vpow2.f32 v8;
	v7 =	vmul.f32 $1.442695020e+00, v7;
	v8 =	vsub.f32 v14, v9;
	v9 =	vpop (erf)  }
0x2a4: {  	(erf) = vrcp.f32 v10;
	v9 =	vadd.f32 $1.000000000e+00, v9  }
0x2a5: {  	v8 =	vmul.f32 $1.442695020e+00, v8;
	v10 =	vsub.f32 v12, v11;
	v11 =	vpop (erf);
	(erf) = vpow2.f32 v7  }
0x2a6: {  	s14 =	simm.s32 $0x0;
	v12 =	vsub.f32 v15, v13;
	v7 =	vld [tilespmem:s11+$0xA120];
	(erf) = vrcp.f32 v9  }
0x2a7: {  	s12 =	sand.u32 $0x1000, s14;
	v11 =	vadd.f32 $1.000000000e+00, v11;
	v9 =	vld [tilespmem:s11+$0xA1A0];
	v13 =	vpop (erf);
	(erf) = vpow2.f32 v8  }
0x2a8: {  	s20 =	simm.s32 $0x0;
	s3 =	sshll.u32 s3, $0xA;
	s12 =	sor.u32 $0xE100, s12;
	v10 =	vmul.f32 $1.442695020e+00, v10;
	v8 =	vadd.f32 $1.000000000e+00, v13  }
0x2a9: {  	s13 =	sand.u32 $0x380, s20;
	s3 =	sor.u32 s3, s12;
	(erf) = vrcp.f32 v11  }
0x2aa: {  	s3 =	sadd.s32 s13, s3;
	v11 =	vmul.f32 $1.442695020e+00, v12;
	v12 =	vpop (erf);
	(erf) = vpow2.f32 v10  }
0x2ab: {  	v13 =	vld [tilespmem:s3+$0x0];
	v10 =	vadd.f32 $1.000000000e+00, v12;
	(erf) = vrcp.f32 v8  }
0x2ac: {  	v12 =	vld [tilespmem:s11+$0xA1B0];
	(erf) = vpow2.f32 v11;
	v7 =	vsub.f32 v9, v7;
	v8 =	vpop (erf)  }
0x2ad: {  	(erf) = vrcp.f32 v10;
	v8 =	vadd.f32 $1.000000000e+00, v8;
	v10 =	vld [tilespmem:s11+$0xA130];
	v9 =	vpop (erf)  }
0x2ae: {  	v7 =	vmul.f32 $1.442695020e+00, v7;
	v9 =	vmul.f32 v9, v1;
	v11 =	vpop (erf)  }
0x2af: {  	(erf) = vrcp.f32 v8;
	v8 =	vadd.f32 $1.000000000e+00, v11;
	v11 =	vpop (erf)  }
0x2b0: {  	(erf) = vpow2.f32 v7;
	v9 =	vadd.f32 v9, v4;
	v7 =	vmul.f32 v11, v1;
	v11 =	vpop (erf)  }
0x2b1: {  	vm0 =	veq.s32 v13, $0x0;
	v11 =	vadd.f32 $1.000000000e+00, v11  }
0x2b2: {  	v14 =	vpop (erf);
	(erf) = vrcp.f32 v8;
	v10 =	vsub.f32 v12, v10;
	v15 =	vsub.f32 $1.000002030e+00, v9  }
0x2b3: {  	v16 =	vadd.f32 v7, v4;
	v14 =	vmul.f32 v14, v1;
	v8 =	vand.u32 $0x7FFFFF, v9  }
0x2b4: {  	v9 =	vcvt.s32.f32 v9;
	v17 =	vcvt.s32.f32 v8;
	v8 =	vand.u32 $0x7FFFFF, v15  }
0x2b5: {  	v20 =	vsel vm0, v2, v5;
	(erf) = vrcp.f32 v11;
	v19 =	vcvt.s32.f32 v8  }
0x2b6: {  	v10 =	vmul.f32 $1.442695020e+00, v10;
	v7 =	vpop (erf);
	v18 =	vand.u32 $0x7FFFFF, v16;
	v17 =	vmul.f32 $1.192092900e-07, v17  }
0x2b7: {  	v13 =	vsub.f32 $1.000002030e+00, v16;
	v9 =	vmul.f32 $8.262958320e-08, v9;
	v12 =	vpop (erf);
	v19 =	vmul.f32 $1.192092900e-07, v19  }
0x2b8: {  	(erf) = vpow2.f32 v10;
	v10 =	vcvt.s32.f32 v15;
	v8 =	vpop (erf);
	v21 =	vsub.f32 $1.000000000e+00, v17  }
0x2b9: {  	v16 =	vcvt.s32.f32 v16;
	v18 =	vcvt.s32.f32 v18;
	v11 =	vpop (erf);
	v15 =	vsub.f32 $1.000000000e+00, v19  }
0x2ba: {  	v14 =	vadd.f32 v14, v4;
	v10 =	vmul.f32 $8.262958320e-08, v10;
	v22 =	vpop (erf);
	v17 =	vmul.f32 v21, v17  }
0x2bb: {  	v49 =	vld [tilespmem:s11+$0xA1C0];
	v9 =	vadd.f32 v9, v20;
	v22 =	vmul.f32 v22, v1;
	v23 =	vpop (erf);
	v15 =	vmul.f32 v15, v19  }
0x2bc: {  	v21 =	vadd.f32 $1.000000000e+00, v23;
	v23 =	vld [tilespmem:s11+$0xA140];
	v19 =	vsel vm0, v3, v6;
	v17 =	vmul.f32 $2.402448060e-01, v17  }
0x2bd: {  	v10 =	vadd.f32 v10, v19;
	v19 =	vadd.f32 v22, v4;
	v15 =	vmul.f32 $2.402448060e-01, v15  }
0x2be: {  	v20 =	vand.u32 $0x7FFFFF, v13;
	(erf) = vrcp.f32 v21;
	v9 =	vadd.f32 v17, v9  }
0x2bf: {  	v17 =	vcvt.s32.f32 v20;
	v20 =	vsub.f32 $1.000002030e+00, v19;
	v15 =	vadd.f32 v15, v10  }
0x2c0: {  	v13 =	vcvt.s32.f32 v13;
	v16 =	vmul.f32 $8.262958320e-08, v16;
	v21 =	vand.u32 $0x7FFFFF, v19;
	[tilespmem:s11+$0x10100] =	vst v9  }
0x2c1: {  	v10 =	vpop (erf);
	v22 =	vsub.f32 v49, v23;
	[tilespmem:s11+$0x10180] =	vst v15;
	v15 =	vcvt.s32.f32 v21;
	v21 =	vand.u32 $0x7FFFFF, v20  }
0x2c2: {  	v58 =	vand.u32 $0x7FFFFF, v14;
	v18 =	vmul.f32 $1.192092900e-07, v18;
	v9 =	vpop (erf);
	v50 =	vld [tilespmem:s3+$0x10];
	v21 =	vcvt.s32.f32 v21  }
0x2c3: {  	v61 =	vsub.f32 $1.000002030e+00, v14;
	v23 =	vpop (erf);
	v22 =	vmul.f32 $1.442695020e+00, v22;
	v15 =	vmul.f32 $1.192092900e-07, v15  }
0x2c4: {  	v19 =	vcvt.s32.f32 v19;
	v23 =	vadd.f32 $1.000000000e+00, v23;
	v21 =	vmul.f32 $1.192092900e-07, v21  }
0x2c5: {  	v20 =	vcvt.s32.f32 v20;
	(erf) = vpow2.f32 v22;
	v22 =	vsub.f32 $1.000000000e+00, v15  }
0x2c6: {  	v19 =	vmul.f32 $8.262958320e-08, v19;
	(erf) = vrcp.f32 v23;
	v23 =	vsub.f32 $1.000000000e+00, v21  }
0x2c7: {  	v20 =	vmul.f32 $8.262958320e-08, v20;
	v26 =	vpop (erf);
	v15 =	vmul.f32 v22, v15;
	vm0 =	veq.s32 v50, $0x0  }
0x2c8: {  	v51 =	vld [tilespmem:s11+$0xA1D0];
	v26 =	vmul.f32 v26, v1;
	v21 =	vmul.f32 v23, v21;
	v23 =	vsel vm0, v2, v5  }
0x2c9: {  	v22 =	vld [tilespmem:s11+$0xA150];
	v19 =	vadd.f32 v19, v23;
	v15 =	vmul.f32 $2.402448060e-01, v15;
	v23 =	vsel vm0, v3, v6  }
0x2ca: {  	v20 =	vadd.f32 v20, v23;
	v21 =	vmul.f32 $2.402448060e-01, v21;
	v23 =	vadd.f32 v26, v4  }
0x2cb: {  	v14 =	vcvt.s32.f32 v14;
	v52 =	vsub.f32 $1.000000000e+00, v18;
	v15 =	vadd.f32 v15, v19  }
0x2cc: {  	v12 =	vmul.f32 v12, v1;
	v19 =	vadd.f32 v21, v20;
	v20 =	vsub.f32 $1.000002030e+00, v23  }
0x2cd: {  	v13 =	vmul.f32 $8.262958320e-08, v13;
	v18 =	vmul.f32 v52, v18;
	[tilespmem:s11+$0x10110] =	vst v15;
	v15 =	vand.u32 $0x7FFFFF, v23  }
0x2ce: {  	v21 =	vsub.f32 v51, v22;
	[tilespmem:s11+$0x10190] =	vst v19;
	v15 =	vcvt.s32.f32 v15;
	v19 =	vand.u32 $0x7FFFFF, v20  }
0x2cf: {  	v7 =	vadd.f32 $1.000000000e+00, v7;
	v17 =	vmul.f32 $1.192092900e-07, v17;
	v53 =	vld [tilespmem:s3+$0x20];
	v19 =	vcvt.s32.f32 v19  }
0x2d0: {  	v8 =	vadd.f32 $1.000000000e+00, v8;
	v22 =	vpop (erf);
	v21 =	vmul.f32 $1.442695020e+00, v21;
	v15 =	vmul.f32 $1.192092900e-07, v15  }
0x2d1: {  	v23 =	vcvt.s32.f32 v23;
	v22 =	vadd.f32 $1.000000000e+00, v22;
	v19 =	vmul.f32 $1.192092900e-07, v19  }
0x2d2: {  	s10 =	sshll.u32 s21, $0xA;
	v20 =	vcvt.s32.f32 v20;
	(erf) = vpow2.f32 v21;
	v54 =	vsub.f32 $1.000000000e+00, v15  }
0x2d3: {  	s10 =	sor.u32 s10, s12;
	v23 =	vmul.f32 $8.262958320e-08, v23;
	(erf) = vrcp.f32 v22;
	v22 =	vsub.f32 $1.000000000e+00, v19  }
0x2d4: {  	v55 =	vld [tilespmem:s11+$0xA160];
	s28 =	sadd.s32 s13, s10;
	v20 =	vmul.f32 $8.262958320e-08, v20;
	v21 =	vpop (erf);
	v15 =	vmul.f32 v54, v15;
	vm1 =	veq.s32 v53, $0x0  }
0x2d5: {  	v27 =	vld [tilespmem:s28+$0x0];
	v21 =	vmul.f32 v21, v1;
	v19 =	vmul.f32 v22, v19;
	v22 =	vsel vm1, v2, v5  }
0x2d6: {  	v56 =	vld [tilespmem:s11+$0xA1E0];
	v22 =	vadd.f32 v23, v22;
	v15 =	vmul.f32 $2.402448060e-01, v15;
	v23 =	vsel vm1, v3, v6  }
0x2d7: {  	v21 =	vadd.f32 v21, v4;
	v20 =	vadd.f32 v20, v23;
	v19 =	vmul.f32 $2.402448060e-01, v19  }
0x2d8: {  	v14 =	vmul.f32 $8.262958320e-08, v14;
	v25 =	vsub.f32 $1.000000000e+00, v17;
	v15 =	vadd.f32 v15, v22  }
0x2d9: {  	v18 =	vmul.f32 $2.402448060e-01, v18;
	v19 =	vadd.f32 v19, v20;
	v20 =	vsub.f32 $1.000002030e+00, v21  }
0x2da: {  	v17 =	vmul.f32 v25, v17;
	vm0 =	veq.s32 v27, $0x0;
	[tilespmem:s11+$0x10120] =	vst v15;
	v15 =	vand.u32 $0x7FFFFF, v21  }
0x2db: {  	v22 =	vsub.f32 v56, v55;
	[tilespmem:s11+$0x101A0] =	vst v19;
	v15 =	vcvt.s32.f32 v15;
	v19 =	vand.u32 $0x7FFFFF, v20  }
0x2dc: {  	v57 =	vsel vm0, v3, v6;
	v23 =	vsel vm0, v2, v5;
	v60 =	vld [tilespmem:s3+$0x30];
	v19 =	vcvt.s32.f32 v19  }
0x2dd: {  	v16 =	vadd.f32 v16, v23;
	v59 =	vpop (erf);
	v22 =	vmul.f32 $1.442695020e+00, v22;
	v15 =	vmul.f32 $1.192092900e-07, v15  }
0x2de: {  	v23 =	vadd.f32 $1.000000000e+00, v59;
	v21 =	vcvt.s32.f32 v21;
	v19 =	vmul.f32 $1.192092900e-07, v19  }
0x2df: {  	v20 =	vcvt.s32.f32 v20;
	(erf) = vpow2.f32 v22;
	v62 =	vsub.f32 $1.000000000e+00, v15  }
0x2e0: {  	v21 =	vmul.f32 $8.262958320e-08, v21;
	(erf) = vrcp.f32 v23;
	v23 =	vsub.f32 $1.000000000e+00, v19  }
0x2e1: {  	v63 =	vld [tilespmem:s11+$0xA170];
	v20 =	vmul.f32 $8.262958320e-08, v20;
	v22 =	vpop (erf);
	v15 =	vmul.f32 v62, v15;
	vm0 =	veq.s32 v60, $0x0  }
0x2e2: {  	v30 =	vld [tilespmem:s11+$0xA1F0];
	v22 =	vmul.f32 v22, v1;
	v19 =	vmul.f32 v23, v19;
	v23 =	vsel vm0, v2, v5  }
0x2e3: {  	v21 =	vadd.f32 v21, v23;
	v15 =	vmul.f32 $2.402448060e-01, v15;
	v23 =	vsel vm0, v3, v6  }
0x2e4: {  	v22 =	vadd.f32 v22, v4;
	v20 =	vadd.f32 v20, v23;
	v19 =	vmul.f32 $2.402448060e-01, v19  }
0x2e5: {  	v17 =	vmul.f32 $2.402448060e-01, v17;
	v13 =	vadd.f32 v13, v57;
	v15 =	vadd.f32 v15, v21  }
0x2e6: {  	v11 =	vmul.f32 v11, v1;
	v19 =	vadd.f32 v19, v20;
	v20 =	vsub.f32 $1.000002030e+00, v22  }
0x2e7: {  	v13 =	vadd.f32 v17, v13;
	v23 =	vsub.f32 v30, v63;
	[tilespmem:s11+$0x10130] =	vst v15;
	v15 =	vand.u32 $0x7FFFFF, v22  }
0x2e8: {  	v17 =	vcvt.s32.f32 v58;
	[tilespmem:s11+$0x101B0] =	vst v19;
	v15 =	vcvt.s32.f32 v15;
	v19 =	vand.u32 $0x7FFFFF, v20  }
0x2e9: {  	v16 =	vadd.f32 v18, v16;
	v18 =	vpop (erf);
	v23 =	vmul.f32 $1.442695020e+00, v23;
	v31 =	vld [tilespmem:s3+$0x40];
	v19 =	vcvt.s32.f32 v19  }
0x2ea: {  	v18 =	vadd.f32 $1.000000000e+00, v18;
	v22 =	vcvt.s32.f32 v22;
	v15 =	vmul.f32 $1.192092900e-07, v15  }
0x2eb: {  	v21 =	vand.u32 $0x7FFFFF, v61;
	(erf) = vpow2.f32 v23;
	v19 =	vmul.f32 $1.192092900e-07, v19  }
0x2ec: {  	v21 =	vcvt.s32.f32 v21;
	(erf) = vrcp.f32 v18;
	v33 =	vsub.f32 $1.000000000e+00, v15  }
0x2ed: {  	v18 =	vcvt.s32.f32 v20;
	v22 =	vmul.f32 $8.262958320e-08, v22;
	v23 =	vpop (erf);
	v20 =	vsub.f32 $1.000000000e+00, v19  }
0x2ee: {  	v23 =	vmul.f32 v23, v1;
	v15 =	vmul.f32 v33, v15;
	vm0 =	veq.s32 v31, $0x0  }
0x2ef: {  	[tilespmem:s19+$0x10180] =	vst v13;
	v18 =	vmul.f32 $8.262958320e-08, v18;
	v13 =	vmul.f32 v20, v19;
	v19 =	vsel vm0, v2, v5  }
0x2f0: {  	[tilespmem:s19+$0x10100] =	vst v16;
	v16 =	vadd.f32 v22, v19;
	v15 =	vmul.f32 $2.402448060e-01, v15;
	v19 =	vsel vm0, v3, v6  }
0x2f1: {  	v20 =	vld [tilespmem:s28+$0x10];
	v18 =	vadd.f32 v18, v19;
	v13 =	vmul.f32 $2.402448060e-01, v13;
	v19 =	vadd.f32 v23, v4  }
0x2f2: {  	v10 =	vmul.f32 v10, v1;
	v17 =	vmul.f32 $1.192092900e-07, v17;
	v15 =	vadd.f32 v15, v16  }
0x2f3: {  	v21 =	vmul.f32 $1.192092900e-07, v21;
	v13 =	vadd.f32 v13, v18;
	v16 =	vsub.f32 $1.000002030e+00, v19  }
0x2f4: {  	v9 =	vmul.f32 v9, v1;
	v32 =	vsub.f32 $1.000000000e+00, v17;
	[tilespmem:s11+$0x10140] =	vst v15;
	v15 =	vand.u32 $0x7FFFFF, v19  }
0x2f5: {  	v22 =	vsub.f32 $1.000000000e+00, v21;
	[tilespmem:s11+$0x101C0] =	vst v13;
	v13 =	vcvt.s32.f32 v15;
	v15 =	vand.u32 $0x7FFFFF, v16  }
0x2f6: {  	v17 =	vmul.f32 v32, v17;
	vm0 =	veq.s32 v20, $0x0;
	v23 =	vld [tilespmem:s3+$0x50];
	v15 =	vcvt.s32.f32 v15  }
0x2f7: {  	v21 =	vmul.f32 v22, v21;
	v18 =	vcvt.s32.f32 v61;
	v20 =	vpop (erf);
	v34 =	vsel vm0, v2, v5  }
0x2f8: {  	v20 =	vadd.f32 $1.000000000e+00, v20;
	v13 =	vmul.f32 $1.192092900e-07, v13;
	v15 =	vmul.f32 $1.192092900e-07, v15  }
0x2f9: {  	v19 =	vcvt.s32.f32 v19;
	v16 =	vcvt.s32.f32 v16;
	v14 =	vadd.f32 v14, v34  }
0x2fa: {  	(erf) = vrcp.f32 v20;
	v35 =	vsub.f32 $1.000000000e+00, v13;
	v20 =	vsub.f32 $1.000000000e+00, v15  }
0x2fb: {  	v19 =	vmul.f32 $8.262958320e-08, v19;
	v16 =	vmul.f32 $8.262958320e-08, v16;
	vm1 =	veq.s32 v23, $0x0  }
0x2fc: {  	v22 =	vpop (erf);
	v13 =	vmul.f32 v35, v13;
	v15 =	vmul.f32 v20, v15;
	v20 =	vsel vm1, v2, v5  }
0x2fd: {  	v22 =	vmul.f32 v22, v1;
	v19 =	vadd.f32 v19, v20;
	v20 =	vsel vm1, v3, v6  }
0x2fe: {  	v13 =	vmul.f32 $2.402448060e-01, v13;
	v16 =	vadd.f32 v16, v20;
	v15 =	vmul.f32 $2.402448060e-01, v15  }
0x2ff: {  	v18 =	vmul.f32 $8.262958320e-08, v18;
	v20 =	vadd.f32 v22, v4;
	v22 =	vadd.f32 v12, v4  }
0x300: {  	(erf) = vrcp.f32 v7;
	v12 =	vadd.f32 v13, v19;
	v15 =	vadd.f32 v15, v16  }
0x301: {  	v13 =	vsel vm0, v3, v6;
	v16 =	vsub.f32 $1.000002030e+00, v20;
	v19 =	vsub.f32 $1.000002030e+00, v22  }
0x302: {  	v13 =	vadd.f32 v18, v13;
	[tilespmem:s11+$0x10150] =	vst v12;
	v12 =	vmul.f32 $2.402448060e-01, v17;
	v17 =	vand.u32 $0x7FFFFF, v20  }
0x303: {  	v18 =	vmul.f32 $2.402448060e-01, v21;
	[tilespmem:s11+$0x101D0] =	vst v15;
	v15 =	vand.u32 $0x7FFFFF, v16;
	v17 =	vcvt.s32.f32 v17  }
0x304: {  	v20 =	vcvt.s32.f32 v20;
	v21 =	vand.u32 $0x7FFFFF, v19;
	v23 =	vld [tilespmem:s3+$0x60];
	v15 =	vcvt.s32.f32 v15  }
0x305: {  	v13 =	vadd.f32 v18, v13;
	v16 =	vcvt.s32.f32 v16;
	v17 =	vmul.f32 $1.192092900e-07, v17  }
0x306: {  	v18 =	vcvt.s32.f32 v21;
	v14 =	vadd.f32 v12, v14;
	v12 =	vpop (erf);
	v15 =	vmul.f32 $1.192092900e-07, v15  }
0x307: {  	v21 =	vand.u32 $0x7FFFFF, v22;
	v12 =	vmul.f32 v12, v1;
	v36 =	vsub.f32 $1.000000000e+00, v17  }
0x308: {  	v20 =	vmul.f32 $8.262958320e-08, v20;
	v21 =	vcvt.s32.f32 v21;
	v37 =	vsub.f32 $1.000000000e+00, v15  }
0x309: {  	[tilespmem:s19+$0x10190] =	vst v13;
	vm0 =	veq.s32 v23, $0x0;
	v12 =	vadd.f32 v12, v4;
	v13 =	vmul.f32 v36, v17  }
0x30a: {  	[tilespmem:s19+$0x10110] =	vst v14;
	v17 =	vsel vm0, v2, v5;
	v14 =	vmul.f32 v37, v15;
	v15 =	vmul.f32 $8.262958320e-08, v16  }
0x30b: {  	v16 =	vadd.f32 v20, v17;
	v13 =	vmul.f32 $2.402448060e-01, v13;
	v20 =	vsel vm0, v3, v6  }
0x30c: {  	v18 =	vmul.f32 $1.192092900e-07, v18;
	v17 =	vld [tilespmem:s28+$0x20];
	v15 =	vadd.f32 v15, v20;
	v20 =	vmul.f32 $1.192092900e-07, v21  }
0x30d: {  	v21 =	vsub.f32 $1.000002030e+00, v12;
	v14 =	vmul.f32 $2.402448060e-01, v14;
	v13 =	vadd.f32 v13, v16  }
0x30e: {  	v16 =	vcvt.s32.f32 v19;
	v19 =	vsub.f32 $1.000000000e+00, v18;
	v23 =	vsub.f32 $1.000000000e+00, v20  }
0x30f: {  	v38 =	vand.u32 $0x7FFFFF, v21;
	v14 =	vadd.f32 v14, v15;
	v15 =	vcvt.s32.f32 v22  }
0x310: {  	v11 =	vadd.f32 v11, v4;
	v22 =	vcvt.s32.f32 v38;
	v18 =	vmul.f32 v19, v18  }
0x311: {  	vm0 =	veq.s32 v17, $0x0;
	v17 =	vmul.f32 v23, v20;
	v15 =	vmul.f32 $8.262958320e-08, v15  }
0x312: {  	v16 =	vmul.f32 $8.262958320e-08, v16;
	v19 =	vsel vm0, v2, v5;
	v20 =	vmul.f32 $1.192092900e-07, v22  }
0x313: {  	[tilespmem:s11+$0x10160] =	vst v13;
	v22 =	vsel vm0, v3, v6;
	v15 =	vadd.f32 v15, v19;
	v17 =	vmul.f32 $2.402448060e-01, v17  }
0x314: {  	v13 =	vcvt.s32.f32 v21;
	[tilespmem:s11+$0x101E0] =	vst v14;
	v18 =	vmul.f32 $2.402448060e-01, v18;
	v14 =	vadd.f32 v16, v22  }
0x315: {  	s12 =	simm.s32 $0x2;
	(erf) = vrcp.f32 v8;
	v16 =	vsub.f32 $1.000002030e+00, v11;
	v15 =	vadd.f32 v17, v15  }
0x316: {  	s10 =	sand.u32 $0x2, s12;
	v13 =	vmul.f32 $8.262958320e-08, v13;
	v23 =	vsub.f32 $1.000000000e+00, v20;
	v14 =	vadd.f32 v18, v14  }
0x317: {  	s21 =	simm.s32 $0x200;
	s14 =	sor.u32 $0x1, s10;
	v22 =	vcvt.s32.f32 v12;
	v12 =	vand.u32 $0x7FFFFF, v12;
	v17 =	vand.u32 $0x7FFFFF, v16;
	[tilespmem:s19+$0x10120] =	vst v15  }
0x318: {  	s30 =	sshll.u32 s10, $0x8;
	s29 =	sshll.u32 s14, $0x8;
	v19 =	vmul.f32 v23, v20;
	v20 =	vld [tilespmem:s3+$0x70];
	v17 =	vcvt.s32.f32 v17;
	s3 =	sand.u32 $0xFFFFFC00, s21;
	v15 =	vand.u32 $0x7FFFFF, v11;
	[tilespmem:s19+$0x101A0] =	vst v14  }
0x319: {  	v40 =	vcvt.s32.f32 v12;
	s20 =	sor.u32 s3, s29;
	s3 =	sor.u32 s30, s3;
	v14 =	vcvt.s32.f32 v15;
	v15 =	vld [tilespmem:s28+$0x30]  }
0x31a: {  	v10 =	vadd.f32 v10, v4;
	v16 =	vcvt.s32.f32 v16;
	v17 =	vmul.f32 $1.192092900e-07, v17;
	v39 =	vld [tilespmem:s3+$0xA100]  }
0x31b: {  	v9 =	vadd.f32 v9, v4;
	v11 =	vcvt.s32.f32 v11;
	v41 =	vld [tilespmem:s3+$0xA180];
	v14 =	vmul.f32 $1.192092900e-07, v14  }
0x31c: {  	v16 =	vmul.f32 $8.262958320e-08, v16;
	v18 =	vmul.f32 $2.402448060e-01, v19;
	v42 =	vld [tilespmem:s3+$0xA110];
	v19 =	vsub.f32 $1.000000000e+00, v17  }
0x31d: {  	v28 =	vld [tilespmem:s3+$0xA190];
	v11 =	vmul.f32 $8.262958320e-08, v11;
	vm0 =	veq.s32 v20, $0x0;
	v20 =	vsub.f32 $1.000000000e+00, v14  }
0x31e: {  	v7 =	vmul.f32 v19, v17;
	v17 =	vand.u32 $0x7FFFFF, v10;
	v19 =	vsub.f32 $1.000002030e+00, v10  }
0x31f: {  	v8 =	vsel vm0, v3, v6;
	vm1 =	veq.s32 v15, $0x0;
	v15 =	vcvt.s32.f32 v17  }
0x320: {  	v24 =	vsub.f32 v41, v39;
	v14 =	vmul.f32 v20, v14;
	v20 =	vsel vm1, v3, v6  }
0x321: {  	v17 =	vsel vm1, v2, v5;
	v7 =	vmul.f32 $2.402448060e-01, v7;
	v16 =	vadd.f32 v16, v20  }
0x322: {  	v44 =	vsub.f32 v28, v42;
	v11 =	vadd.f32 v11, v17;
	v14 =	vmul.f32 $2.402448060e-01, v14  }
0x323: {  	v43 =	vld [tilespmem:s3+$0xA130];
	v17 =	vcvt.s32.f32 v19;
	v19 =	vand.u32 $0x7FFFFF, v19;
	v7 =	vadd.f32 v7, v16  }
0x324: {  	v34 =	vld [tilespmem:s3+$0xA1B0];
	v15 =	vmul.f32 $1.192092900e-07, v15;
	v11 =	vadd.f32 v14, v11;
	v14 =	vcvt.s32.f32 v19  }
0x325: {  	v45 =	vld [tilespmem:s20+$0xA110];
	v10 =	vcvt.s32.f32 v10;
	v8 =	vadd.f32 v13, v8;
	v24 =	vmul.f32 $1.442695020e+00, v24;
	[tilespmem:s19+$0x101B0] =	vst v7  }
0x326: {  	v47 =	vld [tilespmem:s20+$0xA190];
	v25 =	vmul.f32 $1.442695020e+00, v44;
	v16 =	vsub.f32 $1.000000000e+00, v15;
	[tilespmem:s19+$0x10130] =	vst v11;
	v11 =	vmul.f32 $1.192092900e-07, v14  }
0x327: {  	v10 =	vmul.f32 $8.262958320e-08, v10;
	v17 =	vmul.f32 $8.262958320e-08, v17;
	v19 =	vsub.f32 $1.000002030e+00, v9;
	v14 =	vld [tilespmem:s28+$0x40]  }
0x328: {  	v7 =	vmul.f32 v16, v15;
	v16 =	vand.u32 $0x7FFFFF, v9;
	v15 =	vsub.f32 $1.000000000e+00, v11  }
0x329: {  	v26 =	vsub.f32 v34, v43;
	v9 =	vcvt.s32.f32 v9;
	v13 =	vcvt.s32.f32 v16  }
0x32a: {  	v16 =	vcvt.s32.f32 v19;
	v15 =	vmul.f32 v15, v11;
	v11 =	vand.u32 $0x7FFFFF, v19  }
0x32b: {  	v51 =	vsub.f32 v47, v45;
	v13 =	vmul.f32 $1.192092900e-07, v13;
	v19 =	vcvt.s32.f32 v11  }
0x32c: {  	v7 =	vmul.f32 $2.402448060e-01, v7;
	v11 =	vadd.f32 v18, v8;
	vm1 =	veq.s32 v14, $0x0  }
0x32d: {  	v14 =	vsub.f32 $1.000000000e+00, v13;
	v18 =	vmul.f32 $1.192092900e-07, v19;
	v19 =	vsel vm1, v2, v5  }
0x32e: {  	v8 =	vmul.f32 $2.402448060e-01, v15;
	v20 =	vsel vm1, v3, v6;
	v15 =	vpop (erf);
	v19 =	vadd.f32 v10, v19  }
0x32f: {  	v13 =	vmul.f32 v14, v13;
	v15 =	vmul.f32 v15, v1;
	v14 =	vsub.f32 $1.000000000e+00, v18  }
0x330: {  	v20 =	vadd.f32 v17, v20;
	v17 =	vmul.f32 $8.262958320e-08, v9;
	v10 =	vmul.f32 $8.262958320e-08, v16;
	v9 =	vld [tilespmem:s20+$0xA100]  }
0x331: {  	v16 =	vmul.f32 $2.402448060e-01, v13;
	v13 =	vmul.f32 v14, v18;
	v14 =	vadd.f32 v15, v4;
	v15 =	vld [tilespmem:s20+$0xA180]  }
0x332: {  	v50 =	vmul.f32 $1.442695020e+00, v26;
	v56 =	vmul.f32 $1.442695020e+00, v51;
	v21 =	vpop (erf)  }
0x333: {  	v21 =	vmul.f32 v21, v1;
	v19 =	vadd.f32 v7, v19;
	v18 =	vmul.f32 $2.402448060e-01, v13  }
0x334: {  	v13 =	vcvt.s32.f32 v14;
	v23 =	vsub.f32 $1.000002030e+00, v14;
	v14 =	vand.u32 $0x7FFFFF, v14  }
0x335: {  	v21 =	vadd.f32 v21, v4;
	[tilespmem:s19+$0x10140] =	vst v19;
	v19 =	vmul.f32 $8.262958320e-08, v22;
	v12 =	vcvt.s32.f32 v14  }
0x336: {  	v14 =	vcvt.s32.f32 v23;
	v23 =	vand.u32 $0x7FFFFF, v23;
	v9 =	vsub.f32 v15, v9  }
0x337: {  	v31 =	vld [tilespmem:s3+$0xA1A0];
	v29 =	vsub.f32 $1.000002030e+00, v21;
	v23 =	vcvt.s32.f32 v23;
	v15 =	vmul.f32 $1.192092900e-07, v12  }
0x338: {  	v12 =	vmul.f32 $8.262958320e-08, v14;
	v14 =	vld [tilespmem:s3+$0xA120];
	v9 =	vmul.f32 $1.442695020e+00, v9  }
0x339: {  	v30 =	vand.u32 $0x7FFFFF, v21;
	v21 =	vcvt.s32.f32 v21;
	v13 =	vmul.f32 $8.262958320e-08, v13  }
0x33a: {  	v8 =	vadd.f32 v8, v20;
	v23 =	vmul.f32 $1.192092900e-07, v23;
	(erf) = vpow2.f32 v9  }
0x33b: {  	v30 =	vcvt.s32.f32 v30;
	v32 =	vand.u32 $0x7FFFFF, v29;
	v29 =	vcvt.s32.f32 v29  }
0x33c: {  	v48 =	vld [tilespmem:s3+$0xA140];
	v32 =	vcvt.s32.f32 v32;
	v46 =	vsub.f32 $1.000000000e+00, v23;
	(erf) = vpow2.f32 v24  }
0x33d: {  	v49 =	vld [tilespmem:s3+$0xA1C0];
	[tilespmem:s19+$0x101C0] =	vst v8;
	v8 =	vmul.f32 $8.262958320e-08, v21;
	v30 =	vmul.f32 $1.192092900e-07, v30;
	v14 =	vsub.f32 v31, v14  }
0x33e: {  	v53 =	vld [tilespmem:s3+$0xA160];
	v7 =	vmul.f32 $1.192092900e-07, v32;
	v23 =	vmul.f32 v46, v23  }
0x33f: {  	v20 =	vld [tilespmem:s3+$0xA150];
	(erf) = vpow2.f32 v25;
	v31 =	vmul.f32 $1.442695020e+00, v14  }
0x340: {  	v33 =	vsub.f32 $1.000000000e+00, v15;
	v54 =	vsub.f32 $1.000000000e+00, v30;
	v14 =	vmul.f32 $2.402448060e-01, v23;
	v23 =	vld [tilespmem:s3+$0xA1D0]  }
0x341: {  	v55 =	vld [tilespmem:s3+$0xA1E0];
	v9 =	vmul.f32 $1.192092900e-07, v40;
	v52 =	vsub.f32 $1.000000000e+00, v7;
	(erf) = vpow2.f32 v31  }
0x342: {  	v58 =	vld [tilespmem:s3+$0xA170];
	v15 =	vmul.f32 v33, v15;
	v30 =	vmul.f32 v54, v30  }
0x343: {  	v60 =	vld [tilespmem:s3+$0xA1F0];
	v27 =	vmul.f32 v52, v7;
	v7 =	vsub.f32 v49, v48;
	(erf) = vpow2.f32 v50;
	v57 =	vpop (erf)  }
0x344: {  	v15 =	vmul.f32 $2.402448060e-01, v15;
	v59 =	vsub.f32 $1.000000000e+00, v9;
	v26 =	vadd.f32 $1.000000000e+00, v57  }
0x345: {  	v61 =	vmul.f32 $1.442695020e+00, v7;
	(erf) = vpow2.f32 v56;
	v20 =	vsub.f32 v23, v20;
	v23 =	vpop (erf)  }
0x346: {  	s13 =	simm.s32 $0x100;
	v62 =	vmul.f32 v59, v9;
	v9 =	vadd.f32 $1.000000000e+00, v23;
	(erf) = vrcp.f32 v26  }
0x347: {  	s21 =	sand.u32 $0x1000, s13;
	v20 =	vmul.f32 $1.442695020e+00, v20;
	(erf) = vpow2.f32 v61  }
0x348: {  	s30 =	sor.u32 $0xE100, s21;
	v34 =	vld [tilespmem:s20+$0xA1A0];
	v23 =	vsub.f32 v55, v53;
	v63 =	vpop (erf);
	(erf) = vrcp.f32 v9;
	v9 =	vsub.f32 v60, v58  }
0x349: {  	s29 =	simm.s32 $0x40;
	s21 =	sshll.u32 s14, $0xA;
	v33 =	vld [tilespmem:s20+$0xA120];
	v7 =	vmul.f32 $8.262958320e-08, v29;
	v22 =	vadd.f32 $1.000000000e+00, v63;
	v26 =	vmul.f32 $2.402448060e-01, v62  }
0x34a: {  	s14 =	sand.u32 $0x380, s29;
	s21 =	sor.u32 s21, s30;
	v23 =	vmul.f32 $1.442695020e+00, v23;
	v35 =	vpop (erf);
	(erf) = vpow2.f32 v20;
	v20 =	vld [tilespmem:s28+$0x50]  }
0x34b: {  	v38 =	vld [tilespmem:s20+$0xA1B0];
	s29 =	sadd.s32 s14, s21;
	v21 =	vadd.f32 $1.000000000e+00, v35;
	(erf) = vrcp.f32 v22;
	v22 =	vsel vm0, v2, v5  }
0x34c: {  	v40 =	vld [tilespmem:s29+$0x0];
	v36 =	vmul.f32 $1.442695020e+00, v9;
	(erf) = vpow2.f32 v23;
	v9 =	vpop (erf)  }
0x34d: {  	v25 =	vadd.f32 v19, v22;
	v23 =	vld [tilespmem:s20+$0xA130];
	(erf) = vrcp.f32 v21;
	v19 =	vadd.f32 $1.000000000e+00, v9  }
0x34e: {  	v21 =	vsub.f32 v34, v33;
	v9 =	vmul.f32 $2.402448060e-01, v27;
	(erf) = vpow2.f32 v36;
	v22 =	vpop (erf)  }
0x34f: {  	vm0 =	veq.s32 v20, $0x0;
	(erf) = vrcp.f32 v19;
	v19 =	vadd.f32 $1.000000000e+00, v22;
	v22 =	vpop (erf)  }
0x350: {  	v37 =	vsel vm0, v3, v6;
	v20 =	vmul.f32 v22, v1;
	v22 =	vsel vm0, v2, v5  }
0x351: {  	v21 =	vmul.f32 $1.442695020e+00, v21;
	v24 =	vadd.f32 v10, v37;
	v17 =	vadd.f32 v17, v22  }
0x352: {  	v10 =	vmul.f32 $2.402448060e-01, v30;
	v27 =	vsub.f32 v38, v23;
	vm0 =	veq.s32 v40, $0x0  }
0x353: {  	(erf) = vrcp.f32 v19;
	v43 =	vsel vm0, v2, v5;
	v39 =	vadd.f32 v20, v4;
	v19 =	vpop (erf)  }
0x354: {  	v49 =	vsel vm0, v3, v6;
	(erf) = vpow2.f32 v21;
	v21 =	vadd.f32 v16, v17;
	v20 =	vpop (erf)  }
0x355: {  	v27 =	vmul.f32 $1.442695020e+00, v27;
	v19 =	vadd.f32 $1.000000000e+00, v19;
	v41 =	vsub.f32 $1.000002030e+00, v39;
	v17 =	vpop (erf)  }
0x356: {  	v28 =	vcvt.s32.f32 v39;
	v16 =	vmul.f32 v20, v1;
	v17 =	vadd.f32 $1.000000000e+00, v17  }
0x357: {  	(erf) = vrcp.f32 v19;
	v19 =	vand.u32 $0x7FFFFF, v39;
	v45 =	vcvt.s32.f32 v41  }
0x358: {  	v31 =	vpop (erf);
	v28 =	vmul.f32 $8.262958320e-08, v28;
	v20 =	vcvt.s32.f32 v19;
	v19 =	vand.u32 $0x7FFFFF, v41  }
0x359: {  	v22 =	vpop (erf);
	v32 =	vadd.f32 v16, v4;
	v31 =	vmul.f32 v31, v1;
	(erf) = vrcp.f32 v17  }
0x35a: {  	v24 =	vadd.f32 v18, v24;
	v16 =	vcvt.s32.f32 v19;
	v17 =	vmul.f32 $1.192092900e-07, v20  }
0x35b: {  	v23 =	vpop (erf);
	v42 =	vsub.f32 $1.000002030e+00, v32;
	v51 =	vand.u32 $0x7FFFFF, v32;
	v32 =	vcvt.s32.f32 v32  }
0x35c: {  	v28 =	vadd.f32 v28, v43;
	v23 =	vmul.f32 v23, v1;
	v19 =	vpop (erf);
	v16 =	vmul.f32 $1.192092900e-07, v16  }
0x35d: {  	v48 =	vld [tilespmem:s20+$0xA140];
	v22 =	vadd.f32 $1.000000000e+00, v22;
	v33 =	vcvt.s32.f32 v51;
	v20 =	vpop (erf);
	v29 =	vcvt.s32.f32 v42  }
0x35e: {  	v37 =	vld [tilespmem:s20+$0xA1C0];
	v52 =	vand.u32 $0x7FFFFF, v42;
	v35 =	vpop (erf);
	(erf) = vpow2.f32 v27;
	v27 =	vmul.f32 $8.262958320e-08, v45  }
0x35f: {  	v44 =	vsub.f32 $1.000000000e+00, v17;
	v34 =	vcvt.s32.f32 v52;
	v33 =	vmul.f32 $1.192092900e-07, v33  }
0x360: {  	v46 =	vsub.f32 $1.000000000e+00, v16;
	v20 =	vmul.f32 v20, v1;
	v35 =	vmul.f32 v35, v1  }
0x361: {  	v31 =	vadd.f32 v31, v4;
	v36 =	vpop (erf);
	v17 =	vmul.f32 v44, v17;
	v29 =	vmul.f32 $8.262958320e-08, v29  }
0x362: {  	v47 =	vadd.f32 $1.000000000e+00, v36;
	v16 =	vmul.f32 v46, v16;
	v27 =	vadd.f32 v27, v49  }
0x363: {  	v36 =	vsub.f32 v37, v48;
	v34 =	vmul.f32 $1.192092900e-07, v34;
	v40 =	vsub.f32 $1.000000000e+00, v33  }
0x364: {  	v17 =	vmul.f32 $2.402448060e-01, v17;
	v50 =	vadd.f32 v35, v4;
	(erf) = vrcp.f32 v47  }
0x365: {  	v16 =	vmul.f32 $2.402448060e-01, v16;
	v36 =	vmul.f32 $1.442695020e+00, v36;
	v38 =	vsub.f32 $1.000000000e+00, v34  }
0x366: {  	v44 =	vmul.f32 v40, v33;
	v28 =	vadd.f32 v17, v28;
	v53 =	vand.u32 $0x7FFFFF, v50  }
0x367: {  	v35 =	vsub.f32 $1.000002030e+00, v50;
	v27 =	vadd.f32 v16, v27;
	v54 =	vcvt.s32.f32 v53  }
0x368: {  	v59 =	vld [tilespmem:s20+$0xA150];
	v23 =	vadd.f32 v23, v4;
	v30 =	vcvt.s32.f32 v50;
	(erf) = vpow2.f32 v36;
	[tilespmem:s20+$0x10100] =	vst v28  }
0x369: {  	s10 =	sshll.u32 s10, $0xA;
	v61 =	vld [tilespmem:s20+$0xA1D0];
	v34 =	vmul.f32 v38, v34;
	v17 =	vpop (erf);
	v55 =	vand.u32 $0x7FFFFF, v35;
	[tilespmem:s20+$0x10180] =	vst v27;
	v27 =	vmul.f32 $1.192092900e-07, v54  }
0x36a: {  	s10 =	sor.u32 s10, s30;
	v20 =	vadd.f32 v20, v4;
	v16 =	vpop (erf);
	v28 =	vcvt.s32.f32 v55;
	v17 =	vmul.f32 v17, v1;
	v56 =	vld [tilespmem:s29+$0x10]  }
0x36b: {  	s10 =	sadd.s32 s14, s10;
	v30 =	vmul.f32 $8.262958320e-08, v30;
	v18 =	vpop (erf);
	v16 =	vmul.f32 v16, v1;
	v57 =	vsub.f32 $1.000000000e+00, v27  }
0x36c: {  	v63 =	vld [tilespmem:s10+$0x0];
	v18 =	vadd.f32 $1.000000000e+00, v18;
	v28 =	vmul.f32 $1.192092900e-07, v28;
	v17 =	vadd.f32 v17, v4  }
0x36d: {  	v16 =	vadd.f32 v16, v4;
	v27 =	vmul.f32 v57, v27;
	v57 =	vmul.f32 $8.262958320e-08, v32  }
0x36e: {  	v58 =	vsub.f32 $1.000000000e+00, v28;
	v39 =	vpop (erf);
	(erf) = vrcp.f32 v18;
	v18 =	vcvt.s32.f32 v35  }
0x36f: {  	v35 =	vsub.f32 v61, v59;
	v39 =	vmul.f32 v39, v1;
	vm0 =	veq.s32 v56, $0x0  }
0x370: {  	v53 =	vld [tilespmem:s20+$0xA160];
	v28 =	vmul.f32 v58, v28;
	v27 =	vmul.f32 $2.402448060e-01, v27;
	v60 =	vsel vm0, v2, v5  }
0x371: {  	v55 =	vld [tilespmem:s20+$0xA1E0];
	v18 =	vmul.f32 $8.262958320e-08, v18;
	v37 =	vsel vm0, v3, v6;
	vm0 =	veq.s32 v63, $0x0  }
0x372: {  	v47 =	vpop (erf);
	v35 =	vmul.f32 $1.442695020e+00, v35;
	v30 =	vadd.f32 v30, v60;
	v62 =	vadd.f32 v39, v4  }
0x373: {  	v28 =	vmul.f32 $2.402448060e-01, v28;
	v33 =	vadd.f32 $1.000000000e+00, v47;
	v18 =	vadd.f32 v18, v37  }
0x374: {  	v59 =	vsel vm0, v2, v5;
	v60 =	vmul.f32 $2.402448060e-01, v34;
	v27 =	vadd.f32 v27, v30  }
0x375: {  	v40 =	vsel vm0, v3, v6;
	v41 =	vsub.f32 $1.000002030e+00, v62;
	v18 =	vadd.f32 v28, v18  }
0x376: {  	v42 =	vand.u32 $0x7FFFFF, v62;
	v49 =	vcvt.s32.f32 v62;
	v62 =	vsub.f32 v55, v53;
	[tilespmem:s20+$0x10110] =	vst v27  }
0x377: {  	v27 =	vcvt.s32.f32 v42;
	v43 =	vand.u32 $0x7FFFFF, v41;
	v28 =	vcvt.s32.f32 v41;
	[tilespmem:s20+$0x10190] =	vst v18  }
0x378: {  	v29 =	vadd.f32 v29, v40;
	v52 =	vmul.f32 $8.262958320e-08, v49;
	v46 =	vcvt.s32.f32 v43;
	v45 =	vld [tilespmem:s29+$0x20]  }
0x379: {  	v42 =	vand.u32 $0x7FFFFF, v31;
	v34 =	vmul.f32 $1.442695020e+00, v62;
	v27 =	vmul.f32 $1.192092900e-07, v27;
	v48 =	vpop (erf)  }
0x37a: {  	v18 =	vadd.f32 v26, v25;
	v30 =	vmul.f32 $1.192092900e-07, v46;
	v36 =	vmul.f32 v48, v1  }
0x37b: {  	v25 =	vmul.f32 $2.402448060e-01, v44;
	(erf) = vpow2.f32 v35;
	v50 =	vsub.f32 $1.000000000e+00, v27  }
0x37c: {  	v28 =	vmul.f32 $8.262958320e-08, v28;
	v51 =	vsub.f32 $1.000000000e+00, v30;
	v36 =	vadd.f32 v36, v4  }
0x37d: {  	(erf) = vrcp.f32 v33;
	v27 =	vmul.f32 v50, v27;
	vm1 =	veq.s32 v45, $0x0  }
0x37e: {  	v30 =	vmul.f32 v51, v30;
	v58 =	vsub.f32 $1.000002030e+00, v36;
	v61 =	vand.u32 $0x7FFFFF, v36  }
0x37f: {  	v44 =	vcvt.s32.f32 v36;
	v51 =	vsub.f32 $1.000002030e+00, v31;
	v31 =	vcvt.s32.f32 v31  }
0x380: {  	v54 =	vsel vm1, v2, v5;
	v27 =	vmul.f32 $2.402448060e-01, v27;
	v56 =	vsel vm1, v3, v6  }
0x381: {  	v49 =	vld [tilespmem:s20+$0xA1F0];
	v26 =	vadd.f32 v52, v54;
	v28 =	vadd.f32 v28, v56;
	v30 =	vmul.f32 $2.402448060e-01, v30  }
0x382: {  	v48 =	vld [tilespmem:s20+$0xA170];
	v63 =	vand.u32 $0x7FFFFF, v58;
	v32 =	vmul.f32 $8.262958320e-08, v44;
	v52 =	vcvt.s32.f32 v42  }
0x383: {  	v54 =	vand.u32 $0x7FFFFF, v51;
	v51 =	vcvt.s32.f32 v51;
	v26 =	vadd.f32 v27, v26  }
0x384: {  	v31 =	vmul.f32 $8.262958320e-08, v31;
	v28 =	vadd.f32 v30, v28;
	v43 =	vpop (erf);
	(erf) = vpow2.f32 v34  }
0x385: {  	v30 =	vcvt.s32.f32 v58;
	v58 =	vcvt.s32.f32 v54;
	v35 =	vadd.f32 $1.000000000e+00, v43;
	[tilespmem:s20+$0x10120] =	vst v26  }
0x386: {  	v29 =	vadd.f32 v60, v29;
	v46 =	vpop (erf);
	[tilespmem:s20+$0x101A0] =	vst v28;
	v26 =	vcvt.s32.f32 v61;
	v28 =	vcvt.s32.f32 v63  }
0x387: {  	v56 =	vsub.f32 v49, v48;
	v41 =	vld [tilespmem:s29+$0x30];
	(erf) = vrcp.f32 v35;
	v35 =	vmul.f32 v46, v1  }
0x388: {  	v27 =	vadd.f32 v57, v59;
	v62 =	vmul.f32 $1.192092900e-07, v52;
	v26 =	vmul.f32 $1.192092900e-07, v26  }
0x389: {  	v30 =	vmul.f32 $8.262958320e-08, v30;
	v28 =	vmul.f32 $1.192092900e-07, v28;
	v35 =	vadd.f32 v35, v4  }
0x38a: {  	v25 =	vadd.f32 v25, v27;
	v33 =	vmul.f32 $1.192092900e-07, v58;
	v45 =	vsub.f32 $1.000000000e+00, v26  }
0x38b: {  	v47 =	vsub.f32 $1.000000000e+00, v28;
	v53 =	vsub.f32 $1.000002030e+00, v35;
	v55 =	vand.u32 $0x7FFFFF, v35  }
0x38c: {  	v35 =	vcvt.s32.f32 v35;
	vm0 =	veq.s32 v41, $0x0;
	v26 =	vmul.f32 v45, v26  }
0x38d: {  	v28 =	vmul.f32 v47, v28;
	v37 =	vsel vm0, v2, v5;
	v50 =	vsel vm0, v3, v6  }
0x38e: {  	v57 =	vand.u32 $0x7FFFFF, v53;
	v32 =	vadd.f32 v32, v37;
	v26 =	vmul.f32 $2.402448060e-01, v26  }
0x38f: {  	v38 =	vcvt.s32.f32 v53;
	v30 =	vadd.f32 v30, v50;
	v28 =	vmul.f32 $2.402448060e-01, v28  }
0x390: {  	v60 =	vpop (erf);
	v42 =	vmul.f32 $8.262958320e-08, v35;
	v37 =	vsub.f32 $1.000000000e+00, v62;
	v26 =	vadd.f32 v26, v32  }
0x391: {  	v59 =	vcvt.s32.f32 v57;
	v28 =	vadd.f32 v28, v30;
	v30 =	vcvt.s32.f32 v55;
	v43 =	vpop (erf)  }
0x392: {  	v41 =	vsub.f32 $1.000000000e+00, v33;
	v53 =	vmul.f32 v37, v62;
	v45 =	vmul.f32 v43, v1;
	[tilespmem:s20+$0x10130] =	vst v26  }
0x393: {  	v35 =	vadd.f32 $1.000000000e+00, v19;
	[tilespmem:s20+$0x101B0] =	vst v28;
	v26 =	vmul.f32 $1.442695020e+00, v56;
	v30 =	vmul.f32 $1.192092900e-07, v30  }
0x394: {  	v27 =	vadd.f32 $1.000000000e+00, v60;
	v28 =	vmul.f32 $1.192092900e-07, v59;
	v56 =	vmul.f32 $8.262958320e-08, v51;
	v61 =	vld [tilespmem:s29+$0x40]  }
0x395: {  	[tilespmem:s3+$0x10180] =	vst v29;
	v43 =	vmul.f32 $2.402448060e-01, v53;
	v29 =	vadd.f32 v45, v4;
	v45 =	vsub.f32 $1.000002030e+00, v23  }
0x396: {  	[tilespmem:s3+$0x10100] =	vst v25;
	(erf) = vpow2.f32 v26;
	v63 =	vsub.f32 $1.000000000e+00, v30;
	v40 =	vsub.f32 $1.000000000e+00, v28  }
0x397: {  	v50 =	vld [tilespmem:s10+$0x10];
	(erf) = vrcp.f32 v27;
	v27 =	vmul.f32 $8.262958320e-08, v38;
	v52 =	vsub.f32 $1.000002030e+00, v29  }
0x398: {  	v54 =	vand.u32 $0x7FFFFF, v29;
	v29 =	vcvt.s32.f32 v29;
	v26 =	vmul.f32 v63, v30  }
0x399: {  	v28 =	vmul.f32 v40, v28;
	v30 =	vmul.f32 v41, v33;
	vm0 =	veq.s32 v61, $0x0  }
0x39a: {  	v55 =	vcvt.s32.f32 v54;
	v57 =	vand.u32 $0x7FFFFF, v52;
	v44 =	vsel vm0, v2, v5  }
0x39b: {  	v47 =	vmul.f32 $2.402448060e-01, v26;
	v46 =	vsel vm0, v3, v6;
	v32 =	vadd.f32 v42, v44  }
0x39c: {  	v49 =	vmul.f32 $2.402448060e-01, v28;
	vm0 =	veq.s32 v50, $0x0;
	v48 =	vadd.f32 v27, v46  }
0x39d: {  	[tilespmem:s19+$0x101D0] =	vst v24;
	v29 =	vmul.f32 $8.262958320e-08, v29;
	v60 =	vsel vm0, v2, v5;
	v25 =	vadd.f32 v47, v32  }
0x39e: {  	[tilespmem:s19+$0x10150] =	vst v21;
	v61 =	vsel vm0, v3, v6;
	v27 =	vcvt.s32.f32 v52;
	v26 =	vadd.f32 v49, v48  }
0x39f: {  	v41 =	vmul.f32 $2.402448060e-01, v30;
	v42 =	vld [tilespmem:s28+$0x60];
	v31 =	vadd.f32 v31, v60;
	v40 =	vadd.f32 v56, v61;
	[tilespmem:s20+$0x10140] =	vst v25  }
0x3a0: {  	v27 =	vmul.f32 $8.262958320e-08, v27;
	v48 =	vand.u32 $0x7FFFFF, v23;
	v49 =	vand.u32 $0x7FFFFF, v45;
	[tilespmem:s20+$0x101C0] =	vst v26  }
0x3a1: {  	v23 =	vcvt.s32.f32 v23;
	v24 =	vadd.f32 v41, v40;
	v26 =	vcvt.s32.f32 v57;
	v59 =	vld [tilespmem:s29+$0x50]  }
0x3a2: {  	v58 =	vpop (erf);
	v30 =	vadd.f32 v43, v31;
	v32 =	vcvt.s32.f32 v49;
	v25 =	vmul.f32 $1.192092900e-07, v55  }
0x3a3: {  	v52 =	vcvt.s32.f32 v48;
	v28 =	vadd.f32 $1.000000000e+00, v58;
	v26 =	vmul.f32 $1.192092900e-07, v26  }
0x3a4: {  	v63 =	vpop (erf);
	v23 =	vmul.f32 $8.262958320e-08, v23;
	vm1 =	veq.s32 v42, $0x0;
	v62 =	vsub.f32 $1.000000000e+00, v25  }
0x3a5: {  	(erf) = vrcp.f32 v28;
	v28 =	vmul.f32 v63, v1;
	v37 =	vsub.f32 $1.000000000e+00, v26  }
0x3a6: {  	v58 =	vmul.f32 $1.192092900e-07, v32;
	v25 =	vmul.f32 v62, v25;
	vm0 =	veq.s32 v59, $0x0  }
0x3a7: {  	v39 =	vadd.f32 v28, v4;
	v26 =	vmul.f32 v37, v26;
	v34 =	vsel vm0, v2, v5  }
0x3a8: {  	v25 =	vmul.f32 $2.402448060e-01, v25;
	v38 =	vsel vm0, v3, v6;
	v29 =	vadd.f32 v29, v34  }
0x3a9: {  	v61 =	vsub.f32 $1.000000000e+00, v58;
	v21 =	vadd.f32 v27, v38;
	v26 =	vmul.f32 $2.402448060e-01, v26  }
0x3aa: {  	v28 =	vcvt.s32.f32 v45;
	v44 =	vsub.f32 $1.000002030e+00, v39;
	v25 =	vadd.f32 v25, v29  }
0x3ab: {  	v33 =	vmul.f32 v61, v58;
	v59 =	vmul.f32 $1.192092900e-07, v52;
	v21 =	vadd.f32 v26, v21  }
0x3ac: {  	v28 =	vmul.f32 $8.262958320e-08, v28;
	v47 =	vand.u32 $0x7FFFFF, v44;
	v27 =	vcvt.s32.f32 v39;
	[tilespmem:s20+$0x10150] =	vst v25  }
0x3ad: {  	v62 =	vsub.f32 $1.000000000e+00, v59;
	v38 =	vsub.f32 $1.000002030e+00, v20;
	[tilespmem:s20+$0x101D0] =	vst v21;
	v25 =	vcvt.s32.f32 v47  }
0x3ae: {  	v46 =	vand.u32 $0x7FFFFF, v39;
	v26 =	vcvt.s32.f32 v44;
	v55 =	vmul.f32 $8.262958320e-08, v27;
	v50 =	vld [tilespmem:s29+$0x60]  }
0x3af: {  	[tilespmem:s3+$0x10190] =	vst v24;
	v63 =	vmul.f32 v62, v59;
	v41 =	vand.u32 $0x7FFFFF, v38;
	v25 =	vmul.f32 $1.192092900e-07, v25  }
0x3b0: {  	[tilespmem:s3+$0x10110] =	vst v30;
	v42 =	vcvt.s32.f32 v38;
	v59 =	vand.u32 $0x7FFFFF, v16;
	v43 =	vcvt.s32.f32 v41  }
0x3b1: {  	v30 =	vld [tilespmem:s10+$0x20];
	v51 =	vpop (erf);
	(erf) = vrcp.f32 v22;
	v21 =	vcvt.s32.f32 v46;
	v54 =	vsub.f32 $1.000000000e+00, v25  }
0x3b2: {  	v19 =	vmul.f32 v51, v1;
	v26 =	vmul.f32 $8.262958320e-08, v26;
	v46 =	vsel vm1, v2, v5  }
0x3b3: {  	v47 =	vsel vm1, v3, v6;
	vm0 =	veq.s32 v50, $0x0;
	v25 =	vmul.f32 v54, v25  }
0x3b4: {  	v51 =	vsub.f32 $1.000002030e+00, v17;
	v45 =	vmul.f32 $1.192092900e-07, v43;
	v57 =	vsel vm0, v3, v6  }
0x3b5: {  	v21 =	vmul.f32 $1.192092900e-07, v21;
	v26 =	vadd.f32 v26, v57;
	v25 =	vmul.f32 $2.402448060e-01, v25  }
0x3b6: {  	v19 =	vadd.f32 v19, v4;
	v56 =	vsel vm0, v2, v5;
	vm0 =	veq.s32 v30, $0x0  }
0x3b7: {  	v53 =	vsub.f32 $1.000000000e+00, v21;
	v30 =	vsel vm0, v3, v6;
	v25 =	vadd.f32 v25, v26  }
0x3b8: {  	v34 =	vsel vm0, v2, v5;
	v28 =	vadd.f32 v28, v30;
	v26 =	vmul.f32 $2.402448060e-01, v33  }
0x3b9: {  	v48 =	vsub.f32 $1.000000000e+00, v45;
	v23 =	vadd.f32 v23, v34;
	[tilespmem:s20+$0x101E0] =	vst v25;
	v25 =	vmul.f32 $2.402448060e-01, v63  }
0x3ba: {  	(erf) = vrcp.f32 v35;
	v21 =	vmul.f32 v53, v21;
	v39 =	vadd.f32 v26, v28  }
0x3bb: {  	v60 =	vsub.f32 $1.000002030e+00, v19;
	v22 =	vmul.f32 v48, v45;
	v23 =	vadd.f32 v25, v23  }
0x3bc: {  	v50 =	vand.u32 $0x7FFFFF, v17;
	v24 =	vadd.f32 v55, v56;
	v21 =	vmul.f32 $2.402448060e-01, v21;
	[tilespmem:s3+$0x101A0] =	vst v39  }
0x3bd: {  	v17 =	vcvt.s32.f32 v17;
	v52 =	vcvt.s32.f32 v50;
	[tilespmem:s3+$0x10120] =	vst v23;
	v23 =	vand.u32 $0x7FFFFF, v20  }
0x3be: {  	v22 =	vmul.f32 $2.402448060e-01, v22;
	v21 =	vadd.f32 v21, v24;
	v23 =	vcvt.s32.f32 v23;
	v44 =	vld [tilespmem:s10+$0x30]  }
0x3bf: {  	v13 =	vadd.f32 v13, v46;
	v56 =	vcvt.s32.f32 v51;
	v24 =	vcvt.s32.f32 v60  }
0x3c0: {  	v17 =	vmul.f32 $8.262958320e-08, v17;
	[tilespmem:s20+$0x10160] =	vst v21;
	v21 =	vand.u32 $0x7FFFFF, v60;
	v23 =	vmul.f32 $1.192092900e-07, v23  }
0x3c1: {  	v29 =	vand.u32 $0x7FFFFF, v51;
	v24 =	vmul.f32 $8.262958320e-08, v24;
	v21 =	vcvt.s32.f32 v21  }
0x3c2: {  	v26 =	vmul.f32 $8.262958320e-08, v42;
	v20 =	vcvt.s32.f32 v20;
	v49 =	vsub.f32 $1.000000000e+00, v23  }
0x3c3: {  	v60 =	vsub.f32 $1.000002030e+00, v16;
	v36 =	vld [tilespmem:s29+$0x70];
	v21 =	vmul.f32 $1.192092900e-07, v21;
	vm1 =	veq.s32 v44, $0x0  }
0x3c4: {  	v20 =	vmul.f32 $8.262958320e-08, v20;
	v23 =	vmul.f32 v49, v23;
	v54 =	vsel vm1, v3, v6  }
0x3c5: {  	v28 =	vadd.f32 v12, v47;
	v53 =	vsel vm1, v2, v5;
	v55 =	vadd.f32 v26, v54  }
0x3c6: {  	v37 =	vsub.f32 $1.000000000e+00, v21;
	v20 =	vadd.f32 v20, v53;
	v23 =	vmul.f32 $2.402448060e-01, v23  }
0x3c7: {  	v16 =	vcvt.s32.f32 v16;
	v25 =	vcvt.s32.f32 v59;
	v22 =	vadd.f32 v22, v55  }
0x3c8: {  	vm0 =	veq.s32 v36, $0x0;
	v21 =	vmul.f32 v37, v21;
	v20 =	vadd.f32 v23, v20  }
0x3c9: {  	v12 =	vcvt.s32.f32 v60;
	v40 =	vsel vm0, v3, v6;
	v23 =	vcvt.s32.f32 v29;
	[tilespmem:s3+$0x101B0] =	vst v22  }
0x3ca: {  	v61 =	vand.u32 $0x7FFFFF, v60;
	v24 =	vadd.f32 v24, v40;
	v21 =	vmul.f32 $2.402448060e-01, v21;
	[tilespmem:s3+$0x10130] =	vst v20  }
0x3cb: {  	[tilespmem:s11+$0x101F0] =	vst v11;
	v62 =	vadd.f32 v15, v13;
	v11 =	vcvt.s32.f32 v61;
	v23 =	vmul.f32 $1.192092900e-07, v23;
	v22 =	vld [tilespmem:s10+$0x40]  }
0x3cc: {  	v25 =	vmul.f32 $1.192092900e-07, v25;
	v21 =	vadd.f32 v21, v24;
	v24 =	vmul.f32 $1.192092900e-07, v52  }
0x3cd: {  	[tilespmem:s11+$0x10170] =	vst v18;
	v18 =	vpop (erf);
	v14 =	vadd.f32 v14, v28;
	v13 =	vmul.f32 $1.192092900e-07, v11;
	v58 =	vsub.f32 $1.000000000e+00, v23  }
0x3ce: {  	v11 =	vmul.f32 v18, v1;
	v63 =	vsub.f32 $1.000000000e+00, v25;
	v57 =	vsub.f32 $1.000000000e+00, v24  }
0x3cf: {  	[tilespmem:s19+$0x10160] =	vst v62;
	v26 =	vmul.f32 $8.262958320e-08, v56;
	v23 =	vmul.f32 v58, v23  }
0x3d0: {  	[tilespmem:s20+$0x101F0] =	vst v21;
	v21 =	vmul.f32 v63, v25;
	v20 =	vmul.f32 v57, v24;
	vm1 =	veq.s32 v22, $0x0  }
0x3d1: {  	[tilespmem:s19+$0x101E0] =	vst v14;
	v15 =	vmul.f32 $2.402448060e-01, v23;
	v22 =	vsel vm1, v2, v5;
	v23 =	vsel vm1, v3, v6  }
0x3d2: {  	v18 =	vld [tilespmem:s28+$0x70];
	v14 =	vpop (erf);
	v20 =	vmul.f32 $2.402448060e-01, v20;
	v22 =	vadd.f32 v17, v22;
	v23 =	vadd.f32 v26, v23  }
.LBB2_9:
0x3d3: {  	s12 =	sadd.s32 $0x2, s12;
	v24 =	vsub.f32 $1.000000000e+00, v13;
	v17 =	vmul.f32 $8.262958320e-08, v16;
	v16 =	vmul.f32 $8.262958320e-08, v12  }
0x3d4: {  	s11 =	sand.u32 $0x2, s12;
	p0 =	slt.u32 s12, $0x3E;
	v12 =	vadd.f32 v20, v22;
	v20 =	vadd.f32 v15, v23;
	v15 =	vmul.f32 $2.402448060e-01, v21  }
0x3d5: {  	v11 =	vadd.f32 v11, v4;
	v14 =	vmul.f32 v14, v1;
	s14 =	sshll.u32 s12, $0x8;
	s21 =	sshll.u32 s11, $0x8;
	s28 =	sor.u32 $0x1, s11;
	v13 =	vmul.f32 v24, v13  }
0x3d6: {  	v21 =	vcvt.s32.f32 v19;
	v22 =	vsel vm0, v2, v5;
	s14 =	sand.u32 $0xFFFFFC00, s14;
	s11 =	sshll.u32 s11, $0xA;
	s30 =	sshll.u32 s28, $0x8;
	[tilespmem:s3+$0x10140] =	vst v12;
	v12 =	vand.u32 $0x7FFFFF, v19  }
0x3d7: {  	s29 =	sor.u32 s21, s14;
	s14 =	sor.u32 s14, s30;
	[tilespmem:s3+$0x101C0] =	vst v20;
	v19 =	vmul.f32 $2.402448060e-01, v13;
	v13 =	vcvt.s32.f32 v11;
	v20 =	vsub.f32 $1.000002030e+00, v11  }
0x3d8: {  	v24 =	vadd.f32 v14, v4;
	v11 =	vand.u32 $0x7FFFFF, v11;
	v14 =	vcvt.s32.f32 v12;
	v23 =	vld [tilespmem:s14+$0xA100]  }
0x3d9: {  	v11 =	vcvt.s32.f32 v11;
	v25 =	vld [tilespmem:s14+$0xA180];
	v26 =	vcvt.s32.f32 v20;
	v12 =	vand.u32 $0x7FFFFF, v20  }
0x3da: {  	v28 =	vsub.f32 $1.000002030e+00, v24;
	v20 =	vld [tilespmem:s29+$0xA100];
	v27 =	vcvt.s32.f32 v12;
	v12 =	vmul.f32 $8.262958320e-08, v13  }
0x3db: {  	v29 =	vmul.f32 $1.192092900e-07, v11;
	v13 =	vld [tilespmem:s29+$0xA180];
	v11 =	vmul.f32 $8.262958320e-08, v26;
	v26 =	vand.u32 $0x7FFFFF, v24  }
0x3dc: {  	v31 =	vand.u32 $0x7FFFFF, v28;
	v30 =	vld [tilespmem:s29+$0xA110];
	v27 =	vmul.f32 $1.192092900e-07, v27;
	v26 =	vcvt.s32.f32 v26  }
0x3dd: {  	v34 =	vmul.f32 $1.192092900e-07, v14;
	v31 =	vcvt.s32.f32 v31;
	v33 =	vsub.f32 $1.000000000e+00, v29;
	v32 =	vld [tilespmem:s29+$0xA190]  }
0x3de: {  	v35 =	vld [tilespmem:s29+$0xA120];
	v14 =	vsub.f32 v25, v23;
	v23 =	vsub.f32 $1.000000000e+00, v27;
	v25 =	vmul.f32 $1.192092900e-07, v26  }
0x3df: {  	v31 =	vmul.f32 $1.192092900e-07, v31;
	v29 =	vmul.f32 v33, v29;
	v33 =	vsub.f32 $1.000000000e+00, v34;
	v26 =	vld [tilespmem:s29+$0xA1A0]  }
0x3e0: {  	v20 =	vsub.f32 v13, v20;
	v36 =	vld [tilespmem:s29+$0xA130];
	v14 =	vmul.f32 $1.442695020e+00, v14;
	v23 =	vmul.f32 v23, v27  }
0x3e1: {  	v37 =	vsub.f32 $1.000000000e+00, v31;
	v13 =	vmul.f32 $2.402448060e-01, v29;
	v29 =	vsub.f32 $1.000000000e+00, v25;
	v27 =	vld [tilespmem:s29+$0xA1B0]  }
0x3e2: {  	v20 =	vmul.f32 $1.442695020e+00, v20;
	v30 =	vsub.f32 v32, v30;
	v32 =	vld [tilespmem:s29+$0xA140];
	(erf) = vpow2.f32 v14  }
0x3e3: {  	vm0 =	veq.s32 v18, $0x0;
	v14 =	vmul.f32 $2.402448060e-01, v23;
	v23 =	vcvt.s32.f32 v28;
	v38 =	vld [tilespmem:s14+$0xA110]  }
0x3e4: {  	v18 =	vmul.f32 $1.442695020e+00, v30;
	v26 =	vsub.f32 v26, v35;
	v28 =	vld [tilespmem:s14+$0xA190];
	(erf) = vpow2.f32 v20  }
0x3e5: {  	v24 =	vcvt.s32.f32 v24;
	v30 =	vmul.f32 v37, v31;
	v31 =	vsel vm0, v2, v5;
	v20 =	vld [tilespmem:s29+$0xA1C0]  }
0x3e6: {  	v26 =	vmul.f32 $1.442695020e+00, v26;
	v27 =	vsub.f32 v27, v36;
	v35 =	vld [tilespmem:s29+$0xA150];
	(erf) = vpow2.f32 v18  }
0x3e7: {  	v25 =	vmul.f32 v29, v25;
	v29 =	vmul.f32 v33, v34;
	v33 =	vsel vm0, v3, v6;
	v18 =	vld [tilespmem:s29+$0xA1D0]  }
0x3e8: {  	v27 =	vmul.f32 $1.442695020e+00, v27;
	v34 =	vld [tilespmem:s29+$0xA160];
	(erf) = vpow2.f32 v26;
	v26 =	vadd.f32 v8, v31  }
0x3e9: {  	v21 =	vmul.f32 $8.262958320e-08, v21;
	v23 =	vmul.f32 $8.262958320e-08, v23;
	v31 =	vld [tilespmem:s29+$0xA1E0];
	v36 =	vsub.f32 v28, v38  }
0x3ea: {  	v8 =	vmul.f32 $8.262958320e-08, v24;
	v20 =	vsub.f32 v20, v32;
	v32 =	vld [tilespmem:s29+$0xA170];
	(erf) = vpow2.f32 v27  }
0x3eb: {  	v21 =	vadd.f32 v21, v22;
	v22 =	vadd.f32 v7, v33;
	v24 =	vld [tilespmem:s29+$0xA1F0];
	v27 =	vmul.f32 $1.442695020e+00, v36;
	v28 =	vpop (erf)  }
0x3ec: {  	v7 =	vmovc v23;
	v20 =	vmul.f32 $1.442695020e+00, v20;
	v18 =	vsub.f32 v18, v35;
	v35 =	vadd.f32 $1.000000000e+00, v28;
	v33 =	vld [tilespmem:s10+$0x50]  }
0x3ed: {  	v10 =	vadd.f32 v10, v26;
	v23 =	vpop (erf);
	(erf) = vpow2.f32 v27;
	v27 =	vmul.f32 $2.402448060e-01, v30  }
0x3ee: {  	v23 =	vadd.f32 $1.000000000e+00, v23;
	v18 =	vmul.f32 $1.442695020e+00, v18;
	(erf) = vrcp.f32 v35  }
0x3ef: {  	v26 =	vsub.f32 v31, v34;
	v28 =	vpop (erf);
	(erf) = vpow2.f32 v20;
	v20 =	vmul.f32 $2.402448060e-01, v29;
	[tilespmem:s19+$0x10170] =	vst v10  }
0x3f0: {  	v30 =	vadd.f32 $1.000000000e+00, v28;
	v24 =	vsub.f32 v24, v32;
	v28 =	vld [tilespmem:s14+$0xA120];
	(erf) = vrcp.f32 v23  }
0x3f1: {  	v23 =	vmul.f32 $1.442695020e+00, v26;
	v26 =	vld [tilespmem:s14+$0xA1A0];
	v29 =	vpop (erf);
	(erf) = vpow2.f32 v18;
	vm0 =	veq.s32 v33, $0x0  }
0x3f2: {  	v18 =	vadd.f32 $1.000000000e+00, v29;
	v24 =	vmul.f32 $1.442695020e+00, v24;
	(erf) = vrcp.f32 v30  }
0x3f3: {  	v29 =	vsel vm0, v3, v6;
	v10 =	vpop (erf);
	(erf) = vpow2.f32 v23;
	v23 =	vsel vm0, v2, v5  }
0x3f4: {  	v30 =	vadd.f32 $1.000000000e+00, v10;
	(erf) = vrcp.f32 v18;
	v17 =	vadd.f32 v17, v23  }
0x3f5: {  	v16 =	vadd.f32 v16, v29;
	v10 =	vmul.f32 $2.402448060e-01, v25;
	(erf) = vpow2.f32 v24  }
0x3f6: {  	s13 =	sadd.s32 $0x100, s13;
	v18 =	vsub.f32 v26, v28;
	(erf) = vrcp.f32 v30;
	v23 =	vpop (erf);
	v15 =	vadd.f32 v15, v17  }
0x3f7: {  	s21 =	sand.u32 $0x1000, s13;
	v16 =	vadd.f32 v19, v16;
	v17 =	vadd.f32 $1.000000000e+00, v23;
	v23 =	vpop (erf)  }
0x3f8: {  	s28 =	sshll.u32 s28, $0xA;
	s30 =	sshll.u32 s12, $0x5;
	s21 =	sor.u32 $0xE100, s21;
	v26 =	vadd.f32 v20, v21;
	v19 =	vmul.f32 v23, v1;
	v18 =	vmul.f32 $1.442695020e+00, v18;
	v23 =	vld [tilespmem:s14+$0xA130];
	v24 =	vpop (erf);
	[tilespmem:s3+$0x10150] =	vst v15  }
0x3f9: {  	s30 =	sand.u32 $0x380, s30;
	s11 =	sor.u32 s11, s21;
	s21 =	sor.u32 s28, s21;
	v22 =	vadd.f32 v9, v22;
	v20 =	vadd.f32 $1.000000000e+00, v24;
	v24 =	vld [tilespmem:s14+$0xA1B0];
	v21 =	vpop (erf);
	(erf) = vrcp.f32 v17;
	[tilespmem:s3+$0x101D0] =	vst v16  }
0x3fa: {  	s11 =	sadd.s32 s30, s11;
	s28 =	sadd.s32 s30, s21;
	v16 =	vmul.f32 v21, v1;
	v17 =	vadd.f32 v19, v4;
	v21 =	vpop (erf);
	(erf) = vpow2.f32 v18;
	v19 =	vld [tilespmem:s10+$0x60];
	[tilespmem:s20+$0x10170] =	vst v26;
	s20 =	smov.u32 s14  }
0x3fb: {  	v9 =	vmov v27;
	v18 =	vadd.f32 $1.000000000e+00, v21;
	v25 =	vld [tilespmem:s28+$0x0];
	v15 =	vpop (erf);
	(erf) = vrcp.f32 v20;
	[tilespmem:s19+$0x101F0] =	vst v22;
	s19 =	smov.u32 s3;
	s3 =	smov.u32 s29  }
0x3fc: {  	v26 =	vld [tilespmem:s11+$0x0];
	v27 =	vadd.f32 v16, v4;
	v22 =	vmul.f32 v15, v1;
	v16 =	vsub.f32 $1.000002030e+00, v17;
	v15 =	vpop (erf)  }
0x3fd: {  	v29 =	vand.u32 $0x7FFFFF, v17;
	v15 =	vadd.f32 $1.000000000e+00, v15;
	v21 =	vpop (erf);
	(erf) = vrcp.f32 v18  }
0x3fe: {  	v28 =	vcvt.s32.f32 v29;
	v31 =	vand.u32 $0x7FFFFF, v16;
	v23 =	vsub.f32 v24, v23;
	v20 =	vpop (erf)  }
0x3ff: {  	v24 =	vand.u32 $0x7FFFFF, v27;
	v29 =	vsub.f32 $1.000002030e+00, v27;
	v30 =	vcvt.s32.f32 v31;
	v18 =	vpop (erf)  }
0x400: {  	v28 =	vmul.f32 $1.192092900e-07, v28;
	vm0 =	veq.s32 v25, $0x0;
	v23 =	vmul.f32 $1.442695020e+00, v23  }
0x401: {  	v25 =	vand.u32 $0x7FFFFF, v29;
	v30 =	vmul.f32 $1.192092900e-07, v30;
	v31 =	vsel vm0, v2, v5  }
0x402: {  	v36 =	vcvt.s32.f32 v17;
	v32 =	vsub.f32 $1.000000000e+00, v28;
	v33 =	vpop (erf);
	(erf) = vpow2.f32 v23  }
0x403: {  	v38 =	vcvt.s32.f32 v16;
	v23 =	vsub.f32 $1.000000000e+00, v30;
	v33 =	vmul.f32 v33, v1;
	v34 =	vpop (erf)  }
0x404: {  	v28 =	vmul.f32 v32, v28;
	v32 =	vmul.f32 $8.262958320e-08, v36;
	v34 =	vadd.f32 $1.000000000e+00, v34;
	v35 =	vld [tilespmem:s20+$0xA140];
	v17 =	vpop (erf)  }
0x405: {  	v36 =	vsel vm0, v3, v6;
	v23 =	vmul.f32 v23, v30;
	v30 =	vmul.f32 $8.262958320e-08, v38;
	v37 =	vld [tilespmem:s20+$0xA1C0]  }
0x406: {  	v31 =	vadd.f32 v32, v31;
	v28 =	vmul.f32 $2.402448060e-01, v28;
	v16 =	vpop (erf);
	(erf) = vrcp.f32 v34  }
0x407: {  	v32 =	vadd.f32 v33, v4;
	v30 =	vadd.f32 v30, v36;
	v23 =	vmul.f32 $2.402448060e-01, v23  }
0x408: {  	v24 =	vcvt.s32.f32 v24;
	v25 =	vcvt.s32.f32 v25;
	v28 =	vadd.f32 v28, v31  }
0x409: {  	v29 =	vcvt.s32.f32 v29;
	v23 =	vadd.f32 v23, v30;
	v30 =	vsub.f32 $1.000002030e+00, v32  }
0x40a: {  	v25 =	vmul.f32 $1.192092900e-07, v25;
	[tilespmem:s20+$0x10100] =	vst v28;
	v28 =	vand.u32 $0x7FFFFF, v32;
	v31 =	vsub.f32 v37, v35  }
0x40b: {  	v24 =	vmul.f32 $1.192092900e-07, v24;
	[tilespmem:s20+$0x10180] =	vst v23;
	v23 =	vcvt.s32.f32 v28;
	v28 =	vand.u32 $0x7FFFFF, v30;
	v33 =	vpop (erf)  }
0x40c: {  	v34 =	vsub.f32 $1.000000000e+00, v25;
	v35 =	vld [tilespmem:s28+$0x10];
	v28 =	vcvt.s32.f32 v28;
	v31 =	vmul.f32 $1.442695020e+00, v31  }
0x40d: {  	v36 =	vsub.f32 $1.000000000e+00, v24;
	v33 =	vadd.f32 $1.000000000e+00, v33;
	v23 =	vmul.f32 $1.192092900e-07, v23  }
0x40e: {  	vm0 =	veq.s32 v26, $0x0;
	v26 =	vmul.f32 $1.192092900e-07, v28;
	(erf) = vpow2.f32 v31  }
0x40f: {  	v28 =	vcvt.s32.f32 v32;
	v31 =	vsub.f32 $1.000000000e+00, v23;
	v32 =	vpop (erf);
	(erf) = vrcp.f32 v33  }
0x410: {  	v30 =	vcvt.s32.f32 v30;
	v33 =	vsub.f32 $1.000000000e+00, v26;
	v32 =	vmul.f32 v32, v1  }
0x411: {  	v28 =	vmul.f32 $8.262958320e-08, v28;
	v23 =	vmul.f32 v31, v23;
	vm1 =	veq.s32 v35, $0x0;
	v31 =	vld [tilespmem:s20+$0xA150]  }
0x412: {  	v30 =	vmul.f32 $8.262958320e-08, v30;
	v26 =	vmul.f32 v33, v26;
	v33 =	vsel vm1, v2, v5;
	v35 =	vld [tilespmem:s20+$0xA1D0]  }
0x413: {  	v28 =	vadd.f32 v28, v33;
	v23 =	vmul.f32 $2.402448060e-01, v23;
	v33 =	vsel vm1, v3, v6  }
0x414: {  	v32 =	vadd.f32 v32, v4;
	v30 =	vadd.f32 v30, v33;
	v26 =	vmul.f32 $2.402448060e-01, v26  }
0x415: {  	v27 =	vcvt.s32.f32 v27;
	v25 =	vmul.f32 v34, v25;
	v23 =	vadd.f32 v23, v28  }
0x416: {  	v24 =	vmul.f32 v36, v24;
	v28 =	vsub.f32 $1.000002030e+00, v32;
	v26 =	vadd.f32 v26, v30  }
0x417: {  	v29 =	vmul.f32 $8.262958320e-08, v29;
	[tilespmem:s20+$0x10110] =	vst v23;
	v23 =	vand.u32 $0x7FFFFF, v32;
	v30 =	vsub.f32 v35, v31;
	v31 =	vpop (erf)  }
0x418: {  	v27 =	vmul.f32 $8.262958320e-08, v27;
	[tilespmem:s20+$0x10190] =	vst v26;
	v23 =	vcvt.s32.f32 v23;
	v26 =	vand.u32 $0x7FFFFF, v28;
	v33 =	vpop (erf)  }
0x419: {  	v22 =	vadd.f32 v22, v4;
	v34 =	vld [tilespmem:s28+$0x20];
	v26 =	vcvt.s32.f32 v26;
	v30 =	vmul.f32 $1.442695020e+00, v30  }
0x41a: {  	v35 =	vsel vm0, v2, v5;
	v31 =	vadd.f32 $1.000000000e+00, v31;
	v23 =	vmul.f32 $1.192092900e-07, v23  }
0x41b: {  	v36 =	vsel vm0, v3, v6;
	v26 =	vmul.f32 $1.192092900e-07, v26;
	(erf) = vpow2.f32 v30  }
0x41c: {  	v30 =	vcvt.s32.f32 v32;
	v32 =	vsub.f32 $1.000000000e+00, v23;
	(erf) = vrcp.f32 v31  }
0x41d: {  	v28 =	vcvt.s32.f32 v28;
	v33 =	vmul.f32 v33, v1;
	v31 =	vsub.f32 $1.000000000e+00, v26  }
0x41e: {  	v30 =	vmul.f32 $8.262958320e-08, v30;
	v23 =	vmul.f32 v32, v23;
	vm0 =	veq.s32 v34, $0x0;
	v32 =	vld [tilespmem:s20+$0xA160]  }
0x41f: {  	v28 =	vmul.f32 $8.262958320e-08, v28;
	v26 =	vmul.f32 v31, v26;
	v31 =	vsel vm0, v2, v5;
	v34 =	vld [tilespmem:s20+$0xA1E0]  }
0x420: {  	v30 =	vadd.f32 v30, v31;
	v23 =	vmul.f32 $2.402448060e-01, v23;
	v31 =	vsel vm0, v3, v6  }
0x421: {  	v28 =	vadd.f32 v28, v31;
	v26 =	vmul.f32 $2.402448060e-01, v26;
	v31 =	vadd.f32 v33, v4  }
0x422: {  	v25 =	vmul.f32 $2.402448060e-01, v25;
	v24 =	vmul.f32 $2.402448060e-01, v24;
	v23 =	vadd.f32 v23, v30  }
0x423: {  	v30 =	vand.u32 $0x7FFFFF, v22;
	v26 =	vadd.f32 v26, v28;
	v28 =	vsub.f32 $1.000002030e+00, v31  }
0x424: {  	v29 =	vadd.f32 v29, v36;
	[tilespmem:s20+$0x10120] =	vst v23;
	v23 =	vand.u32 $0x7FFFFF, v31;
	v32 =	vsub.f32 v34, v32;
	v33 =	vpop (erf)  }
0x425: {  	v27 =	vadd.f32 v27, v35;
	[tilespmem:s20+$0x101A0] =	vst v26;
	v23 =	vcvt.s32.f32 v23;
	v26 =	vand.u32 $0x7FFFFF, v28;
	v34 =	vpop (erf)  }
0x426: {  	v35 =	vsub.f32 $1.000002030e+00, v22;
	v36 =	vld [tilespmem:s28+$0x30];
	v26 =	vcvt.s32.f32 v26;
	v32 =	vmul.f32 $1.442695020e+00, v32  }
0x427: {  	v25 =	vadd.f32 v25, v29;
	v29 =	vadd.f32 $1.000000000e+00, v33;
	v23 =	vmul.f32 $1.192092900e-07, v23  }
0x428: {  	v24 =	vadd.f32 v24, v27;
	v26 =	vmul.f32 $1.192092900e-07, v26;
	(erf) = vpow2.f32 v32  }
0x429: {  	[tilespmem:s3+$0x10180] =	vst v25;
	v25 =	vcvt.s32.f32 v31;
	v27 =	vsub.f32 $1.000000000e+00, v23;
	(erf) = vrcp.f32 v29  }
0x42a: {  	v29 =	vmul.f32 v34, v1;
	[tilespmem:s3+$0x10100] =	vst v24;
	v24 =	vcvt.s32.f32 v28;
	v28 =	vsub.f32 $1.000000000e+00, v26  }
0x42b: {  	v23 =	vmul.f32 v27, v23;
	vm0 =	veq.s32 v36, $0x0;
	v25 =	vmul.f32 $8.262958320e-08, v25;
	v27 =	vld [tilespmem:s20+$0xA170]  }
0x42c: {  	v26 =	vmul.f32 v28, v26;
	v28 =	vsel vm0, v2, v5;
	v24 =	vmul.f32 $8.262958320e-08, v24;
	v31 =	vld [tilespmem:s20+$0xA1F0]  }
0x42d: {  	v32 =	vld [tilespmem:s11+$0x10];
	v25 =	vadd.f32 v25, v28;
	v23 =	vmul.f32 $2.402448060e-01, v23;
	v28 =	vsel vm0, v3, v6  }
0x42e: {  	v24 =	vadd.f32 v24, v28;
	v26 =	vmul.f32 $2.402448060e-01, v26;
	v28 =	vadd.f32 v29, v4  }
0x42f: {  	v33 =	vand.u32 $0x7FFFFF, v35;
	v29 =	vcvt.s32.f32 v30;
	v23 =	vadd.f32 v23, v25  }
0x430: {  	v25 =	vcvt.s32.f32 v33;
	v24 =	vadd.f32 v26, v24;
	v26 =	vsub.f32 $1.000002030e+00, v28  }
0x431: {  	v29 =	vmul.f32 $1.192092900e-07, v29;
	[tilespmem:s20+$0x10130] =	vst v23;
	v23 =	vand.u32 $0x7FFFFF, v28;
	v27 =	vsub.f32 v31, v27;
	v30 =	vpop (erf)  }
0x432: {  	v25 =	vmul.f32 $1.192092900e-07, v25;
	[tilespmem:s20+$0x101B0] =	vst v24;
	v23 =	vcvt.s32.f32 v23;
	v24 =	vand.u32 $0x7FFFFF, v26;
	v31 =	vpop (erf)  }
0x433: {  	v33 =	vsub.f32 $1.000000000e+00, v29;
	v34 =	vld [tilespmem:s28+$0x40];
	v24 =	vcvt.s32.f32 v24;
	v27 =	vmul.f32 $1.442695020e+00, v27  }
0x434: {  	v30 =	vadd.f32 $1.000000000e+00, v30;
	v36 =	vsub.f32 $1.000000000e+00, v25;
	v23 =	vmul.f32 $1.192092900e-07, v23  }
0x435: {  	vm0 =	veq.s32 v32, $0x0;
	v24 =	vmul.f32 $1.192092900e-07, v24;
	(erf) = vpow2.f32 v27  }
0x436: {  	v27 =	vcvt.s32.f32 v28;
	v28 =	vsub.f32 $1.000000000e+00, v23;
	(erf) = vrcp.f32 v30  }
0x437: {  	v26 =	vcvt.s32.f32 v26;
	v31 =	vmul.f32 v31, v1;
	v30 =	vsub.f32 $1.000000000e+00, v24  }
0x438: {  	v27 =	vmul.f32 $8.262958320e-08, v27;
	v23 =	vmul.f32 v28, v23;
	vm1 =	veq.s32 v34, $0x0  }
0x439: {  	v26 =	vmul.f32 $8.262958320e-08, v26;
	v24 =	vmul.f32 v30, v24;
	v28 =	vsel vm1, v2, v5  }
0x43a: {  	v27 =	vadd.f32 v27, v28;
	v23 =	vmul.f32 $2.402448060e-01, v23;
	v28 =	vsel vm1, v3, v6  }
0x43b: {  	v26 =	vadd.f32 v26, v28;
	v24 =	vmul.f32 $2.402448060e-01, v24;
	v28 =	vadd.f32 v31, v4  }
0x43c: {  	v22 =	vcvt.s32.f32 v22;
	v30 =	vcvt.s32.f32 v35;
	v23 =	vadd.f32 v23, v27  }
0x43d: {  	v21 =	vmul.f32 v21, v1;
	v24 =	vadd.f32 v24, v26;
	v26 =	vsub.f32 $1.000002030e+00, v28  }
0x43e: {  	v25 =	vmul.f32 v36, v25;
	v27 =	vmul.f32 v33, v29;
	[tilespmem:s20+$0x10140] =	vst v23;
	v23 =	vand.u32 $0x7FFFFF, v28;
	v29 =	vpop (erf)  }
0x43f: {  	v30 =	vmul.f32 $8.262958320e-08, v30;
	[tilespmem:s20+$0x101C0] =	vst v24;
	v23 =	vcvt.s32.f32 v23;
	v24 =	vand.u32 $0x7FFFFF, v26;
	v31 =	vpop (erf)  }
0x440: {  	v22 =	vmul.f32 $8.262958320e-08, v22;
	v32 =	vsel vm0, v2, v5;
	v33 =	vld [tilespmem:s28+$0x50];
	v24 =	vcvt.s32.f32 v24  }
0x441: {  	v34 =	vsel vm0, v3, v6;
	v29 =	vadd.f32 $1.000000000e+00, v29;
	v23 =	vmul.f32 $1.192092900e-07, v23  }
0x442: {  	v21 =	vadd.f32 v21, v4;
	v22 =	vadd.f32 v22, v32;
	v24 =	vmul.f32 $1.192092900e-07, v24  }
0x443: {  	v28 =	vcvt.s32.f32 v28;
	v32 =	vsub.f32 $1.000000000e+00, v23;
	(erf) = vrcp.f32 v29  }
0x444: {  	v26 =	vcvt.s32.f32 v26;
	v31 =	vmul.f32 v31, v1;
	v29 =	vsub.f32 $1.000000000e+00, v24  }
0x445: {  	v28 =	vmul.f32 $8.262958320e-08, v28;
	v23 =	vmul.f32 v32, v23;
	vm0 =	veq.s32 v33, $0x0  }
0x446: {  	v26 =	vmul.f32 $8.262958320e-08, v26;
	v24 =	vmul.f32 v29, v24;
	v29 =	vsel vm0, v2, v5  }
0x447: {  	v28 =	vadd.f32 v28, v29;
	v23 =	vmul.f32 $2.402448060e-01, v23;
	v29 =	vsel vm0, v3, v6  }
0x448: {  	v26 =	vadd.f32 v26, v29;
	v24 =	vmul.f32 $2.402448060e-01, v24;
	v29 =	vadd.f32 v31, v4  }
0x449: {  	v25 =	vmul.f32 $2.402448060e-01, v25;
	v30 =	vadd.f32 v30, v34;
	v23 =	vadd.f32 v23, v28  }
0x44a: {  	v31 =	vmul.f32 $2.402448060e-01, v27;
	v24 =	vadd.f32 v24, v26;
	v26 =	vsub.f32 $1.000002030e+00, v29  }
0x44b: {  	v25 =	vadd.f32 v25, v30;
	v28 =	vsub.f32 $1.000002030e+00, v21;
	[tilespmem:s20+$0x10150] =	vst v23;
	v23 =	vand.u32 $0x7FFFFF, v29  }
0x44c: {  	v22 =	vadd.f32 v31, v22;
	[tilespmem:s20+$0x101D0] =	vst v24;
	v23 =	vcvt.s32.f32 v23;
	v24 =	vand.u32 $0x7FFFFF, v26;
	v27 =	vpop (erf)  }
0x44d: {  	v30 =	vand.u32 $0x7FFFFF, v28;
	[tilespmem:s3+$0x10190] =	vst v25;
	v25 =	vand.u32 $0x7FFFFF, v21;
	v31 =	vld [tilespmem:s28+$0x60];
	v24 =	vcvt.s32.f32 v24  }
0x44e: {  	v20 =	vadd.f32 $1.000000000e+00, v20;
	[tilespmem:s3+$0x10110] =	vst v22;
	v22 =	vcvt.s32.f32 v30;
	v23 =	vmul.f32 $1.192092900e-07, v23  }
0x44f: {  	vm1 =	veq.s32 v19, $0x0;
	v27 =	vmul.f32 v27, v1;
	v30 =	vld [tilespmem:s11+$0x20];
	v24 =	vmul.f32 $1.192092900e-07, v24  }
0x450: {  	v29 =	vcvt.s32.f32 v29;
	v25 =	vcvt.s32.f32 v25;
	v32 =	vsub.f32 $1.000000000e+00, v23  }
0x451: {  	v26 =	vcvt.s32.f32 v26;
	v19 =	vadd.f32 v27, v4;
	v33 =	vsub.f32 $1.000000000e+00, v24  }
0x452: {  	v27 =	vmul.f32 $8.262958320e-08, v29;
	v23 =	vmul.f32 v32, v23;
	vm0 =	veq.s32 v31, $0x0  }
0x453: {  	v26 =	vmul.f32 $8.262958320e-08, v26;
	v24 =	vmul.f32 v33, v24;
	v29 =	vsel vm0, v2, v5  }
0x454: {  	v27 =	vadd.f32 v27, v29;
	v23 =	vmul.f32 $2.402448060e-01, v23;
	v29 =	vsel vm0, v3, v6  }
0x455: {  	v22 =	vmul.f32 $1.192092900e-07, v22;
	v26 =	vadd.f32 v26, v29;
	v24 =	vmul.f32 $2.402448060e-01, v24  }
0x456: {  	v25 =	vmul.f32 $1.192092900e-07, v25;
	v23 =	vadd.f32 v23, v27;
	v27 =	vsub.f32 $1.000002030e+00, v19  }
0x457: {  	v28 =	vcvt.s32.f32 v28;
	v29 =	vsub.f32 $1.000000000e+00, v22;
	v24 =	vadd.f32 v24, v26  }
0x458: {  	v21 =	vcvt.s32.f32 v21;
	v26 =	vsub.f32 $1.000000000e+00, v25;
	[tilespmem:s20+$0x10160] =	vst v23;
	v23 =	vand.u32 $0x7FFFFF, v27  }
0x459: {  	v18 =	vmul.f32 v18, v1;
	vm0 =	veq.s32 v30, $0x0;
	[tilespmem:s20+$0x101E0] =	vst v24;
	v23 =	vcvt.s32.f32 v23  }
0x45a: {  	v22 =	vmul.f32 v29, v22;
	v24 =	vmul.f32 v26, v25;
	v25 =	vsel vm0, v2, v5;
	v26 =	vld [tilespmem:s28+$0x70]  }
0x45b: {  	v28 =	vmul.f32 $8.262958320e-08, v28;
	v29 =	vsel vm0, v3, v6;
	v23 =	vmul.f32 $1.192092900e-07, v23  }
0x45c: {  	v18 =	vadd.f32 v18, v4;
	v21 =	vmul.f32 $8.262958320e-08, v21;
	v22 =	vmul.f32 $2.402448060e-01, v22  }
0x45d: {  	v28 =	vadd.f32 v28, v29;
	v27 =	vcvt.s32.f32 v27;
	v29 =	vsub.f32 $1.000000000e+00, v23  }
0x45e: {  	v21 =	vadd.f32 v21, v25;
	v25 =	vsub.f32 $1.000002030e+00, v18;
	v24 =	vmul.f32 $2.402448060e-01, v24  }
0x45f: {  	v23 =	vmul.f32 v29, v23;
	vm0 =	veq.s32 v26, $0x0;
	v26 =	vmul.f32 $8.262958320e-08, v27  }
0x460: {  	v22 =	vadd.f32 v22, v28;
	v21 =	vadd.f32 v24, v21;
	v24 =	vsel vm0, v3, v6  }
0x461: {  	v27 =	vand.u32 $0x7FFFFF, v25;
	v24 =	vadd.f32 v26, v24;
	v23 =	vmul.f32 $2.402448060e-01, v23  }
0x462: {  	v25 =	vcvt.s32.f32 v25;
	v26 =	vcvt.s32.f32 v27;
	[tilespmem:s3+$0x10120] =	vst v21;
	v21 =	vand.u32 $0x7FFFFF, v18  }
0x463: {  	v18 =	vcvt.s32.f32 v18;
	[tilespmem:s3+$0x101A0] =	vst v22;
	v21 =	vcvt.s32.f32 v21;
	v22 =	vadd.f32 v23, v24  }
0x464: {  	v17 =	vmul.f32 v17, v1;
	v24 =	vmul.f32 $1.192092900e-07, v26;
	v26 =	vsel vm1, v2, v5;
	v23 =	vld [tilespmem:s11+$0x30]  }
0x465: {  	v25 =	vmul.f32 $8.262958320e-08, v25;
	v21 =	vmul.f32 $1.192092900e-07, v21;
	[tilespmem:s20+$0x101F0] =	vst v22;
	v22 =	vsel vm1, v3, v6  }
0x466: {  	v17 =	vadd.f32 v17, v4;
	v18 =	vmul.f32 $8.262958320e-08, v18;
	v27 =	vsub.f32 $1.000000000e+00, v24  }
0x467: {  	v16 =	vmul.f32 v16, v1;
	v28 =	vsub.f32 $1.000000000e+00, v21;
	(erf) = vrcp.f32 v15  }
0x468: {  	v15 =	vmul.f32 v27, v24;
	v24 =	vand.u32 $0x7FFFFF, v17;
	v27 =	vsub.f32 $1.000002030e+00, v17  }
0x469: {  	v21 =	vmul.f32 v28, v21;
	vm1 =	veq.s32 v23, $0x0;
	v23 =	vcvt.s32.f32 v24  }
0x46a: {  	v15 =	vmul.f32 $2.402448060e-01, v15;
	v24 =	vsel vm1, v2, v5;
	v28 =	vsel vm1, v3, v6  }
0x46b: {  	v18 =	vadd.f32 v18, v24;
	v21 =	vmul.f32 $2.402448060e-01, v21;
	v24 =	vadd.f32 v25, v28  }
0x46c: {  	v23 =	vmul.f32 $1.192092900e-07, v23;
	v25 =	vcvt.s32.f32 v27;
	v27 =	vand.u32 $0x7FFFFF, v27  }
0x46d: {  	v27 =	vcvt.s32.f32 v27;
	v18 =	vadd.f32 v21, v18;
	v15 =	vadd.f32 v15, v24  }
0x46e: {  	v17 =	vcvt.s32.f32 v17;
	v24 =	vsub.f32 $1.000000000e+00, v23;
	v25 =	vmul.f32 $8.262958320e-08, v25  }
0x46f: {  	v16 =	vadd.f32 v16, v4;
	[tilespmem:s3+$0x10130] =	vst v18;
	v18 =	vmul.f32 $1.192092900e-07, v27;
	(erf) = vrcp.f32 v20  }
0x470: {  	v17 =	vmul.f32 $8.262958320e-08, v17;
	[tilespmem:s3+$0x101B0] =	vst v15;
	v15 =	vmul.f32 v24, v23;
	v21 =	vpop (erf);
	v23 =	vadd.f32 v12, v26  }
0x471: {  	v27 =	vsub.f32 $1.000002030e+00, v16;
	v26 =	vand.u32 $0x7FFFFF, v16;
	v24 =	vld [tilespmem:s11+$0x40];
	v12 =	vsub.f32 $1.000000000e+00, v18  }
0x472: {  	v11 =	vadd.f32 v11, v22;
	v20 =	vmul.f32 $2.402448060e-01, v15;
	v15 =	vcvt.s32.f32 v26  }
0x473: {  	v22 =	vand.u32 $0x7FFFFF, v27;
	v18 =	vmul.f32 v12, v18;
	v12 =	vcvt.s32.f32 v27  }
.Ltmp4:
0x474: {  	v22 =	vcvt.s32.f32 v22;
	v23 =	vadd.f32 v13, v23;
	v26 =	vmul.f32 $1.192092900e-07, v15;
	(pc) =	sbr.rel @p0 .LBB2_9-.Ltmp4, $4  }
0x475: {  	v16 =	vcvt.s32.f32 v16;
	v27 =	vadd.f32 v14, v11;
	v15 =	vmul.f32 $2.402448060e-01, v18  }
0x476: {  	v13 =	vmul.f32 $1.192092900e-07, v22;
	vm1 =	veq.s32 v24, $0x0;
	v18 =	vsub.f32 $1.000000000e+00, v26;
	[tilespmem:s19+$0x10160] =	vst v23  }
0x477: {  	v11 =	vmul.f32 v21, v1;
	v22 =	vsel vm1, v2, v5;
	v23 =	vsel vm1, v3, v6;
	[tilespmem:s19+$0x101E0] =	vst v27  }
0x478: {  	v22 =	vadd.f32 v17, v22;
	v23 =	vadd.f32 v25, v23;
	v21 =	vmul.f32 v18, v26;
	v14 =	vpop (erf);
	v18 =	vld [tilespmem:s10+$0x70];
	s10 =	smov.u32 s11  }
0x479: {  	_ = 	snop  }
0x47a: {  	v17 =	vadd.f32 v20, v22  }
0x47b: {  	v15 =	vadd.f32 v15, v23  }
0x47c: {  	[tilespmem:s3+$0x10140] =	vst v17  }
0x47d: {  	[tilespmem:s3+$0x101C0] =	vst v15  }
0x47e: {  	v15 =	vld [tilespmem:s10+$0x50];
	_ =	sdelay $0x3  }
0x47f: {  	v35 =	vsub.f32 $1.000000000e+00, v13  }
0x480: {  	v16 =	vmul.f32 $8.262958320e-08, v16;
	vm1 =	veq.s32 v15, $0x0  }
0x481: {  	v12 =	vmul.f32 $8.262958320e-08, v12;
	v13 =	vmul.f32 v35, v13;
	v15 =	vsel vm1, v2, v5  }
0x482: {  	v36 =	vmul.f32 $2.402448060e-01, v21;
	v37 =	vsel vm1, v3, v6;
	v15 =	vadd.f32 v16, v15  }
0x483: {  	v11 =	vadd.f32 v11, v4;
	v13 =	vmul.f32 $2.402448060e-01, v13;
	v12 =	vadd.f32 v12, v37  }
0x484: {  	v15 =	vadd.f32 v36, v15  }
0x485: {  	v38 =	vsub.f32 $1.000002030e+00, v11;
	v12 =	vadd.f32 v13, v12  }
0x486: {  	v39 =	vand.u32 $0x7FFFFF, v11;
	[tilespmem:s3+$0x10150] =	vst v15  }
0x487: {  	v40 =	vand.u32 $0x7FFFFF, v38;
	[tilespmem:s3+$0x101D0] =	vst v12;
	v15 =	vcvt.s32.f32 v39  }
0x488: {  	v16 =	vcvt.s32.f32 v40;
	v12 =	vld [tilespmem:s10+$0x60]  }
0x489: {  	v15 =	vmul.f32 $1.192092900e-07, v15  }
0x48a: {  	v14 =	vmul.f32 v14, v1;
	v43 =	vand.u32 $0x7FFFFF, v19;
	v16 =	vmul.f32 $1.192092900e-07, v16  }
0x48b: {  	v52 =	vcvt.s32.f32 v19;
	v11 =	vcvt.s32.f32 v11;
	v42 =	vsub.f32 $1.000000000e+00, v15  }
0x48c: {  	v14 =	vadd.f32 v14, v4;
	v13 =	vcvt.s32.f32 v38;
	v44 =	vsub.f32 $1.000000000e+00, v16  }
0x48d: {  	v11 =	vmul.f32 $8.262958320e-08, v11;
	vm13 =	veq.s32 v12, $0x0;
	v15 =	vmul.f32 v42, v15  }
0x48e: {  	v13 =	vmul.f32 $8.262958320e-08, v13;
	v16 =	vmul.f32 v44, v16;
	v12 =	vsel vm13, v2, v5  }
0x48f: {  	v41 =	vsel vm13, v3, v6;
	v15 =	vmul.f32 $2.402448060e-01, v15;
	v11 =	vadd.f32 v11, v12  }
0x490: {  	v49 =	vcvt.s32.f32 v43;
	v16 =	vmul.f32 $2.402448060e-01, v16;
	v13 =	vadd.f32 v13, v41  }
0x491: {  	v53 =	vsel vm0, v2, v5;
	v45 =	vsub.f32 $1.000002030e+00, v14;
	v11 =	vadd.f32 v15, v11  }
0x492: {  	v50 =	vmul.f32 $1.192092900e-07, v49;
	v46 =	vand.u32 $0x7FFFFF, v14;
	v13 =	vadd.f32 v16, v13  }
0x493: {  	vm14 =	veq.s32 v18, $0x0;
	v14 =	vcvt.s32.f32 v14;
	v47 =	vand.u32 $0x7FFFFF, v45;
	[tilespmem:s3+$0x10160] =	vst v11  }
0x494: {  	v20 =	vcvt.s32.f32 v46;
	v18 =	vsel vm14, v2, v5;
	v48 =	vcvt.s32.f32 v47;
	[tilespmem:s3+$0x101E0] =	vst v13  }
0x495: {  	v55 =	vsub.f32 $1.000000000e+00, v50;
	v56 =	vcvt.s32.f32 v45;
	v8 =	vadd.f32 v8, v18;
	v57 =	vld [tilespmem:s10+$0x70]  }
0x496: {  	v58 =	vsel vm14, v3, v6;
	v51 =	vmul.f32 $1.192092900e-07, v20;
	v12 =	vmul.f32 $1.192092900e-07, v48  }
0x497: {  	v14 =	vmul.f32 $8.262958320e-08, v14;
	v7 =	vadd.f32 v7, v58;
	v8 =	vadd.f32 v10, v8  }
0x498: {  	v59 =	vmul.f32 $8.262958320e-08, v56;
	v20 =	vsub.f32 $1.000000000e+00, v51;
	v54 =	vsub.f32 $1.000000000e+00, v12  }
0x499: {  	v7 =	vadd.f32 v9, v7;
	v11 =	vmul.f32 $8.262958320e-08, v52;
	v13 =	vmul.f32 v55, v50  }
0x49a: {  	v16 =	vmul.f32 v20, v51;
	v12 =	vmul.f32 v54, v12;
	vm15 =	veq.s32 v57, $0x0  }
0x49b: {  	v11 =	vadd.f32 v11, v53;
	v13 =	vmul.f32 $2.402448060e-01, v13;
	v61 =	vsel vm15, v2, v5  }
0x49c: {  	v60 =	vmul.f32 $2.402448060e-01, v16;
	v62 =	vsel vm15, v3, v6;
	v14 =	vadd.f32 v14, v61  }
0x49d: {  	[tilespmem:s19+$0x10170] =	vst v8;
	v12 =	vmul.f32 $2.402448060e-01, v12;
	v11 =	vadd.f32 v13, v11;
	v8 =	vadd.f32 v59, v62  }
.Ltmp5:
0x49e: {  	[tilespmem:s19+$0x101F0] =	vst v7;
	v63 =	vadd.f32 v60, v14;
	(pc) =	sbr.rel @p1 .LBB2_12-.Ltmp5, $4  }
0x49f: {  	[tilespmem:s20+$0x10170] =	vst v11;
	v7 =	vadd.f32 v12, v8  }
0x4a0: {  	s5 =	sadd.s32 s5, s6;
	[tilespmem:s3+$0x10170] =	vst v63  }
0x4a1: {  	s30 =	sadd.s32 $0x800, s5;
	[tilespmem:s3+$0x101F0] =	vst v7  }
0x4a2: {  	[hbm4b:s30+s7] =	stream.linear.scatter [tilespmem:s26], [sflag:$0x4], $0x4000, $0x38;
	[tilespmem:$0x14100] =	vst v63  }
0x4a3: {  	s3 =	sadd.s32 $0x3, s4  }
0x4a4: {  	s4 =	sshll.u32 s3, $0xE  }
0x4a5: {  	s3 =	sshll.u32 s3, $0xD;
	s4 =	sadd.s32 s8, s4  }
.Ltmp6:
0x4a6: {  	s3 =	sadd.s32 s9, s3;
	s4 =	sshrl.u32 s4, $0x3;
	(pc) =	sbr.rel .LBB2_6-.Ltmp6, $4  }
0x4a7: {  	s5 =	simm.s32 $0xA100;
	s3 =	sshrl.u32 s3, $0x3;
	s4 =	sadd.s32 s1, s4  }
0x4a8: {  	[tilespmem:s5], [sflag:$0x2] =	stream.linear.gather [hbm4b:s4+s7], $0x4000, $0x38;
	[tilespmem:$0x14100] =	vst v63  }
0x4a9: {  	s0 =	sadd.s32 $0x1, s0;
	s3 =	sadd.s32 s2, s3  }
0x4aa: {  	[tilespmem:s22], [sflag:$0x2] =	stream.linear.gather [hbm4b:s3+s7], $0x2000, $0x38;
	[tilespmem:$0x14100] =	vst v63  }
.LBB2_2:
0x4ab: {  	s0 =	sadd.s32 $0x0, s16  }
0x4ac: {  	[tilespmem:s18], [sflag:$0x5] =	stream.linear.gather [hbm4b:s0+s7], $0x4000, $0x38;
	[tilespmem:$0x14100] =	vst v63  }
0x4ad: {  	_ =	swait.ge [sflag:s17], $0x4000  }
0x4ae: {  	[sflag:s17] =	ssyncset.done $0x0  }
0x4af: {  	s30 =	sadd.s32 $0x0, s15;
	[sflag:s17] =	ssyncadd.s32 $0xFFFFC000  }
0x4b0: {  	[hbm4b:s30+s7] =	stream.linear.scatter [tilespmem:s18], [sflag:$0x5], $0x4000, $0x38;
	[tilespmem:$0x14100] =	vst v63  }
0x4b1: {  	_ =	swait.ge [sflag:s17], $0x4000  }
0x4b2: {  	s3 =	simm.s32 $0x1000;
	s0 =	simm.s32 $0x800;
	[sflag:s17] =	ssyncset.done $0x0  }
.LBB2_3:
0x4b3: {  	s4 =	sadd.s32 s0, s16  }
0x4b4: {  	[sflag:s17] =	ssyncadd.s32 $0xFFFFC000;
	s5 =	smov.u32 s3;
	s10 =	sadd.s32 $0x800, s3  }
0x4b5: {  	[tilespmem:s18], [sflag:$0x5] =	stream.linear.gather [hbm4b:s4+s7], $0x4000, $0x38;
	[tilespmem:$0x14100] =	vst v63  }
0x4b6: {  	p0 =	seq.s32 s3, $0xF800;
	_ =	swait.ge [sflag:s17], $0x4000  }
.Ltmp7:
0x4b7: {  	[sflag:s17] =	ssyncset.done $0x0;
	(pc) =	sbr.rel @!p0 .LBB2_3-.Ltmp7, $4  }
0x4b8: {  	s3 =	sadd.s32 s0, s15;
	s0 =	smov.u32 s5;
	[sflag:s17] =	ssyncadd.s32 $0xFFFFC000  }
0x4b9: {  	[hbm4b:s3+s7] =	stream.linear.scatter [tilespmem:s18], [sflag:$0x5], $0x4000, $0x38;
	[tilespmem:$0x14100] =	vst v63  }
0x4ba: {  	_ =	swait.ge [sflag:s17], $0x4000  }
0x4bb: {  	s3 =	smov.u32 s10;
	[sflag:s17] =	ssyncset.done $0x0  }
0x4bc: {  	s3 =	sadd.s32 s0, s16;
	[sflag:s17] =	ssyncadd.s32 $0xFFFFC000  }
0x4bd: {  	[tilespmem:s18], [sflag:$0x5] =	stream.linear.gather [hbm4b:s3+s7], $0x4000, $0x38;
	[tilespmem:$0x14100] =	vst v63  }
0x4be: {  	_ =	swait.ge [sflag:s17], $0x4000  }
0x4bf: {  	[sflag:s17] =	ssyncset.done $0x0  }
.Ltmp8:
0x4c0: {  	s30 =	sadd.s32 s0, s15;
	[sflag:s17] =	ssyncadd.s32 $0xFFFFC000;
	(pc) =	sbr.rel .LBB2_13-.Ltmp8, $4  }
0x4c1: {  	[hbm4b:s30+s7] =	stream.linear.scatter [tilespmem:s18], [sflag:$0x5], $0x4000, $0x38;
	[tilespmem:$0x14100] =	vst v63  }
0x4c2: {  	_ =	swait.ge [sflag:s17], $0x4000  }
0x4c3: {  	[sflag:s17] =	ssyncset.done $0x0  }
0x4c4: {  	[sflag:s17] =	ssyncadd.s32 $0xFFFFC000  }
.LBB2_14:
0x4c5: {  	_ =	sfence.sel $0x180000  }
0x4c6: {  	[bflag:$0x0] =	sbarrier.arrive $0xFFFF  }
0x4c7: {  	_ =	strace $0x90000047  }
0x4c8: {  	s0 =	stileid.u32;
	[bflag:$0x2] =	sbarrier.arrive $0xFFFF  }
0x4c9: {  	p0 =	sne.s32 s0, $0x0;
	s0 =	rddreg [dreg:$0x5]  }
0x4ca: {  	s0 =	sadd.s32 @!p0 $0x100000, s0  }
0x4cb: {  	[sflag:s0] =	ssyncadd.tile.s32 @!p0 $0x1;
	_ =	shalt  }
.Lfunc_end2:
_tile_overlayer_lowered:
.L_overlay_start_2:
0x4cc: {  	(tag) =	ssettag $0x2  }
0x4cd: {  	s0 =	rddreg [dreg:$0x0];
	s2 =	stileid.u32  }
0x4ce: {  	s1 =	rddreg [dreg:$0x1];
	p0 =	sne.s32 s2, $0x0  }
0x4cf: {  	s3 =	rddreg [dreg:$0x2];
	[bflag:$0x3] =	sbarrier.arrive $0xFFFF;
	s2 =	simm.s32 @!p0 $0x1C05  }
0x4d0: {  	[timem:s3], [sflag:s2] =	dma.local @!p0 [hbm:s0], s1  }
0x4d1: {  	s0 =	simm.s32 @!p0 $0x5  }
0x4d2: {  	_ =	swait.ge @!p0 [sflag:s0], s1  }
0x4d3: {  	s1 =	ssub.s32 @!p0 $0x0, s1;
	[sflag:s0] =	ssyncset.done @!p0 $0x0  }
0x4d4: {  	[sflag:s0] =	ssyncadd.s32 @!p0 s1  }
0x4d5: {  	[bflag:$0x3] =	sbarrier.arrive $0xFFFF  }
0x4d6: {  	_ =	shalt  }

</sc_bundles>
